<compile_context>
chip_gen: v7x
topology: tpu7x:2x2x1
jax: 0.10.2.dev20260603
libtpu: 0.0.44.dev20260713+nightly
codegen_flags: <defaults>
</compile_context>

<pallas_src>
import dataclasses
import functools

import jax
import jax.numpy as jnp
from jax import lax
from jax.experimental import pallas as pl
from jax.experimental.pallas import tpu as pltpu
from jax.experimental.pallas import tpu_sc as plsc

N_NODES = 10000
N_EDGES = 320000
D = 128
DH = D

NC = 2
NS = 16
LANES = 16

EPS = N_EDGES // (NC * NS)
K = 40
NCHUNK = EPS // K
NBUF = 5

ROWS_PER_TILE = 624
TAIL_ROW0 = NS * ROWS_PER_TILE
TAIL_ROWS = N_NODES - TAIL_ROW0


def _sc_aggregate(x_halves, src, dst, ew, zeros):
    mesh = plsc.VectorSubcoreMesh(core_axis_name="c", subcore_axis_name="s")
    cp = pltpu.CompilerParams()
    if "needs_layout_passes" in pltpu.CompilerParams.__dataclass_fields__:
        cp = dataclasses.replace(cp, needs_layout_passes=False)

    @functools.partial(
        pl.kernel,
        compiler_params=cp,
        out_type=jax.ShapeDtypeStruct((NC, N_NODES, DH), jnp.float32),
        mesh=mesh,
        scratch_types=[
            pltpu.VMEM((NBUF, K), jnp.int32),
            pltpu.VMEM((NBUF, K), jnp.int32),
            pltpu.VMEM((NBUF, K), jnp.float32),
            pltpu.VMEM((NBUF, K, DH), jnp.float32),
            pltpu.VMEM_SHARED((N_NODES, DH), jnp.float32),
        ]
        + [pltpu.SemaphoreType.DMA] * (5 * NBUF),
    )
    def agg_kernel(x_hbm, src_hbm, dst_hbm, ew_hbm, zeros_hbm, out_hbm,
                   src_v, dst_v, ew_v, rows_v, acc, *sems):
        gsem = sems[0 * NBUF:1 * NBUF]
        ssem = sems[1 * NBUF:2 * NBUF]
        srcsem = sems[2 * NBUF:3 * NBUF]
        dstsem = sems[3 * NBUF:4 * NBUF]
        ewsem = sems[4 * NBUF:5 * NBUF]
        c = lax.axis_index("c")
        s = lax.axis_index("s")
        wid = c * NS + s

        for b in range(NBUF):
            pltpu.async_copy(src_hbm.at[wid].at[b], src_v.at[b], srcsem[b])
            pltpu.async_copy(ew_hbm.at[wid].at[b], ew_v.at[b], ewsem[b])

        row0 = s * ROWS_PER_TILE
        pltpu.sync_copy(zeros_hbm.at[pl.ds(row0, ROWS_PER_TILE)],
                        acc.at[pl.ds(row0, ROWS_PER_TILE)])

        @pl.when(s == 0)
        def _zero_tail():
            pltpu.sync_copy(zeros_hbm.at[pl.ds(TAIL_ROW0, TAIL_ROWS)],
                            acc.at[pl.ds(TAIL_ROW0, TAIL_ROWS)])

        plsc.subcore_barrier()

        @pl.loop(0, NCHUNK, step=NBUF)
        def _super(ci):
            gathers = []
            for b in range(NBUF):
                @pl.when(ci > 0)
                def _wait_scatter(b=b):
                    pltpu.make_async_copy(x_hbm.at[pl.ds(0, K)],
                                          rows_v.at[b], ssem[b]).wait()

                pltpu.async_copy(dst_hbm.at[wid].at[ci + b], dst_v.at[b],
                                 dstsem[b])
                pltpu.make_async_copy(src_hbm.at[0].at[0], src_v.at[b],
                                      srcsem[b]).wait()
                gathers.append(
                    pltpu.async_copy(x_hbm.at[src_v.at[b]], rows_v.at[b],
                                     gsem[b]))

            for b in range(NBUF):
                gathers[b].wait()

                @pl.when(ci + b + NBUF < NCHUNK)
                def _prefetch_src(b=b):
                    pltpu.async_copy(src_hbm.at[wid].at[ci + b + NBUF],
                                     src_v.at[b], srcsem[b])

                pltpu.make_async_copy(ew_hbm.at[0].at[0], ew_v.at[b],
                                      ewsem[b]).wait()
                rb = rows_v.at[b]

                @plsc.parallel_loop(0, K, unroll=8)
                def _edge(i, b=b, rb=rb):
                    bidx = jnp.full((LANES,), b, jnp.int32)
                    widx = jnp.full((LANES,), 0, jnp.int32) + i
                    w = plsc.load_gather(ew_v, [bidx, widx])
                    for j in range(DH // LANES):
                        sl = pl.ds(j * LANES, LANES)
                        rb[i, sl] = rb[i, sl] * w

                @pl.when(ci + b + NBUF < NCHUNK)
                def _prefetch_ew(b=b):
                    pltpu.async_copy(ew_hbm.at[wid].at[ci + b + NBUF],
                                     ew_v.at[b], ewsem[b])

                pltpu.make_async_copy(dst_hbm.at[0].at[0], dst_v.at[b],
                                      dstsem[b]).wait()
                pltpu.async_copy(rb, acc.at[dst_v.at[b]], ssem[b], add=True)

        for b in range(NBUF):
            pltpu.make_async_copy(x_hbm.at[pl.ds(0, K)], rows_v.at[b],
                                  ssem[b]).wait()

        plsc.subcore_barrier()
        pltpu.sync_copy(acc.at[pl.ds(row0, ROWS_PER_TILE)],
                        out_hbm.at[c].at[pl.ds(row0, ROWS_PER_TILE)])

        @pl.when(s == 0)
        def _copy_tail():
            pltpu.sync_copy(acc.at[pl.ds(TAIL_ROW0, TAIL_ROWS)],
                            out_hbm.at[c].at[pl.ds(TAIL_ROW0, TAIL_ROWS)])

    return agg_kernel(x_halves, src, dst, ew, zeros)


def _tc_transform(partials, W):
    BM = 400

    def body(p_ref, w_ref, o_ref):
        o_ref[...] = jnp.dot(p_ref[0] + p_ref[1], w_ref[...],
                             preferred_element_type=jnp.float32,
                             precision=lax.Precision.HIGHEST)

    return pl.pallas_call(
        body,
        grid=(N_NODES // BM,),
        in_specs=[
            pl.BlockSpec((NC, BM, DH), lambda i: (0, i, 0)),
            pl.BlockSpec((D, D), lambda i: (0, 0)),
        ],
        out_specs=pl.BlockSpec((BM, D), lambda i: (i, 0)),
        out_shape=jax.ShapeDtypeStruct((N_NODES, D), jnp.float32),
    )(partials, W)


def kernel(x, edge_index, edge_weight, W):
    NW = NC * NS
    x32 = x.astype(jnp.float32)
    src = edge_index[0].astype(jnp.int32).reshape(NW, NCHUNK, K)
    dst = edge_index[1].astype(jnp.int32).reshape(NW, NCHUNK, K)
    ew = edge_weight.astype(jnp.float32).reshape(NW, NCHUNK, K)
    zeros = jnp.zeros((N_NODES, DH), jnp.float32)
    partials = _sc_aggregate(x32, src, dst, ew, zeros)
    return _tc_transform(partials, W)

# --- scband reference (transcript-rebuilt; emitter-appended) ---
"""Pipeline reference for scband-graph-conv-layer-33956011442633 (READ-ONLY COPY).

The authoritative reference and input builder live on the scoring server;
editing this copy changes nothing except your own understanding.
"""

import jax, jax.numpy as jnp
import numpy as np

N_NODES = 10000
N_EDGES = 320000
D_IN = 128
D_OUT = 128

def setup_inputs(seed: int = 0) -> dict:
    key = jax.random.key(seed)
    k_x, k_ei, k_ew, k_w = jax.random.split(key, 4)
    x = jax.random.normal(k_x, (N_NODES, D_IN), dtype=jnp.float32)
    edge_index = jax.random.randint(k_ei, (2, N_EDGES), 0, N_NODES, dtype=jnp.int64)
    # normalized adjacency values (e.g., D^-1/2 A D^-1/2 entries); use uniform positives
    edge_weight = jax.random.uniform(k_ew, (N_EDGES,), dtype=jnp.float32)
    # glorot uniform for W
    limit = float(np.sqrt(6.0 / (D_IN + D_OUT)))
    W = jax.random.uniform(k_w, (D_IN, D_OUT), minval=-limit, maxval=limit, dtype=jnp.float32)
    return {"x": x, "edge_index": edge_index, "edge_weight": edge_weight, "W": W}

def reference(x, edge_index, edge_weight, W):
    # GraphConvLayer.call: x = x @ W ; x = sparse(adj_norm) @ x ; no bias, no activation
    h = jnp.matmul(x, W)
    src = edge_index[0]
    dst = edge_index[1]
    # sparse_dense_matmul(adj, h): out[i] = sum_{edges (i<-j)} adj_val * h[j]
    msgs = jnp.take(h, src, axis=0) * edge_weight[:, None]
    out = jax.ops.segment_sum(msgs, dst, num_segments=x.shape[0])
    return out

if __name__ == "__main__":
    import jax
    _d = setup_inputs()
    print(jax.jit(kernel)(*tuple(_d.values())))

</pallas_src>

<mosaic_0001>
#map = affine_map<(d0, d1) -> (0, 0)>
#map1 = affine_map<(d0, d1) -> (0, 0, 0)>
module attributes {stable_mosaic.version = 14 : i64} {
  func.func @agg_kernel(%arg0: i32, %arg1: i32, %arg2: memref<10000x128xf32, #tpu.memory_space<hbm>>, %arg3: memref<32x250x40xi32, #tpu.memory_space<hbm>>, %arg4: memref<32x250x40xi32, #tpu.memory_space<hbm>>, %arg5: memref<32x250x40xf32, #tpu.memory_space<hbm>>, %arg6: memref<10000x128xf32, #tpu.memory_space<hbm>>, %arg7: memref<2x10000x128xf32, #tpu.memory_space<hbm>>, %arg8: memref<5x40xi32, #tpu.memory_space<vmem>>, %arg9: memref<5x40xi32, #tpu.memory_space<vmem>>, %arg10: memref<5x40xf32, #tpu.memory_space<vmem>>, %arg11: memref<5x40x128xf32, #tpu.memory_space<vmem>>, %arg12: memref<10000x128xf32, #tpu.memory_space<vmem_shared>>, %arg13: memref<!tpu.dma_semaphore, #tpu.memory_space<semaphore_mem>>, %arg14: memref<!tpu.dma_semaphore, #tpu.memory_space<semaphore_mem>>, %arg15: memref<!tpu.dma_semaphore, #tpu.memory_space<semaphore_mem>>, %arg16: memref<!tpu.dma_semaphore, #tpu.memory_space<semaphore_mem>>, %arg17: memref<!tpu.dma_semaphore, #tpu.memory_space<semaphore_mem>>, %arg18: memref<!tpu.dma_semaphore, #tpu.memory_space<semaphore_mem>>, %arg19: memref<!tpu.dma_semaphore, #tpu.memory_space<semaphore_mem>>, %arg20: memref<!tpu.dma_semaphore, #tpu.memory_space<semaphore_mem>>, %arg21: memref<!tpu.dma_semaphore, #tpu.memory_space<semaphore_mem>>, %arg22: memref<!tpu.dma_semaphore, #tpu.memory_space<semaphore_mem>>, %arg23: memref<!tpu.dma_semaphore, #tpu.memory_space<semaphore_mem>>, %arg24: memref<!tpu.dma_semaphore, #tpu.memory_space<semaphore_mem>>, %arg25: memref<!tpu.dma_semaphore, #tpu.memory_space<semaphore_mem>>, %arg26: memref<!tpu.dma_semaphore, #tpu.memory_space<semaphore_mem>>, %arg27: memref<!tpu.dma_semaphore, #tpu.memory_space<semaphore_mem>>, %arg28: memref<!tpu.dma_semaphore, #tpu.memory_space<semaphore_mem>>, %arg29: memref<!tpu.dma_semaphore, #tpu.memory_space<semaphore_mem>>, %arg30: memref<!tpu.dma_semaphore, #tpu.memory_space<semaphore_mem>>, %arg31: memref<!tpu.dma_semaphore, #tpu.memory_space<semaphore_mem>>, %arg32: memref<!tpu.dma_semaphore, #tpu.memory_space<semaphore_mem>>, %arg33: memref<!tpu.dma_semaphore, #tpu.memory_space<semaphore_mem>>, %arg34: memref<!tpu.dma_semaphore, #tpu.memory_space<semaphore_mem>>, %arg35: memref<!tpu.dma_semaphore, #tpu.memory_space<semaphore_mem>>, %arg36: memref<!tpu.dma_semaphore, #tpu.memory_space<semaphore_mem>>, %arg37: memref<!tpu.dma_semaphore, #tpu.memory_space<semaphore_mem>>) attributes {dimension_semantics = [#tpu.dimension_semantics<core_parallel>, #tpu.dimension_semantics<subcore_parallel>], iteration_bounds = array<i64: 2, 16>, scalar_prefetch = 0 : i64, scratch_operands = 30 : i64, tpu.core_type = #tpu.core_type<sc_vector_subcore>, window_params = [{transform_indices = #map}, {transform_indices = #map1}, {transform_indices = #map1}, {transform_indices = #map1}, {transform_indices = #map}, {transform_indices = #map1}]} {
    %mul3A = arith.constant 16 : i32
    %mul3A_0 = arith.muli %arg0, %mul3A : i32
    %add3A = arith.addi %mul3A_0, %arg1 : i32
    %dma_start3A = arith.constant 0 : i32
    %dma_start3A_1 = arith.constant 0 : i32
    %dma_start3A_2 = arith.constant 0 : i32
    %dma_start3A_3 = tpu.memref_slice %arg8[%dma_start3A_1, %dma_start3A_2] : memref<5x40xi32, #tpu.memory_space<vmem>> -> memref<1x40xi32, #tpu.memory_space<vmem>>
    %dma_start3A_4 = tpu.memref_squeeze %dma_start3A_3 : memref<1x40xi32, #tpu.memory_space<vmem>> -> memref<40xi32, #tpu.memory_space<vmem>>
    %dma_start3A_5 = arith.constant 0 : i32
    %dma_start3A_6 = arith.constant 0 : i32
    %dma_start3A_7 = tpu.memref_slice %arg3[%add3A, %dma_start3A_5, %dma_start3A_6] : memref<32x250x40xi32, #tpu.memory_space<hbm>> -> memref<1x250x40xi32, #tpu.memory_space<hbm>>
    %dma_start3A_8 = tpu.memref_squeeze %dma_start3A_7 : memref<1x250x40xi32, #tpu.memory_space<hbm>> -> memref<250x40xi32, #tpu.memory_space<hbm>>
    %dma_start3A_9 = arith.constant 0 : i32
    %dma_start3A_10 = tpu.memref_slice %dma_start3A_8[%dma_start3A, %dma_start3A_9] : memref<250x40xi32, #tpu.memory_space<hbm>> -> memref<1x40xi32, #tpu.memory_space<hbm>>
    %dma_start3A_11 = tpu.memref_squeeze %dma_start3A_10 : memref<1x40xi32, #tpu.memory_space<hbm>> -> memref<40xi32, #tpu.memory_space<hbm>>
    %dma_start3A_12 = arith.constant 0 : i32
    %dma_start3A_13 = tpu.memref_slice %arg8[%dma_start3A_1, %dma_start3A_12] : memref<5x40xi32, #tpu.memory_space<vmem>> -> memref<1x40xi32, #tpu.memory_space<vmem>>
    %dma_start3A_14 = tpu.memref_squeeze %dma_start3A_13 : memref<1x40xi32, #tpu.memory_space<vmem>> -> memref<40xi32, #tpu.memory_space<vmem>>
    %dma_start3A_15 = arith.constant 0 : i32
    %dma_start3A_16 = arith.constant 0 : i32
    %dma_start3A_17 = tpu.memref_slice %arg3[%add3A, %dma_start3A_15, %dma_start3A_16] : memref<32x250x40xi32, #tpu.memory_space<hbm>> -> memref<1x250x40xi32, #tpu.memory_space<hbm>>
    %dma_start3A_18 = tpu.memref_squeeze %dma_start3A_17 : memref<1x250x40xi32, #tpu.memory_space<hbm>> -> memref<250x40xi32, #tpu.memory_space<hbm>>
    %dma_start3A_19 = arith.constant 0 : i32
    %dma_start3A_20 = tpu.memref_slice %dma_start3A_18[%dma_start3A, %dma_start3A_19] : memref<250x40xi32, #tpu.memory_space<hbm>> -> memref<1x40xi32, #tpu.memory_space<hbm>>
    %dma_start3A_21 = tpu.memref_squeeze %dma_start3A_20 : memref<1x40xi32, #tpu.memory_space<hbm>> -> memref<40xi32, #tpu.memory_space<hbm>>
    tpu.enqueue_dma source(%dma_start3A_21 : memref<40xi32, #tpu.memory_space<hbm>>) target(%dma_start3A_14 : memref<40xi32, #tpu.memory_space<vmem>>) target_semaphore(%arg23 : memref<!tpu.dma_semaphore, #tpu.memory_space<semaphore_mem>>)
    %dma_start3A_22 = arith.constant 0 : i32
    %dma_start3A_23 = arith.constant 0 : i32
    %dma_start3A_24 = arith.constant 0 : i32
    %dma_start3A_25 = tpu.memref_slice %arg10[%dma_start3A_23, %dma_start3A_24] : memref<5x40xf32, #tpu.memory_space<vmem>> -> memref<1x40xf32, #tpu.memory_space<vmem>>
    %dma_start3A_26 = tpu.memref_squeeze %dma_start3A_25 : memref<1x40xf32, #tpu.memory_space<vmem>> -> memref<40xf32, #tpu.memory_space<vmem>>
    %dma_start3A_27 = arith.constant 0 : i32
    %dma_start3A_28 = arith.constant 0 : i32
    %dma_start3A_29 = tpu.memref_slice %arg5[%add3A, %dma_start3A_27, %dma_start3A_28] : memref<32x250x40xf32, #tpu.memory_space<hbm>> -> memref<1x250x40xf32, #tpu.memory_space<hbm>>
    %dma_start3A_30 = tpu.memref_squeeze %dma_start3A_29 : memref<1x250x40xf32, #tpu.memory_space<hbm>> -> memref<250x40xf32, #tpu.memory_space<hbm>>
    %dma_start3A_31 = arith.constant 0 : i32
    %dma_start3A_32 = tpu.memref_slice %dma_start3A_30[%dma_start3A_22, %dma_start3A_31] : memref<250x40xf32, #tpu.memory_space<hbm>> -> memref<1x40xf32, #tpu.memory_space<hbm>>
    %dma_start3A_33 = tpu.memref_squeeze %dma_start3A_32 : memref<1x40xf32, #tpu.memory_space<hbm>> -> memref<40xf32, #tpu.memory_space<hbm>>
    %dma_start3A_34 = arith.constant 0 : i32
    %dma_start3A_35 = tpu.memref_slice %arg10[%dma_start3A_23, %dma_start3A_34] : memref<5x40xf32, #tpu.memory_space<vmem>> -> memref<1x40xf32, #tpu.memory_space<vmem>>
    %dma_start3A_36 = tpu.memref_squeeze %dma_start3A_35 : memref<1x40xf32, #tpu.memory_space<vmem>> -> memref<40xf32, #tpu.memory_space<vmem>>
    %dma_start3A_37 = arith.constant 0 : i32
    %dma_start3A_38 = arith.constant 0 : i32
    %dma_start3A_39 = tpu.memref_slice %arg5[%add3A, %dma_start3A_37, %dma_start3A_38] : memref<32x250x40xf32, #tpu.memory_space<hbm>> -> memref<1x250x40xf32, #tpu.memory_space<hbm>>
    %dma_start3A_40 = tpu.memref_squeeze %dma_start3A_39 : memref<1x250x40xf32, #tpu.memory_space<hbm>> -> memref<250x40xf32, #tpu.memory_space<hbm>>
    %dma_start3A_41 = arith.constant 0 : i32
    %dma_start3A_42 = tpu.memref_slice %dma_start3A_40[%dma_start3A_22, %dma_start3A_41] : memref<250x40xf32, #tpu.memory_space<hbm>> -> memref<1x40xf32, #tpu.memory_space<hbm>>
    %dma_start3A_43 = tpu.memref_squeeze %dma_start3A_42 : memref<1x40xf32, #tpu.memory_space<hbm>> -> memref<40xf32, #tpu.memory_space<hbm>>
    tpu.enqueue_dma source(%dma_start3A_43 : memref<40xf32, #tpu.memory_space<hbm>>) target(%dma_start3A_36 : memref<40xf32, #tpu.memory_space<vmem>>) target_semaphore(%arg33 : memref<!tpu.dma_semaphore, #tpu.memory_space<semaphore_mem>>)
    %dma_start3A_44 = arith.constant 1 : i32
    %dma_start3A_45 = arith.constant 1 : i32
    %dma_start3A_46 = arith.constant 0 : i32
    %dma_start3A_47 = tpu.memref_slice %arg8[%dma_start3A_45, %dma_start3A_46] : memref<5x40xi32, #tpu.memory_space<vmem>> -> memref<1x40xi32, #tpu.memory_space<vmem>>
    %dma_start3A_48 = tpu.memref_squeeze %dma_start3A_47 : memref<1x40xi32, #tpu.memory_space<vmem>> -> memref<40xi32, #tpu.memory_space<vmem>>
    %dma_start3A_49 = arith.constant 0 : i32
    %dma_start3A_50 = arith.constant 0 : i32
    %dma_start3A_51 = tpu.memref_slice %arg3[%add3A, %dma_start3A_49, %dma_start3A_50] : memref<32x250x40xi32, #tpu.memory_space<hbm>> -> memref<1x250x40xi32, #tpu.memory_space<hbm>>
    %dma_start3A_52 = tpu.memref_squeeze %dma_start3A_51 : memref<1x250x40xi32, #tpu.memory_space<hbm>> -> memref<250x40xi32, #tpu.memory_space<hbm>>
    %dma_start3A_53 = arith.constant 0 : i32
    %dma_start3A_54 = tpu.memref_slice %dma_start3A_52[%dma_start3A_44, %dma_start3A_53] : memref<250x40xi32, #tpu.memory_space<hbm>> -> memref<1x40xi32, #tpu.memory_space<hbm>>
    %dma_start3A_55 = tpu.memref_squeeze %dma_start3A_54 : memref<1x40xi32, #tpu.memory_space<hbm>> -> memref<40xi32, #tpu.memory_space<hbm>>
    %dma_start3A_56 = arith.constant 0 : i32
    %dma_start3A_57 = tpu.memref_slice %arg8[%dma_start3A_45, %dma_start3A_56] : memref<5x40xi32, #tpu.memory_space<vmem>> -> memref<1x40xi32, #tpu.memory_space<vmem>>
    %dma_start3A_58 = tpu.memref_squeeze %dma_start3A_57 : memref<1x40xi32, #tpu.memory_space<vmem>> -> memref<40xi32, #tpu.memory_space<vmem>>
    %dma_start3A_59 = arith.constant 0 : i32
    %dma_start3A_60 = arith.constant 0 : i32
    %dma_start3A_61 = tpu.memref_slice %arg3[%add3A, %dma_start3A_59, %dma_start3A_60] : memref<32x250x40xi32, #tpu.memory_space<hbm>> -> memref<1x250x40xi32, #tpu.memory_space<hbm>>
    %dma_start3A_62 = tpu.memref_squeeze %dma_start3A_61 : memref<1x250x40xi32, #tpu.memory_space<hbm>> -> memref<250x40xi32, #tpu.memory_space<hbm>>
    %dma_start3A_63 = arith.constant 0 : i32
    %dma_start3A_64 = tpu.memref_slice %dma_start3A_62[%dma_start3A_44, %dma_start3A_63] : memref<250x40xi32, #tpu.memory_space<hbm>> -> memref<1x40xi32, #tpu.memory_space<hbm>>
    %dma_start3A_65 = tpu.memref_squeeze %dma_start3A_64 : memref<1x40xi32, #tpu.memory_space<hbm>> -> memref<40xi32, #tpu.memory_space<hbm>>
    tpu.enqueue_dma source(%dma_start3A_65 : memref<40xi32, #tpu.memory_space<hbm>>) target(%dma_start3A_58 : memref<40xi32, #tpu.memory_space<vmem>>) target_semaphore(%arg24 : memref<!tpu.dma_semaphore, #tpu.memory_space<semaphore_mem>>)
    %dma_start3A_66 = arith.constant 1 : i32
    %dma_start3A_67 = arith.constant 1 : i32
    %dma_start3A_68 = arith.constant 0 : i32
    %dma_start3A_69 = tpu.memref_slice %arg10[%dma_start3A_67, %dma_start3A_68] : memref<5x40xf32, #tpu.memory_space<vmem>> -> memref<1x40xf32, #tpu.memory_space<vmem>>
    %dma_start3A_70 = tpu.memref_squeeze %dma_start3A_69 : memref<1x40xf32, #tpu.memory_space<vmem>> -> memref<40xf32, #tpu.memory_space<vmem>>
    %dma_start3A_71 = arith.constant 0 : i32
    %dma_start3A_72 = arith.constant 0 : i32
    %dma_start3A_73 = tpu.memref_slice %arg5[%add3A, %dma_start3A_71, %dma_start3A_72] : memref<32x250x40xf32, #tpu.memory_space<hbm>> -> memref<1x250x40xf32, #tpu.memory_space<hbm>>
    %dma_start3A_74 = tpu.memref_squeeze %dma_start3A_73 : memref<1x250x40xf32, #tpu.memory_space<hbm>> -> memref<250x40xf32, #tpu.memory_space<hbm>>
    %dma_start3A_75 = arith.constant 0 : i32
    %dma_start3A_76 = tpu.memref_slice %dma_start3A_74[%dma_start3A_66, %dma_start3A_75] : memref<250x40xf32, #tpu.memory_space<hbm>> -> memref<1x40xf32, #tpu.memory_space<hbm>>
    %dma_start3A_77 = tpu.memref_squeeze %dma_start3A_76 : memref<1x40xf32, #tpu.memory_space<hbm>> -> memref<40xf32, #tpu.memory_space<hbm>>
    %dma_start3A_78 = arith.constant 0 : i32
    %dma_start3A_79 = tpu.memref_slice %arg10[%dma_start3A_67, %dma_start3A_78] : memref<5x40xf32, #tpu.memory_space<vmem>> -> memref<1x40xf32, #tpu.memory_space<vmem>>
    %dma_start3A_80 = tpu.memref_squeeze %dma_start3A_79 : memref<1x40xf32, #tpu.memory_space<vmem>> -> memref<40xf32, #tpu.memory_space<vmem>>
    %dma_start3A_81 = arith.constant 0 : i32
    %dma_start3A_82 = arith.constant 0 : i32
    %dma_start3A_83 = tpu.memref_slice %arg5[%add3A, %dma_start3A_81, %dma_start3A_82] : memref<32x250x40xf32, #tpu.memory_space<hbm>> -> memref<1x250x40xf32, #tpu.memory_space<hbm>>
    %dma_start3A_84 = tpu.memref_squeeze %dma_start3A_83 : memref<1x250x40xf32, #tpu.memory_space<hbm>> -> memref<250x40xf32, #tpu.memory_space<hbm>>
    %dma_start3A_85 = arith.constant 0 : i32
    %dma_start3A_86 = tpu.memref_slice %dma_start3A_84[%dma_start3A_66, %dma_start3A_85] : memref<250x40xf32, #tpu.memory_space<hbm>> -> memref<1x40xf32, #tpu.memory_space<hbm>>
    %dma_start3A_87 = tpu.memref_squeeze %dma_start3A_86 : memref<1x40xf32, #tpu.memory_space<hbm>> -> memref<40xf32, #tpu.memory_space<hbm>>
    tpu.enqueue_dma source(%dma_start3A_87 : memref<40xf32, #tpu.memory_space<hbm>>) target(%dma_start3A_80 : memref<40xf32, #tpu.memory_space<vmem>>) target_semaphore(%arg34 : memref<!tpu.dma_semaphore, #tpu.memory_space<semaphore_mem>>)
    %dma_start3A_88 = arith.constant 2 : i32
    %dma_start3A_89 = arith.constant 2 : i32
    %dma_start3A_90 = arith.constant 0 : i32
    %dma_start3A_91 = tpu.memref_slice %arg8[%dma_start3A_89, %dma_start3A_90] : memref<5x40xi32, #tpu.memory_space<vmem>> -> memref<1x40xi32, #tpu.memory_space<vmem>>
    %dma_start3A_92 = tpu.memref_squeeze %dma_start3A_91 : memref<1x40xi32, #tpu.memory_space<vmem>> -> memref<40xi32, #tpu.memory_space<vmem>>
    %dma_start3A_93 = arith.constant 0 : i32
    %dma_start3A_94 = arith.constant 0 : i32
    %dma_start3A_95 = tpu.memref_slice %arg3[%add3A, %dma_start3A_93, %dma_start3A_94] : memref<32x250x40xi32, #tpu.memory_space<hbm>> -> memref<1x250x40xi32, #tpu.memory_space<hbm>>
    %dma_start3A_96 = tpu.memref_squeeze %dma_start3A_95 : memref<1x250x40xi32, #tpu.memory_space<hbm>> -> memref<250x40xi32, #tpu.memory_space<hbm>>
    %dma_start3A_97 = arith.constant 0 : i32
    %dma_start3A_98 = tpu.memref_slice %dma_start3A_96[%dma_start3A_88, %dma_start3A_97] : memref<250x40xi32, #tpu.memory_space<hbm>> -> memref<1x40xi32, #tpu.memory_space<hbm>>
    %dma_start3A_99 = tpu.memref_squeeze %dma_start3A_98 : memref<1x40xi32, #tpu.memory_space<hbm>> -> memref<40xi32, #tpu.memory_space<hbm>>
    %dma_start3A_100 = arith.constant 0 : i32
    %dma_start3A_101 = tpu.memref_slice %arg8[%dma_start3A_89, %dma_start3A_100] : memref<5x40xi32, #tpu.memory_space<vmem>> -> memref<1x40xi32, #tpu.memory_space<vmem>>
    %dma_start3A_102 = tpu.memref_squeeze %dma_start3A_101 : memref<1x40xi32, #tpu.memory_space<vmem>> -> memref<40xi32, #tpu.memory_space<vmem>>
    %dma_start3A_103 = arith.constant 0 : i32
    %dma_start3A_104 = arith.constant 0 : i32
    %dma_start3A_105 = tpu.memref_slice %arg3[%add3A, %dma_start3A_103, %dma_start3A_104] : memref<32x250x40xi32, #tpu.memory_space<hbm>> -> memref<1x250x40xi32, #tpu.memory_space<hbm>>
    %dma_start3A_106 = tpu.memref_squeeze %dma_start3A_105 : memref<1x250x40xi32, #tpu.memory_space<hbm>> -> memref<250x40xi32, #tpu.memory_space<hbm>>
    %dma_start3A_107 = arith.constant 0 : i32
    %dma_start3A_108 = tpu.memref_slice %dma_start3A_106[%dma_start3A_88, %dma_start3A_107] : memref<250x40xi32, #tpu.memory_space<hbm>> -> memref<1x40xi32, #tpu.memory_space<hbm>>
    %dma_start3A_109 = tpu.memref_squeeze %dma_start3A_108 : memref<1x40xi32, #tpu.memory_space<hbm>> -> memref<40xi32, #tpu.memory_space<hbm>>
    tpu.enqueue_dma source(%dma_start3A_109 : memref<40xi32, #tpu.memory_space<hbm>>) target(%dma_start3A_102 : memref<40xi32, #tpu.memory_space<vmem>>) target_semaphore(%arg25 : memref<!tpu.dma_semaphore, #tpu.memory_space<semaphore_mem>>)
    %dma_start3A_110 = arith.constant 2 : i32
    %dma_start3A_111 = arith.constant 2 : i32
    %dma_start3A_112 = arith.constant 0 : i32
    %dma_start3A_113 = tpu.memref_slice %arg10[%dma_start3A_111, %dma_start3A_112] : memref<5x40xf32, #tpu.memory_space<vmem>> -> memref<1x40xf32, #tpu.memory_space<vmem>>
    %dma_start3A_114 = tpu.memref_squeeze %dma_start3A_113 : memref<1x40xf32, #tpu.memory_space<vmem>> -> memref<40xf32, #tpu.memory_space<vmem>>
    %dma_start3A_115 = arith.constant 0 : i32
    %dma_start3A_116 = arith.constant 0 : i32
    %dma_start3A_117 = tpu.memref_slice %arg5[%add3A, %dma_start3A_115, %dma_start3A_116] : memref<32x250x40xf32, #tpu.memory_space<hbm>> -> memref<1x250x40xf32, #tpu.memory_space<hbm>>
    %dma_start3A_118 = tpu.memref_squeeze %dma_start3A_117 : memref<1x250x40xf32, #tpu.memory_space<hbm>> -> memref<250x40xf32, #tpu.memory_space<hbm>>
    %dma_start3A_119 = arith.constant 0 : i32
    %dma_start3A_120 = tpu.memref_slice %dma_start3A_118[%dma_start3A_110, %dma_start3A_119] : memref<250x40xf32, #tpu.memory_space<hbm>> -> memref<1x40xf32, #tpu.memory_space<hbm>>
    %dma_start3A_121 = tpu.memref_squeeze %dma_start3A_120 : memref<1x40xf32, #tpu.memory_space<hbm>> -> memref<40xf32, #tpu.memory_space<hbm>>
    %dma_start3A_122 = arith.constant 0 : i32
    %dma_start3A_123 = tpu.memref_slice %arg10[%dma_start3A_111, %dma_start3A_122] : memref<5x40xf32, #tpu.memory_space<vmem>> -> memref<1x40xf32, #tpu.memory_space<vmem>>
    %dma_start3A_124 = tpu.memref_squeeze %dma_start3A_123 : memref<1x40xf32, #tpu.memory_space<vmem>> -> memref<40xf32, #tpu.memory_space<vmem>>
    %dma_start3A_125 = arith.constant 0 : i32
    %dma_start3A_126 = arith.constant 0 : i32
    %dma_start3A_127 = tpu.memref_slice %arg5[%add3A, %dma_start3A_125, %dma_start3A_126] : memref<32x250x40xf32, #tpu.memory_space<hbm>> -> memref<1x250x40xf32, #tpu.memory_space<hbm>>
    %dma_start3A_128 = tpu.memref_squeeze %dma_start3A_127 : memref<1x250x40xf32, #tpu.memory_space<hbm>> -> memref<250x40xf32, #tpu.memory_space<hbm>>
    %dma_start3A_129 = arith.constant 0 : i32
    %dma_start3A_130 = tpu.memref_slice %dma_start3A_128[%dma_start3A_110, %dma_start3A_129] : memref<250x40xf32, #tpu.memory_space<hbm>> -> memref<1x40xf32, #tpu.memory_space<hbm>>
    %dma_start3A_131 = tpu.memref_squeeze %dma_start3A_130 : memref<1x40xf32, #tpu.memory_space<hbm>> -> memref<40xf32, #tpu.memory_space<hbm>>
    tpu.enqueue_dma source(%dma_start3A_131 : memref<40xf32, #tpu.memory_space<hbm>>) target(%dma_start3A_124 : memref<40xf32, #tpu.memory_space<vmem>>) target_semaphore(%arg35 : memref<!tpu.dma_semaphore, #tpu.memory_space<semaphore_mem>>)
    %dma_start3A_132 = arith.constant 3 : i32
    %dma_start3A_133 = arith.constant 3 : i32
    %dma_start3A_134 = arith.constant 0 : i32
    %dma_start3A_135 = tpu.memref_slice %arg8[%dma_start3A_133, %dma_start3A_134] : memref<5x40xi32, #tpu.memory_space<vmem>> -> memref<1x40xi32, #tpu.memory_space<vmem>>
    %dma_start3A_136 = tpu.memref_squeeze %dma_start3A_135 : memref<1x40xi32, #tpu.memory_space<vmem>> -> memref<40xi32, #tpu.memory_space<vmem>>
    %dma_start3A_137 = arith.constant 0 : i32
    %dma_start3A_138 = arith.constant 0 : i32
    %dma_start3A_139 = tpu.memref_slice %arg3[%add3A, %dma_start3A_137, %dma_start3A_138] : memref<32x250x40xi32, #tpu.memory_space<hbm>> -> memref<1x250x40xi32, #tpu.memory_space<hbm>>
    %dma_start3A_140 = tpu.memref_squeeze %dma_start3A_139 : memref<1x250x40xi32, #tpu.memory_space<hbm>> -> memref<250x40xi32, #tpu.memory_space<hbm>>
    %dma_start3A_141 = arith.constant 0 : i32
    %dma_start3A_142 = tpu.memref_slice %dma_start3A_140[%dma_start3A_132, %dma_start3A_141] : memref<250x40xi32, #tpu.memory_space<hbm>> -> memref<1x40xi32, #tpu.memory_space<hbm>>
    %dma_start3A_143 = tpu.memref_squeeze %dma_start3A_142 : memref<1x40xi32, #tpu.memory_space<hbm>> -> memref<40xi32, #tpu.memory_space<hbm>>
    %dma_start3A_144 = arith.constant 0 : i32
    %dma_start3A_145 = tpu.memref_slice %arg8[%dma_start3A_133, %dma_start3A_144] : memref<5x40xi32, #tpu.memory_space<vmem>> -> memref<1x40xi32, #tpu.memory_space<vmem>>
    %dma_start3A_146 = tpu.memref_squeeze %dma_start3A_145 : memref<1x40xi32, #tpu.memory_space<vmem>> -> memref<40xi32, #tpu.memory_space<vmem>>
    %dma_start3A_147 = arith.constant 0 : i32
    %dma_start3A_148 = arith.constant 0 : i32
    %dma_start3A_149 = tpu.memref_slice %arg3[%add3A, %dma_start3A_147, %dma_start3A_148] : memref<32x250x40xi32, #tpu.memory_space<hbm>> -> memref<1x250x40xi32, #tpu.memory_space<hbm>>
    %dma_start3A_150 = tpu.memref_squeeze %dma_start3A_149 : memref<1x250x40xi32, #tpu.memory_space<hbm>> -> memref<250x40xi32, #tpu.memory_space<hbm>>
    %dma_start3A_151 = arith.constant 0 : i32
    %dma_start3A_152 = tpu.memref_slice %dma_start3A_150[%dma_start3A_132, %dma_start3A_151] : memref<250x40xi32, #tpu.memory_space<hbm>> -> memref<1x40xi32, #tpu.memory_space<hbm>>
    %dma_start3A_153 = tpu.memref_squeeze %dma_start3A_152 : memref<1x40xi32, #tpu.memory_space<hbm>> -> memref<40xi32, #tpu.memory_space<hbm>>
    tpu.enqueue_dma source(%dma_start3A_153 : memref<40xi32, #tpu.memory_space<hbm>>) target(%dma_start3A_146 : memref<40xi32, #tpu.memory_space<vmem>>) target_semaphore(%arg26 : memref<!tpu.dma_semaphore, #tpu.memory_space<semaphore_mem>>)
    %dma_start3A_154 = arith.constant 3 : i32
    %dma_start3A_155 = arith.constant 3 : i32
    %dma_start3A_156 = arith.constant 0 : i32
    %dma_start3A_157 = tpu.memref_slice %arg10[%dma_start3A_155, %dma_start3A_156] : memref<5x40xf32, #tpu.memory_space<vmem>> -> memref<1x40xf32, #tpu.memory_space<vmem>>
    %dma_start3A_158 = tpu.memref_squeeze %dma_start3A_157 : memref<1x40xf32, #tpu.memory_space<vmem>> -> memref<40xf32, #tpu.memory_space<vmem>>
    %dma_start3A_159 = arith.constant 0 : i32
    %dma_start3A_160 = arith.constant 0 : i32
    %dma_start3A_161 = tpu.memref_slice %arg5[%add3A, %dma_start3A_159, %dma_start3A_160] : memref<32x250x40xf32, #tpu.memory_space<hbm>> -> memref<1x250x40xf32, #tpu.memory_space<hbm>>
    %dma_start3A_162 = tpu.memref_squeeze %dma_start3A_161 : memref<1x250x40xf32, #tpu.memory_space<hbm>> -> memref<250x40xf32, #tpu.memory_space<hbm>>
    %dma_start3A_163 = arith.constant 0 : i32
    %dma_start3A_164 = tpu.memref_slice %dma_start3A_162[%dma_start3A_154, %dma_start3A_163] : memref<250x40xf32, #tpu.memory_space<hbm>> -> memref<1x40xf32, #tpu.memory_space<hbm>>
    %dma_start3A_165 = tpu.memref_squeeze %dma_start3A_164 : memref<1x40xf32, #tpu.memory_space<hbm>> -> memref<40xf32, #tpu.memory_space<hbm>>
    %dma_start3A_166 = arith.constant 0 : i32
    %dma_start3A_167 = tpu.memref_slice %arg10[%dma_start3A_155, %dma_start3A_166] : memref<5x40xf32, #tpu.memory_space<vmem>> -> memref<1x40xf32, #tpu.memory_space<vmem>>
    %dma_start3A_168 = tpu.memref_squeeze %dma_start3A_167 : memref<1x40xf32, #tpu.memory_space<vmem>> -> memref<40xf32, #tpu.memory_space<vmem>>
    %dma_start3A_169 = arith.constant 0 : i32
    %dma_start3A_170 = arith.constant 0 : i32
    %dma_start3A_171 = tpu.memref_slice %arg5[%add3A, %dma_start3A_169, %dma_start3A_170] : memref<32x250x40xf32, #tpu.memory_space<hbm>> -> memref<1x250x40xf32, #tpu.memory_space<hbm>>
    %dma_start3A_172 = tpu.memref_squeeze %dma_start3A_171 : memref<1x250x40xf32, #tpu.memory_space<hbm>> -> memref<250x40xf32, #tpu.memory_space<hbm>>
    %dma_start3A_173 = arith.constant 0 : i32
    %dma_start3A_174 = tpu.memref_slice %dma_start3A_172[%dma_start3A_154, %dma_start3A_173] : memref<250x40xf32, #tpu.memory_space<hbm>> -> memref<1x40xf32, #tpu.memory_space<hbm>>
    %dma_start3A_175 = tpu.memref_squeeze %dma_start3A_174 : memref<1x40xf32, #tpu.memory_space<hbm>> -> memref<40xf32, #tpu.memory_space<hbm>>
    tpu.enqueue_dma source(%dma_start3A_175 : memref<40xf32, #tpu.memory_space<hbm>>) target(%dma_start3A_168 : memref<40xf32, #tpu.memory_space<vmem>>) target_semaphore(%arg36 : memref<!tpu.dma_semaphore, #tpu.memory_space<semaphore_mem>>)
    %dma_start3A_176 = arith.constant 4 : i32
    %dma_start3A_177 = arith.constant 4 : i32
    %dma_start3A_178 = arith.constant 0 : i32
    %dma_start3A_179 = tpu.memref_slice %arg8[%dma_start3A_177, %dma_start3A_178] : memref<5x40xi32, #tpu.memory_space<vmem>> -> memref<1x40xi32, #tpu.memory_space<vmem>>
    %dma_start3A_180 = tpu.memref_squeeze %dma_start3A_179 : memref<1x40xi32, #tpu.memory_space<vmem>> -> memref<40xi32, #tpu.memory_space<vmem>>
    %dma_start3A_181 = arith.constant 0 : i32
    %dma_start3A_182 = arith.constant 0 : i32
    %dma_start3A_183 = tpu.memref_slice %arg3[%add3A, %dma_start3A_181, %dma_start3A_182] : memref<32x250x40xi32, #tpu.memory_space<hbm>> -> memref<1x250x40xi32, #tpu.memory_space<hbm>>
    %dma_start3A_184 = tpu.memref_squeeze %dma_start3A_183 : memref<1x250x40xi32, #tpu.memory_space<hbm>> -> memref<250x40xi32, #tpu.memory_space<hbm>>
    %dma_start3A_185 = arith.constant 0 : i32
    %dma_start3A_186 = tpu.memref_slice %dma_start3A_184[%dma_start3A_176, %dma_start3A_185] : memref<250x40xi32, #tpu.memory_space<hbm>> -> memref<1x40xi32, #tpu.memory_space<hbm>>
    %dma_start3A_187 = tpu.memref_squeeze %dma_start3A_186 : memref<1x40xi32, #tpu.memory_space<hbm>> -> memref<40xi32, #tpu.memory_space<hbm>>
    %dma_start3A_188 = arith.constant 0 : i32
    %dma_start3A_189 = tpu.memref_slice %arg8[%dma_start3A_177, %dma_start3A_188] : memref<5x40xi32, #tpu.memory_space<vmem>> -> memref<1x40xi32, #tpu.memory_space<vmem>>
    %dma_start3A_190 = tpu.memref_squeeze %dma_start3A_189 : memref<1x40xi32, #tpu.memory_space<vmem>> -> memref<40xi32, #tpu.memory_space<vmem>>
    %dma_start3A_191 = arith.constant 0 : i32
    %dma_start3A_192 = arith.constant 0 : i32
    %dma_start3A_193 = tpu.memref_slice %arg3[%add3A, %dma_start3A_191, %dma_start3A_192] : memref<32x250x40xi32, #tpu.memory_space<hbm>> -> memref<1x250x40xi32, #tpu.memory_space<hbm>>
    %dma_start3A_194 = tpu.memref_squeeze %dma_start3A_193 : memref<1x250x40xi32, #tpu.memory_space<hbm>> -> memref<250x40xi32, #tpu.memory_space<hbm>>
    %dma_start3A_195 = arith.constant 0 : i32
    %dma_start3A_196 = tpu.memref_slice %dma_start3A_194[%dma_start3A_176, %dma_start3A_195] : memref<250x40xi32, #tpu.memory_space<hbm>> -> memref<1x40xi32, #tpu.memory_space<hbm>>
    %dma_start3A_197 = tpu.memref_squeeze %dma_start3A_196 : memref<1x40xi32, #tpu.memory_space<hbm>> -> memref<40xi32, #tpu.memory_space<hbm>>
    tpu.enqueue_dma source(%dma_start3A_197 : memref<40xi32, #tpu.memory_space<hbm>>) target(%dma_start3A_190 : memref<40xi32, #tpu.memory_space<vmem>>) target_semaphore(%arg27 : memref<!tpu.dma_semaphore, #tpu.memory_space<semaphore_mem>>)
    %dma_start3A_198 = arith.constant 4 : i32
    %dma_start3A_199 = arith.constant 4 : i32
    %dma_start3A_200 = arith.constant 0 : i32
    %dma_start3A_201 = tpu.memref_slice %arg10[%dma_start3A_199, %dma_start3A_200] : memref<5x40xf32, #tpu.memory_space<vmem>> -> memref<1x40xf32, #tpu.memory_space<vmem>>
    %dma_start3A_202 = tpu.memref_squeeze %dma_start3A_201 : memref<1x40xf32, #tpu.memory_space<vmem>> -> memref<40xf32, #tpu.memory_space<vmem>>
    %dma_start3A_203 = arith.constant 0 : i32
    %dma_start3A_204 = arith.constant 0 : i32
    %dma_start3A_205 = tpu.memref_slice %arg5[%add3A, %dma_start3A_203, %dma_start3A_204] : memref<32x250x40xf32, #tpu.memory_space<hbm>> -> memref<1x250x40xf32, #tpu.memory_space<hbm>>
    %dma_start3A_206 = tpu.memref_squeeze %dma_start3A_205 : memref<1x250x40xf32, #tpu.memory_space<hbm>> -> memref<250x40xf32, #tpu.memory_space<hbm>>
    %dma_start3A_207 = arith.constant 0 : i32
    %dma_start3A_208 = tpu.memref_slice %dma_start3A_206[%dma_start3A_198, %dma_start3A_207] : memref<250x40xf32, #tpu.memory_space<hbm>> -> memref<1x40xf32, #tpu.memory_space<hbm>>
    %dma_start3A_209 = tpu.memref_squeeze %dma_start3A_208 : memref<1x40xf32, #tpu.memory_space<hbm>> -> memref<40xf32, #tpu.memory_space<hbm>>
    %dma_start3A_210 = arith.constant 0 : i32
    %dma_start3A_211 = tpu.memref_slice %arg10[%dma_start3A_199, %dma_start3A_210] : memref<5x40xf32, #tpu.memory_space<vmem>> -> memref<1x40xf32, #tpu.memory_space<vmem>>
    %dma_start3A_212 = tpu.memref_squeeze %dma_start3A_211 : memref<1x40xf32, #tpu.memory_space<vmem>> -> memref<40xf32, #tpu.memory_space<vmem>>
    %dma_start3A_213 = arith.constant 0 : i32
    %dma_start3A_214 = arith.constant 0 : i32
    %dma_start3A_215 = tpu.memref_slice %arg5[%add3A, %dma_start3A_213, %dma_start3A_214] : memref<32x250x40xf32, #tpu.memory_space<hbm>> -> memref<1x250x40xf32, #tpu.memory_space<hbm>>
    %dma_start3A_216 = tpu.memref_squeeze %dma_start3A_215 : memref<1x250x40xf32, #tpu.memory_space<hbm>> -> memref<250x40xf32, #tpu.memory_space<hbm>>
    %dma_start3A_217 = arith.constant 0 : i32
    %dma_start3A_218 = tpu.memref_slice %dma_start3A_216[%dma_start3A_198, %dma_start3A_217] : memref<250x40xf32, #tpu.memory_space<hbm>> -> memref<1x40xf32, #tpu.memory_space<hbm>>
    %dma_start3A_219 = tpu.memref_squeeze %dma_start3A_218 : memref<1x40xf32, #tpu.memory_space<hbm>> -> memref<40xf32, #tpu.memory_space<hbm>>
    tpu.enqueue_dma source(%dma_start3A_219 : memref<40xf32, #tpu.memory_space<hbm>>) target(%dma_start3A_212 : memref<40xf32, #tpu.memory_space<vmem>>) target_semaphore(%arg37 : memref<!tpu.dma_semaphore, #tpu.memory_space<semaphore_mem>>)
    %mul3A_220 = arith.constant 624 : i32
    %mul3A_221 = arith.muli %arg1, %mul3A_220 : i32
    "tpu.region"() ({
      %run_scoped3A = tpu.sem_alloc : memref<!tpu.dma_semaphore, #tpu.memory_space<semaphore_mem>>
      %dma_start3A_308 = arith.constant 0 : i32
      %dma_start3A_309 = tpu.memref_slice %arg12[%mul3A_221, %dma_start3A_308] : memref<10000x128xf32, #tpu.memory_space<vmem_shared>> -> memref<624x128xf32, #tpu.memory_space<vmem_shared>>
      %dma_start3A_310 = arith.constant 0 : i32
      %dma_start3A_311 = tpu.memref_slice %arg6[%mul3A_221, %dma_start3A_310] : memref<10000x128xf32, #tpu.memory_space<hbm>> -> memref<624x128xf32, #tpu.memory_space<hbm>>
      tpu.enqueue_dma source(%dma_start3A_311 : memref<624x128xf32, #tpu.memory_space<hbm>>) target(%dma_start3A_309 : memref<624x128xf32, #tpu.memory_space<vmem_shared>>) target_semaphore(%run_scoped3A : memref<!tpu.dma_semaphore, #tpu.memory_space<semaphore_mem>>)
      %dma_wait3A_312 = arith.constant 0 : i32
      %dma_wait3A_313 = tpu.memref_slice %arg12[%mul3A_221, %dma_wait3A_312] : memref<10000x128xf32, #tpu.memory_space<vmem_shared>> -> memref<624x128xf32, #tpu.memory_space<vmem_shared>>
      %dma_wait3A_314 = arith.constant 0 : i32
      %dma_wait3A_315 = tpu.memref_slice %arg6[%mul3A_221, %dma_wait3A_314] : memref<10000x128xf32, #tpu.memory_space<hbm>> -> memref<624x128xf32, #tpu.memory_space<hbm>>
      tpu.wait_dma2 semaphore(%run_scoped3A : memref<!tpu.dma_semaphore, #tpu.memory_space<semaphore_mem>>) src(%dma_wait3A_315 : memref<624x128xf32, #tpu.memory_space<hbm>>) dst(%dma_wait3A_313 : memref<624x128xf32, #tpu.memory_space<vmem_shared>>)
      tpu.yield
    }) : () -> ()
    %eq3A = arith.constant 0 : i32
    %eq3A_222 = arith.cmpi eq, %arg1, %eq3A : i32
    %convert_element_type3A = arith.extui %eq3A_222 : i1 to i32
    %cond3A = arith.constant 0 : i32
    %cond3A_223 = arith.cmpi ne, %convert_element_type3A, %cond3A : i32
    scf.if %cond3A_223 {
      "tpu.region"() ({
        %run_scoped3A = tpu.sem_alloc : memref<!tpu.dma_semaphore, #tpu.memory_space<semaphore_mem>>
        %dma_start3A_308 = arith.constant 9984 : i32
        %dma_start3A_309 = arith.constant 0 : i32
        %dma_start3A_310 = tpu.memref_slice %arg12[%dma_start3A_308, %dma_start3A_309] : memref<10000x128xf32, #tpu.memory_space<vmem_shared>> -> memref<16x128xf32, #tpu.memory_space<vmem_shared>>
        %dma_start3A_311 = arith.constant 9984 : i32
        %dma_start3A_312 = arith.constant 0 : i32
        %dma_start3A_313 = tpu.memref_slice %arg6[%dma_start3A_311, %dma_start3A_312] : memref<10000x128xf32, #tpu.memory_space<hbm>> -> memref<16x128xf32, #tpu.memory_space<hbm>>
        tpu.enqueue_dma source(%dma_start3A_313 : memref<16x128xf32, #tpu.memory_space<hbm>>) target(%dma_start3A_310 : memref<16x128xf32, #tpu.memory_space<vmem_shared>>) target_semaphore(%run_scoped3A : memref<!tpu.dma_semaphore, #tpu.memory_space<semaphore_mem>>)
        %dma_wait3A_314 = arith.constant 9984 : i32
        %dma_wait3A_315 = arith.constant 0 : i32
        %dma_wait3A_316 = tpu.memref_slice %arg12[%dma_wait3A_314, %dma_wait3A_315] : memref<10000x128xf32, #tpu.memory_space<vmem_shared>> -> memref<16x128xf32, #tpu.memory_space<vmem_shared>>
        %dma_wait3A_317 = arith.constant 9984 : i32
        %dma_wait3A_318 = arith.constant 0 : i32
        %dma_wait3A_319 = tpu.memref_slice %arg6[%dma_wait3A_317, %dma_wait3A_318] : memref<10000x128xf32, #tpu.memory_space<hbm>> -> memref<16x128xf32, #tpu.memory_space<hbm>>
        tpu.wait_dma2 semaphore(%run_scoped3A : memref<!tpu.dma_semaphore, #tpu.memory_space<semaphore_mem>>) src(%dma_wait3A_319 : memref<16x128xf32, #tpu.memory_space<hbm>>) dst(%dma_wait3A_316 : memref<16x128xf32, #tpu.memory_space<vmem_shared>>)
        tpu.yield
      }) : () -> ()
    } else {
    }
    %barrier3A = arith.constant 0 : index
    tpu.barrier barrier_id(%barrier3A)
    %scan3A = arith.constant 0 : i32
    %scan3A_224 = arith.constant 50 : i32
    %scan3A_225 = arith.addi %scan3A, %scan3A_224 : i32
    %scan3A_226 = arith.constant 1 : i32
    scf.for %scan3A_308 = %scan3A to %scan3A_225 step %scan3A_226  : i32 {
      %mul3A_309 = arith.constant 5 : i32
      %mul3A_310 = arith.muli %scan3A_308, %mul3A_309 : i32
      %add3A_311 = arith.constant 0 : i32
      %add3A_312 = arith.addi %add3A_311, %mul3A_310 : i32
      %gt3A = arith.constant 0 : i32
      %gt3A_313 = arith.cmpi sgt, %add3A_312, %gt3A : i32
      %convert_element_type3A_314 = arith.extui %gt3A_313 : i1 to i32
      %cond3A_315 = arith.constant 0 : i32
      %cond3A_316 = arith.cmpi ne, %convert_element_type3A_314, %cond3A_315 : i32
      scf.if %cond3A_316 {
        %dma_wait3A_1085 = arith.constant 0 : i32
        %dma_wait3A_1086 = arith.constant 0 : i32
        %dma_wait3A_1087 = arith.constant 0 : i32
        %dma_wait3A_1088 = tpu.memref_slice %arg11[%dma_wait3A_1085, %dma_wait3A_1086, %dma_wait3A_1087] : memref<5x40x128xf32, #tpu.memory_space<vmem>> -> memref<1x40x128xf32, #tpu.memory_space<vmem>>
        %dma_wait3A_1089 = tpu.memref_squeeze %dma_wait3A_1088 : memref<1x40x128xf32, #tpu.memory_space<vmem>> -> memref<40x128xf32, #tpu.memory_space<vmem>>
        %dma_wait3A_1090 = arith.constant 0 : i32
        %dma_wait3A_1091 = arith.constant 0 : i32
        %dma_wait3A_1092 = tpu.memref_slice %arg2[%dma_wait3A_1090, %dma_wait3A_1091] : memref<10000x128xf32, #tpu.memory_space<hbm>> -> memref<40x128xf32, #tpu.memory_space<hbm>>
        %dma_wait3A_1093 = arith.constant 0 : i32
        %dma_wait3A_1094 = arith.constant 0 : i32
        %dma_wait3A_1095 = tpu.memref_slice %arg11[%dma_wait3A_1085, %dma_wait3A_1093, %dma_wait3A_1094] : memref<5x40x128xf32, #tpu.memory_space<vmem>> -> memref<1x40x128xf32, #tpu.memory_space<vmem>>
        %dma_wait3A_1096 = tpu.memref_squeeze %dma_wait3A_1095 : memref<1x40x128xf32, #tpu.memory_space<vmem>> -> memref<40x128xf32, #tpu.memory_space<vmem>>
        %dma_wait3A_1097 = arith.constant 0 : i32
        %dma_wait3A_1098 = arith.constant 0 : i32
        %dma_wait3A_1099 = tpu.memref_slice %arg2[%dma_wait3A_1097, %dma_wait3A_1098] : memref<10000x128xf32, #tpu.memory_space<hbm>> -> memref<40x128xf32, #tpu.memory_space<hbm>>
        tpu.wait_dma2 semaphore(%arg18 : memref<!tpu.dma_semaphore, #tpu.memory_space<semaphore_mem>>) src(%dma_wait3A_1099 : memref<40x128xf32, #tpu.memory_space<hbm>>) dst(%dma_wait3A_1096 : memref<40x128xf32, #tpu.memory_space<vmem>>)
      } else {
      }
      %add3A_317 = arith.constant 0 : i32
      %add3A_318 = arith.addi %add3A_312, %add3A_317 : i32
      %dma_start3A_319 = arith.constant 0 : i32
      %dma_start3A_320 = arith.constant 0 : i32
      %dma_start3A_321 = tpu.memref_slice %arg9[%dma_start3A_319, %dma_start3A_320] : memref<5x40xi32, #tpu.memory_space<vmem>> -> memref<1x40xi32, #tpu.memory_space<vmem>>
      %dma_start3A_322 = tpu.memref_squeeze %dma_start3A_321 : memref<1x40xi32, #tpu.memory_space<vmem>> -> memref<40xi32, #tpu.memory_space<vmem>>
      %dma_start3A_323 = arith.constant 0 : i32
      %dma_start3A_324 = arith.constant 0 : i32
      %dma_start3A_325 = tpu.memref_slice %arg4[%add3A, %dma_start3A_323, %dma_start3A_324] : memref<32x250x40xi32, #tpu.memory_space<hbm>> -> memref<1x250x40xi32, #tpu.memory_space<hbm>>
      %dma_start3A_326 = tpu.memref_squeeze %dma_start3A_325 : memref<1x250x40xi32, #tpu.memory_space<hbm>> -> memref<250x40xi32, #tpu.memory_space<hbm>>
      %dma_start3A_327 = arith.constant 0 : i32
      %dma_start3A_328 = tpu.memref_slice %dma_start3A_326[%add3A_318, %dma_start3A_327] : memref<250x40xi32, #tpu.memory_space<hbm>> -> memref<1x40xi32, #tpu.memory_space<hbm>>
      %dma_start3A_329 = tpu.memref_squeeze %dma_start3A_328 : memref<1x40xi32, #tpu.memory_space<hbm>> -> memref<40xi32, #tpu.memory_space<hbm>>
      %dma_start3A_330 = arith.constant 0 : i32
      %dma_start3A_331 = tpu.memref_slice %arg9[%dma_start3A_319, %dma_start3A_330] : memref<5x40xi32, #tpu.memory_space<vmem>> -> memref<1x40xi32, #tpu.memory_space<vmem>>
      %dma_start3A_332 = tpu.memref_squeeze %dma_start3A_331 : memref<1x40xi32, #tpu.memory_space<vmem>> -> memref<40xi32, #tpu.memory_space<vmem>>
      %dma_start3A_333 = arith.constant 0 : i32
      %dma_start3A_334 = arith.constant 0 : i32
      %dma_start3A_335 = tpu.memref_slice %arg4[%add3A, %dma_start3A_333, %dma_start3A_334] : memref<32x250x40xi32, #tpu.memory_space<hbm>> -> memref<1x250x40xi32, #tpu.memory_space<hbm>>
      %dma_start3A_336 = tpu.memref_squeeze %dma_start3A_335 : memref<1x250x40xi32, #tpu.memory_space<hbm>> -> memref<250x40xi32, #tpu.memory_space<hbm>>
      %dma_start3A_337 = arith.constant 0 : i32
      %dma_start3A_338 = tpu.memref_slice %dma_start3A_336[%add3A_318, %dma_start3A_337] : memref<250x40xi32, #tpu.memory_space<hbm>> -> memref<1x40xi32, #tpu.memory_space<hbm>>
      %dma_start3A_339 = tpu.memref_squeeze %dma_start3A_338 : memref<1x40xi32, #tpu.memory_space<hbm>> -> memref<40xi32, #tpu.memory_space<hbm>>
      tpu.enqueue_dma source(%dma_start3A_339 : memref<40xi32, #tpu.memory_space<hbm>>) target(%dma_start3A_332 : memref<40xi32, #tpu.memory_space<vmem>>) target_semaphore(%arg28 : memref<!tpu.dma_semaphore, #tpu.memory_space<semaphore_mem>>)
      %dma_wait3A_340 = arith.constant 0 : i32
      %dma_wait3A_341 = arith.constant 0 : i32
      %dma_wait3A_342 = arith.constant 0 : i32
      %dma_wait3A_343 = arith.constant 0 : i32
      %dma_wait3A_344 = tpu.memref_slice %arg8[%dma_wait3A_342, %dma_wait3A_343] : memref<5x40xi32, #tpu.memory_space<vmem>> -> memref<1x40xi32, #tpu.memory_space<vmem>>
      %dma_wait3A_345 = tpu.memref_squeeze %dma_wait3A_344 : memref<1x40xi32, #tpu.memory_space<vmem>> -> memref<40xi32, #tpu.memory_space<vmem>>
      %dma_wait3A_346 = arith.constant 0 : i32
      %dma_wait3A_347 = arith.constant 0 : i32
      %dma_wait3A_348 = tpu.memref_slice %arg3[%dma_wait3A_340, %dma_wait3A_346, %dma_wait3A_347] : memref<32x250x40xi32, #tpu.memory_space<hbm>> -> memref<1x250x40xi32, #tpu.memory_space<hbm>>
      %dma_wait3A_349 = tpu.memref_squeeze %dma_wait3A_348 : memref<1x250x40xi32, #tpu.memory_space<hbm>> -> memref<250x40xi32, #tpu.memory_space<hbm>>
      %dma_wait3A_350 = arith.constant 0 : i32
      %dma_wait3A_351 = tpu.memref_slice %dma_wait3A_349[%dma_wait3A_341, %dma_wait3A_350] : memref<250x40xi32, #tpu.memory_space<hbm>> -> memref<1x40xi32, #tpu.memory_space<hbm>>
      %dma_wait3A_352 = tpu.memref_squeeze %dma_wait3A_351 : memref<1x40xi32, #tpu.memory_space<hbm>> -> memref<40xi32, #tpu.memory_space<hbm>>
      %dma_wait3A_353 = arith.constant 0 : i32
      %dma_wait3A_354 = tpu.memref_slice %arg8[%dma_wait3A_342, %dma_wait3A_353] : memref<5x40xi32, #tpu.memory_space<vmem>> -> memref<1x40xi32, #tpu.memory_space<vmem>>
      %dma_wait3A_355 = tpu.memref_squeeze %dma_wait3A_354 : memref<1x40xi32, #tpu.memory_space<vmem>> -> memref<40xi32, #tpu.memory_space<vmem>>
      %dma_wait3A_356 = arith.constant 0 : i32
      %dma_wait3A_357 = arith.constant 0 : i32
      %dma_wait3A_358 = tpu.memref_slice %arg3[%dma_wait3A_340, %dma_wait3A_356, %dma_wait3A_357] : memref<32x250x40xi32, #tpu.memory_space<hbm>> -> memref<1x250x40xi32, #tpu.memory_space<hbm>>
      %dma_wait3A_359 = tpu.memref_squeeze %dma_wait3A_358 : memref<1x250x40xi32, #tpu.memory_space<hbm>> -> memref<250x40xi32, #tpu.memory_space<hbm>>
      %dma_wait3A_360 = arith.constant 0 : i32
      %dma_wait3A_361 = tpu.memref_slice %dma_wait3A_359[%dma_wait3A_341, %dma_wait3A_360] : memref<250x40xi32, #tpu.memory_space<hbm>> -> memref<1x40xi32, #tpu.memory_space<hbm>>
      %dma_wait3A_362 = tpu.memref_squeeze %dma_wait3A_361 : memref<1x40xi32, #tpu.memory_space<hbm>> -> memref<40xi32, #tpu.memory_space<hbm>>
      tpu.wait_dma2 semaphore(%arg23 : memref<!tpu.dma_semaphore, #tpu.memory_space<semaphore_mem>>) src(%dma_wait3A_362 : memref<40xi32, #tpu.memory_space<hbm>>) dst(%dma_wait3A_355 : memref<40xi32, #tpu.memory_space<vmem>>)
      %dma_start3A_363 = arith.constant 0 : i32
      %dma_start3A_364 = arith.constant 0 : i32
      %dma_start3A_365 = arith.constant 0 : i32
      %dma_start3A_366 = arith.constant 0 : i32
      %dma_start3A_367 = tpu.memref_slice %arg11[%dma_start3A_364, %dma_start3A_365, %dma_start3A_366] : memref<5x40x128xf32, #tpu.memory_space<vmem>> -> memref<1x40x128xf32, #tpu.memory_space<vmem>>
      %dma_start3A_368 = tpu.memref_squeeze %dma_start3A_367 : memref<1x40x128xf32, #tpu.memory_space<vmem>> -> memref<40x128xf32, #tpu.memory_space<vmem>>
      %dma_start3A_369 = arith.constant 0 : i32
      %dma_start3A_370 = tpu.memref_slice %arg8[%dma_start3A_363, %dma_start3A_369] : memref<5x40xi32, #tpu.memory_space<vmem>> -> memref<1x40xi32, #tpu.memory_space<vmem>>
      %dma_start3A_371 = tpu.memref_squeeze %dma_start3A_370 : memref<1x40xi32, #tpu.memory_space<vmem>> -> memref<40xi32, #tpu.memory_space<vmem>>
      %dma_start3A_372 = arith.constant 0 : i32
      %dma_start3A_373 = arith.constant 0 : i32
      %dma_start3A_374 = tpu.memref_slice %arg2[%dma_start3A_372, %dma_start3A_373] : memref<10000x128xf32, #tpu.memory_space<hbm>> -> memref<10000x128xf32, #tpu.memory_space<hbm>>
      tpu.enqueue_indirect_dma source(%dma_start3A_374 : memref<10000x128xf32, #tpu.memory_space<hbm>>) target(%dma_start3A_368 : memref<40x128xf32, #tpu.memory_space<vmem>>) offsets(%dma_start3A_371 : memref<40xi32, #tpu.memory_space<vmem>>) semaphore(%arg13 : memref<!tpu.dma_semaphore, #tpu.memory_space<semaphore_mem>>)
      %gt3A_375 = arith.constant 0 : i32
      %gt3A_376 = arith.cmpi sgt, %add3A_312, %gt3A_375 : i32
      %convert_element_type3A_377 = arith.extui %gt3A_376 : i1 to i32
      %cond3A_378 = arith.constant 0 : i32
      %cond3A_379 = arith.cmpi ne, %convert_element_type3A_377, %cond3A_378 : i32
      scf.if %cond3A_379 {
        %dma_wait3A_1085 = arith.constant 1 : i32
        %dma_wait3A_1086 = arith.constant 0 : i32
        %dma_wait3A_1087 = arith.constant 0 : i32
        %dma_wait3A_1088 = tpu.memref_slice %arg11[%dma_wait3A_1085, %dma_wait3A_1086, %dma_wait3A_1087] : memref<5x40x128xf32, #tpu.memory_space<vmem>> -> memref<1x40x128xf32, #tpu.memory_space<vmem>>
        %dma_wait3A_1089 = tpu.memref_squeeze %dma_wait3A_1088 : memref<1x40x128xf32, #tpu.memory_space<vmem>> -> memref<40x128xf32, #tpu.memory_space<vmem>>
        %dma_wait3A_1090 = arith.constant 0 : i32
        %dma_wait3A_1091 = arith.constant 0 : i32
        %dma_wait3A_1092 = tpu.memref_slice %arg2[%dma_wait3A_1090, %dma_wait3A_1091] : memref<10000x128xf32, #tpu.memory_space<hbm>> -> memref<40x128xf32, #tpu.memory_space<hbm>>
        %dma_wait3A_1093 = arith.constant 0 : i32
        %dma_wait3A_1094 = arith.constant 0 : i32
        %dma_wait3A_1095 = tpu.memref_slice %arg11[%dma_wait3A_1085, %dma_wait3A_1093, %dma_wait3A_1094] : memref<5x40x128xf32, #tpu.memory_space<vmem>> -> memref<1x40x128xf32, #tpu.memory_space<vmem>>
        %dma_wait3A_1096 = tpu.memref_squeeze %dma_wait3A_1095 : memref<1x40x128xf32, #tpu.memory_space<vmem>> -> memref<40x128xf32, #tpu.memory_space<vmem>>
        %dma_wait3A_1097 = arith.constant 0 : i32
        %dma_wait3A_1098 = arith.constant 0 : i32
        %dma_wait3A_1099 = tpu.memref_slice %arg2[%dma_wait3A_1097, %dma_wait3A_1098] : memref<10000x128xf32, #tpu.memory_space<hbm>> -> memref<40x128xf32, #tpu.memory_space<hbm>>
        tpu.wait_dma2 semaphore(%arg19 : memref<!tpu.dma_semaphore, #tpu.memory_space<semaphore_mem>>) src(%dma_wait3A_1099 : memref<40x128xf32, #tpu.memory_space<hbm>>) dst(%dma_wait3A_1096 : memref<40x128xf32, #tpu.memory_space<vmem>>)
      } else {
      }
      %add3A_380 = arith.constant 1 : i32
      %add3A_381 = arith.addi %add3A_312, %add3A_380 : i32
      %dma_start3A_382 = arith.constant 1 : i32
      %dma_start3A_383 = arith.constant 0 : i32
      %dma_start3A_384 = tpu.memref_slice %arg9[%dma_start3A_382, %dma_start3A_383] : memref<5x40xi32, #tpu.memory_space<vmem>> -> memref<1x40xi32, #tpu.memory_space<vmem>>
      %dma_start3A_385 = tpu.memref_squeeze %dma_start3A_384 : memref<1x40xi32, #tpu.memory_space<vmem>> -> memref<40xi32, #tpu.memory_space<vmem>>
      %dma_start3A_386 = arith.constant 0 : i32
      %dma_start3A_387 = arith.constant 0 : i32
      %dma_start3A_388 = tpu.memref_slice %arg4[%add3A, %dma_start3A_386, %dma_start3A_387] : memref<32x250x40xi32, #tpu.memory_space<hbm>> -> memref<1x250x40xi32, #tpu.memory_space<hbm>>
      %dma_start3A_389 = tpu.memref_squeeze %dma_start3A_388 : memref<1x250x40xi32, #tpu.memory_space<hbm>> -> memref<250x40xi32, #tpu.memory_space<hbm>>
      %dma_start3A_390 = arith.constant 0 : i32
      %dma_start3A_391 = tpu.memref_slice %dma_start3A_389[%add3A_381, %dma_start3A_390] : memref<250x40xi32, #tpu.memory_space<hbm>> -> memref<1x40xi32, #tpu.memory_space<hbm>>
      %dma_start3A_392 = tpu.memref_squeeze %dma_start3A_391 : memref<1x40xi32, #tpu.memory_space<hbm>> -> memref<40xi32, #tpu.memory_space<hbm>>
      %dma_start3A_393 = arith.constant 0 : i32
      %dma_start3A_394 = tpu.memref_slice %arg9[%dma_start3A_382, %dma_start3A_393] : memref<5x40xi32, #tpu.memory_space<vmem>> -> memref<1x40xi32, #tpu.memory_space<vmem>>
      %dma_start3A_395 = tpu.memref_squeeze %dma_start3A_394 : memref<1x40xi32, #tpu.memory_space<vmem>> -> memref<40xi32, #tpu.memory_space<vmem>>
      %dma_start3A_396 = arith.constant 0 : i32
      %dma_start3A_397 = arith.constant 0 : i32
      %dma_start3A_398 = tpu.memref_slice %arg4[%add3A, %dma_start3A_396, %dma_start3A_397] : memref<32x250x40xi32, #tpu.memory_space<hbm>> -> memref<1x250x40xi32, #tpu.memory_space<hbm>>
      %dma_start3A_399 = tpu.memref_squeeze %dma_start3A_398 : memref<1x250x40xi32, #tpu.memory_space<hbm>> -> memref<250x40xi32, #tpu.memory_space<hbm>>
      %dma_start3A_400 = arith.constant 0 : i32
      %dma_start3A_401 = tpu.memref_slice %dma_start3A_399[%add3A_381, %dma_start3A_400] : memref<250x40xi32, #tpu.memory_space<hbm>> -> memref<1x40xi32, #tpu.memory_space<hbm>>
      %dma_start3A_402 = tpu.memref_squeeze %dma_start3A_401 : memref<1x40xi32, #tpu.memory_space<hbm>> -> memref<40xi32, #tpu.memory_space<hbm>>
      tpu.enqueue_dma source(%dma_start3A_402 : memref<40xi32, #tpu.memory_space<hbm>>) target(%dma_start3A_395 : memref<40xi32, #tpu.memory_space<vmem>>) target_semaphore(%arg29 : memref<!tpu.dma_semaphore, #tpu.memory_space<semaphore_mem>>)
      %dma_wait3A_403 = arith.constant 0 : i32
      %dma_wait3A_404 = arith.constant 0 : i32
      %dma_wait3A_405 = arith.constant 1 : i32
      %dma_wait3A_406 = arith.constant 0 : i32
      %dma_wait3A_407 = tpu.memref_slice %arg8[%dma_wait3A_405, %dma_wait3A_406] : memref<5x40xi32, #tpu.memory_space<vmem>> -> memref<1x40xi32, #tpu.memory_space<vmem>>
      %dma_wait3A_408 = tpu.memref_squeeze %dma_wait3A_407 : memref<1x40xi32, #tpu.memory_space<vmem>> -> memref<40xi32, #tpu.memory_space<vmem>>
      %dma_wait3A_409 = arith.constant 0 : i32
      %dma_wait3A_410 = arith.constant 0 : i32
      %dma_wait3A_411 = tpu.memref_slice %arg3[%dma_wait3A_403, %dma_wait3A_409, %dma_wait3A_410] : memref<32x250x40xi32, #tpu.memory_space<hbm>> -> memref<1x250x40xi32, #tpu.memory_space<hbm>>
      %dma_wait3A_412 = tpu.memref_squeeze %dma_wait3A_411 : memref<1x250x40xi32, #tpu.memory_space<hbm>> -> memref<250x40xi32, #tpu.memory_space<hbm>>
      %dma_wait3A_413 = arith.constant 0 : i32
      %dma_wait3A_414 = tpu.memref_slice %dma_wait3A_412[%dma_wait3A_404, %dma_wait3A_413] : memref<250x40xi32, #tpu.memory_space<hbm>> -> memref<1x40xi32, #tpu.memory_space<hbm>>
      %dma_wait3A_415 = tpu.memref_squeeze %dma_wait3A_414 : memref<1x40xi32, #tpu.memory_space<hbm>> -> memref<40xi32, #tpu.memory_space<hbm>>
      %dma_wait3A_416 = arith.constant 0 : i32
      %dma_wait3A_417 = tpu.memref_slice %arg8[%dma_wait3A_405, %dma_wait3A_416] : memref<5x40xi32, #tpu.memory_space<vmem>> -> memref<1x40xi32, #tpu.memory_space<vmem>>
      %dma_wait3A_418 = tpu.memref_squeeze %dma_wait3A_417 : memref<1x40xi32, #tpu.memory_space<vmem>> -> memref<40xi32, #tpu.memory_space<vmem>>
      %dma_wait3A_419 = arith.constant 0 : i32
      %dma_wait3A_420 = arith.constant 0 : i32
      %dma_wait3A_421 = tpu.memref_slice %arg3[%dma_wait3A_403, %dma_wait3A_419, %dma_wait3A_420] : memref<32x250x40xi32, #tpu.memory_space<hbm>> -> memref<1x250x40xi32, #tpu.memory_space<hbm>>
      %dma_wait3A_422 = tpu.memref_squeeze %dma_wait3A_421 : memref<1x250x40xi32, #tpu.memory_space<hbm>> -> memref<250x40xi32, #tpu.memory_space<hbm>>
      %dma_wait3A_423 = arith.constant 0 : i32
      %dma_wait3A_424 = tpu.memref_slice %dma_wait3A_422[%dma_wait3A_404, %dma_wait3A_423] : memref<250x40xi32, #tpu.memory_space<hbm>> -> memref<1x40xi32, #tpu.memory_space<hbm>>
      %dma_wait3A_425 = tpu.memref_squeeze %dma_wait3A_424 : memref<1x40xi32, #tpu.memory_space<hbm>> -> memref<40xi32, #tpu.memory_space<hbm>>
      tpu.wait_dma2 semaphore(%arg24 : memref<!tpu.dma_semaphore, #tpu.memory_space<semaphore_mem>>) src(%dma_wait3A_425 : memref<40xi32, #tpu.memory_space<hbm>>) dst(%dma_wait3A_418 : memref<40xi32, #tpu.memory_space<vmem>>)
      %dma_start3A_426 = arith.constant 1 : i32
      %dma_start3A_427 = arith.constant 1 : i32
      %dma_start3A_428 = arith.constant 0 : i32
      %dma_start3A_429 = arith.constant 0 : i32
      %dma_start3A_430 = tpu.memref_slice %arg11[%dma_start3A_427, %dma_start3A_428, %dma_start3A_429] : memref<5x40x128xf32, #tpu.memory_space<vmem>> -> memref<1x40x128xf32, #tpu.memory_space<vmem>>
      %dma_start3A_431 = tpu.memref_squeeze %dma_start3A_430 : memref<1x40x128xf32, #tpu.memory_space<vmem>> -> memref<40x128xf32, #tpu.memory_space<vmem>>
      %dma_start3A_432 = arith.constant 0 : i32
      %dma_start3A_433 = tpu.memref_slice %arg8[%dma_start3A_426, %dma_start3A_432] : memref<5x40xi32, #tpu.memory_space<vmem>> -> memref<1x40xi32, #tpu.memory_space<vmem>>
      %dma_start3A_434 = tpu.memref_squeeze %dma_start3A_433 : memref<1x40xi32, #tpu.memory_space<vmem>> -> memref<40xi32, #tpu.memory_space<vmem>>
      %dma_start3A_435 = arith.constant 0 : i32
      %dma_start3A_436 = arith.constant 0 : i32
      %dma_start3A_437 = tpu.memref_slice %arg2[%dma_start3A_435, %dma_start3A_436] : memref<10000x128xf32, #tpu.memory_space<hbm>> -> memref<10000x128xf32, #tpu.memory_space<hbm>>
      tpu.enqueue_indirect_dma source(%dma_start3A_437 : memref<10000x128xf32, #tpu.memory_space<hbm>>) target(%dma_start3A_431 : memref<40x128xf32, #tpu.memory_space<vmem>>) offsets(%dma_start3A_434 : memref<40xi32, #tpu.memory_space<vmem>>) semaphore(%arg14 : memref<!tpu.dma_semaphore, #tpu.memory_space<semaphore_mem>>)
      %gt3A_438 = arith.constant 0 : i32
      %gt3A_439 = arith.cmpi sgt, %add3A_312, %gt3A_438 : i32
      %convert_element_type3A_440 = arith.extui %gt3A_439 : i1 to i32
      %cond3A_441 = arith.constant 0 : i32
      %cond3A_442 = arith.cmpi ne, %convert_element_type3A_440, %cond3A_441 : i32
      scf.if %cond3A_442 {
        %dma_wait3A_1085 = arith.constant 2 : i32
        %dma_wait3A_1086 = arith.constant 0 : i32
        %dma_wait3A_1087 = arith.constant 0 : i32
        %dma_wait3A_1088 = tpu.memref_slice %arg11[%dma_wait3A_1085, %dma_wait3A_1086, %dma_wait3A_1087] : memref<5x40x128xf32, #tpu.memory_space<vmem>> -> memref<1x40x128xf32, #tpu.memory_space<vmem>>
        %dma_wait3A_1089 = tpu.memref_squeeze %dma_wait3A_1088 : memref<1x40x128xf32, #tpu.memory_space<vmem>> -> memref<40x128xf32, #tpu.memory_space<vmem>>
        %dma_wait3A_1090 = arith.constant 0 : i32
        %dma_wait3A_1091 = arith.constant 0 : i32
        %dma_wait3A_1092 = tpu.memref_slice %arg2[%dma_wait3A_1090, %dma_wait3A_1091] : memref<10000x128xf32, #tpu.memory_space<hbm>> -> memref<40x128xf32, #tpu.memory_space<hbm>>
        %dma_wait3A_1093 = arith.constant 0 : i32
        %dma_wait3A_1094 = arith.constant 0 : i32
        %dma_wait3A_1095 = tpu.memref_slice %arg11[%dma_wait3A_1085, %dma_wait3A_1093, %dma_wait3A_1094] : memref<5x40x128xf32, #tpu.memory_space<vmem>> -> memref<1x40x128xf32, #tpu.memory_space<vmem>>
        %dma_wait3A_1096 = tpu.memref_squeeze %dma_wait3A_1095 : memref<1x40x128xf32, #tpu.memory_space<vmem>> -> memref<40x128xf32, #tpu.memory_space<vmem>>
        %dma_wait3A_1097 = arith.constant 0 : i32
        %dma_wait3A_1098 = arith.constant 0 : i32
        %dma_wait3A_1099 = tpu.memref_slice %arg2[%dma_wait3A_1097, %dma_wait3A_1098] : memref<10000x128xf32, #tpu.memory_space<hbm>> -> memref<40x128xf32, #tpu.memory_space<hbm>>
        tpu.wait_dma2 semaphore(%arg20 : memref<!tpu.dma_semaphore, #tpu.memory_space<semaphore_mem>>) src(%dma_wait3A_1099 : memref<40x128xf32, #tpu.memory_space<hbm>>) dst(%dma_wait3A_1096 : memref<40x128xf32, #tpu.memory_space<vmem>>)
      } else {
      }
      %add3A_443 = arith.constant 2 : i32
      %add3A_444 = arith.addi %add3A_312, %add3A_443 : i32
      %dma_start3A_445 = arith.constant 2 : i32
      %dma_start3A_446 = arith.constant 0 : i32
      %dma_start3A_447 = tpu.memref_slice %arg9[%dma_start3A_445, %dma_start3A_446] : memref<5x40xi32, #tpu.memory_space<vmem>> -> memref<1x40xi32, #tpu.memory_space<vmem>>
      %dma_start3A_448 = tpu.memref_squeeze %dma_start3A_447 : memref<1x40xi32, #tpu.memory_space<vmem>> -> memref<40xi32, #tpu.memory_space<vmem>>
      %dma_start3A_449 = arith.constant 0 : i32
      %dma_start3A_450 = arith.constant 0 : i32
      %dma_start3A_451 = tpu.memref_slice %arg4[%add3A, %dma_start3A_449, %dma_start3A_450] : memref<32x250x40xi32, #tpu.memory_space<hbm>> -> memref<1x250x40xi32, #tpu.memory_space<hbm>>
      %dma_start3A_452 = tpu.memref_squeeze %dma_start3A_451 : memref<1x250x40xi32, #tpu.memory_space<hbm>> -> memref<250x40xi32, #tpu.memory_space<hbm>>
      %dma_start3A_453 = arith.constant 0 : i32
      %dma_start3A_454 = tpu.memref_slice %dma_start3A_452[%add3A_444, %dma_start3A_453] : memref<250x40xi32, #tpu.memory_space<hbm>> -> memref<1x40xi32, #tpu.memory_space<hbm>>
      %dma_start3A_455 = tpu.memref_squeeze %dma_start3A_454 : memref<1x40xi32, #tpu.memory_space<hbm>> -> memref<40xi32, #tpu.memory_space<hbm>>
      %dma_start3A_456 = arith.constant 0 : i32
      %dma_start3A_457 = tpu.memref_slice %arg9[%dma_start3A_445, %dma_start3A_456] : memref<5x40xi32, #tpu.memory_space<vmem>> -> memref<1x40xi32, #tpu.memory_space<vmem>>
      %dma_start3A_458 = tpu.memref_squeeze %dma_start3A_457 : memref<1x40xi32, #tpu.memory_space<vmem>> -> memref<40xi32, #tpu.memory_space<vmem>>
      %dma_start3A_459 = arith.constant 0 : i32
      %dma_start3A_460 = arith.constant 0 : i32
      %dma_start3A_461 = tpu.memref_slice %arg4[%add3A, %dma_start3A_459, %dma_start3A_460] : memref<32x250x40xi32, #tpu.memory_space<hbm>> -> memref<1x250x40xi32, #tpu.memory_space<hbm>>
      %dma_start3A_462 = tpu.memref_squeeze %dma_start3A_461 : memref<1x250x40xi32, #tpu.memory_space<hbm>> -> memref<250x40xi32, #tpu.memory_space<hbm>>
      %dma_start3A_463 = arith.constant 0 : i32
      %dma_start3A_464 = tpu.memref_slice %dma_start3A_462[%add3A_444, %dma_start3A_463] : memref<250x40xi32, #tpu.memory_space<hbm>> -> memref<1x40xi32, #tpu.memory_space<hbm>>
      %dma_start3A_465 = tpu.memref_squeeze %dma_start3A_464 : memref<1x40xi32, #tpu.memory_space<hbm>> -> memref<40xi32, #tpu.memory_space<hbm>>
      tpu.enqueue_dma source(%dma_start3A_465 : memref<40xi32, #tpu.memory_space<hbm>>) target(%dma_start3A_458 : memref<40xi32, #tpu.memory_space<vmem>>) target_semaphore(%arg30 : memref<!tpu.dma_semaphore, #tpu.memory_space<semaphore_mem>>)
      %dma_wait3A_466 = arith.constant 0 : i32
      %dma_wait3A_467 = arith.constant 0 : i32
      %dma_wait3A_468 = arith.constant 2 : i32
      %dma_wait3A_469 = arith.constant 0 : i32
      %dma_wait3A_470 = tpu.memref_slice %arg8[%dma_wait3A_468, %dma_wait3A_469] : memref<5x40xi32, #tpu.memory_space<vmem>> -> memref<1x40xi32, #tpu.memory_space<vmem>>
      %dma_wait3A_471 = tpu.memref_squeeze %dma_wait3A_470 : memref<1x40xi32, #tpu.memory_space<vmem>> -> memref<40xi32, #tpu.memory_space<vmem>>
      %dma_wait3A_472 = arith.constant 0 : i32
      %dma_wait3A_473 = arith.constant 0 : i32
      %dma_wait3A_474 = tpu.memref_slice %arg3[%dma_wait3A_466, %dma_wait3A_472, %dma_wait3A_473] : memref<32x250x40xi32, #tpu.memory_space<hbm>> -> memref<1x250x40xi32, #tpu.memory_space<hbm>>
      %dma_wait3A_475 = tpu.memref_squeeze %dma_wait3A_474 : memref<1x250x40xi32, #tpu.memory_space<hbm>> -> memref<250x40xi32, #tpu.memory_space<hbm>>
      %dma_wait3A_476 = arith.constant 0 : i32
      %dma_wait3A_477 = tpu.memref_slice %dma_wait3A_475[%dma_wait3A_467, %dma_wait3A_476] : memref<250x40xi32, #tpu.memory_space<hbm>> -> memref<1x40xi32, #tpu.memory_space<hbm>>
      %dma_wait3A_478 = tpu.memref_squeeze %dma_wait3A_477 : memref<1x40xi32, #tpu.memory_space<hbm>> -> memref<40xi32, #tpu.memory_space<hbm>>
      %dma_wait3A_479 = arith.constant 0 : i32
      %dma_wait3A_480 = tpu.memref_slice %arg8[%dma_wait3A_468, %dma_wait3A_479] : memref<5x40xi32, #tpu.memory_space<vmem>> -> memref<1x40xi32, #tpu.memory_space<vmem>>
      %dma_wait3A_481 = tpu.memref_squeeze %dma_wait3A_480 : memref<1x40xi32, #tpu.memory_space<vmem>> -> memref<40xi32, #tpu.memory_space<vmem>>
      %dma_wait3A_482 = arith.constant 0 : i32
      %dma_wait3A_483 = arith.constant 0 : i32
      %dma_wait3A_484 = tpu.memref_slice %arg3[%dma_wait3A_466, %dma_wait3A_482, %dma_wait3A_483] : memref<32x250x40xi32, #tpu.memory_space<hbm>> -> memref<1x250x40xi32, #tpu.memory_space<hbm>>
      %dma_wait3A_485 = tpu.memref_squeeze %dma_wait3A_484 : memref<1x250x40xi32, #tpu.memory_space<hbm>> -> memref<250x40xi32, #tpu.memory_space<hbm>>
      %dma_wait3A_486 = arith.constant 0 : i32
      %dma_wait3A_487 = tpu.memref_slice %dma_wait3A_485[%dma_wait3A_467, %dma_wait3A_486] : memref<250x40xi32, #tpu.memory_space<hbm>> -> memref<1x40xi32, #tpu.memory_space<hbm>>
      %dma_wait3A_488 = tpu.memref_squeeze %dma_wait3A_487 : memref<1x40xi32, #tpu.memory_space<hbm>> -> memref<40xi32, #tpu.memory_space<hbm>>
      tpu.wait_dma2 semaphore(%arg25 : memref<!tpu.dma_semaphore, #tpu.memory_space<semaphore_mem>>) src(%dma_wait3A_488 : memref<40xi32, #tpu.memory_space<hbm>>) dst(%dma_wait3A_481 : memref<40xi32, #tpu.memory_space<vmem>>)
      %dma_start3A_489 = arith.constant 2 : i32
      %dma_start3A_490 = arith.constant 2 : i32
      %dma_start3A_491 = arith.constant 0 : i32
      %dma_start3A_492 = arith.constant 0 : i32
      %dma_start3A_493 = tpu.memref_slice %arg11[%dma_start3A_490, %dma_start3A_491, %dma_start3A_492] : memref<5x40x128xf32, #tpu.memory_space<vmem>> -> memref<1x40x128xf32, #tpu.memory_space<vmem>>
      %dma_start3A_494 = tpu.memref_squeeze %dma_start3A_493 : memref<1x40x128xf32, #tpu.memory_space<vmem>> -> memref<40x128xf32, #tpu.memory_space<vmem>>
      %dma_start3A_495 = arith.constant 0 : i32
      %dma_start3A_496 = tpu.memref_slice %arg8[%dma_start3A_489, %dma_start3A_495] : memref<5x40xi32, #tpu.memory_space<vmem>> -> memref<1x40xi32, #tpu.memory_space<vmem>>
      %dma_start3A_497 = tpu.memref_squeeze %dma_start3A_496 : memref<1x40xi32, #tpu.memory_space<vmem>> -> memref<40xi32, #tpu.memory_space<vmem>>
      %dma_start3A_498 = arith.constant 0 : i32
      %dma_start3A_499 = arith.constant 0 : i32
      %dma_start3A_500 = tpu.memref_slice %arg2[%dma_start3A_498, %dma_start3A_499] : memref<10000x128xf32, #tpu.memory_space<hbm>> -> memref<10000x128xf32, #tpu.memory_space<hbm>>
      tpu.enqueue_indirect_dma source(%dma_start3A_500 : memref<10000x128xf32, #tpu.memory_space<hbm>>) target(%dma_start3A_494 : memref<40x128xf32, #tpu.memory_space<vmem>>) offsets(%dma_start3A_497 : memref<40xi32, #tpu.memory_space<vmem>>) semaphore(%arg15 : memref<!tpu.dma_semaphore, #tpu.memory_space<semaphore_mem>>)
      %gt3A_501 = arith.constant 0 : i32
      %gt3A_502 = arith.cmpi sgt, %add3A_312, %gt3A_501 : i32
      %convert_element_type3A_503 = arith.extui %gt3A_502 : i1 to i32
      %cond3A_504 = arith.constant 0 : i32
      %cond3A_505 = arith.cmpi ne, %convert_element_type3A_503, %cond3A_504 : i32
      scf.if %cond3A_505 {
        %dma_wait3A_1085 = arith.constant 3 : i32
        %dma_wait3A_1086 = arith.constant 0 : i32
        %dma_wait3A_1087 = arith.constant 0 : i32
        %dma_wait3A_1088 = tpu.memref_slice %arg11[%dma_wait3A_1085, %dma_wait3A_1086, %dma_wait3A_1087] : memref<5x40x128xf32, #tpu.memory_space<vmem>> -> memref<1x40x128xf32, #tpu.memory_space<vmem>>
        %dma_wait3A_1089 = tpu.memref_squeeze %dma_wait3A_1088 : memref<1x40x128xf32, #tpu.memory_space<vmem>> -> memref<40x128xf32, #tpu.memory_space<vmem>>
        %dma_wait3A_1090 = arith.constant 0 : i32
        %dma_wait3A_1091 = arith.constant 0 : i32
        %dma_wait3A_1092 = tpu.memref_slice %arg2[%dma_wait3A_1090, %dma_wait3A_1091] : memref<10000x128xf32, #tpu.memory_space<hbm>> -> memref<40x128xf32, #tpu.memory_space<hbm>>
        %dma_wait3A_1093 = arith.constant 0 : i32
        %dma_wait3A_1094 = arith.constant 0 : i32
        %dma_wait3A_1095 = tpu.memref_slice %arg11[%dma_wait3A_1085, %dma_wait3A_1093, %dma_wait3A_1094] : memref<5x40x128xf32, #tpu.memory_space<vmem>> -> memref<1x40x128xf32, #tpu.memory_space<vmem>>
        %dma_wait3A_1096 = tpu.memref_squeeze %dma_wait3A_1095 : memref<1x40x128xf32, #tpu.memory_space<vmem>> -> memref<40x128xf32, #tpu.memory_space<vmem>>
        %dma_wait3A_1097 = arith.constant 0 : i32
        %dma_wait3A_1098 = arith.constant 0 : i32
        %dma_wait3A_1099 = tpu.memref_slice %arg2[%dma_wait3A_1097, %dma_wait3A_1098] : memref<10000x128xf32, #tpu.memory_space<hbm>> -> memref<40x128xf32, #tpu.memory_space<hbm>>
        tpu.wait_dma2 semaphore(%arg21 : memref<!tpu.dma_semaphore, #tpu.memory_space<semaphore_mem>>) src(%dma_wait3A_1099 : memref<40x128xf32, #tpu.memory_space<hbm>>) dst(%dma_wait3A_1096 : memref<40x128xf32, #tpu.memory_space<vmem>>)
      } else {
      }
      %add3A_506 = arith.constant 3 : i32
      %add3A_507 = arith.addi %add3A_312, %add3A_506 : i32
      %dma_start3A_508 = arith.constant 3 : i32
      %dma_start3A_509 = arith.constant 0 : i32
      %dma_start3A_510 = tpu.memref_slice %arg9[%dma_start3A_508, %dma_start3A_509] : memref<5x40xi32, #tpu.memory_space<vmem>> -> memref<1x40xi32, #tpu.memory_space<vmem>>
      %dma_start3A_511 = tpu.memref_squeeze %dma_start3A_510 : memref<1x40xi32, #tpu.memory_space<vmem>> -> memref<40xi32, #tpu.memory_space<vmem>>
      %dma_start3A_512 = arith.constant 0 : i32
      %dma_start3A_513 = arith.constant 0 : i32
      %dma_start3A_514 = tpu.memref_slice %arg4[%add3A, %dma_start3A_512, %dma_start3A_513] : memref<32x250x40xi32, #tpu.memory_space<hbm>> -> memref<1x250x40xi32, #tpu.memory_space<hbm>>
      %dma_start3A_515 = tpu.memref_squeeze %dma_start3A_514 : memref<1x250x40xi32, #tpu.memory_space<hbm>> -> memref<250x40xi32, #tpu.memory_space<hbm>>
      %dma_start3A_516 = arith.constant 0 : i32
      %dma_start3A_517 = tpu.memref_slice %dma_start3A_515[%add3A_507, %dma_start3A_516] : memref<250x40xi32, #tpu.memory_space<hbm>> -> memref<1x40xi32, #tpu.memory_space<hbm>>
      %dma_start3A_518 = tpu.memref_squeeze %dma_start3A_517 : memref<1x40xi32, #tpu.memory_space<hbm>> -> memref<40xi32, #tpu.memory_space<hbm>>
      %dma_start3A_519 = arith.constant 0 : i32
      %dma_start3A_520 = tpu.memref_slice %arg9[%dma_start3A_508, %dma_start3A_519] : memref<5x40xi32, #tpu.memory_space<vmem>> -> memref<1x40xi32, #tpu.memory_space<vmem>>
      %dma_start3A_521 = tpu.memref_squeeze %dma_start3A_520 : memref<1x40xi32, #tpu.memory_space<vmem>> -> memref<40xi32, #tpu.memory_space<vmem>>
      %dma_start3A_522 = arith.constant 0 : i32
      %dma_start3A_523 = arith.constant 0 : i32
      %dma_start3A_524 = tpu.memref_slice %arg4[%add3A, %dma_start3A_522, %dma_start3A_523] : memref<32x250x40xi32, #tpu.memory_space<hbm>> -> memref<1x250x40xi32, #tpu.memory_space<hbm>>
      %dma_start3A_525 = tpu.memref_squeeze %dma_start3A_524 : memref<1x250x40xi32, #tpu.memory_space<hbm>> -> memref<250x40xi32, #tpu.memory_space<hbm>>
      %dma_start3A_526 = arith.constant 0 : i32
      %dma_start3A_527 = tpu.memref_slice %dma_start3A_525[%add3A_507, %dma_start3A_526] : memref<250x40xi32, #tpu.memory_space<hbm>> -> memref<1x40xi32, #tpu.memory_space<hbm>>
      %dma_start3A_528 = tpu.memref_squeeze %dma_start3A_527 : memref<1x40xi32, #tpu.memory_space<hbm>> -> memref<40xi32, #tpu.memory_space<hbm>>
      tpu.enqueue_dma source(%dma_start3A_528 : memref<40xi32, #tpu.memory_space<hbm>>) target(%dma_start3A_521 : memref<40xi32, #tpu.memory_space<vmem>>) target_semaphore(%arg31 : memref<!tpu.dma_semaphore, #tpu.memory_space<semaphore_mem>>)
      %dma_wait3A_529 = arith.constant 0 : i32
      %dma_wait3A_530 = arith.constant 0 : i32
      %dma_wait3A_531 = arith.constant 3 : i32
      %dma_wait3A_532 = arith.constant 0 : i32
      %dma_wait3A_533 = tpu.memref_slice %arg8[%dma_wait3A_531, %dma_wait3A_532] : memref<5x40xi32, #tpu.memory_space<vmem>> -> memref<1x40xi32, #tpu.memory_space<vmem>>
      %dma_wait3A_534 = tpu.memref_squeeze %dma_wait3A_533 : memref<1x40xi32, #tpu.memory_space<vmem>> -> memref<40xi32, #tpu.memory_space<vmem>>
      %dma_wait3A_535 = arith.constant 0 : i32
      %dma_wait3A_536 = arith.constant 0 : i32
      %dma_wait3A_537 = tpu.memref_slice %arg3[%dma_wait3A_529, %dma_wait3A_535, %dma_wait3A_536] : memref<32x250x40xi32, #tpu.memory_space<hbm>> -> memref<1x250x40xi32, #tpu.memory_space<hbm>>
      %dma_wait3A_538 = tpu.memref_squeeze %dma_wait3A_537 : memref<1x250x40xi32, #tpu.memory_space<hbm>> -> memref<250x40xi32, #tpu.memory_space<hbm>>
      %dma_wait3A_539 = arith.constant 0 : i32
      %dma_wait3A_540 = tpu.memref_slice %dma_wait3A_538[%dma_wait3A_530, %dma_wait3A_539] : memref<250x40xi32, #tpu.memory_space<hbm>> -> memref<1x40xi32, #tpu.memory_space<hbm>>
      %dma_wait3A_541 = tpu.memref_squeeze %dma_wait3A_540 : memref<1x40xi32, #tpu.memory_space<hbm>> -> memref<40xi32, #tpu.memory_space<hbm>>
      %dma_wait3A_542 = arith.constant 0 : i32
      %dma_wait3A_543 = tpu.memref_slice %arg8[%dma_wait3A_531, %dma_wait3A_542] : memref<5x40xi32, #tpu.memory_space<vmem>> -> memref<1x40xi32, #tpu.memory_space<vmem>>
      %dma_wait3A_544 = tpu.memref_squeeze %dma_wait3A_543 : memref<1x40xi32, #tpu.memory_space<vmem>> -> memref<40xi32, #tpu.memory_space<vmem>>
      %dma_wait3A_545 = arith.constant 0 : i32
      %dma_wait3A_546 = arith.constant 0 : i32
      %dma_wait3A_547 = tpu.memref_slice %arg3[%dma_wait3A_529, %dma_wait3A_545, %dma_wait3A_546] : memref<32x250x40xi32, #tpu.memory_space<hbm>> -> memref<1x250x40xi32, #tpu.memory_space<hbm>>
      %dma_wait3A_548 = tpu.memref_squeeze %dma_wait3A_547 : memref<1x250x40xi32, #tpu.memory_space<hbm>> -> memref<250x40xi32, #tpu.memory_space<hbm>>
      %dma_wait3A_549 = arith.constant 0 : i32
      %dma_wait3A_550 = tpu.memref_slice %dma_wait3A_548[%dma_wait3A_530, %dma_wait3A_549] : memref<250x40xi32, #tpu.memory_space<hbm>> -> memref<1x40xi32, #tpu.memory_space<hbm>>
      %dma_wait3A_551 = tpu.memref_squeeze %dma_wait3A_550 : memref<1x40xi32, #tpu.memory_space<hbm>> -> memref<40xi32, #tpu.memory_space<hbm>>
      tpu.wait_dma2 semaphore(%arg26 : memref<!tpu.dma_semaphore, #tpu.memory_space<semaphore_mem>>) src(%dma_wait3A_551 : memref<40xi32, #tpu.memory_space<hbm>>) dst(%dma_wait3A_544 : memref<40xi32, #tpu.memory_space<vmem>>)
      %dma_start3A_552 = arith.constant 3 : i32
      %dma_start3A_553 = arith.constant 3 : i32
      %dma_start3A_554 = arith.constant 0 : i32
      %dma_start3A_555 = arith.constant 0 : i32
      %dma_start3A_556 = tpu.memref_slice %arg11[%dma_start3A_553, %dma_start3A_554, %dma_start3A_555] : memref<5x40x128xf32, #tpu.memory_space<vmem>> -> memref<1x40x128xf32, #tpu.memory_space<vmem>>
      %dma_start3A_557 = tpu.memref_squeeze %dma_start3A_556 : memref<1x40x128xf32, #tpu.memory_space<vmem>> -> memref<40x128xf32, #tpu.memory_space<vmem>>
      %dma_start3A_558 = arith.constant 0 : i32
      %dma_start3A_559 = tpu.memref_slice %arg8[%dma_start3A_552, %dma_start3A_558] : memref<5x40xi32, #tpu.memory_space<vmem>> -> memref<1x40xi32, #tpu.memory_space<vmem>>
      %dma_start3A_560 = tpu.memref_squeeze %dma_start3A_559 : memref<1x40xi32, #tpu.memory_space<vmem>> -> memref<40xi32, #tpu.memory_space<vmem>>
      %dma_start3A_561 = arith.constant 0 : i32
      %dma_start3A_562 = arith.constant 0 : i32
      %dma_start3A_563 = tpu.memref_slice %arg2[%dma_start3A_561, %dma_start3A_562] : memref<10000x128xf32, #tpu.memory_space<hbm>> -> memref<10000x128xf32, #tpu.memory_space<hbm>>
      tpu.enqueue_indirect_dma source(%dma_start3A_563 : memref<10000x128xf32, #tpu.memory_space<hbm>>) target(%dma_start3A_557 : memref<40x128xf32, #tpu.memory_space<vmem>>) offsets(%dma_start3A_560 : memref<40xi32, #tpu.memory_space<vmem>>) semaphore(%arg16 : memref<!tpu.dma_semaphore, #tpu.memory_space<semaphore_mem>>)
      %gt3A_564 = arith.constant 0 : i32
      %gt3A_565 = arith.cmpi sgt, %add3A_312, %gt3A_564 : i32
      %convert_element_type3A_566 = arith.extui %gt3A_565 : i1 to i32
      %cond3A_567 = arith.constant 0 : i32
      %cond3A_568 = arith.cmpi ne, %convert_element_type3A_566, %cond3A_567 : i32
      scf.if %cond3A_568 {
        %dma_wait3A_1085 = arith.constant 4 : i32
        %dma_wait3A_1086 = arith.constant 0 : i32
        %dma_wait3A_1087 = arith.constant 0 : i32
        %dma_wait3A_1088 = tpu.memref_slice %arg11[%dma_wait3A_1085, %dma_wait3A_1086, %dma_wait3A_1087] : memref<5x40x128xf32, #tpu.memory_space<vmem>> -> memref<1x40x128xf32, #tpu.memory_space<vmem>>
        %dma_wait3A_1089 = tpu.memref_squeeze %dma_wait3A_1088 : memref<1x40x128xf32, #tpu.memory_space<vmem>> -> memref<40x128xf32, #tpu.memory_space<vmem>>
        %dma_wait3A_1090 = arith.constant 0 : i32
        %dma_wait3A_1091 = arith.constant 0 : i32
        %dma_wait3A_1092 = tpu.memref_slice %arg2[%dma_wait3A_1090, %dma_wait3A_1091] : memref<10000x128xf32, #tpu.memory_space<hbm>> -> memref<40x128xf32, #tpu.memory_space<hbm>>
        %dma_wait3A_1093 = arith.constant 0 : i32
        %dma_wait3A_1094 = arith.constant 0 : i32
        %dma_wait3A_1095 = tpu.memref_slice %arg11[%dma_wait3A_1085, %dma_wait3A_1093, %dma_wait3A_1094] : memref<5x40x128xf32, #tpu.memory_space<vmem>> -> memref<1x40x128xf32, #tpu.memory_space<vmem>>
        %dma_wait3A_1096 = tpu.memref_squeeze %dma_wait3A_1095 : memref<1x40x128xf32, #tpu.memory_space<vmem>> -> memref<40x128xf32, #tpu.memory_space<vmem>>
        %dma_wait3A_1097 = arith.constant 0 : i32
        %dma_wait3A_1098 = arith.constant 0 : i32
        %dma_wait3A_1099 = tpu.memref_slice %arg2[%dma_wait3A_1097, %dma_wait3A_1098] : memref<10000x128xf32, #tpu.memory_space<hbm>> -> memref<40x128xf32, #tpu.memory_space<hbm>>
        tpu.wait_dma2 semaphore(%arg22 : memref<!tpu.dma_semaphore, #tpu.memory_space<semaphore_mem>>) src(%dma_wait3A_1099 : memref<40x128xf32, #tpu.memory_space<hbm>>) dst(%dma_wait3A_1096 : memref<40x128xf32, #tpu.memory_space<vmem>>)
      } else {
      }
      %add3A_569 = arith.constant 4 : i32
      %add3A_570 = arith.addi %add3A_312, %add3A_569 : i32
      %dma_start3A_571 = arith.constant 4 : i32
      %dma_start3A_572 = arith.constant 0 : i32
      %dma_start3A_573 = tpu.memref_slice %arg9[%dma_start3A_571, %dma_start3A_572] : memref<5x40xi32, #tpu.memory_space<vmem>> -> memref<1x40xi32, #tpu.memory_space<vmem>>
      %dma_start3A_574 = tpu.memref_squeeze %dma_start3A_573 : memref<1x40xi32, #tpu.memory_space<vmem>> -> memref<40xi32, #tpu.memory_space<vmem>>
      %dma_start3A_575 = arith.constant 0 : i32
      %dma_start3A_576 = arith.constant 0 : i32
      %dma_start3A_577 = tpu.memref_slice %arg4[%add3A, %dma_start3A_575, %dma_start3A_576] : memref<32x250x40xi32, #tpu.memory_space<hbm>> -> memref<1x250x40xi32, #tpu.memory_space<hbm>>
      %dma_start3A_578 = tpu.memref_squeeze %dma_start3A_577 : memref<1x250x40xi32, #tpu.memory_space<hbm>> -> memref<250x40xi32, #tpu.memory_space<hbm>>
      %dma_start3A_579 = arith.constant 0 : i32
      %dma_start3A_580 = tpu.memref_slice %dma_start3A_578[%add3A_570, %dma_start3A_579] : memref<250x40xi32, #tpu.memory_space<hbm>> -> memref<1x40xi32, #tpu.memory_space<hbm>>
      %dma_start3A_581 = tpu.memref_squeeze %dma_start3A_580 : memref<1x40xi32, #tpu.memory_space<hbm>> -> memref<40xi32, #tpu.memory_space<hbm>>
      %dma_start3A_582 = arith.constant 0 : i32
      %dma_start3A_583 = tpu.memref_slice %arg9[%dma_start3A_571, %dma_start3A_582] : memref<5x40xi32, #tpu.memory_space<vmem>> -> memref<1x40xi32, #tpu.memory_space<vmem>>
      %dma_start3A_584 = tpu.memref_squeeze %dma_start3A_583 : memref<1x40xi32, #tpu.memory_space<vmem>> -> memref<40xi32, #tpu.memory_space<vmem>>
      %dma_start3A_585 = arith.constant 0 : i32
      %dma_start3A_586 = arith.constant 0 : i32
      %dma_start3A_587 = tpu.memref_slice %arg4[%add3A, %dma_start3A_585, %dma_start3A_586] : memref<32x250x40xi32, #tpu.memory_space<hbm>> -> memref<1x250x40xi32, #tpu.memory_space<hbm>>
      %dma_start3A_588 = tpu.memref_squeeze %dma_start3A_587 : memref<1x250x40xi32, #tpu.memory_space<hbm>> -> memref<250x40xi32, #tpu.memory_space<hbm>>
      %dma_start3A_589 = arith.constant 0 : i32
      %dma_start3A_590 = tpu.memref_slice %dma_start3A_588[%add3A_570, %dma_start3A_589] : memref<250x40xi32, #tpu.memory_space<hbm>> -> memref<1x40xi32, #tpu.memory_space<hbm>>
      %dma_start3A_591 = tpu.memref_squeeze %dma_start3A_590 : memref<1x40xi32, #tpu.memory_space<hbm>> -> memref<40xi32, #tpu.memory_space<hbm>>
      tpu.enqueue_dma source(%dma_start3A_591 : memref<40xi32, #tpu.memory_space<hbm>>) target(%dma_start3A_584 : memref<40xi32, #tpu.memory_space<vmem>>) target_semaphore(%arg32 : memref<!tpu.dma_semaphore, #tpu.memory_space<semaphore_mem>>)
      %dma_wait3A_592 = arith.constant 0 : i32
      %dma_wait3A_593 = arith.constant 0 : i32
      %dma_wait3A_594 = arith.constant 4 : i32
      %dma_wait3A_595 = arith.constant 0 : i32
      %dma_wait3A_596 = tpu.memref_slice %arg8[%dma_wait3A_594, %dma_wait3A_595] : memref<5x40xi32, #tpu.memory_space<vmem>> -> memref<1x40xi32, #tpu.memory_space<vmem>>
      %dma_wait3A_597 = tpu.memref_squeeze %dma_wait3A_596 : memref<1x40xi32, #tpu.memory_space<vmem>> -> memref<40xi32, #tpu.memory_space<vmem>>
      %dma_wait3A_598 = arith.constant 0 : i32
      %dma_wait3A_599 = arith.constant 0 : i32
      %dma_wait3A_600 = tpu.memref_slice %arg3[%dma_wait3A_592, %dma_wait3A_598, %dma_wait3A_599] : memref<32x250x40xi32, #tpu.memory_space<hbm>> -> memref<1x250x40xi32, #tpu.memory_space<hbm>>
      %dma_wait3A_601 = tpu.memref_squeeze %dma_wait3A_600 : memref<1x250x40xi32, #tpu.memory_space<hbm>> -> memref<250x40xi32, #tpu.memory_space<hbm>>
      %dma_wait3A_602 = arith.constant 0 : i32
      %dma_wait3A_603 = tpu.memref_slice %dma_wait3A_601[%dma_wait3A_593, %dma_wait3A_602] : memref<250x40xi32, #tpu.memory_space<hbm>> -> memref<1x40xi32, #tpu.memory_space<hbm>>
      %dma_wait3A_604 = tpu.memref_squeeze %dma_wait3A_603 : memref<1x40xi32, #tpu.memory_space<hbm>> -> memref<40xi32, #tpu.memory_space<hbm>>
      %dma_wait3A_605 = arith.constant 0 : i32
      %dma_wait3A_606 = tpu.memref_slice %arg8[%dma_wait3A_594, %dma_wait3A_605] : memref<5x40xi32, #tpu.memory_space<vmem>> -> memref<1x40xi32, #tpu.memory_space<vmem>>
      %dma_wait3A_607 = tpu.memref_squeeze %dma_wait3A_606 : memref<1x40xi32, #tpu.memory_space<vmem>> -> memref<40xi32, #tpu.memory_space<vmem>>
      %dma_wait3A_608 = arith.constant 0 : i32
      %dma_wait3A_609 = arith.constant 0 : i32
      %dma_wait3A_610 = tpu.memref_slice %arg3[%dma_wait3A_592, %dma_wait3A_608, %dma_wait3A_609] : memref<32x250x40xi32, #tpu.memory_space<hbm>> -> memref<1x250x40xi32, #tpu.memory_space<hbm>>
      %dma_wait3A_611 = tpu.memref_squeeze %dma_wait3A_610 : memref<1x250x40xi32, #tpu.memory_space<hbm>> -> memref<250x40xi32, #tpu.memory_space<hbm>>
      %dma_wait3A_612 = arith.constant 0 : i32
      %dma_wait3A_613 = tpu.memref_slice %dma_wait3A_611[%dma_wait3A_593, %dma_wait3A_612] : memref<250x40xi32, #tpu.memory_space<hbm>> -> memref<1x40xi32, #tpu.memory_space<hbm>>
      %dma_wait3A_614 = tpu.memref_squeeze %dma_wait3A_613 : memref<1x40xi32, #tpu.memory_space<hbm>> -> memref<40xi32, #tpu.memory_space<hbm>>
      tpu.wait_dma2 semaphore(%arg27 : memref<!tpu.dma_semaphore, #tpu.memory_space<semaphore_mem>>) src(%dma_wait3A_614 : memref<40xi32, #tpu.memory_space<hbm>>) dst(%dma_wait3A_607 : memref<40xi32, #tpu.memory_space<vmem>>)
      %dma_start3A_615 = arith.constant 4 : i32
      %dma_start3A_616 = arith.constant 4 : i32
      %dma_start3A_617 = arith.constant 0 : i32
      %dma_start3A_618 = arith.constant 0 : i32
      %dma_start3A_619 = tpu.memref_slice %arg11[%dma_start3A_616, %dma_start3A_617, %dma_start3A_618] : memref<5x40x128xf32, #tpu.memory_space<vmem>> -> memref<1x40x128xf32, #tpu.memory_space<vmem>>
      %dma_start3A_620 = tpu.memref_squeeze %dma_start3A_619 : memref<1x40x128xf32, #tpu.memory_space<vmem>> -> memref<40x128xf32, #tpu.memory_space<vmem>>
      %dma_start3A_621 = arith.constant 0 : i32
      %dma_start3A_622 = tpu.memref_slice %arg8[%dma_start3A_615, %dma_start3A_621] : memref<5x40xi32, #tpu.memory_space<vmem>> -> memref<1x40xi32, #tpu.memory_space<vmem>>
      %dma_start3A_623 = tpu.memref_squeeze %dma_start3A_622 : memref<1x40xi32, #tpu.memory_space<vmem>> -> memref<40xi32, #tpu.memory_space<vmem>>
      %dma_start3A_624 = arith.constant 0 : i32
      %dma_start3A_625 = arith.constant 0 : i32
      %dma_start3A_626 = tpu.memref_slice %arg2[%dma_start3A_624, %dma_start3A_625] : memref<10000x128xf32, #tpu.memory_space<hbm>> -> memref<10000x128xf32, #tpu.memory_space<hbm>>
      tpu.enqueue_indirect_dma source(%dma_start3A_626 : memref<10000x128xf32, #tpu.memory_space<hbm>>) target(%dma_start3A_620 : memref<40x128xf32, #tpu.memory_space<vmem>>) offsets(%dma_start3A_623 : memref<40xi32, #tpu.memory_space<vmem>>) semaphore(%arg17 : memref<!tpu.dma_semaphore, #tpu.memory_space<semaphore_mem>>)
      %dma_wait3A_627 = arith.constant 0 : i32
      %dma_wait3A_628 = arith.constant 0 : i32
      %dma_wait3A_629 = arith.constant 0 : i32
      %dma_wait3A_630 = arith.constant 0 : i32
      %dma_wait3A_631 = tpu.memref_slice %arg11[%dma_wait3A_628, %dma_wait3A_629, %dma_wait3A_630] : memref<5x40x128xf32, #tpu.memory_space<vmem>> -> memref<1x40x128xf32, #tpu.memory_space<vmem>>
      %dma_wait3A_632 = tpu.memref_squeeze %dma_wait3A_631 : memref<1x40x128xf32, #tpu.memory_space<vmem>> -> memref<40x128xf32, #tpu.memory_space<vmem>>
      %dma_wait3A_633 = arith.constant 0 : i32
      %dma_wait3A_634 = tpu.memref_slice %arg8[%dma_wait3A_627, %dma_wait3A_633] : memref<5x40xi32, #tpu.memory_space<vmem>> -> memref<1x40xi32, #tpu.memory_space<vmem>>
      %dma_wait3A_635 = tpu.memref_squeeze %dma_wait3A_634 : memref<1x40xi32, #tpu.memory_space<vmem>> -> memref<40xi32, #tpu.memory_space<vmem>>
      %dma_wait3A_636 = arith.constant 0 : i32
      %dma_wait3A_637 = arith.constant 0 : i32
      %dma_wait3A_638 = tpu.memref_slice %arg2[%dma_wait3A_636, %dma_wait3A_637] : memref<10000x128xf32, #tpu.memory_space<hbm>> -> memref<10000x128xf32, #tpu.memory_space<hbm>>
      tpu.wait_indirect_dma semaphore(%arg13 : memref<!tpu.dma_semaphore, #tpu.memory_space<semaphore_mem>>) src(%dma_wait3A_638 : memref<10000x128xf32, #tpu.memory_space<hbm>>) dst(%dma_wait3A_632 : memref<40x128xf32, #tpu.memory_space<vmem>>)
      %add3A_639 = arith.constant 0 : i32
      %add3A_640 = arith.addi %add3A_312, %add3A_639 : i32
      %add3A_641 = arith.constant 5 : i32
      %add3A_642 = arith.addi %add3A_640, %add3A_641 : i32
      %lt3A = arith.constant 250 : i32
      %lt3A_643 = arith.cmpi slt, %add3A_642, %lt3A : i32
      %convert_element_type3A_644 = arith.extui %lt3A_643 : i1 to i32
      %cond3A_645 = arith.constant 0 : i32
      %cond3A_646 = arith.cmpi ne, %convert_element_type3A_644, %cond3A_645 : i32
      scf.if %cond3A_646 {
        %add3A_1085 = arith.constant 0 : i32
        %add3A_1086 = arith.addi %add3A_312, %add3A_1085 : i32
        %add3A_1087 = arith.constant 5 : i32
        %add3A_1088 = arith.addi %add3A_1086, %add3A_1087 : i32
        %dma_start3A_1089 = arith.constant 0 : i32
        %dma_start3A_1090 = arith.constant 0 : i32
        %dma_start3A_1091 = tpu.memref_slice %arg8[%dma_start3A_1089, %dma_start3A_1090] : memref<5x40xi32, #tpu.memory_space<vmem>> -> memref<1x40xi32, #tpu.memory_space<vmem>>
        %dma_start3A_1092 = tpu.memref_squeeze %dma_start3A_1091 : memref<1x40xi32, #tpu.memory_space<vmem>> -> memref<40xi32, #tpu.memory_space<vmem>>
        %dma_start3A_1093 = arith.constant 0 : i32
        %dma_start3A_1094 = arith.constant 0 : i32
        %dma_start3A_1095 = tpu.memref_slice %arg3[%add3A, %dma_start3A_1093, %dma_start3A_1094] : memref<32x250x40xi32, #tpu.memory_space<hbm>> -> memref<1x250x40xi32, #tpu.memory_space<hbm>>
        %dma_start3A_1096 = tpu.memref_squeeze %dma_start3A_1095 : memref<1x250x40xi32, #tpu.memory_space<hbm>> -> memref<250x40xi32, #tpu.memory_space<hbm>>
        %dma_start3A_1097 = arith.constant 0 : i32
        %dma_start3A_1098 = tpu.memref_slice %dma_start3A_1096[%add3A_1088, %dma_start3A_1097] : memref<250x40xi32, #tpu.memory_space<hbm>> -> memref<1x40xi32, #tpu.memory_space<hbm>>
        %dma_start3A_1099 = tpu.memref_squeeze %dma_start3A_1098 : memref<1x40xi32, #tpu.memory_space<hbm>> -> memref<40xi32, #tpu.memory_space<hbm>>
        %dma_start3A_1100 = arith.constant 0 : i32
        %dma_start3A_1101 = tpu.memref_slice %arg8[%dma_start3A_1089, %dma_start3A_1100] : memref<5x40xi32, #tpu.memory_space<vmem>> -> memref<1x40xi32, #tpu.memory_space<vmem>>
        %dma_start3A_1102 = tpu.memref_squeeze %dma_start3A_1101 : memref<1x40xi32, #tpu.memory_space<vmem>> -> memref<40xi32, #tpu.memory_space<vmem>>
        %dma_start3A_1103 = arith.constant 0 : i32
        %dma_start3A_1104 = arith.constant 0 : i32
        %dma_start3A_1105 = tpu.memref_slice %arg3[%add3A, %dma_start3A_1103, %dma_start3A_1104] : memref<32x250x40xi32, #tpu.memory_space<hbm>> -> memref<1x250x40xi32, #tpu.memory_space<hbm>>
        %dma_start3A_1106 = tpu.memref_squeeze %dma_start3A_1105 : memref<1x250x40xi32, #tpu.memory_space<hbm>> -> memref<250x40xi32, #tpu.memory_space<hbm>>
        %dma_start3A_1107 = arith.constant 0 : i32
        %dma_start3A_1108 = tpu.memref_slice %dma_start3A_1106[%add3A_1088, %dma_start3A_1107] : memref<250x40xi32, #tpu.memory_space<hbm>> -> memref<1x40xi32, #tpu.memory_space<hbm>>
        %dma_start3A_1109 = tpu.memref_squeeze %dma_start3A_1108 : memref<1x40xi32, #tpu.memory_space<hbm>> -> memref<40xi32, #tpu.memory_space<hbm>>
        tpu.enqueue_dma source(%dma_start3A_1109 : memref<40xi32, #tpu.memory_space<hbm>>) target(%dma_start3A_1102 : memref<40xi32, #tpu.memory_space<vmem>>) target_semaphore(%arg23 : memref<!tpu.dma_semaphore, #tpu.memory_space<semaphore_mem>>)
      } else {
      }
      %dma_wait3A_647 = arith.constant 0 : i32
      %dma_wait3A_648 = arith.constant 0 : i32
      %dma_wait3A_649 = arith.constant 0 : i32
      %dma_wait3A_650 = arith.constant 0 : i32
      %dma_wait3A_651 = tpu.memref_slice %arg10[%dma_wait3A_649, %dma_wait3A_650] : memref<5x40xf32, #tpu.memory_space<vmem>> -> memref<1x40xf32, #tpu.memory_space<vmem>>
      %dma_wait3A_652 = tpu.memref_squeeze %dma_wait3A_651 : memref<1x40xf32, #tpu.memory_space<vmem>> -> memref<40xf32, #tpu.memory_space<vmem>>
      %dma_wait3A_653 = arith.constant 0 : i32
      %dma_wait3A_654 = arith.constant 0 : i32
      %dma_wait3A_655 = tpu.memref_slice %arg5[%dma_wait3A_647, %dma_wait3A_653, %dma_wait3A_654] : memref<32x250x40xf32, #tpu.memory_space<hbm>> -> memref<1x250x40xf32, #tpu.memory_space<hbm>>
      %dma_wait3A_656 = tpu.memref_squeeze %dma_wait3A_655 : memref<1x250x40xf32, #tpu.memory_space<hbm>> -> memref<250x40xf32, #tpu.memory_space<hbm>>
      %dma_wait3A_657 = arith.constant 0 : i32
      %dma_wait3A_658 = tpu.memref_slice %dma_wait3A_656[%dma_wait3A_648, %dma_wait3A_657] : memref<250x40xf32, #tpu.memory_space<hbm>> -> memref<1x40xf32, #tpu.memory_space<hbm>>
      %dma_wait3A_659 = tpu.memref_squeeze %dma_wait3A_658 : memref<1x40xf32, #tpu.memory_space<hbm>> -> memref<40xf32, #tpu.memory_space<hbm>>
      %dma_wait3A_660 = arith.constant 0 : i32
      %dma_wait3A_661 = tpu.memref_slice %arg10[%dma_wait3A_649, %dma_wait3A_660] : memref<5x40xf32, #tpu.memory_space<vmem>> -> memref<1x40xf32, #tpu.memory_space<vmem>>
      %dma_wait3A_662 = tpu.memref_squeeze %dma_wait3A_661 : memref<1x40xf32, #tpu.memory_space<vmem>> -> memref<40xf32, #tpu.memory_space<vmem>>
      %dma_wait3A_663 = arith.constant 0 : i32
      %dma_wait3A_664 = arith.constant 0 : i32
      %dma_wait3A_665 = tpu.memref_slice %arg5[%dma_wait3A_647, %dma_wait3A_663, %dma_wait3A_664] : memref<32x250x40xf32, #tpu.memory_space<hbm>> -> memref<1x250x40xf32, #tpu.memory_space<hbm>>
      %dma_wait3A_666 = tpu.memref_squeeze %dma_wait3A_665 : memref<1x250x40xf32, #tpu.memory_space<hbm>> -> memref<250x40xf32, #tpu.memory_space<hbm>>
      %dma_wait3A_667 = arith.constant 0 : i32
      %dma_wait3A_668 = tpu.memref_slice %dma_wait3A_666[%dma_wait3A_648, %dma_wait3A_667] : memref<250x40xf32, #tpu.memory_space<hbm>> -> memref<1x40xf32, #tpu.memory_space<hbm>>
      %dma_wait3A_669 = tpu.memref_squeeze %dma_wait3A_668 : memref<1x40xf32, #tpu.memory_space<hbm>> -> memref<40xf32, #tpu.memory_space<hbm>>
      tpu.wait_dma2 semaphore(%arg33 : memref<!tpu.dma_semaphore, #tpu.memory_space<semaphore_mem>>) src(%dma_wait3A_669 : memref<40xf32, #tpu.memory_space<hbm>>) dst(%dma_wait3A_662 : memref<40xf32, #tpu.memory_space<vmem>>)
      %parallel_loop3A = arith.constant 0 : i32
      %parallel_loop3A_670 = arith.constant 40 : i32
      %parallel_loop3A_671 = arith.constant 1 : i32
      %parallel_loop3A_672 = arith.constant 0 : i32
      scf.for %parallel_loop3A_1085 = %parallel_loop3A to %parallel_loop3A_670 step %parallel_loop3A_671  : i32 {
        %parallel_loop3A_1086 = arith.constant 0 : i32
        %parallel_loop3A_1087 = vector.broadcast %parallel_loop3A_1086 : i32 to vector<16xi32>
        %parallel_loop3A_1088 = arith.constant 0 : i32
        %parallel_loop3A_1089 = vector.broadcast %parallel_loop3A_1088 : i32 to vector<16xi32>
        %parallel_loop3A_1090 = vector.broadcast %parallel_loop3A_1085 : i32 to vector<16xi32>
        %parallel_loop3A_1091 = arith.addi %parallel_loop3A_1089, %parallel_loop3A_1090 : vector<16xi32>
        %parallel_loop3A_1092 = tpu.vector_load_idx %arg10[%parallel_loop3A_1087, %parallel_loop3A_1091] : memref<5x40xf32, #tpu.memory_space<vmem>>[vector<16xi32>, vector<16xi32>], vector<16xf32>,
        %parallel_loop3A_1093 = arith.constant 0 : i32
        %parallel_loop3A_1094 = arith.constant 0 : i32
        %parallel_loop3A_1095 = tpu.memref_slice %arg11[%parallel_loop3A_672, %parallel_loop3A_1093, %parallel_loop3A_1094] : memref<5x40x128xf32, #tpu.memory_space<vmem>> -> memref<1x40x128xf32, #tpu.memory_space<vmem>>
        %parallel_loop3A_1096 = tpu.memref_squeeze %parallel_loop3A_1095 : memref<1x40x128xf32, #tpu.memory_space<vmem>> -> memref<40x128xf32, #tpu.memory_space<vmem>>
        %parallel_loop3A_1097 = arith.index_cast %parallel_loop3A_1085 : i32 to index
        %parallel_loop3A_1098 = arith.constant 0 : index
        %parallel_loop3A_1099 = tpu.vector_load %parallel_loop3A_1096[%parallel_loop3A_1097, %parallel_loop3A_1098] {strides = array<i32>} : memref<40x128xf32, #tpu.memory_space<vmem>>, vector<16xf32>,
        %parallel_loop3A_1100 = arith.mulf %parallel_loop3A_1099, %parallel_loop3A_1092 : vector<16xf32>
        %parallel_loop3A_1101 = arith.constant 0 : i32
        %parallel_loop3A_1102 = arith.constant 0 : i32
        %parallel_loop3A_1103 = tpu.memref_slice %arg11[%parallel_loop3A_672, %parallel_loop3A_1101, %parallel_loop3A_1102] : memref<5x40x128xf32, #tpu.memory_space<vmem>> -> memref<1x40x128xf32, #tpu.memory_space<vmem>>
        %parallel_loop3A_1104 = tpu.memref_squeeze %parallel_loop3A_1103 : memref<1x40x128xf32, #tpu.memory_space<vmem>> -> memref<40x128xf32, #tpu.memory_space<vmem>>
        %parallel_loop3A_1105 = arith.index_cast %parallel_loop3A_1085 : i32 to index
        %parallel_loop3A_1106 = arith.constant 0 : index
        %parallel_loop3A_1107 = tpu.vector_load %parallel_loop3A_1104[%parallel_loop3A_1105, %parallel_loop3A_1106] {strides = array<i32>} : memref<40x128xf32, #tpu.memory_space<vmem>>, vector<16xf32>,
        tpu.vector_store %parallel_loop3A_1104[%parallel_loop3A_1105, %parallel_loop3A_1106], %parallel_loop3A_1100 {strides = array<i32>} : memref<40x128xf32, #tpu.memory_space<vmem>>, vector<16xf32>,
        %parallel_loop3A_1108 = arith.constant 0 : i32
        %parallel_loop3A_1109 = arith.constant 0 : i32
        %parallel_loop3A_1110 = tpu.memref_slice %arg11[%parallel_loop3A_672, %parallel_loop3A_1108, %parallel_loop3A_1109] : memref<5x40x128xf32, #tpu.memory_space<vmem>> -> memref<1x40x128xf32, #tpu.memory_space<vmem>>
        %parallel_loop3A_1111 = tpu.memref_squeeze %parallel_loop3A_1110 : memref<1x40x128xf32, #tpu.memory_space<vmem>> -> memref<40x128xf32, #tpu.memory_space<vmem>>
        %parallel_loop3A_1112 = arith.index_cast %parallel_loop3A_1085 : i32 to index
        %parallel_loop3A_1113 = arith.constant 16 : index
        %parallel_loop3A_1114 = tpu.vector_load %parallel_loop3A_1111[%parallel_loop3A_1112, %parallel_loop3A_1113] {strides = array<i32>} : memref<40x128xf32, #tpu.memory_space<vmem>>, vector<16xf32>,
        %parallel_loop3A_1115 = arith.mulf %parallel_loop3A_1114, %parallel_loop3A_1092 : vector<16xf32>
        %parallel_loop3A_1116 = arith.constant 0 : i32
        %parallel_loop3A_1117 = arith.constant 0 : i32
        %parallel_loop3A_1118 = tpu.memref_slice %arg11[%parallel_loop3A_672, %parallel_loop3A_1116, %parallel_loop3A_1117] : memref<5x40x128xf32, #tpu.memory_space<vmem>> -> memref<1x40x128xf32, #tpu.memory_space<vmem>>
        %parallel_loop3A_1119 = tpu.memref_squeeze %parallel_loop3A_1118 : memref<1x40x128xf32, #tpu.memory_space<vmem>> -> memref<40x128xf32, #tpu.memory_space<vmem>>
        %parallel_loop3A_1120 = arith.index_cast %parallel_loop3A_1085 : i32 to index
        %parallel_loop3A_1121 = arith.constant 16 : index
        %parallel_loop3A_1122 = tpu.vector_load %parallel_loop3A_1119[%parallel_loop3A_1120, %parallel_loop3A_1121] {strides = array<i32>} : memref<40x128xf32, #tpu.memory_space<vmem>>, vector<16xf32>,
        tpu.vector_store %parallel_loop3A_1119[%parallel_loop3A_1120, %parallel_loop3A_1121], %parallel_loop3A_1115 {strides = array<i32>} : memref<40x128xf32, #tpu.memory_space<vmem>>, vector<16xf32>,
        %parallel_loop3A_1123 = arith.constant 0 : i32
        %parallel_loop3A_1124 = arith.constant 0 : i32
        %parallel_loop3A_1125 = tpu.memref_slice %arg11[%parallel_loop3A_672, %parallel_loop3A_1123, %parallel_loop3A_1124] : memref<5x40x128xf32, #tpu.memory_space<vmem>> -> memref<1x40x128xf32, #tpu.memory_space<vmem>>
        %parallel_loop3A_1126 = tpu.memref_squeeze %parallel_loop3A_1125 : memref<1x40x128xf32, #tpu.memory_space<vmem>> -> memref<40x128xf32, #tpu.memory_space<vmem>>
        %parallel_loop3A_1127 = arith.index_cast %parallel_loop3A_1085 : i32 to index
        %parallel_loop3A_1128 = arith.constant 32 : index
        %parallel_loop3A_1129 = tpu.vector_load %parallel_loop3A_1126[%parallel_loop3A_1127, %parallel_loop3A_1128] {strides = array<i32>} : memref<40x128xf32, #tpu.memory_space<vmem>>, vector<16xf32>,
        %parallel_loop3A_1130 = arith.mulf %parallel_loop3A_1129, %parallel_loop3A_1092 : vector<16xf32>
        %parallel_loop3A_1131 = arith.constant 0 : i32
        %parallel_loop3A_1132 = arith.constant 0 : i32
        %parallel_loop3A_1133 = tpu.memref_slice %arg11[%parallel_loop3A_672, %parallel_loop3A_1131, %parallel_loop3A_1132] : memref<5x40x128xf32, #tpu.memory_space<vmem>> -> memref<1x40x128xf32, #tpu.memory_space<vmem>>
        %parallel_loop3A_1134 = tpu.memref_squeeze %parallel_loop3A_1133 : memref<1x40x128xf32, #tpu.memory_space<vmem>> -> memref<40x128xf32, #tpu.memory_space<vmem>>
        %parallel_loop3A_1135 = arith.index_cast %parallel_loop3A_1085 : i32 to index
        %parallel_loop3A_1136 = arith.constant 32 : index
        %parallel_loop3A_1137 = tpu.vector_load %parallel_loop3A_1134[%parallel_loop3A_1135, %parallel_loop3A_1136] {strides = array<i32>} : memref<40x128xf32, #tpu.memory_space<vmem>>, vector<16xf32>,
        tpu.vector_store %parallel_loop3A_1134[%parallel_loop3A_1135, %parallel_loop3A_1136], %parallel_loop3A_1130 {strides = array<i32>} : memref<40x128xf32, #tpu.memory_space<vmem>>, vector<16xf32>,
        %parallel_loop3A_1138 = arith.constant 0 : i32
        %parallel_loop3A_1139 = arith.constant 0 : i32
        %parallel_loop3A_1140 = tpu.memref_slice %arg11[%parallel_loop3A_672, %parallel_loop3A_1138, %parallel_loop3A_1139] : memref<5x40x128xf32, #tpu.memory_space<vmem>> -> memref<1x40x128xf32, #tpu.memory_space<vmem>>
        %parallel_loop3A_1141 = tpu.memref_squeeze %parallel_loop3A_1140 : memref<1x40x128xf32, #tpu.memory_space<vmem>> -> memref<40x128xf32, #tpu.memory_space<vmem>>
        %parallel_loop3A_1142 = arith.index_cast %parallel_loop3A_1085 : i32 to index
        %parallel_loop3A_1143 = arith.constant 48 : index
        %parallel_loop3A_1144 = tpu.vector_load %parallel_loop3A_1141[%parallel_loop3A_1142, %parallel_loop3A_1143] {strides = array<i32>} : memref<40x128xf32, #tpu.memory_space<vmem>>, vector<16xf32>,
        %parallel_loop3A_1145 = arith.mulf %parallel_loop3A_1144, %parallel_loop3A_1092 : vector<16xf32>
        %parallel_loop3A_1146 = arith.constant 0 : i32
        %parallel_loop3A_1147 = arith.constant 0 : i32
        %parallel_loop3A_1148 = tpu.memref_slice %arg11[%parallel_loop3A_672, %parallel_loop3A_1146, %parallel_loop3A_1147] : memref<5x40x128xf32, #tpu.memory_space<vmem>> -> memref<1x40x128xf32, #tpu.memory_space<vmem>>
        %parallel_loop3A_1149 = tpu.memref_squeeze %parallel_loop3A_1148 : memref<1x40x128xf32, #tpu.memory_space<vmem>> -> memref<40x128xf32, #tpu.memory_space<vmem>>
        %parallel_loop3A_1150 = arith.index_cast %parallel_loop3A_1085 : i32 to index
        %parallel_loop3A_1151 = arith.constant 48 : index
        %parallel_loop3A_1152 = tpu.vector_load %parallel_loop3A_1149[%parallel_loop3A_1150, %parallel_loop3A_1151] {strides = array<i32>} : memref<40x128xf32, #tpu.memory_space<vmem>>, vector<16xf32>,
        tpu.vector_store %parallel_loop3A_1149[%parallel_loop3A_1150, %parallel_loop3A_1151], %parallel_loop3A_1145 {strides = array<i32>} : memref<40x128xf32, #tpu.memory_space<vmem>>, vector<16xf32>,
        %parallel_loop3A_1153 = arith.constant 0 : i32
        %parallel_loop3A_1154 = arith.constant 0 : i32
        %parallel_loop3A_1155 = tpu.memref_slice %arg11[%parallel_loop3A_672, %parallel_loop3A_1153, %parallel_loop3A_1154] : memref<5x40x128xf32, #tpu.memory_space<vmem>> -> memref<1x40x128xf32, #tpu.memory_space<vmem>>
        %parallel_loop3A_1156 = tpu.memref_squeeze %parallel_loop3A_1155 : memref<1x40x128xf32, #tpu.memory_space<vmem>> -> memref<40x128xf32, #tpu.memory_space<vmem>>
        %parallel_loop3A_1157 = arith.index_cast %parallel_loop3A_1085 : i32 to index
        %parallel_loop3A_1158 = arith.constant 64 : index
        %parallel_loop3A_1159 = tpu.vector_load %parallel_loop3A_1156[%parallel_loop3A_1157, %parallel_loop3A_1158] {strides = array<i32>} : memref<40x128xf32, #tpu.memory_space<vmem>>, vector<16xf32>,
        %parallel_loop3A_1160 = arith.mulf %parallel_loop3A_1159, %parallel_loop3A_1092 : vector<16xf32>
        %parallel_loop3A_1161 = arith.constant 0 : i32
        %parallel_loop3A_1162 = arith.constant 0 : i32
        %parallel_loop3A_1163 = tpu.memref_slice %arg11[%parallel_loop3A_672, %parallel_loop3A_1161, %parallel_loop3A_1162] : memref<5x40x128xf32, #tpu.memory_space<vmem>> -> memref<1x40x128xf32, #tpu.memory_space<vmem>>
        %parallel_loop3A_1164 = tpu.memref_squeeze %parallel_loop3A_1163 : memref<1x40x128xf32, #tpu.memory_space<vmem>> -> memref<40x128xf32, #tpu.memory_space<vmem>>
        %parallel_loop3A_1165 = arith.index_cast %parallel_loop3A_1085 : i32 to index
        %parallel_loop3A_1166 = arith.constant 64 : index
        %parallel_loop3A_1167 = tpu.vector_load %parallel_loop3A_1164[%parallel_loop3A_1165, %parallel_loop3A_1166] {strides = array<i32>} : memref<40x128xf32, #tpu.memory_space<vmem>>, vector<16xf32>,
        tpu.vector_store %parallel_loop3A_1164[%parallel_loop3A_1165, %parallel_loop3A_1166], %parallel_loop3A_1160 {strides = array<i32>} : memref<40x128xf32, #tpu.memory_space<vmem>>, vector<16xf32>,
        %parallel_loop3A_1168 = arith.constant 0 : i32
        %parallel_loop3A_1169 = arith.constant 0 : i32
        %parallel_loop3A_1170 = tpu.memref_slice %arg11[%parallel_loop3A_672, %parallel_loop3A_1168, %parallel_loop3A_1169] : memref<5x40x128xf32, #tpu.memory_space<vmem>> -> memref<1x40x128xf32, #tpu.memory_space<vmem>>
        %parallel_loop3A_1171 = tpu.memref_squeeze %parallel_loop3A_1170 : memref<1x40x128xf32, #tpu.memory_space<vmem>> -> memref<40x128xf32, #tpu.memory_space<vmem>>
        %parallel_loop3A_1172 = arith.index_cast %parallel_loop3A_1085 : i32 to index
        %parallel_loop3A_1173 = arith.constant 80 : index
        %parallel_loop3A_1174 = tpu.vector_load %parallel_loop3A_1171[%parallel_loop3A_1172, %parallel_loop3A_1173] {strides = array<i32>} : memref<40x128xf32, #tpu.memory_space<vmem>>, vector<16xf32>,
        %parallel_loop3A_1175 = arith.mulf %parallel_loop3A_1174, %parallel_loop3A_1092 : vector<16xf32>
        %parallel_loop3A_1176 = arith.constant 0 : i32
        %parallel_loop3A_1177 = arith.constant 0 : i32
        %parallel_loop3A_1178 = tpu.memref_slice %arg11[%parallel_loop3A_672, %parallel_loop3A_1176, %parallel_loop3A_1177] : memref<5x40x128xf32, #tpu.memory_space<vmem>> -> memref<1x40x128xf32, #tpu.memory_space<vmem>>
        %parallel_loop3A_1179 = tpu.memref_squeeze %parallel_loop3A_1178 : memref<1x40x128xf32, #tpu.memory_space<vmem>> -> memref<40x128xf32, #tpu.memory_space<vmem>>
        %parallel_loop3A_1180 = arith.index_cast %parallel_loop3A_1085 : i32 to index
        %parallel_loop3A_1181 = arith.constant 80 : index
        %parallel_loop3A_1182 = tpu.vector_load %parallel_loop3A_1179[%parallel_loop3A_1180, %parallel_loop3A_1181] {strides = array<i32>} : memref<40x128xf32, #tpu.memory_space<vmem>>, vector<16xf32>,
        tpu.vector_store %parallel_loop3A_1179[%parallel_loop3A_1180, %parallel_loop3A_1181], %parallel_loop3A_1175 {strides = array<i32>} : memref<40x128xf32, #tpu.memory_space<vmem>>, vector<16xf32>,
        %parallel_loop3A_1183 = arith.constant 0 : i32
        %parallel_loop3A_1184 = arith.constant 0 : i32
        %parallel_loop3A_1185 = tpu.memref_slice %arg11[%parallel_loop3A_672, %parallel_loop3A_1183, %parallel_loop3A_1184] : memref<5x40x128xf32, #tpu.memory_space<vmem>> -> memref<1x40x128xf32, #tpu.memory_space<vmem>>
        %parallel_loop3A_1186 = tpu.memref_squeeze %parallel_loop3A_1185 : memref<1x40x128xf32, #tpu.memory_space<vmem>> -> memref<40x128xf32, #tpu.memory_space<vmem>>
        %parallel_loop3A_1187 = arith.index_cast %parallel_loop3A_1085 : i32 to index
        %parallel_loop3A_1188 = arith.constant 96 : index
        %parallel_loop3A_1189 = tpu.vector_load %parallel_loop3A_1186[%parallel_loop3A_1187, %parallel_loop3A_1188] {strides = array<i32>} : memref<40x128xf32, #tpu.memory_space<vmem>>, vector<16xf32>,
        %parallel_loop3A_1190 = arith.mulf %parallel_loop3A_1189, %parallel_loop3A_1092 : vector<16xf32>
        %parallel_loop3A_1191 = arith.constant 0 : i32
        %parallel_loop3A_1192 = arith.constant 0 : i32
        %parallel_loop3A_1193 = tpu.memref_slice %arg11[%parallel_loop3A_672, %parallel_loop3A_1191, %parallel_loop3A_1192] : memref<5x40x128xf32, #tpu.memory_space<vmem>> -> memref<1x40x128xf32, #tpu.memory_space<vmem>>
        %parallel_loop3A_1194 = tpu.memref_squeeze %parallel_loop3A_1193 : memref<1x40x128xf32, #tpu.memory_space<vmem>> -> memref<40x128xf32, #tpu.memory_space<vmem>>
        %parallel_loop3A_1195 = arith.index_cast %parallel_loop3A_1085 : i32 to index
        %parallel_loop3A_1196 = arith.constant 96 : index
        %parallel_loop3A_1197 = tpu.vector_load %parallel_loop3A_1194[%parallel_loop3A_1195, %parallel_loop3A_1196] {strides = array<i32>} : memref<40x128xf32, #tpu.memory_space<vmem>>, vector<16xf32>,
        tpu.vector_store %parallel_loop3A_1194[%parallel_loop3A_1195, %parallel_loop3A_1196], %parallel_loop3A_1190 {strides = array<i32>} : memref<40x128xf32, #tpu.memory_space<vmem>>, vector<16xf32>,
        %parallel_loop3A_1198 = arith.constant 0 : i32
        %parallel_loop3A_1199 = arith.constant 0 : i32
        %parallel_loop3A_1200 = tpu.memref_slice %arg11[%parallel_loop3A_672, %parallel_loop3A_1198, %parallel_loop3A_1199] : memref<5x40x128xf32, #tpu.memory_space<vmem>> -> memref<1x40x128xf32, #tpu.memory_space<vmem>>
        %parallel_loop3A_1201 = tpu.memref_squeeze %parallel_loop3A_1200 : memref<1x40x128xf32, #tpu.memory_space<vmem>> -> memref<40x128xf32, #tpu.memory_space<vmem>>
        %parallel_loop3A_1202 = arith.index_cast %parallel_loop3A_1085 : i32 to index
        %parallel_loop3A_1203 = arith.constant 112 : index
        %parallel_loop3A_1204 = tpu.vector_load %parallel_loop3A_1201[%parallel_loop3A_1202, %parallel_loop3A_1203] {strides = array<i32>} : memref<40x128xf32, #tpu.memory_space<vmem>>, vector<16xf32>,
        %parallel_loop3A_1205 = arith.mulf %parallel_loop3A_1204, %parallel_loop3A_1092 : vector<16xf32>
        %parallel_loop3A_1206 = arith.constant 0 : i32
        %parallel_loop3A_1207 = arith.constant 0 : i32
        %parallel_loop3A_1208 = tpu.memref_slice %arg11[%parallel_loop3A_672, %parallel_loop3A_1206, %parallel_loop3A_1207] : memref<5x40x128xf32, #tpu.memory_space<vmem>> -> memref<1x40x128xf32, #tpu.memory_space<vmem>>
        %parallel_loop3A_1209 = tpu.memref_squeeze %parallel_loop3A_1208 : memref<1x40x128xf32, #tpu.memory_space<vmem>> -> memref<40x128xf32, #tpu.memory_space<vmem>>
        %parallel_loop3A_1210 = arith.index_cast %parallel_loop3A_1085 : i32 to index
        %parallel_loop3A_1211 = arith.constant 112 : index
        %parallel_loop3A_1212 = tpu.vector_load %parallel_loop3A_1209[%parallel_loop3A_1210, %parallel_loop3A_1211] {strides = array<i32>} : memref<40x128xf32, #tpu.memory_space<vmem>>, vector<16xf32>,
        tpu.vector_store %parallel_loop3A_1209[%parallel_loop3A_1210, %parallel_loop3A_1211], %parallel_loop3A_1205 {strides = array<i32>} : memref<40x128xf32, #tpu.memory_space<vmem>>, vector<16xf32>,
      } {sc.loop_unroll_factor = 8 : i64, sc.parallel_access}
      %add3A_673 = arith.constant 0 : i32
      %add3A_674 = arith.addi %add3A_312, %add3A_673 : i32
      %add3A_675 = arith.constant 5 : i32
      %add3A_676 = arith.addi %add3A_674, %add3A_675 : i32
      %lt3A_677 = arith.constant 250 : i32
      %lt3A_678 = arith.cmpi slt, %add3A_676, %lt3A_677 : i32
      %convert_element_type3A_679 = arith.extui %lt3A_678 : i1 to i32
      %cond3A_680 = arith.constant 0 : i32
      %cond3A_681 = arith.cmpi ne, %convert_element_type3A_679, %cond3A_680 : i32
      scf.if %cond3A_681 {
        %add3A_1085 = arith.constant 0 : i32
        %add3A_1086 = arith.addi %add3A_312, %add3A_1085 : i32
        %add3A_1087 = arith.constant 5 : i32
        %add3A_1088 = arith.addi %add3A_1086, %add3A_1087 : i32
        %dma_start3A_1089 = arith.constant 0 : i32
        %dma_start3A_1090 = arith.constant 0 : i32
        %dma_start3A_1091 = tpu.memref_slice %arg10[%dma_start3A_1089, %dma_start3A_1090] : memref<5x40xf32, #tpu.memory_space<vmem>> -> memref<1x40xf32, #tpu.memory_space<vmem>>
        %dma_start3A_1092 = tpu.memref_squeeze %dma_start3A_1091 : memref<1x40xf32, #tpu.memory_space<vmem>> -> memref<40xf32, #tpu.memory_space<vmem>>
        %dma_start3A_1093 = arith.constant 0 : i32
        %dma_start3A_1094 = arith.constant 0 : i32
        %dma_start3A_1095 = tpu.memref_slice %arg5[%add3A, %dma_start3A_1093, %dma_start3A_1094] : memref<32x250x40xf32, #tpu.memory_space<hbm>> -> memref<1x250x40xf32, #tpu.memory_space<hbm>>
        %dma_start3A_1096 = tpu.memref_squeeze %dma_start3A_1095 : memref<1x250x40xf32, #tpu.memory_space<hbm>> -> memref<250x40xf32, #tpu.memory_space<hbm>>
        %dma_start3A_1097 = arith.constant 0 : i32
        %dma_start3A_1098 = tpu.memref_slice %dma_start3A_1096[%add3A_1088, %dma_start3A_1097] : memref<250x40xf32, #tpu.memory_space<hbm>> -> memref<1x40xf32, #tpu.memory_space<hbm>>
        %dma_start3A_1099 = tpu.memref_squeeze %dma_start3A_1098 : memref<1x40xf32, #tpu.memory_space<hbm>> -> memref<40xf32, #tpu.memory_space<hbm>>
        %dma_start3A_1100 = arith.constant 0 : i32
        %dma_start3A_1101 = tpu.memref_slice %arg10[%dma_start3A_1089, %dma_start3A_1100] : memref<5x40xf32, #tpu.memory_space<vmem>> -> memref<1x40xf32, #tpu.memory_space<vmem>>
        %dma_start3A_1102 = tpu.memref_squeeze %dma_start3A_1101 : memref<1x40xf32, #tpu.memory_space<vmem>> -> memref<40xf32, #tpu.memory_space<vmem>>
        %dma_start3A_1103 = arith.constant 0 : i32
        %dma_start3A_1104 = arith.constant 0 : i32
        %dma_start3A_1105 = tpu.memref_slice %arg5[%add3A, %dma_start3A_1103, %dma_start3A_1104] : memref<32x250x40xf32, #tpu.memory_space<hbm>> -> memref<1x250x40xf32, #tpu.memory_space<hbm>>
        %dma_start3A_1106 = tpu.memref_squeeze %dma_start3A_1105 : memref<1x250x40xf32, #tpu.memory_space<hbm>> -> memref<250x40xf32, #tpu.memory_space<hbm>>
        %dma_start3A_1107 = arith.constant 0 : i32
        %dma_start3A_1108 = tpu.memref_slice %dma_start3A_1106[%add3A_1088, %dma_start3A_1107] : memref<250x40xf32, #tpu.memory_space<hbm>> -> memref<1x40xf32, #tpu.memory_space<hbm>>
        %dma_start3A_1109 = tpu.memref_squeeze %dma_start3A_1108 : memref<1x40xf32, #tpu.memory_space<hbm>> -> memref<40xf32, #tpu.memory_space<hbm>>
        tpu.enqueue_dma source(%dma_start3A_1109 : memref<40xf32, #tpu.memory_space<hbm>>) target(%dma_start3A_1102 : memref<40xf32, #tpu.memory_space<vmem>>) target_semaphore(%arg33 : memref<!tpu.dma_semaphore, #tpu.memory_space<semaphore_mem>>)
      } else {
      }
      %dma_wait3A_682 = arith.constant 0 : i32
      %dma_wait3A_683 = arith.constant 0 : i32
      %dma_wait3A_684 = arith.constant 0 : i32
      %dma_wait3A_685 = arith.constant 0 : i32
      %dma_wait3A_686 = tpu.memref_slice %arg9[%dma_wait3A_684, %dma_wait3A_685] : memref<5x40xi32, #tpu.memory_space<vmem>> -> memref<1x40xi32, #tpu.memory_space<vmem>>
      %dma_wait3A_687 = tpu.memref_squeeze %dma_wait3A_686 : memref<1x40xi32, #tpu.memory_space<vmem>> -> memref<40xi32, #tpu.memory_space<vmem>>
      %dma_wait3A_688 = arith.constant 0 : i32
      %dma_wait3A_689 = arith.constant 0 : i32
      %dma_wait3A_690 = tpu.memref_slice %arg4[%dma_wait3A_682, %dma_wait3A_688, %dma_wait3A_689] : memref<32x250x40xi32, #tpu.memory_space<hbm>> -> memref<1x250x40xi32, #tpu.memory_space<hbm>>
      %dma_wait3A_691 = tpu.memref_squeeze %dma_wait3A_690 : memref<1x250x40xi32, #tpu.memory_space<hbm>> -> memref<250x40xi32, #tpu.memory_space<hbm>>
      %dma_wait3A_692 = arith.constant 0 : i32
      %dma_wait3A_693 = tpu.memref_slice %dma_wait3A_691[%dma_wait3A_683, %dma_wait3A_692] : memref<250x40xi32, #tpu.memory_space<hbm>> -> memref<1x40xi32, #tpu.memory_space<hbm>>
      %dma_wait3A_694 = tpu.memref_squeeze %dma_wait3A_693 : memref<1x40xi32, #tpu.memory_space<hbm>> -> memref<40xi32, #tpu.memory_space<hbm>>
      %dma_wait3A_695 = arith.constant 0 : i32
      %dma_wait3A_696 = tpu.memref_slice %arg9[%dma_wait3A_684, %dma_wait3A_695] : memref<5x40xi32, #tpu.memory_space<vmem>> -> memref<1x40xi32, #tpu.memory_space<vmem>>
      %dma_wait3A_697 = tpu.memref_squeeze %dma_wait3A_696 : memref<1x40xi32, #tpu.memory_space<vmem>> -> memref<40xi32, #tpu.memory_space<vmem>>
      %dma_wait3A_698 = arith.constant 0 : i32
      %dma_wait3A_699 = arith.constant 0 : i32
      %dma_wait3A_700 = tpu.memref_slice %arg4[%dma_wait3A_682, %dma_wait3A_698, %dma_wait3A_699] : memref<32x250x40xi32, #tpu.memory_space<hbm>> -> memref<1x250x40xi32, #tpu.memory_space<hbm>>
      %dma_wait3A_701 = tpu.memref_squeeze %dma_wait3A_700 : memref<1x250x40xi32, #tpu.memory_space<hbm>> -> memref<250x40xi32, #tpu.memory_space<hbm>>
      %dma_wait3A_702 = arith.constant 0 : i32
      %dma_wait3A_703 = tpu.memref_slice %dma_wait3A_701[%dma_wait3A_683, %dma_wait3A_702] : memref<250x40xi32, #tpu.memory_space<hbm>> -> memref<1x40xi32, #tpu.memory_space<hbm>>
      %dma_wait3A_704 = tpu.memref_squeeze %dma_wait3A_703 : memref<1x40xi32, #tpu.memory_space<hbm>> -> memref<40xi32, #tpu.memory_space<hbm>>
      tpu.wait_dma2 semaphore(%arg28 : memref<!tpu.dma_semaphore, #tpu.memory_space<semaphore_mem>>) src(%dma_wait3A_704 : memref<40xi32, #tpu.memory_space<hbm>>) dst(%dma_wait3A_697 : memref<40xi32, #tpu.memory_space<vmem>>)
      %dma_start3A_705 = arith.constant 0 : i32
      %dma_start3A_706 = arith.constant 0 : i32
      %dma_start3A_707 = arith.constant 0 : i32
      %dma_start3A_708 = arith.constant 0 : i32
      %dma_start3A_709 = tpu.memref_slice %arg11[%dma_start3A_705, %dma_start3A_707, %dma_start3A_708] : memref<5x40x128xf32, #tpu.memory_space<vmem>> -> memref<1x40x128xf32, #tpu.memory_space<vmem>>
      %dma_start3A_710 = tpu.memref_squeeze %dma_start3A_709 : memref<1x40x128xf32, #tpu.memory_space<vmem>> -> memref<40x128xf32, #tpu.memory_space<vmem>>
      %dma_start3A_711 = arith.constant 0 : i32
      %dma_start3A_712 = tpu.memref_slice %arg9[%dma_start3A_706, %dma_start3A_711] : memref<5x40xi32, #tpu.memory_space<vmem>> -> memref<1x40xi32, #tpu.memory_space<vmem>>
      %dma_start3A_713 = tpu.memref_squeeze %dma_start3A_712 : memref<1x40xi32, #tpu.memory_space<vmem>> -> memref<40xi32, #tpu.memory_space<vmem>>
      %dma_start3A_714 = arith.constant 0 : i32
      %dma_start3A_715 = arith.constant 0 : i32
      %dma_start3A_716 = tpu.memref_slice %arg12[%dma_start3A_714, %dma_start3A_715] : memref<10000x128xf32, #tpu.memory_space<vmem_shared>> -> memref<10000x128xf32, #tpu.memory_space<vmem_shared>>
      tpu.enqueue_indirect_dma source(%dma_start3A_710 : memref<40x128xf32, #tpu.memory_space<vmem>>) target(%dma_start3A_716 : memref<10000x128xf32, #tpu.memory_space<vmem_shared>>) offsets(%dma_start3A_713 : memref<40xi32, #tpu.memory_space<vmem>>) semaphore(%arg18 : memref<!tpu.dma_semaphore, #tpu.memory_space<semaphore_mem>>) {add = true}
      %dma_wait3A_717 = arith.constant 1 : i32
      %dma_wait3A_718 = arith.constant 1 : i32
      %dma_wait3A_719 = arith.constant 0 : i32
      %dma_wait3A_720 = arith.constant 0 : i32
      %dma_wait3A_721 = tpu.memref_slice %arg11[%dma_wait3A_718, %dma_wait3A_719, %dma_wait3A_720] : memref<5x40x128xf32, #tpu.memory_space<vmem>> -> memref<1x40x128xf32, #tpu.memory_space<vmem>>
      %dma_wait3A_722 = tpu.memref_squeeze %dma_wait3A_721 : memref<1x40x128xf32, #tpu.memory_space<vmem>> -> memref<40x128xf32, #tpu.memory_space<vmem>>
      %dma_wait3A_723 = arith.constant 0 : i32
      %dma_wait3A_724 = tpu.memref_slice %arg8[%dma_wait3A_717, %dma_wait3A_723] : memref<5x40xi32, #tpu.memory_space<vmem>> -> memref<1x40xi32, #tpu.memory_space<vmem>>
      %dma_wait3A_725 = tpu.memref_squeeze %dma_wait3A_724 : memref<1x40xi32, #tpu.memory_space<vmem>> -> memref<40xi32, #tpu.memory_space<vmem>>
      %dma_wait3A_726 = arith.constant 0 : i32
      %dma_wait3A_727 = arith.constant 0 : i32
      %dma_wait3A_728 = tpu.memref_slice %arg2[%dma_wait3A_726, %dma_wait3A_727] : memref<10000x128xf32, #tpu.memory_space<hbm>> -> memref<10000x128xf32, #tpu.memory_space<hbm>>
      tpu.wait_indirect_dma semaphore(%arg14 : memref<!tpu.dma_semaphore, #tpu.memory_space<semaphore_mem>>) src(%dma_wait3A_728 : memref<10000x128xf32, #tpu.memory_space<hbm>>) dst(%dma_wait3A_722 : memref<40x128xf32, #tpu.memory_space<vmem>>)
      %add3A_729 = arith.constant 1 : i32
      %add3A_730 = arith.addi %add3A_312, %add3A_729 : i32
      %add3A_731 = arith.constant 5 : i32
      %add3A_732 = arith.addi %add3A_730, %add3A_731 : i32
      %lt3A_733 = arith.constant 250 : i32
      %lt3A_734 = arith.cmpi slt, %add3A_732, %lt3A_733 : i32
      %convert_element_type3A_735 = arith.extui %lt3A_734 : i1 to i32
      %cond3A_736 = arith.constant 0 : i32
      %cond3A_737 = arith.cmpi ne, %convert_element_type3A_735, %cond3A_736 : i32
      scf.if %cond3A_737 {
        %add3A_1085 = arith.constant 1 : i32
        %add3A_1086 = arith.addi %add3A_312, %add3A_1085 : i32
        %add3A_1087 = arith.constant 5 : i32
        %add3A_1088 = arith.addi %add3A_1086, %add3A_1087 : i32
        %dma_start3A_1089 = arith.constant 1 : i32
        %dma_start3A_1090 = arith.constant 0 : i32
        %dma_start3A_1091 = tpu.memref_slice %arg8[%dma_start3A_1089, %dma_start3A_1090] : memref<5x40xi32, #tpu.memory_space<vmem>> -> memref<1x40xi32, #tpu.memory_space<vmem>>
        %dma_start3A_1092 = tpu.memref_squeeze %dma_start3A_1091 : memref<1x40xi32, #tpu.memory_space<vmem>> -> memref<40xi32, #tpu.memory_space<vmem>>
        %dma_start3A_1093 = arith.constant 0 : i32
        %dma_start3A_1094 = arith.constant 0 : i32
        %dma_start3A_1095 = tpu.memref_slice %arg3[%add3A, %dma_start3A_1093, %dma_start3A_1094] : memref<32x250x40xi32, #tpu.memory_space<hbm>> -> memref<1x250x40xi32, #tpu.memory_space<hbm>>
        %dma_start3A_1096 = tpu.memref_squeeze %dma_start3A_1095 : memref<1x250x40xi32, #tpu.memory_space<hbm>> -> memref<250x40xi32, #tpu.memory_space<hbm>>
        %dma_start3A_1097 = arith.constant 0 : i32
        %dma_start3A_1098 = tpu.memref_slice %dma_start3A_1096[%add3A_1088, %dma_start3A_1097] : memref<250x40xi32, #tpu.memory_space<hbm>> -> memref<1x40xi32, #tpu.memory_space<hbm>>
        %dma_start3A_1099 = tpu.memref_squeeze %dma_start3A_1098 : memref<1x40xi32, #tpu.memory_space<hbm>> -> memref<40xi32, #tpu.memory_space<hbm>>
        %dma_start3A_1100 = arith.constant 0 : i32
        %dma_start3A_1101 = tpu.memref_slice %arg8[%dma_start3A_1089, %dma_start3A_1100] : memref<5x40xi32, #tpu.memory_space<vmem>> -> memref<1x40xi32, #tpu.memory_space<vmem>>
        %dma_start3A_1102 = tpu.memref_squeeze %dma_start3A_1101 : memref<1x40xi32, #tpu.memory_space<vmem>> -> memref<40xi32, #tpu.memory_space<vmem>>
        %dma_start3A_1103 = arith.constant 0 : i32
        %dma_start3A_1104 = arith.constant 0 : i32
        %dma_start3A_1105 = tpu.memref_slice %arg3[%add3A, %dma_start3A_1103, %dma_start3A_1104] : memref<32x250x40xi32, #tpu.memory_space<hbm>> -> memref<1x250x40xi32, #tpu.memory_space<hbm>>
        %dma_start3A_1106 = tpu.memref_squeeze %dma_start3A_1105 : memref<1x250x40xi32, #tpu.memory_space<hbm>> -> memref<250x40xi32, #tpu.memory_space<hbm>>
        %dma_start3A_1107 = arith.constant 0 : i32
        %dma_start3A_1108 = tpu.memref_slice %dma_start3A_1106[%add3A_1088, %dma_start3A_1107] : memref<250x40xi32, #tpu.memory_space<hbm>> -> memref<1x40xi32, #tpu.memory_space<hbm>>
        %dma_start3A_1109 = tpu.memref_squeeze %dma_start3A_1108 : memref<1x40xi32, #tpu.memory_space<hbm>> -> memref<40xi32, #tpu.memory_space<hbm>>
        tpu.enqueue_dma source(%dma_start3A_1109 : memref<40xi32, #tpu.memory_space<hbm>>) target(%dma_start3A_1102 : memref<40xi32, #tpu.memory_space<vmem>>) target_semaphore(%arg24 : memref<!tpu.dma_semaphore, #tpu.memory_space<semaphore_mem>>)
      } else {
      }
      %dma_wait3A_738 = arith.constant 0 : i32
      %dma_wait3A_739 = arith.constant 0 : i32
      %dma_wait3A_740 = arith.constant 1 : i32
      %dma_wait3A_741 = arith.constant 0 : i32
      %dma_wait3A_742 = tpu.memref_slice %arg10[%dma_wait3A_740, %dma_wait3A_741] : memref<5x40xf32, #tpu.memory_space<vmem>> -> memref<1x40xf32, #tpu.memory_space<vmem>>
      %dma_wait3A_743 = tpu.memref_squeeze %dma_wait3A_742 : memref<1x40xf32, #tpu.memory_space<vmem>> -> memref<40xf32, #tpu.memory_space<vmem>>
      %dma_wait3A_744 = arith.constant 0 : i32
      %dma_wait3A_745 = arith.constant 0 : i32
      %dma_wait3A_746 = tpu.memref_slice %arg5[%dma_wait3A_738, %dma_wait3A_744, %dma_wait3A_745] : memref<32x250x40xf32, #tpu.memory_space<hbm>> -> memref<1x250x40xf32, #tpu.memory_space<hbm>>
      %dma_wait3A_747 = tpu.memref_squeeze %dma_wait3A_746 : memref<1x250x40xf32, #tpu.memory_space<hbm>> -> memref<250x40xf32, #tpu.memory_space<hbm>>
      %dma_wait3A_748 = arith.constant 0 : i32
      %dma_wait3A_749 = tpu.memref_slice %dma_wait3A_747[%dma_wait3A_739, %dma_wait3A_748] : memref<250x40xf32, #tpu.memory_space<hbm>> -> memref<1x40xf32, #tpu.memory_space<hbm>>
      %dma_wait3A_750 = tpu.memref_squeeze %dma_wait3A_749 : memref<1x40xf32, #tpu.memory_space<hbm>> -> memref<40xf32, #tpu.memory_space<hbm>>
      %dma_wait3A_751 = arith.constant 0 : i32
      %dma_wait3A_752 = tpu.memref_slice %arg10[%dma_wait3A_740, %dma_wait3A_751] : memref<5x40xf32, #tpu.memory_space<vmem>> -> memref<1x40xf32, #tpu.memory_space<vmem>>
      %dma_wait3A_753 = tpu.memref_squeeze %dma_wait3A_752 : memref<1x40xf32, #tpu.memory_space<vmem>> -> memref<40xf32, #tpu.memory_space<vmem>>
      %dma_wait3A_754 = arith.constant 0 : i32
      %dma_wait3A_755 = arith.constant 0 : i32
      %dma_wait3A_756 = tpu.memref_slice %arg5[%dma_wait3A_738, %dma_wait3A_754, %dma_wait3A_755] : memref<32x250x40xf32, #tpu.memory_space<hbm>> -> memref<1x250x40xf32, #tpu.memory_space<hbm>>
      %dma_wait3A_757 = tpu.memref_squeeze %dma_wait3A_756 : memref<1x250x40xf32, #tpu.memory_space<hbm>> -> memref<250x40xf32, #tpu.memory_space<hbm>>
      %dma_wait3A_758 = arith.constant 0 : i32
      %dma_wait3A_759 = tpu.memref_slice %dma_wait3A_757[%dma_wait3A_739, %dma_wait3A_758] : memref<250x40xf32, #tpu.memory_space<hbm>> -> memref<1x40xf32, #tpu.memory_space<hbm>>
      %dma_wait3A_760 = tpu.memref_squeeze %dma_wait3A_759 : memref<1x40xf32, #tpu.memory_space<hbm>> -> memref<40xf32, #tpu.memory_space<hbm>>
      tpu.wait_dma2 semaphore(%arg34 : memref<!tpu.dma_semaphore, #tpu.memory_space<semaphore_mem>>) src(%dma_wait3A_760 : memref<40xf32, #tpu.memory_space<hbm>>) dst(%dma_wait3A_753 : memref<40xf32, #tpu.memory_space<vmem>>)
      %parallel_loop3A_761 = arith.constant 0 : i32
      %parallel_loop3A_762 = arith.constant 40 : i32
      %parallel_loop3A_763 = arith.constant 1 : i32
      %parallel_loop3A_764 = arith.constant 1 : i32
      scf.for %parallel_loop3A_1085 = %parallel_loop3A_761 to %parallel_loop3A_762 step %parallel_loop3A_763  : i32 {
        %parallel_loop3A_1086 = arith.constant 1 : i32
        %parallel_loop3A_1087 = vector.broadcast %parallel_loop3A_1086 : i32 to vector<16xi32>
        %parallel_loop3A_1088 = arith.constant 0 : i32
        %parallel_loop3A_1089 = vector.broadcast %parallel_loop3A_1088 : i32 to vector<16xi32>
        %parallel_loop3A_1090 = vector.broadcast %parallel_loop3A_1085 : i32 to vector<16xi32>
        %parallel_loop3A_1091 = arith.addi %parallel_loop3A_1089, %parallel_loop3A_1090 : vector<16xi32>
        %parallel_loop3A_1092 = tpu.vector_load_idx %arg10[%parallel_loop3A_1087, %parallel_loop3A_1091] : memref<5x40xf32, #tpu.memory_space<vmem>>[vector<16xi32>, vector<16xi32>], vector<16xf32>,
        %parallel_loop3A_1093 = arith.constant 0 : i32
        %parallel_loop3A_1094 = arith.constant 0 : i32
        %parallel_loop3A_1095 = tpu.memref_slice %arg11[%parallel_loop3A_764, %parallel_loop3A_1093, %parallel_loop3A_1094] : memref<5x40x128xf32, #tpu.memory_space<vmem>> -> memref<1x40x128xf32, #tpu.memory_space<vmem>>
        %parallel_loop3A_1096 = tpu.memref_squeeze %parallel_loop3A_1095 : memref<1x40x128xf32, #tpu.memory_space<vmem>> -> memref<40x128xf32, #tpu.memory_space<vmem>>
        %parallel_loop3A_1097 = arith.index_cast %parallel_loop3A_1085 : i32 to index
        %parallel_loop3A_1098 = arith.constant 0 : index
        %parallel_loop3A_1099 = tpu.vector_load %parallel_loop3A_1096[%parallel_loop3A_1097, %parallel_loop3A_1098] {strides = array<i32>} : memref<40x128xf32, #tpu.memory_space<vmem>>, vector<16xf32>,
        %parallel_loop3A_1100 = arith.mulf %parallel_loop3A_1099, %parallel_loop3A_1092 : vector<16xf32>
        %parallel_loop3A_1101 = arith.constant 0 : i32
        %parallel_loop3A_1102 = arith.constant 0 : i32
        %parallel_loop3A_1103 = tpu.memref_slice %arg11[%parallel_loop3A_764, %parallel_loop3A_1101, %parallel_loop3A_1102] : memref<5x40x128xf32, #tpu.memory_space<vmem>> -> memref<1x40x128xf32, #tpu.memory_space<vmem>>
        %parallel_loop3A_1104 = tpu.memref_squeeze %parallel_loop3A_1103 : memref<1x40x128xf32, #tpu.memory_space<vmem>> -> memref<40x128xf32, #tpu.memory_space<vmem>>
        %parallel_loop3A_1105 = arith.index_cast %parallel_loop3A_1085 : i32 to index
        %parallel_loop3A_1106 = arith.constant 0 : index
        %parallel_loop3A_1107 = tpu.vector_load %parallel_loop3A_1104[%parallel_loop3A_1105, %parallel_loop3A_1106] {strides = array<i32>} : memref<40x128xf32, #tpu.memory_space<vmem>>, vector<16xf32>,
        tpu.vector_store %parallel_loop3A_1104[%parallel_loop3A_1105, %parallel_loop3A_1106], %parallel_loop3A_1100 {strides = array<i32>} : memref<40x128xf32, #tpu.memory_space<vmem>>, vector<16xf32>,
        %parallel_loop3A_1108 = arith.constant 0 : i32
        %parallel_loop3A_1109 = arith.constant 0 : i32
        %parallel_loop3A_1110 = tpu.memref_slice %arg11[%parallel_loop3A_764, %parallel_loop3A_1108, %parallel_loop3A_1109] : memref<5x40x128xf32, #tpu.memory_space<vmem>> -> memref<1x40x128xf32, #tpu.memory_space<vmem>>
        %parallel_loop3A_1111 = tpu.memref_squeeze %parallel_loop3A_1110 : memref<1x40x128xf32, #tpu.memory_space<vmem>> -> memref<40x128xf32, #tpu.memory_space<vmem>>
        %parallel_loop3A_1112 = arith.index_cast %parallel_loop3A_1085 : i32 to index
        %parallel_loop3A_1113 = arith.constant 16 : index
        %parallel_loop3A_1114 = tpu.vector_load %parallel_loop3A_1111[%parallel_loop3A_1112, %parallel_loop3A_1113] {strides = array<i32>} : memref<40x128xf32, #tpu.memory_space<vmem>>, vector<16xf32>,
        %parallel_loop3A_1115 = arith.mulf %parallel_loop3A_1114, %parallel_loop3A_1092 : vector<16xf32>
        %parallel_loop3A_1116 = arith.constant 0 : i32
        %parallel_loop3A_1117 = arith.constant 0 : i32
        %parallel_loop3A_1118 = tpu.memref_slice %arg11[%parallel_loop3A_764, %parallel_loop3A_1116, %parallel_loop3A_1117] : memref<5x40x128xf32, #tpu.memory_space<vmem>> -> memref<1x40x128xf32, #tpu.memory_space<vmem>>
        %parallel_loop3A_1119 = tpu.memref_squeeze %parallel_loop3A_1118 : memref<1x40x128xf32, #tpu.memory_space<vmem>> -> memref<40x128xf32, #tpu.memory_space<vmem>>
        %parallel_loop3A_1120 = arith.index_cast %parallel_loop3A_1085 : i32 to index
        %parallel_loop3A_1121 = arith.constant 16 : index
        %parallel_loop3A_1122 = tpu.vector_load %parallel_loop3A_1119[%parallel_loop3A_1120, %parallel_loop3A_1121] {strides = array<i32>} : memref<40x128xf32, #tpu.memory_space<vmem>>, vector<16xf32>,
        tpu.vector_store %parallel_loop3A_1119[%parallel_loop3A_1120, %parallel_loop3A_1121], %parallel_loop3A_1115 {strides = array<i32>} : memref<40x128xf32, #tpu.memory_space<vmem>>, vector<16xf32>,
        %parallel_loop3A_1123 = arith.constant 0 : i32
        %parallel_loop3A_1124 = arith.constant 0 : i32
        %parallel_loop3A_1125 = tpu.memref_slice %arg11[%parallel_loop3A_764, %parallel_loop3A_1123, %parallel_loop3A_1124] : memref<5x40x128xf32, #tpu.memory_space<vmem>> -> memref<1x40x128xf32, #tpu.memory_space<vmem>>
        %parallel_loop3A_1126 = tpu.memref_squeeze %parallel_loop3A_1125 : memref<1x40x128xf32, #tpu.memory_space<vmem>> -> memref<40x128xf32, #tpu.memory_space<vmem>>
        %parallel_loop3A_1127 = arith.index_cast %parallel_loop3A_1085 : i32 to index
        %parallel_loop3A_1128 = arith.constant 32 : index
        %parallel_loop3A_1129 = tpu.vector_load %parallel_loop3A_1126[%parallel_loop3A_1127, %parallel_loop3A_1128] {strides = array<i32>} : memref<40x128xf32, #tpu.memory_space<vmem>>, vector<16xf32>,
        %parallel_loop3A_1130 = arith.mulf %parallel_loop3A_1129, %parallel_loop3A_1092 : vector<16xf32>
        %parallel_loop3A_1131 = arith.constant 0 : i32
        %parallel_loop3A_1132 = arith.constant 0 : i32
        %parallel_loop3A_1133 = tpu.memref_slice %arg11[%parallel_loop3A_764, %parallel_loop3A_1131, %parallel_loop3A_1132] : memref<5x40x128xf32, #tpu.memory_space<vmem>> -> memref<1x40x128xf32, #tpu.memory_space<vmem>>
        %parallel_loop3A_1134 = tpu.memref_squeeze %parallel_loop3A_1133 : memref<1x40x128xf32, #tpu.memory_space<vmem>> -> memref<40x128xf32, #tpu.memory_space<vmem>>
        %parallel_loop3A_1135 = arith.index_cast %parallel_loop3A_1085 : i32 to index
        %parallel_loop3A_1136 = arith.constant 32 : index
        %parallel_loop3A_1137 = tpu.vector_load %parallel_loop3A_1134[%parallel_loop3A_1135, %parallel_loop3A_1136] {strides = array<i32>} : memref<40x128xf32, #tpu.memory_space<vmem>>, vector<16xf32>,
        tpu.vector_store %parallel_loop3A_1134[%parallel_loop3A_1135, %parallel_loop3A_1136], %parallel_loop3A_1130 {strides = array<i32>} : memref<40x128xf32, #tpu.memory_space<vmem>>, vector<16xf32>,
        %parallel_loop3A_1138 = arith.constant 0 : i32
        %parallel_loop3A_1139 = arith.constant 0 : i32
        %parallel_loop3A_1140 = tpu.memref_slice %arg11[%parallel_loop3A_764, %parallel_loop3A_1138, %parallel_loop3A_1139] : memref<5x40x128xf32, #tpu.memory_space<vmem>> -> memref<1x40x128xf32, #tpu.memory_space<vmem>>
        %parallel_loop3A_1141 = tpu.memref_squeeze %parallel_loop3A_1140 : memref<1x40x128xf32, #tpu.memory_space<vmem>> -> memref<40x128xf32, #tpu.memory_space<vmem>>
        %parallel_loop3A_1142 = arith.index_cast %parallel_loop3A_1085 : i32 to index
        %parallel_loop3A_1143 = arith.constant 48 : index
        %parallel_loop3A_1144 = tpu.vector_load %parallel_loop3A_1141[%parallel_loop3A_1142, %parallel_loop3A_1143] {strides = array<i32>} : memref<40x128xf32, #tpu.memory_space<vmem>>, vector<16xf32>,
        %parallel_loop3A_1145 = arith.mulf %parallel_loop3A_1144, %parallel_loop3A_1092 : vector<16xf32>
        %parallel_loop3A_1146 = arith.constant 0 : i32
        %parallel_loop3A_1147 = arith.constant 0 : i32
        %parallel_loop3A_1148 = tpu.memref_slice %arg11[%parallel_loop3A_764, %parallel_loop3A_1146, %parallel_loop3A_1147] : memref<5x40x128xf32, #tpu.memory_space<vmem>> -> memref<1x40x128xf32, #tpu.memory_space<vmem>>
        %parallel_loop3A_1149 = tpu.memref_squeeze %parallel_loop3A_1148 : memref<1x40x128xf32, #tpu.memory_space<vmem>> -> memref<40x128xf32, #tpu.memory_space<vmem>>
        %parallel_loop3A_1150 = arith.index_cast %parallel_loop3A_1085 : i32 to index
        %parallel_loop3A_1151 = arith.constant 48 : index
        %parallel_loop3A_1152 = tpu.vector_load %parallel_loop3A_1149[%parallel_loop3A_1150, %parallel_loop3A_1151] {strides = array<i32>} : memref<40x128xf32, #tpu.memory_space<vmem>>, vector<16xf32>,
        tpu.vector_store %parallel_loop3A_1149[%parallel_loop3A_1150, %parallel_loop3A_1151], %parallel_loop3A_1145 {strides = array<i32>} : memref<40x128xf32, #tpu.memory_space<vmem>>, vector<16xf32>,
        %parallel_loop3A_1153 = arith.constant 0 : i32
        %parallel_loop3A_1154 = arith.constant 0 : i32
        %parallel_loop3A_1155 = tpu.memref_slice %arg11[%parallel_loop3A_764, %parallel_loop3A_1153, %parallel_loop3A_1154] : memref<5x40x128xf32, #tpu.memory_space<vmem>> -> memref<1x40x128xf32, #tpu.memory_space<vmem>>
        %parallel_loop3A_1156 = tpu.memref_squeeze %parallel_loop3A_1155 : memref<1x40x128xf32, #tpu.memory_space<vmem>> -> memref<40x128xf32, #tpu.memory_space<vmem>>
        %parallel_loop3A_1157 = arith.index_cast %parallel_loop3A_1085 : i32 to index
        %parallel_loop3A_1158 = arith.constant 64 : index
        %parallel_loop3A_1159 = tpu.vector_load %parallel_loop3A_1156[%parallel_loop3A_1157, %parallel_loop3A_1158] {strides = array<i32>} : memref<40x128xf32, #tpu.memory_space<vmem>>, vector<16xf32>,
        %parallel_loop3A_1160 = arith.mulf %parallel_loop3A_1159, %parallel_loop3A_1092 : vector<16xf32>
        %parallel_loop3A_1161 = arith.constant 0 : i32
        %parallel_loop3A_1162 = arith.constant 0 : i32
        %parallel_loop3A_1163 = tpu.memref_slice %arg11[%parallel_loop3A_764, %parallel_loop3A_1161, %parallel_loop3A_1162] : memref<5x40x128xf32, #tpu.memory_space<vmem>> -> memref<1x40x128xf32, #tpu.memory_space<vmem>>
        %parallel_loop3A_1164 = tpu.memref_squeeze %parallel_loop3A_1163 : memref<1x40x128xf32, #tpu.memory_space<vmem>> -> memref<40x128xf32, #tpu.memory_space<vmem>>
        %parallel_loop3A_1165 = arith.index_cast %parallel_loop3A_1085 : i32 to index
        %parallel_loop3A_1166 = arith.constant 64 : index
        %parallel_loop3A_1167 = tpu.vector_load %parallel_loop3A_1164[%parallel_loop3A_1165, %parallel_loop3A_1166] {strides = array<i32>} : memref<40x128xf32, #tpu.memory_space<vmem>>, vector<16xf32>,
        tpu.vector_store %parallel_loop3A_1164[%parallel_loop3A_1165, %parallel_loop3A_1166], %parallel_loop3A_1160 {strides = array<i32>} : memref<40x128xf32, #tpu.memory_space<vmem>>, vector<16xf32>,
        %parallel_loop3A_1168 = arith.constant 0 : i32
        %parallel_loop3A_1169 = arith.constant 0 : i32
        %parallel_loop3A_1170 = tpu.memref_slice %arg11[%parallel_loop3A_764, %parallel_loop3A_1168, %parallel_loop3A_1169] : memref<5x40x128xf32, #tpu.memory_space<vmem>> -> memref<1x40x128xf32, #tpu.memory_space<vmem>>
        %parallel_loop3A_1171 = tpu.memref_squeeze %parallel_loop3A_1170 : memref<1x40x128xf32, #tpu.memory_space<vmem>> -> memref<40x128xf32, #tpu.memory_space<vmem>>
        %parallel_loop3A_1172 = arith.index_cast %parallel_loop3A_1085 : i32 to index
        %parallel_loop3A_1173 = arith.constant 80 : index
        %parallel_loop3A_1174 = tpu.vector_load %parallel_loop3A_1171[%parallel_loop3A_1172, %parallel_loop3A_1173] {strides = array<i32>} : memref<40x128xf32, #tpu.memory_space<vmem>>, vector<16xf32>,
        %parallel_loop3A_1175 = arith.mulf %parallel_loop3A_1174, %parallel_loop3A_1092 : vector<16xf32>
        %parallel_loop3A_1176 = arith.constant 0 : i32
        %parallel_loop3A_1177 = arith.constant 0 : i32
        %parallel_loop3A_1178 = tpu.memref_slice %arg11[%parallel_loop3A_764, %parallel_loop3A_1176, %parallel_loop3A_1177] : memref<5x40x128xf32, #tpu.memory_space<vmem>> -> memref<1x40x128xf32, #tpu.memory_space<vmem>>
        %parallel_loop3A_1179 = tpu.memref_squeeze %parallel_loop3A_1178 : memref<1x40x128xf32, #tpu.memory_space<vmem>> -> memref<40x128xf32, #tpu.memory_space<vmem>>
        %parallel_loop3A_1180 = arith.index_cast %parallel_loop3A_1085 : i32 to index
        %parallel_loop3A_1181 = arith.constant 80 : index
        %parallel_loop3A_1182 = tpu.vector_load %parallel_loop3A_1179[%parallel_loop3A_1180, %parallel_loop3A_1181] {strides = array<i32>} : memref<40x128xf32, #tpu.memory_space<vmem>>, vector<16xf32>,
        tpu.vector_store %parallel_loop3A_1179[%parallel_loop3A_1180, %parallel_loop3A_1181], %parallel_loop3A_1175 {strides = array<i32>} : memref<40x128xf32, #tpu.memory_space<vmem>>, vector<16xf32>,
        %parallel_loop3A_1183 = arith.constant 0 : i32
        %parallel_loop3A_1184 = arith.constant 0 : i32
        %parallel_loop3A_1185 = tpu.memref_slice %arg11[%parallel_loop3A_764, %parallel_loop3A_1183, %parallel_loop3A_1184] : memref<5x40x128xf32, #tpu.memory_space<vmem>> -> memref<1x40x128xf32, #tpu.memory_space<vmem>>
        %parallel_loop3A_1186 = tpu.memref_squeeze %parallel_loop3A_1185 : memref<1x40x128xf32, #tpu.memory_space<vmem>> -> memref<40x128xf32, #tpu.memory_space<vmem>>
        %parallel_loop3A_1187 = arith.index_cast %parallel_loop3A_1085 : i32 to index
        %parallel_loop3A_1188 = arith.constant 96 : index
        %parallel_loop3A_1189 = tpu.vector_load %parallel_loop3A_1186[%parallel_loop3A_1187, %parallel_loop3A_1188] {strides = array<i32>} : memref<40x128xf32, #tpu.memory_space<vmem>>, vector<16xf32>,
        %parallel_loop3A_1190 = arith.mulf %parallel_loop3A_1189, %parallel_loop3A_1092 : vector<16xf32>
        %parallel_loop3A_1191 = arith.constant 0 : i32
        %parallel_loop3A_1192 = arith.constant 0 : i32
        %parallel_loop3A_1193 = tpu.memref_slice %arg11[%parallel_loop3A_764, %parallel_loop3A_1191, %parallel_loop3A_1192] : memref<5x40x128xf32, #tpu.memory_space<vmem>> -> memref<1x40x128xf32, #tpu.memory_space<vmem>>
        %parallel_loop3A_1194 = tpu.memref_squeeze %parallel_loop3A_1193 : memref<1x40x128xf32, #tpu.memory_space<vmem>> -> memref<40x128xf32, #tpu.memory_space<vmem>>
        %parallel_loop3A_1195 = arith.index_cast %parallel_loop3A_1085 : i32 to index
        %parallel_loop3A_1196 = arith.constant 96 : index
        %parallel_loop3A_1197 = tpu.vector_load %parallel_loop3A_1194[%parallel_loop3A_1195, %parallel_loop3A_1196] {strides = array<i32>} : memref<40x128xf32, #tpu.memory_space<vmem>>, vector<16xf32>,
        tpu.vector_store %parallel_loop3A_1194[%parallel_loop3A_1195, %parallel_loop3A_1196], %parallel_loop3A_1190 {strides = array<i32>} : memref<40x128xf32, #tpu.memory_space<vmem>>, vector<16xf32>,
        %parallel_loop3A_1198 = arith.constant 0 : i32
        %parallel_loop3A_1199 = arith.constant 0 : i32
        %parallel_loop3A_1200 = tpu.memref_slice %arg11[%parallel_loop3A_764, %parallel_loop3A_1198, %parallel_loop3A_1199] : memref<5x40x128xf32, #tpu.memory_space<vmem>> -> memref<1x40x128xf32, #tpu.memory_space<vmem>>
        %parallel_loop3A_1201 = tpu.memref_squeeze %parallel_loop3A_1200 : memref<1x40x128xf32, #tpu.memory_space<vmem>> -> memref<40x128xf32, #tpu.memory_space<vmem>>
        %parallel_loop3A_1202 = arith.index_cast %parallel_loop3A_1085 : i32 to index
        %parallel_loop3A_1203 = arith.constant 112 : index
        %parallel_loop3A_1204 = tpu.vector_load %parallel_loop3A_1201[%parallel_loop3A_1202, %parallel_loop3A_1203] {strides = array<i32>} : memref<40x128xf32, #tpu.memory_space<vmem>>, vector<16xf32>,
        %parallel_loop3A_1205 = arith.mulf %parallel_loop3A_1204, %parallel_loop3A_1092 : vector<16xf32>
        %parallel_loop3A_1206 = arith.constant 0 : i32
        %parallel_loop3A_1207 = arith.constant 0 : i32
        %parallel_loop3A_1208 = tpu.memref_slice %arg11[%parallel_loop3A_764, %parallel_loop3A_1206, %parallel_loop3A_1207] : memref<5x40x128xf32, #tpu.memory_space<vmem>> -> memref<1x40x128xf32, #tpu.memory_space<vmem>>
        %parallel_loop3A_1209 = tpu.memref_squeeze %parallel_loop3A_1208 : memref<1x40x128xf32, #tpu.memory_space<vmem>> -> memref<40x128xf32, #tpu.memory_space<vmem>>
        %parallel_loop3A_1210 = arith.index_cast %parallel_loop3A_1085 : i32 to index
        %parallel_loop3A_1211 = arith.constant 112 : index
        %parallel_loop3A_1212 = tpu.vector_load %parallel_loop3A_1209[%parallel_loop3A_1210, %parallel_loop3A_1211] {strides = array<i32>} : memref<40x128xf32, #tpu.memory_space<vmem>>, vector<16xf32>,
        tpu.vector_store %parallel_loop3A_1209[%parallel_loop3A_1210, %parallel_loop3A_1211], %parallel_loop3A_1205 {strides = array<i32>} : memref<40x128xf32, #tpu.memory_space<vmem>>, vector<16xf32>,
      } {sc.loop_unroll_factor = 8 : i64, sc.parallel_access}
      %add3A_765 = arith.constant 1 : i32
      %add3A_766 = arith.addi %add3A_312, %add3A_765 : i32
      %add3A_767 = arith.constant 5 : i32
      %add3A_768 = arith.addi %add3A_766, %add3A_767 : i32
      %lt3A_769 = arith.constant 250 : i32
      %lt3A_770 = arith.cmpi slt, %add3A_768, %lt3A_769 : i32
      %convert_element_type3A_771 = arith.extui %lt3A_770 : i1 to i32
      %cond3A_772 = arith.constant 0 : i32
      %cond3A_773 = arith.cmpi ne, %convert_element_type3A_771, %cond3A_772 : i32
      scf.if %cond3A_773 {
        %add3A_1085 = arith.constant 1 : i32
        %add3A_1086 = arith.addi %add3A_312, %add3A_1085 : i32
        %add3A_1087 = arith.constant 5 : i32
        %add3A_1088 = arith.addi %add3A_1086, %add3A_1087 : i32
        %dma_start3A_1089 = arith.constant 1 : i32
        %dma_start3A_1090 = arith.constant 0 : i32
        %dma_start3A_1091 = tpu.memref_slice %arg10[%dma_start3A_1089, %dma_start3A_1090] : memref<5x40xf32, #tpu.memory_space<vmem>> -> memref<1x40xf32, #tpu.memory_space<vmem>>
        %dma_start3A_1092 = tpu.memref_squeeze %dma_start3A_1091 : memref<1x40xf32, #tpu.memory_space<vmem>> -> memref<40xf32, #tpu.memory_space<vmem>>
        %dma_start3A_1093 = arith.constant 0 : i32
        %dma_start3A_1094 = arith.constant 0 : i32
        %dma_start3A_1095 = tpu.memref_slice %arg5[%add3A, %dma_start3A_1093, %dma_start3A_1094] : memref<32x250x40xf32, #tpu.memory_space<hbm>> -> memref<1x250x40xf32, #tpu.memory_space<hbm>>
        %dma_start3A_1096 = tpu.memref_squeeze %dma_start3A_1095 : memref<1x250x40xf32, #tpu.memory_space<hbm>> -> memref<250x40xf32, #tpu.memory_space<hbm>>
        %dma_start3A_1097 = arith.constant 0 : i32
        %dma_start3A_1098 = tpu.memref_slice %dma_start3A_1096[%add3A_1088, %dma_start3A_1097] : memref<250x40xf32, #tpu.memory_space<hbm>> -> memref<1x40xf32, #tpu.memory_space<hbm>>
        %dma_start3A_1099 = tpu.memref_squeeze %dma_start3A_1098 : memref<1x40xf32, #tpu.memory_space<hbm>> -> memref<40xf32, #tpu.memory_space<hbm>>
        %dma_start3A_1100 = arith.constant 0 : i32
        %dma_start3A_1101 = tpu.memref_slice %arg10[%dma_start3A_1089, %dma_start3A_1100] : memref<5x40xf32, #tpu.memory_space<vmem>> -> memref<1x40xf32, #tpu.memory_space<vmem>>
        %dma_start3A_1102 = tpu.memref_squeeze %dma_start3A_1101 : memref<1x40xf32, #tpu.memory_space<vmem>> -> memref<40xf32, #tpu.memory_space<vmem>>
        %dma_start3A_1103 = arith.constant 0 : i32
        %dma_start3A_1104 = arith.constant 0 : i32
        %dma_start3A_1105 = tpu.memref_slice %arg5[%add3A, %dma_start3A_1103, %dma_start3A_1104] : memref<32x250x40xf32, #tpu.memory_space<hbm>> -> memref<1x250x40xf32, #tpu.memory_space<hbm>>
        %dma_start3A_1106 = tpu.memref_squeeze %dma_start3A_1105 : memref<1x250x40xf32, #tpu.memory_space<hbm>> -> memref<250x40xf32, #tpu.memory_space<hbm>>
        %dma_start3A_1107 = arith.constant 0 : i32
        %dma_start3A_1108 = tpu.memref_slice %dma_start3A_1106[%add3A_1088, %dma_start3A_1107] : memref<250x40xf32, #tpu.memory_space<hbm>> -> memref<1x40xf32, #tpu.memory_space<hbm>>
        %dma_start3A_1109 = tpu.memref_squeeze %dma_start3A_1108 : memref<1x40xf32, #tpu.memory_space<hbm>> -> memref<40xf32, #tpu.memory_space<hbm>>
        tpu.enqueue_dma source(%dma_start3A_1109 : memref<40xf32, #tpu.memory_space<hbm>>) target(%dma_start3A_1102 : memref<40xf32, #tpu.memory_space<vmem>>) target_semaphore(%arg34 : memref<!tpu.dma_semaphore, #tpu.memory_space<semaphore_mem>>)
      } else {
      }
      %dma_wait3A_774 = arith.constant 0 : i32
      %dma_wait3A_775 = arith.constant 0 : i32
      %dma_wait3A_776 = arith.constant 1 : i32
      %dma_wait3A_777 = arith.constant 0 : i32
      %dma_wait3A_778 = tpu.memref_slice %arg9[%dma_wait3A_776, %dma_wait3A_777] : memref<5x40xi32, #tpu.memory_space<vmem>> -> memref<1x40xi32, #tpu.memory_space<vmem>>
      %dma_wait3A_779 = tpu.memref_squeeze %dma_wait3A_778 : memref<1x40xi32, #tpu.memory_space<vmem>> -> memref<40xi32, #tpu.memory_space<vmem>>
      %dma_wait3A_780 = arith.constant 0 : i32
      %dma_wait3A_781 = arith.constant 0 : i32
      %dma_wait3A_782 = tpu.memref_slice %arg4[%dma_wait3A_774, %dma_wait3A_780, %dma_wait3A_781] : memref<32x250x40xi32, #tpu.memory_space<hbm>> -> memref<1x250x40xi32, #tpu.memory_space<hbm>>
      %dma_wait3A_783 = tpu.memref_squeeze %dma_wait3A_782 : memref<1x250x40xi32, #tpu.memory_space<hbm>> -> memref<250x40xi32, #tpu.memory_space<hbm>>
      %dma_wait3A_784 = arith.constant 0 : i32
      %dma_wait3A_785 = tpu.memref_slice %dma_wait3A_783[%dma_wait3A_775, %dma_wait3A_784] : memref<250x40xi32, #tpu.memory_space<hbm>> -> memref<1x40xi32, #tpu.memory_space<hbm>>
      %dma_wait3A_786 = tpu.memref_squeeze %dma_wait3A_785 : memref<1x40xi32, #tpu.memory_space<hbm>> -> memref<40xi32, #tpu.memory_space<hbm>>
      %dma_wait3A_787 = arith.constant 0 : i32
      %dma_wait3A_788 = tpu.memref_slice %arg9[%dma_wait3A_776, %dma_wait3A_787] : memref<5x40xi32, #tpu.memory_space<vmem>> -> memref<1x40xi32, #tpu.memory_space<vmem>>
      %dma_wait3A_789 = tpu.memref_squeeze %dma_wait3A_788 : memref<1x40xi32, #tpu.memory_space<vmem>> -> memref<40xi32, #tpu.memory_space<vmem>>
      %dma_wait3A_790 = arith.constant 0 : i32
      %dma_wait3A_791 = arith.constant 0 : i32
      %dma_wait3A_792 = tpu.memref_slice %arg4[%dma_wait3A_774, %dma_wait3A_790, %dma_wait3A_791] : memref<32x250x40xi32, #tpu.memory_space<hbm>> -> memref<1x250x40xi32, #tpu.memory_space<hbm>>
      %dma_wait3A_793 = tpu.memref_squeeze %dma_wait3A_792 : memref<1x250x40xi32, #tpu.memory_space<hbm>> -> memref<250x40xi32, #tpu.memory_space<hbm>>
      %dma_wait3A_794 = arith.constant 0 : i32
      %dma_wait3A_795 = tpu.memref_slice %dma_wait3A_793[%dma_wait3A_775, %dma_wait3A_794] : memref<250x40xi32, #tpu.memory_space<hbm>> -> memref<1x40xi32, #tpu.memory_space<hbm>>
      %dma_wait3A_796 = tpu.memref_squeeze %dma_wait3A_795 : memref<1x40xi32, #tpu.memory_space<hbm>> -> memref<40xi32, #tpu.memory_space<hbm>>
      tpu.wait_dma2 semaphore(%arg29 : memref<!tpu.dma_semaphore, #tpu.memory_space<semaphore_mem>>) src(%dma_wait3A_796 : memref<40xi32, #tpu.memory_space<hbm>>) dst(%dma_wait3A_789 : memref<40xi32, #tpu.memory_space<vmem>>)
      %dma_start3A_797 = arith.constant 1 : i32
      %dma_start3A_798 = arith.constant 1 : i32
      %dma_start3A_799 = arith.constant 0 : i32
      %dma_start3A_800 = arith.constant 0 : i32
      %dma_start3A_801 = tpu.memref_slice %arg11[%dma_start3A_797, %dma_start3A_799, %dma_start3A_800] : memref<5x40x128xf32, #tpu.memory_space<vmem>> -> memref<1x40x128xf32, #tpu.memory_space<vmem>>
      %dma_start3A_802 = tpu.memref_squeeze %dma_start3A_801 : memref<1x40x128xf32, #tpu.memory_space<vmem>> -> memref<40x128xf32, #tpu.memory_space<vmem>>
      %dma_start3A_803 = arith.constant 0 : i32
      %dma_start3A_804 = tpu.memref_slice %arg9[%dma_start3A_798, %dma_start3A_803] : memref<5x40xi32, #tpu.memory_space<vmem>> -> memref<1x40xi32, #tpu.memory_space<vmem>>
      %dma_start3A_805 = tpu.memref_squeeze %dma_start3A_804 : memref<1x40xi32, #tpu.memory_space<vmem>> -> memref<40xi32, #tpu.memory_space<vmem>>
      %dma_start3A_806 = arith.constant 0 : i32
      %dma_start3A_807 = arith.constant 0 : i32
      %dma_start3A_808 = tpu.memref_slice %arg12[%dma_start3A_806, %dma_start3A_807] : memref<10000x128xf32, #tpu.memory_space<vmem_shared>> -> memref<10000x128xf32, #tpu.memory_space<vmem_shared>>
      tpu.enqueue_indirect_dma source(%dma_start3A_802 : memref<40x128xf32, #tpu.memory_space<vmem>>) target(%dma_start3A_808 : memref<10000x128xf32, #tpu.memory_space<vmem_shared>>) offsets(%dma_start3A_805 : memref<40xi32, #tpu.memory_space<vmem>>) semaphore(%arg19 : memref<!tpu.dma_semaphore, #tpu.memory_space<semaphore_mem>>) {add = true}
      %dma_wait3A_809 = arith.constant 2 : i32
      %dma_wait3A_810 = arith.constant 2 : i32
      %dma_wait3A_811 = arith.constant 0 : i32
      %dma_wait3A_812 = arith.constant 0 : i32
      %dma_wait3A_813 = tpu.memref_slice %arg11[%dma_wait3A_810, %dma_wait3A_811, %dma_wait3A_812] : memref<5x40x128xf32, #tpu.memory_space<vmem>> -> memref<1x40x128xf32, #tpu.memory_space<vmem>>
      %dma_wait3A_814 = tpu.memref_squeeze %dma_wait3A_813 : memref<1x40x128xf32, #tpu.memory_space<vmem>> -> memref<40x128xf32, #tpu.memory_space<vmem>>
      %dma_wait3A_815 = arith.constant 0 : i32
      %dma_wait3A_816 = tpu.memref_slice %arg8[%dma_wait3A_809, %dma_wait3A_815] : memref<5x40xi32, #tpu.memory_space<vmem>> -> memref<1x40xi32, #tpu.memory_space<vmem>>
      %dma_wait3A_817 = tpu.memref_squeeze %dma_wait3A_816 : memref<1x40xi32, #tpu.memory_space<vmem>> -> memref<40xi32, #tpu.memory_space<vmem>>
      %dma_wait3A_818 = arith.constant 0 : i32
      %dma_wait3A_819 = arith.constant 0 : i32
      %dma_wait3A_820 = tpu.memref_slice %arg2[%dma_wait3A_818, %dma_wait3A_819] : memref<10000x128xf32, #tpu.memory_space<hbm>> -> memref<10000x128xf32, #tpu.memory_space<hbm>>
      tpu.wait_indirect_dma semaphore(%arg15 : memref<!tpu.dma_semaphore, #tpu.memory_space<semaphore_mem>>) src(%dma_wait3A_820 : memref<10000x128xf32, #tpu.memory_space<hbm>>) dst(%dma_wait3A_814 : memref<40x128xf32, #tpu.memory_space<vmem>>)
      %add3A_821 = arith.constant 2 : i32
      %add3A_822 = arith.addi %add3A_312, %add3A_821 : i32
      %add3A_823 = arith.constant 5 : i32
      %add3A_824 = arith.addi %add3A_822, %add3A_823 : i32
      %lt3A_825 = arith.constant 250 : i32
      %lt3A_826 = arith.cmpi slt, %add3A_824, %lt3A_825 : i32
      %convert_element_type3A_827 = arith.extui %lt3A_826 : i1 to i32
      %cond3A_828 = arith.constant 0 : i32
      %cond3A_829 = arith.cmpi ne, %convert_element_type3A_827, %cond3A_828 : i32
      scf.if %cond3A_829 {
        %add3A_1085 = arith.constant 2 : i32
        %add3A_1086 = arith.addi %add3A_312, %add3A_1085 : i32
        %add3A_1087 = arith.constant 5 : i32
        %add3A_1088 = arith.addi %add3A_1086, %add3A_1087 : i32
        %dma_start3A_1089 = arith.constant 2 : i32
        %dma_start3A_1090 = arith.constant 0 : i32
        %dma_start3A_1091 = tpu.memref_slice %arg8[%dma_start3A_1089, %dma_start3A_1090] : memref<5x40xi32, #tpu.memory_space<vmem>> -> memref<1x40xi32, #tpu.memory_space<vmem>>
        %dma_start3A_1092 = tpu.memref_squeeze %dma_start3A_1091 : memref<1x40xi32, #tpu.memory_space<vmem>> -> memref<40xi32, #tpu.memory_space<vmem>>
        %dma_start3A_1093 = arith.constant 0 : i32
        %dma_start3A_1094 = arith.constant 0 : i32
        %dma_start3A_1095 = tpu.memref_slice %arg3[%add3A, %dma_start3A_1093, %dma_start3A_1094] : memref<32x250x40xi32, #tpu.memory_space<hbm>> -> memref<1x250x40xi32, #tpu.memory_space<hbm>>
        %dma_start3A_1096 = tpu.memref_squeeze %dma_start3A_1095 : memref<1x250x40xi32, #tpu.memory_space<hbm>> -> memref<250x40xi32, #tpu.memory_space<hbm>>
        %dma_start3A_1097 = arith.constant 0 : i32
        %dma_start3A_1098 = tpu.memref_slice %dma_start3A_1096[%add3A_1088, %dma_start3A_1097] : memref<250x40xi32, #tpu.memory_space<hbm>> -> memref<1x40xi32, #tpu.memory_space<hbm>>
        %dma_start3A_1099 = tpu.memref_squeeze %dma_start3A_1098 : memref<1x40xi32, #tpu.memory_space<hbm>> -> memref<40xi32, #tpu.memory_space<hbm>>
        %dma_start3A_1100 = arith.constant 0 : i32
        %dma_start3A_1101 = tpu.memref_slice %arg8[%dma_start3A_1089, %dma_start3A_1100] : memref<5x40xi32, #tpu.memory_space<vmem>> -> memref<1x40xi32, #tpu.memory_space<vmem>>
        %dma_start3A_1102 = tpu.memref_squeeze %dma_start3A_1101 : memref<1x40xi32, #tpu.memory_space<vmem>> -> memref<40xi32, #tpu.memory_space<vmem>>
        %dma_start3A_1103 = arith.constant 0 : i32
        %dma_start3A_1104 = arith.constant 0 : i32
        %dma_start3A_1105 = tpu.memref_slice %arg3[%add3A, %dma_start3A_1103, %dma_start3A_1104] : memref<32x250x40xi32, #tpu.memory_space<hbm>> -> memref<1x250x40xi32, #tpu.memory_space<hbm>>
        %dma_start3A_1106 = tpu.memref_squeeze %dma_start3A_1105 : memref<1x250x40xi32, #tpu.memory_space<hbm>> -> memref<250x40xi32, #tpu.memory_space<hbm>>
        %dma_start3A_1107 = arith.constant 0 : i32
        %dma_start3A_1108 = tpu.memref_slice %dma_start3A_1106[%add3A_1088, %dma_start3A_1107] : memref<250x40xi32, #tpu.memory_space<hbm>> -> memref<1x40xi32, #tpu.memory_space<hbm>>
        %dma_start3A_1109 = tpu.memref_squeeze %dma_start3A_1108 : memref<1x40xi32, #tpu.memory_space<hbm>> -> memref<40xi32, #tpu.memory_space<hbm>>
        tpu.enqueue_dma source(%dma_start3A_1109 : memref<40xi32, #tpu.memory_space<hbm>>) target(%dma_start3A_1102 : memref<40xi32, #tpu.memory_space<vmem>>) target_semaphore(%arg25 : memref<!tpu.dma_semaphore, #tpu.memory_space<semaphore_mem>>)
      } else {
      }
      %dma_wait3A_830 = arith.constant 0 : i32
      %dma_wait3A_831 = arith.constant 0 : i32
      %dma_wait3A_832 = arith.constant 2 : i32
      %dma_wait3A_833 = arith.constant 0 : i32
      %dma_wait3A_834 = tpu.memref_slice %arg10[%dma_wait3A_832, %dma_wait3A_833] : memref<5x40xf32, #tpu.memory_space<vmem>> -> memref<1x40xf32, #tpu.memory_space<vmem>>
      %dma_wait3A_835 = tpu.memref_squeeze %dma_wait3A_834 : memref<1x40xf32, #tpu.memory_space<vmem>> -> memref<40xf32, #tpu.memory_space<vmem>>
      %dma_wait3A_836 = arith.constant 0 : i32
      %dma_wait3A_837 = arith.constant 0 : i32
      %dma_wait3A_838 = tpu.memref_slice %arg5[%dma_wait3A_830, %dma_wait3A_836, %dma_wait3A_837] : memref<32x250x40xf32, #tpu.memory_space<hbm>> -> memref<1x250x40xf32, #tpu.memory_space<hbm>>
      %dma_wait3A_839 = tpu.memref_squeeze %dma_wait3A_838 : memref<1x250x40xf32, #tpu.memory_space<hbm>> -> memref<250x40xf32, #tpu.memory_space<hbm>>
      %dma_wait3A_840 = arith.constant 0 : i32
      %dma_wait3A_841 = tpu.memref_slice %dma_wait3A_839[%dma_wait3A_831, %dma_wait3A_840] : memref<250x40xf32, #tpu.memory_space<hbm>> -> memref<1x40xf32, #tpu.memory_space<hbm>>
      %dma_wait3A_842 = tpu.memref_squeeze %dma_wait3A_841 : memref<1x40xf32, #tpu.memory_space<hbm>> -> memref<40xf32, #tpu.memory_space<hbm>>
      %dma_wait3A_843 = arith.constant 0 : i32
      %dma_wait3A_844 = tpu.memref_slice %arg10[%dma_wait3A_832, %dma_wait3A_843] : memref<5x40xf32, #tpu.memory_space<vmem>> -> memref<1x40xf32, #tpu.memory_space<vmem>>
      %dma_wait3A_845 = tpu.memref_squeeze %dma_wait3A_844 : memref<1x40xf32, #tpu.memory_space<vmem>> -> memref<40xf32, #tpu.memory_space<vmem>>
      %dma_wait3A_846 = arith.constant 0 : i32
      %dma_wait3A_847 = arith.constant 0 : i32
      %dma_wait3A_848 = tpu.memref_slice %arg5[%dma_wait3A_830, %dma_wait3A_846, %dma_wait3A_847] : memref<32x250x40xf32, #tpu.memory_space<hbm>> -> memref<1x250x40xf32, #tpu.memory_space<hbm>>
      %dma_wait3A_849 = tpu.memref_squeeze %dma_wait3A_848 : memref<1x250x40xf32, #tpu.memory_space<hbm>> -> memref<250x40xf32, #tpu.memory_space<hbm>>
      %dma_wait3A_850 = arith.constant 0 : i32
      %dma_wait3A_851 = tpu.memref_slice %dma_wait3A_849[%dma_wait3A_831, %dma_wait3A_850] : memref<250x40xf32, #tpu.memory_space<hbm>> -> memref<1x40xf32, #tpu.memory_space<hbm>>
      %dma_wait3A_852 = tpu.memref_squeeze %dma_wait3A_851 : memref<1x40xf32, #tpu.memory_space<hbm>> -> memref<40xf32, #tpu.memory_space<hbm>>
      tpu.wait_dma2 semaphore(%arg35 : memref<!tpu.dma_semaphore, #tpu.memory_space<semaphore_mem>>) src(%dma_wait3A_852 : memref<40xf32, #tpu.memory_space<hbm>>) dst(%dma_wait3A_845 : memref<40xf32, #tpu.memory_space<vmem>>)
      %parallel_loop3A_853 = arith.constant 0 : i32
      %parallel_loop3A_854 = arith.constant 40 : i32
      %parallel_loop3A_855 = arith.constant 1 : i32
      %parallel_loop3A_856 = arith.constant 2 : i32
      scf.for %parallel_loop3A_1085 = %parallel_loop3A_853 to %parallel_loop3A_854 step %parallel_loop3A_855  : i32 {
        %parallel_loop3A_1086 = arith.constant 2 : i32
        %parallel_loop3A_1087 = vector.broadcast %parallel_loop3A_1086 : i32 to vector<16xi32>
        %parallel_loop3A_1088 = arith.constant 0 : i32
        %parallel_loop3A_1089 = vector.broadcast %parallel_loop3A_1088 : i32 to vector<16xi32>
        %parallel_loop3A_1090 = vector.broadcast %parallel_loop3A_1085 : i32 to vector<16xi32>
        %parallel_loop3A_1091 = arith.addi %parallel_loop3A_1089, %parallel_loop3A_1090 : vector<16xi32>
        %parallel_loop3A_1092 = tpu.vector_load_idx %arg10[%parallel_loop3A_1087, %parallel_loop3A_1091] : memref<5x40xf32, #tpu.memory_space<vmem>>[vector<16xi32>, vector<16xi32>], vector<16xf32>,
        %parallel_loop3A_1093 = arith.constant 0 : i32
        %parallel_loop3A_1094 = arith.constant 0 : i32
        %parallel_loop3A_1095 = tpu.memref_slice %arg11[%parallel_loop3A_856, %parallel_loop3A_1093, %parallel_loop3A_1094] : memref<5x40x128xf32, #tpu.memory_space<vmem>> -> memref<1x40x128xf32, #tpu.memory_space<vmem>>
        %parallel_loop3A_1096 = tpu.memref_squeeze %parallel_loop3A_1095 : memref<1x40x128xf32, #tpu.memory_space<vmem>> -> memref<40x128xf32, #tpu.memory_space<vmem>>
        %parallel_loop3A_1097 = arith.index_cast %parallel_loop3A_1085 : i32 to index
        %parallel_loop3A_1098 = arith.constant 0 : index
        %parallel_loop3A_1099 = tpu.vector_load %parallel_loop3A_1096[%parallel_loop3A_1097, %parallel_loop3A_1098] {strides = array<i32>} : memref<40x128xf32, #tpu.memory_space<vmem>>, vector<16xf32>,
        %parallel_loop3A_1100 = arith.mulf %parallel_loop3A_1099, %parallel_loop3A_1092 : vector<16xf32>
        %parallel_loop3A_1101 = arith.constant 0 : i32
        %parallel_loop3A_1102 = arith.constant 0 : i32
        %parallel_loop3A_1103 = tpu.memref_slice %arg11[%parallel_loop3A_856, %parallel_loop3A_1101, %parallel_loop3A_1102] : memref<5x40x128xf32, #tpu.memory_space<vmem>> -> memref<1x40x128xf32, #tpu.memory_space<vmem>>
        %parallel_loop3A_1104 = tpu.memref_squeeze %parallel_loop3A_1103 : memref<1x40x128xf32, #tpu.memory_space<vmem>> -> memref<40x128xf32, #tpu.memory_space<vmem>>
        %parallel_loop3A_1105 = arith.index_cast %parallel_loop3A_1085 : i32 to index
        %parallel_loop3A_1106 = arith.constant 0 : index
        %parallel_loop3A_1107 = tpu.vector_load %parallel_loop3A_1104[%parallel_loop3A_1105, %parallel_loop3A_1106] {strides = array<i32>} : memref<40x128xf32, #tpu.memory_space<vmem>>, vector<16xf32>,
        tpu.vector_store %parallel_loop3A_1104[%parallel_loop3A_1105, %parallel_loop3A_1106], %parallel_loop3A_1100 {strides = array<i32>} : memref<40x128xf32, #tpu.memory_space<vmem>>, vector<16xf32>,
        %parallel_loop3A_1108 = arith.constant 0 : i32
        %parallel_loop3A_1109 = arith.constant 0 : i32
        %parallel_loop3A_1110 = tpu.memref_slice %arg11[%parallel_loop3A_856, %parallel_loop3A_1108, %parallel_loop3A_1109] : memref<5x40x128xf32, #tpu.memory_space<vmem>> -> memref<1x40x128xf32, #tpu.memory_space<vmem>>
        %parallel_loop3A_1111 = tpu.memref_squeeze %parallel_loop3A_1110 : memref<1x40x128xf32, #tpu.memory_space<vmem>> -> memref<40x128xf32, #tpu.memory_space<vmem>>
        %parallel_loop3A_1112 = arith.index_cast %parallel_loop3A_1085 : i32 to index
        %parallel_loop3A_1113 = arith.constant 16 : index
        %parallel_loop3A_1114 = tpu.vector_load %parallel_loop3A_1111[%parallel_loop3A_1112, %parallel_loop3A_1113] {strides = array<i32>} : memref<40x128xf32, #tpu.memory_space<vmem>>, vector<16xf32>,
        %parallel_loop3A_1115 = arith.mulf %parallel_loop3A_1114, %parallel_loop3A_1092 : vector<16xf32>
        %parallel_loop3A_1116 = arith.constant 0 : i32
        %parallel_loop3A_1117 = arith.constant 0 : i32
        %parallel_loop3A_1118 = tpu.memref_slice %arg11[%parallel_loop3A_856, %parallel_loop3A_1116, %parallel_loop3A_1117] : memref<5x40x128xf32, #tpu.memory_space<vmem>> -> memref<1x40x128xf32, #tpu.memory_space<vmem>>
        %parallel_loop3A_1119 = tpu.memref_squeeze %parallel_loop3A_1118 : memref<1x40x128xf32, #tpu.memory_space<vmem>> -> memref<40x128xf32, #tpu.memory_space<vmem>>
        %parallel_loop3A_1120 = arith.index_cast %parallel_loop3A_1085 : i32 to index
        %parallel_loop3A_1121 = arith.constant 16 : index
        %parallel_loop3A_1122 = tpu.vector_load %parallel_loop3A_1119[%parallel_loop3A_1120, %parallel_loop3A_1121] {strides = array<i32>} : memref<40x128xf32, #tpu.memory_space<vmem>>, vector<16xf32>,
        tpu.vector_store %parallel_loop3A_1119[%parallel_loop3A_1120, %parallel_loop3A_1121], %parallel_loop3A_1115 {strides = array<i32>} : memref<40x128xf32, #tpu.memory_space<vmem>>, vector<16xf32>,
        %parallel_loop3A_1123 = arith.constant 0 : i32
        %parallel_loop3A_1124 = arith.constant 0 : i32
        %parallel_loop3A_1125 = tpu.memref_slice %arg11[%parallel_loop3A_856, %parallel_loop3A_1123, %parallel_loop3A_1124] : memref<5x40x128xf32, #tpu.memory_space<vmem>> -> memref<1x40x128xf32, #tpu.memory_space<vmem>>
        %parallel_loop3A_1126 = tpu.memref_squeeze %parallel_loop3A_1125 : memref<1x40x128xf32, #tpu.memory_space<vmem>> -> memref<40x128xf32, #tpu.memory_space<vmem>>
        %parallel_loop3A_1127 = arith.index_cast %parallel_loop3A_1085 : i32 to index
        %parallel_loop3A_1128 = arith.constant 32 : index
        %parallel_loop3A_1129 = tpu.vector_load %parallel_loop3A_1126[%parallel_loop3A_1127, %parallel_loop3A_1128] {strides = array<i32>} : memref<40x128xf32, #tpu.memory_space<vmem>>, vector<16xf32>,
        %parallel_loop3A_1130 = arith.mulf %parallel_loop3A_1129, %parallel_loop3A_1092 : vector<16xf32>
        %parallel_loop3A_1131 = arith.constant 0 : i32
        %parallel_loop3A_1132 = arith.constant 0 : i32
        %parallel_loop3A_1133 = tpu.memref_slice %arg11[%parallel_loop3A_856, %parallel_loop3A_1131, %parallel_loop3A_1132] : memref<5x40x128xf32, #tpu.memory_space<vmem>> -> memref<1x40x128xf32, #tpu.memory_space<vmem>>
        %parallel_loop3A_1134 = tpu.memref_squeeze %parallel_loop3A_1133 : memref<1x40x128xf32, #tpu.memory_space<vmem>> -> memref<40x128xf32, #tpu.memory_space<vmem>>
        %parallel_loop3A_1135 = arith.index_cast %parallel_loop3A_1085 : i32 to index
        %parallel_loop3A_1136 = arith.constant 32 : index
        %parallel_loop3A_1137 = tpu.vector_load %parallel_loop3A_1134[%parallel_loop3A_1135, %parallel_loop3A_1136] {strides = array<i32>} : memref<40x128xf32, #tpu.memory_space<vmem>>, vector<16xf32>,
        tpu.vector_store %parallel_loop3A_1134[%parallel_loop3A_1135, %parallel_loop3A_1136], %parallel_loop3A_1130 {strides = array<i32>} : memref<40x128xf32, #tpu.memory_space<vmem>>, vector<16xf32>,
        %parallel_loop3A_1138 = arith.constant 0 : i32
        %parallel_loop3A_1139 = arith.constant 0 : i32
        %parallel_loop3A_1140 = tpu.memref_slice %arg11[%parallel_loop3A_856, %parallel_loop3A_1138, %parallel_loop3A_1139] : memref<5x40x128xf32, #tpu.memory_space<vmem>> -> memref<1x40x128xf32, #tpu.memory_space<vmem>>
        %parallel_loop3A_1141 = tpu.memref_squeeze %parallel_loop3A_1140 : memref<1x40x128xf32, #tpu.memory_space<vmem>> -> memref<40x128xf32, #tpu.memory_space<vmem>>
        %parallel_loop3A_1142 = arith.index_cast %parallel_loop3A_1085 : i32 to index
        %parallel_loop3A_1143 = arith.constant 48 : index
        %parallel_loop3A_1144 = tpu.vector_load %parallel_loop3A_1141[%parallel_loop3A_1142, %parallel_loop3A_1143] {strides = array<i32>} : memref<40x128xf32, #tpu.memory_space<vmem>>, vector<16xf32>,
        %parallel_loop3A_1145 = arith.mulf %parallel_loop3A_1144, %parallel_loop3A_1092 : vector<16xf32>
        %parallel_loop3A_1146 = arith.constant 0 : i32
        %parallel_loop3A_1147 = arith.constant 0 : i32
        %parallel_loop3A_1148 = tpu.memref_slice %arg11[%parallel_loop3A_856, %parallel_loop3A_1146, %parallel_loop3A_1147] : memref<5x40x128xf32, #tpu.memory_space<vmem>> -> memref<1x40x128xf32, #tpu.memory_space<vmem>>
        %parallel_loop3A_1149 = tpu.memref_squeeze %parallel_loop3A_1148 : memref<1x40x128xf32, #tpu.memory_space<vmem>> -> memref<40x128xf32, #tpu.memory_space<vmem>>
        %parallel_loop3A_1150 = arith.index_cast %parallel_loop3A_1085 : i32 to index
        %parallel_loop3A_1151 = arith.constant 48 : index
        %parallel_loop3A_1152 = tpu.vector_load %parallel_loop3A_1149[%parallel_loop3A_1150, %parallel_loop3A_1151] {strides = array<i32>} : memref<40x128xf32, #tpu.memory_space<vmem>>, vector<16xf32>,
        tpu.vector_store %parallel_loop3A_1149[%parallel_loop3A_1150, %parallel_loop3A_1151], %parallel_loop3A_1145 {strides = array<i32>} : memref<40x128xf32, #tpu.memory_space<vmem>>, vector<16xf32>,
        %parallel_loop3A_1153 = arith.constant 0 : i32
        %parallel_loop3A_1154 = arith.constant 0 : i32
        %parallel_loop3A_1155 = tpu.memref_slice %arg11[%parallel_loop3A_856, %parallel_loop3A_1153, %parallel_loop3A_1154] : memref<5x40x128xf32, #tpu.memory_space<vmem>> -> memref<1x40x128xf32, #tpu.memory_space<vmem>>
        %parallel_loop3A_1156 = tpu.memref_squeeze %parallel_loop3A_1155 : memref<1x40x128xf32, #tpu.memory_space<vmem>> -> memref<40x128xf32, #tpu.memory_space<vmem>>
        %parallel_loop3A_1157 = arith.index_cast %parallel_loop3A_1085 : i32 to index
        %parallel_loop3A_1158 = arith.constant 64 : index
        %parallel_loop3A_1159 = tpu.vector_load %parallel_loop3A_1156[%parallel_loop3A_1157, %parallel_loop3A_1158] {strides = array<i32>} : memref<40x128xf32, #tpu.memory_space<vmem>>, vector<16xf32>,
        %parallel_loop3A_1160 = arith.mulf %parallel_loop3A_1159, %parallel_loop3A_1092 : vector<16xf32>
        %parallel_loop3A_1161 = arith.constant 0 : i32
        %parallel_loop3A_1162 = arith.constant 0 : i32
        %parallel_loop3A_1163 = tpu.memref_slice %arg11[%parallel_loop3A_856, %parallel_loop3A_1161, %parallel_loop3A_1162] : memref<5x40x128xf32, #tpu.memory_space<vmem>> -> memref<1x40x128xf32, #tpu.memory_space<vmem>>
        %parallel_loop3A_1164 = tpu.memref_squeeze %parallel_loop3A_1163 : memref<1x40x128xf32, #tpu.memory_space<vmem>> -> memref<40x128xf32, #tpu.memory_space<vmem>>
        %parallel_loop3A_1165 = arith.index_cast %parallel_loop3A_1085 : i32 to index
        %parallel_loop3A_1166 = arith.constant 64 : index
        %parallel_loop3A_1167 = tpu.vector_load %parallel_loop3A_1164[%parallel_loop3A_1165, %parallel_loop3A_1166] {strides = array<i32>} : memref<40x128xf32, #tpu.memory_space<vmem>>, vector<16xf32>,
        tpu.vector_store %parallel_loop3A_1164[%parallel_loop3A_1165, %parallel_loop3A_1166], %parallel_loop3A_1160 {strides = array<i32>} : memref<40x128xf32, #tpu.memory_space<vmem>>, vector<16xf32>,
        %parallel_loop3A_1168 = arith.constant 0 : i32
        %parallel_loop3A_1169 = arith.constant 0 : i32
        %parallel_loop3A_1170 = tpu.memref_slice %arg11[%parallel_loop3A_856, %parallel_loop3A_1168, %parallel_loop3A_1169] : memref<5x40x128xf32, #tpu.memory_space<vmem>> -> memref<1x40x128xf32, #tpu.memory_space<vmem>>
        %parallel_loop3A_1171 = tpu.memref_squeeze %parallel_loop3A_1170 : memref<1x40x128xf32, #tpu.memory_space<vmem>> -> memref<40x128xf32, #tpu.memory_space<vmem>>
        %parallel_loop3A_1172 = arith.index_cast %parallel_loop3A_1085 : i32 to index
        %parallel_loop3A_1173 = arith.constant 80 : index
        %parallel_loop3A_1174 = tpu.vector_load %parallel_loop3A_1171[%parallel_loop3A_1172, %parallel_loop3A_1173] {strides = array<i32>} : memref<40x128xf32, #tpu.memory_space<vmem>>, vector<16xf32>,
        %parallel_loop3A_1175 = arith.mulf %parallel_loop3A_1174, %parallel_loop3A_1092 : vector<16xf32>
        %parallel_loop3A_1176 = arith.constant 0 : i32
        %parallel_loop3A_1177 = arith.constant 0 : i32
        %parallel_loop3A_1178 = tpu.memref_slice %arg11[%parallel_loop3A_856, %parallel_loop3A_1176, %parallel_loop3A_1177] : memref<5x40x128xf32, #tpu.memory_space<vmem>> -> memref<1x40x128xf32, #tpu.memory_space<vmem>>
        %parallel_loop3A_1179 = tpu.memref_squeeze %parallel_loop3A_1178 : memref<1x40x128xf32, #tpu.memory_space<vmem>> -> memref<40x128xf32, #tpu.memory_space<vmem>>
        %parallel_loop3A_1180 = arith.index_cast %parallel_loop3A_1085 : i32 to index
        %parallel_loop3A_1181 = arith.constant 80 : index
        %parallel_loop3A_1182 = tpu.vector_load %parallel_loop3A_1179[%parallel_loop3A_1180, %parallel_loop3A_1181] {strides = array<i32>} : memref<40x128xf32, #tpu.memory_space<vmem>>, vector<16xf32>,
        tpu.vector_store %parallel_loop3A_1179[%parallel_loop3A_1180, %parallel_loop3A_1181], %parallel_loop3A_1175 {strides = array<i32>} : memref<40x128xf32, #tpu.memory_space<vmem>>, vector<16xf32>,
        %parallel_loop3A_1183 = arith.constant 0 : i32
        %parallel_loop3A_1184 = arith.constant 0 : i32
        %parallel_loop3A_1185 = tpu.memref_slice %arg11[%parallel_loop3A_856, %parallel_loop3A_1183, %parallel_loop3A_1184] : memref<5x40x128xf32, #tpu.memory_space<vmem>> -> memref<1x40x128xf32, #tpu.memory_space<vmem>>
        %parallel_loop3A_1186 = tpu.memref_squeeze %parallel_loop3A_1185 : memref<1x40x128xf32, #tpu.memory_space<vmem>> -> memref<40x128xf32, #tpu.memory_space<vmem>>
        %parallel_loop3A_1187 = arith.index_cast %parallel_loop3A_1085 : i32 to index
        %parallel_loop3A_1188 = arith.constant 96 : index
        %parallel_loop3A_1189 = tpu.vector_load %parallel_loop3A_1186[%parallel_loop3A_1187, %parallel_loop3A_1188] {strides = array<i32>} : memref<40x128xf32, #tpu.memory_space<vmem>>, vector<16xf32>,
        %parallel_loop3A_1190 = arith.mulf %parallel_loop3A_1189, %parallel_loop3A_1092 : vector<16xf32>
        %parallel_loop3A_1191 = arith.constant 0 : i32
        %parallel_loop3A_1192 = arith.constant 0 : i32
        %parallel_loop3A_1193 = tpu.memref_slice %arg11[%parallel_loop3A_856, %parallel_loop3A_1191, %parallel_loop3A_1192] : memref<5x40x128xf32, #tpu.memory_space<vmem>> -> memref<1x40x128xf32, #tpu.memory_space<vmem>>
        %parallel_loop3A_1194 = tpu.memref_squeeze %parallel_loop3A_1193 : memref<1x40x128xf32, #tpu.memory_space<vmem>> -> memref<40x128xf32, #tpu.memory_space<vmem>>
        %parallel_loop3A_1195 = arith.index_cast %parallel_loop3A_1085 : i32 to index
        %parallel_loop3A_1196 = arith.constant 96 : index
        %parallel_loop3A_1197 = tpu.vector_load %parallel_loop3A_1194[%parallel_loop3A_1195, %parallel_loop3A_1196] {strides = array<i32>} : memref<40x128xf32, #tpu.memory_space<vmem>>, vector<16xf32>,
        tpu.vector_store %parallel_loop3A_1194[%parallel_loop3A_1195, %parallel_loop3A_1196], %parallel_loop3A_1190 {strides = array<i32>} : memref<40x128xf32, #tpu.memory_space<vmem>>, vector<16xf32>,
        %parallel_loop3A_1198 = arith.constant 0 : i32
        %parallel_loop3A_1199 = arith.constant 0 : i32
        %parallel_loop3A_1200 = tpu.memref_slice %arg11[%parallel_loop3A_856, %parallel_loop3A_1198, %parallel_loop3A_1199] : memref<5x40x128xf32, #tpu.memory_space<vmem>> -> memref<1x40x128xf32, #tpu.memory_space<vmem>>
        %parallel_loop3A_1201 = tpu.memref_squeeze %parallel_loop3A_1200 : memref<1x40x128xf32, #tpu.memory_space<vmem>> -> memref<40x128xf32, #tpu.memory_space<vmem>>
        %parallel_loop3A_1202 = arith.index_cast %parallel_loop3A_1085 : i32 to index
        %parallel_loop3A_1203 = arith.constant 112 : index
        %parallel_loop3A_1204 = tpu.vector_load %parallel_loop3A_1201[%parallel_loop3A_1202, %parallel_loop3A_1203] {strides = array<i32>} : memref<40x128xf32, #tpu.memory_space<vmem>>, vector<16xf32>,
        %parallel_loop3A_1205 = arith.mulf %parallel_loop3A_1204, %parallel_loop3A_1092 : vector<16xf32>
        %parallel_loop3A_1206 = arith.constant 0 : i32
        %parallel_loop3A_1207 = arith.constant 0 : i32
        %parallel_loop3A_1208 = tpu.memref_slice %arg11[%parallel_loop3A_856, %parallel_loop3A_1206, %parallel_loop3A_1207] : memref<5x40x128xf32, #tpu.memory_space<vmem>> -> memref<1x40x128xf32, #tpu.memory_space<vmem>>
        %parallel_loop3A_1209 = tpu.memref_squeeze %parallel_loop3A_1208 : memref<1x40x128xf32, #tpu.memory_space<vmem>> -> memref<40x128xf32, #tpu.memory_space<vmem>>
        %parallel_loop3A_1210 = arith.index_cast %parallel_loop3A_1085 : i32 to index
        %parallel_loop3A_1211 = arith.constant 112 : index
        %parallel_loop3A_1212 = tpu.vector_load %parallel_loop3A_1209[%parallel_loop3A_1210, %parallel_loop3A_1211] {strides = array<i32>} : memref<40x128xf32, #tpu.memory_space<vmem>>, vector<16xf32>,
        tpu.vector_store %parallel_loop3A_1209[%parallel_loop3A_1210, %parallel_loop3A_1211], %parallel_loop3A_1205 {strides = array<i32>} : memref<40x128xf32, #tpu.memory_space<vmem>>, vector<16xf32>,
      } {sc.loop_unroll_factor = 8 : i64, sc.parallel_access}
      %add3A_857 = arith.constant 2 : i32
      %add3A_858 = arith.addi %add3A_312, %add3A_857 : i32
      %add3A_859 = arith.constant 5 : i32
      %add3A_860 = arith.addi %add3A_858, %add3A_859 : i32
      %lt3A_861 = arith.constant 250 : i32
      %lt3A_862 = arith.cmpi slt, %add3A_860, %lt3A_861 : i32
      %convert_element_type3A_863 = arith.extui %lt3A_862 : i1 to i32
      %cond3A_864 = arith.constant 0 : i32
      %cond3A_865 = arith.cmpi ne, %convert_element_type3A_863, %cond3A_864 : i32
      scf.if %cond3A_865 {
        %add3A_1085 = arith.constant 2 : i32
        %add3A_1086 = arith.addi %add3A_312, %add3A_1085 : i32
        %add3A_1087 = arith.constant 5 : i32
        %add3A_1088 = arith.addi %add3A_1086, %add3A_1087 : i32
        %dma_start3A_1089 = arith.constant 2 : i32
        %dma_start3A_1090 = arith.constant 0 : i32
        %dma_start3A_1091 = tpu.memref_slice %arg10[%dma_start3A_1089, %dma_start3A_1090] : memref<5x40xf32, #tpu.memory_space<vmem>> -> memref<1x40xf32, #tpu.memory_space<vmem>>
        %dma_start3A_1092 = tpu.memref_squeeze %dma_start3A_1091 : memref<1x40xf32, #tpu.memory_space<vmem>> -> memref<40xf32, #tpu.memory_space<vmem>>
        %dma_start3A_1093 = arith.constant 0 : i32
        %dma_start3A_1094 = arith.constant 0 : i32
        %dma_start3A_1095 = tpu.memref_slice %arg5[%add3A, %dma_start3A_1093, %dma_start3A_1094] : memref<32x250x40xf32, #tpu.memory_space<hbm>> -> memref<1x250x40xf32, #tpu.memory_space<hbm>>
        %dma_start3A_1096 = tpu.memref_squeeze %dma_start3A_1095 : memref<1x250x40xf32, #tpu.memory_space<hbm>> -> memref<250x40xf32, #tpu.memory_space<hbm>>
        %dma_start3A_1097 = arith.constant 0 : i32
        %dma_start3A_1098 = tpu.memref_slice %dma_start3A_1096[%add3A_1088, %dma_start3A_1097] : memref<250x40xf32, #tpu.memory_space<hbm>> -> memref<1x40xf32, #tpu.memory_space<hbm>>
        %dma_start3A_1099 = tpu.memref_squeeze %dma_start3A_1098 : memref<1x40xf32, #tpu.memory_space<hbm>> -> memref<40xf32, #tpu.memory_space<hbm>>
        %dma_start3A_1100 = arith.constant 0 : i32
        %dma_start3A_1101 = tpu.memref_slice %arg10[%dma_start3A_1089, %dma_start3A_1100] : memref<5x40xf32, #tpu.memory_space<vmem>> -> memref<1x40xf32, #tpu.memory_space<vmem>>
        %dma_start3A_1102 = tpu.memref_squeeze %dma_start3A_1101 : memref<1x40xf32, #tpu.memory_space<vmem>> -> memref<40xf32, #tpu.memory_space<vmem>>
        %dma_start3A_1103 = arith.constant 0 : i32
        %dma_start3A_1104 = arith.constant 0 : i32
        %dma_start3A_1105 = tpu.memref_slice %arg5[%add3A, %dma_start3A_1103, %dma_start3A_1104] : memref<32x250x40xf32, #tpu.memory_space<hbm>> -> memref<1x250x40xf32, #tpu.memory_space<hbm>>
        %dma_start3A_1106 = tpu.memref_squeeze %dma_start3A_1105 : memref<1x250x40xf32, #tpu.memory_space<hbm>> -> memref<250x40xf32, #tpu.memory_space<hbm>>
        %dma_start3A_1107 = arith.constant 0 : i32
        %dma_start3A_1108 = tpu.memref_slice %dma_start3A_1106[%add3A_1088, %dma_start3A_1107] : memref<250x40xf32, #tpu.memory_space<hbm>> -> memref<1x40xf32, #tpu.memory_space<hbm>>
        %dma_start3A_1109 = tpu.memref_squeeze %dma_start3A_1108 : memref<1x40xf32, #tpu.memory_space<hbm>> -> memref<40xf32, #tpu.memory_space<hbm>>
        tpu.enqueue_dma source(%dma_start3A_1109 : memref<40xf32, #tpu.memory_space<hbm>>) target(%dma_start3A_1102 : memref<40xf32, #tpu.memory_space<vmem>>) target_semaphore(%arg35 : memref<!tpu.dma_semaphore, #tpu.memory_space<semaphore_mem>>)
      } else {
      }
      %dma_wait3A_866 = arith.constant 0 : i32
      %dma_wait3A_867 = arith.constant 0 : i32
      %dma_wait3A_868 = arith.constant 2 : i32
      %dma_wait3A_869 = arith.constant 0 : i32
      %dma_wait3A_870 = tpu.memref_slice %arg9[%dma_wait3A_868, %dma_wait3A_869] : memref<5x40xi32, #tpu.memory_space<vmem>> -> memref<1x40xi32, #tpu.memory_space<vmem>>
      %dma_wait3A_871 = tpu.memref_squeeze %dma_wait3A_870 : memref<1x40xi32, #tpu.memory_space<vmem>> -> memref<40xi32, #tpu.memory_space<vmem>>
      %dma_wait3A_872 = arith.constant 0 : i32
      %dma_wait3A_873 = arith.constant 0 : i32
      %dma_wait3A_874 = tpu.memref_slice %arg4[%dma_wait3A_866, %dma_wait3A_872, %dma_wait3A_873] : memref<32x250x40xi32, #tpu.memory_space<hbm>> -> memref<1x250x40xi32, #tpu.memory_space<hbm>>
      %dma_wait3A_875 = tpu.memref_squeeze %dma_wait3A_874 : memref<1x250x40xi32, #tpu.memory_space<hbm>> -> memref<250x40xi32, #tpu.memory_space<hbm>>
      %dma_wait3A_876 = arith.constant 0 : i32
      %dma_wait3A_877 = tpu.memref_slice %dma_wait3A_875[%dma_wait3A_867, %dma_wait3A_876] : memref<250x40xi32, #tpu.memory_space<hbm>> -> memref<1x40xi32, #tpu.memory_space<hbm>>
      %dma_wait3A_878 = tpu.memref_squeeze %dma_wait3A_877 : memref<1x40xi32, #tpu.memory_space<hbm>> -> memref<40xi32, #tpu.memory_space<hbm>>
      %dma_wait3A_879 = arith.constant 0 : i32
      %dma_wait3A_880 = tpu.memref_slice %arg9[%dma_wait3A_868, %dma_wait3A_879] : memref<5x40xi32, #tpu.memory_space<vmem>> -> memref<1x40xi32, #tpu.memory_space<vmem>>
      %dma_wait3A_881 = tpu.memref_squeeze %dma_wait3A_880 : memref<1x40xi32, #tpu.memory_space<vmem>> -> memref<40xi32, #tpu.memory_space<vmem>>
      %dma_wait3A_882 = arith.constant 0 : i32
      %dma_wait3A_883 = arith.constant 0 : i32
      %dma_wait3A_884 = tpu.memref_slice %arg4[%dma_wait3A_866, %dma_wait3A_882, %dma_wait3A_883] : memref<32x250x40xi32, #tpu.memory_space<hbm>> -> memref<1x250x40xi32, #tpu.memory_space<hbm>>
      %dma_wait3A_885 = tpu.memref_squeeze %dma_wait3A_884 : memref<1x250x40xi32, #tpu.memory_space<hbm>> -> memref<250x40xi32, #tpu.memory_space<hbm>>
      %dma_wait3A_886 = arith.constant 0 : i32
      %dma_wait3A_887 = tpu.memref_slice %dma_wait3A_885[%dma_wait3A_867, %dma_wait3A_886] : memref<250x40xi32, #tpu.memory_space<hbm>> -> memref<1x40xi32, #tpu.memory_space<hbm>>
      %dma_wait3A_888 = tpu.memref_squeeze %dma_wait3A_887 : memref<1x40xi32, #tpu.memory_space<hbm>> -> memref<40xi32, #tpu.memory_space<hbm>>
      tpu.wait_dma2 semaphore(%arg30 : memref<!tpu.dma_semaphore, #tpu.memory_space<semaphore_mem>>) src(%dma_wait3A_888 : memref<40xi32, #tpu.memory_space<hbm>>) dst(%dma_wait3A_881 : memref<40xi32, #tpu.memory_space<vmem>>)
      %dma_start3A_889 = arith.constant 2 : i32
      %dma_start3A_890 = arith.constant 2 : i32
      %dma_start3A_891 = arith.constant 0 : i32
      %dma_start3A_892 = arith.constant 0 : i32
      %dma_start3A_893 = tpu.memref_slice %arg11[%dma_start3A_889, %dma_start3A_891, %dma_start3A_892] : memref<5x40x128xf32, #tpu.memory_space<vmem>> -> memref<1x40x128xf32, #tpu.memory_space<vmem>>
      %dma_start3A_894 = tpu.memref_squeeze %dma_start3A_893 : memref<1x40x128xf32, #tpu.memory_space<vmem>> -> memref<40x128xf32, #tpu.memory_space<vmem>>
      %dma_start3A_895 = arith.constant 0 : i32
      %dma_start3A_896 = tpu.memref_slice %arg9[%dma_start3A_890, %dma_start3A_895] : memref<5x40xi32, #tpu.memory_space<vmem>> -> memref<1x40xi32, #tpu.memory_space<vmem>>
      %dma_start3A_897 = tpu.memref_squeeze %dma_start3A_896 : memref<1x40xi32, #tpu.memory_space<vmem>> -> memref<40xi32, #tpu.memory_space<vmem>>
      %dma_start3A_898 = arith.constant 0 : i32
      %dma_start3A_899 = arith.constant 0 : i32
      %dma_start3A_900 = tpu.memref_slice %arg12[%dma_start3A_898, %dma_start3A_899] : memref<10000x128xf32, #tpu.memory_space<vmem_shared>> -> memref<10000x128xf32, #tpu.memory_space<vmem_shared>>
      tpu.enqueue_indirect_dma source(%dma_start3A_894 : memref<40x128xf32, #tpu.memory_space<vmem>>) target(%dma_start3A_900 : memref<10000x128xf32, #tpu.memory_space<vmem_shared>>) offsets(%dma_start3A_897 : memref<40xi32, #tpu.memory_space<vmem>>) semaphore(%arg20 : memref<!tpu.dma_semaphore, #tpu.memory_space<semaphore_mem>>) {add = true}
      %dma_wait3A_901 = arith.constant 3 : i32
      %dma_wait3A_902 = arith.constant 3 : i32
      %dma_wait3A_903 = arith.constant 0 : i32
      %dma_wait3A_904 = arith.constant 0 : i32
      %dma_wait3A_905 = tpu.memref_slice %arg11[%dma_wait3A_902, %dma_wait3A_903, %dma_wait3A_904] : memref<5x40x128xf32, #tpu.memory_space<vmem>> -> memref<1x40x128xf32, #tpu.memory_space<vmem>>
      %dma_wait3A_906 = tpu.memref_squeeze %dma_wait3A_905 : memref<1x40x128xf32, #tpu.memory_space<vmem>> -> memref<40x128xf32, #tpu.memory_space<vmem>>
      %dma_wait3A_907 = arith.constant 0 : i32
      %dma_wait3A_908 = tpu.memref_slice %arg8[%dma_wait3A_901, %dma_wait3A_907] : memref<5x40xi32, #tpu.memory_space<vmem>> -> memref<1x40xi32, #tpu.memory_space<vmem>>
      %dma_wait3A_909 = tpu.memref_squeeze %dma_wait3A_908 : memref<1x40xi32, #tpu.memory_space<vmem>> -> memref<40xi32, #tpu.memory_space<vmem>>
      %dma_wait3A_910 = arith.constant 0 : i32
      %dma_wait3A_911 = arith.constant 0 : i32
      %dma_wait3A_912 = tpu.memref_slice %arg2[%dma_wait3A_910, %dma_wait3A_911] : memref<10000x128xf32, #tpu.memory_space<hbm>> -> memref<10000x128xf32, #tpu.memory_space<hbm>>
      tpu.wait_indirect_dma semaphore(%arg16 : memref<!tpu.dma_semaphore, #tpu.memory_space<semaphore_mem>>) src(%dma_wait3A_912 : memref<10000x128xf32, #tpu.memory_space<hbm>>) dst(%dma_wait3A_906 : memref<40x128xf32, #tpu.memory_space<vmem>>)
      %add3A_913 = arith.constant 3 : i32
      %add3A_914 = arith.addi %add3A_312, %add3A_913 : i32
      %add3A_915 = arith.constant 5 : i32
      %add3A_916 = arith.addi %add3A_914, %add3A_915 : i32
      %lt3A_917 = arith.constant 250 : i32
      %lt3A_918 = arith.cmpi slt, %add3A_916, %lt3A_917 : i32
      %convert_element_type3A_919 = arith.extui %lt3A_918 : i1 to i32
      %cond3A_920 = arith.constant 0 : i32
      %cond3A_921 = arith.cmpi ne, %convert_element_type3A_919, %cond3A_920 : i32
      scf.if %cond3A_921 {
        %add3A_1085 = arith.constant 3 : i32
        %add3A_1086 = arith.addi %add3A_312, %add3A_1085 : i32
        %add3A_1087 = arith.constant 5 : i32
        %add3A_1088 = arith.addi %add3A_1086, %add3A_1087 : i32
        %dma_start3A_1089 = arith.constant 3 : i32
        %dma_start3A_1090 = arith.constant 0 : i32
        %dma_start3A_1091 = tpu.memref_slice %arg8[%dma_start3A_1089, %dma_start3A_1090] : memref<5x40xi32, #tpu.memory_space<vmem>> -> memref<1x40xi32, #tpu.memory_space<vmem>>
        %dma_start3A_1092 = tpu.memref_squeeze %dma_start3A_1091 : memref<1x40xi32, #tpu.memory_space<vmem>> -> memref<40xi32, #tpu.memory_space<vmem>>
        %dma_start3A_1093 = arith.constant 0 : i32
        %dma_start3A_1094 = arith.constant 0 : i32
        %dma_start3A_1095 = tpu.memref_slice %arg3[%add3A, %dma_start3A_1093, %dma_start3A_1094] : memref<32x250x40xi32, #tpu.memory_space<hbm>> -> memref<1x250x40xi32, #tpu.memory_space<hbm>>
        %dma_start3A_1096 = tpu.memref_squeeze %dma_start3A_1095 : memref<1x250x40xi32, #tpu.memory_space<hbm>> -> memref<250x40xi32, #tpu.memory_space<hbm>>
        %dma_start3A_1097 = arith.constant 0 : i32
        %dma_start3A_1098 = tpu.memref_slice %dma_start3A_1096[%add3A_1088, %dma_start3A_1097] : memref<250x40xi32, #tpu.memory_space<hbm>> -> memref<1x40xi32, #tpu.memory_space<hbm>>
        %dma_start3A_1099 = tpu.memref_squeeze %dma_start3A_1098 : memref<1x40xi32, #tpu.memory_space<hbm>> -> memref<40xi32, #tpu.memory_space<hbm>>
        %dma_start3A_1100 = arith.constant 0 : i32
        %dma_start3A_1101 = tpu.memref_slice %arg8[%dma_start3A_1089, %dma_start3A_1100] : memref<5x40xi32, #tpu.memory_space<vmem>> -> memref<1x40xi32, #tpu.memory_space<vmem>>
        %dma_start3A_1102 = tpu.memref_squeeze %dma_start3A_1101 : memref<1x40xi32, #tpu.memory_space<vmem>> -> memref<40xi32, #tpu.memory_space<vmem>>
        %dma_start3A_1103 = arith.constant 0 : i32
        %dma_start3A_1104 = arith.constant 0 : i32
        %dma_start3A_1105 = tpu.memref_slice %arg3[%add3A, %dma_start3A_1103, %dma_start3A_1104] : memref<32x250x40xi32, #tpu.memory_space<hbm>> -> memref<1x250x40xi32, #tpu.memory_space<hbm>>
        %dma_start3A_1106 = tpu.memref_squeeze %dma_start3A_1105 : memref<1x250x40xi32, #tpu.memory_space<hbm>> -> memref<250x40xi32, #tpu.memory_space<hbm>>
        %dma_start3A_1107 = arith.constant 0 : i32
        %dma_start3A_1108 = tpu.memref_slice %dma_start3A_1106[%add3A_1088, %dma_start3A_1107] : memref<250x40xi32, #tpu.memory_space<hbm>> -> memref<1x40xi32, #tpu.memory_space<hbm>>
        %dma_start3A_1109 = tpu.memref_squeeze %dma_start3A_1108 : memref<1x40xi32, #tpu.memory_space<hbm>> -> memref<40xi32, #tpu.memory_space<hbm>>
        tpu.enqueue_dma source(%dma_start3A_1109 : memref<40xi32, #tpu.memory_space<hbm>>) target(%dma_start3A_1102 : memref<40xi32, #tpu.memory_space<vmem>>) target_semaphore(%arg26 : memref<!tpu.dma_semaphore, #tpu.memory_space<semaphore_mem>>)
      } else {
      }
      %dma_wait3A_922 = arith.constant 0 : i32
      %dma_wait3A_923 = arith.constant 0 : i32
      %dma_wait3A_924 = arith.constant 3 : i32
      %dma_wait3A_925 = arith.constant 0 : i32
      %dma_wait3A_926 = tpu.memref_slice %arg10[%dma_wait3A_924, %dma_wait3A_925] : memref<5x40xf32, #tpu.memory_space<vmem>> -> memref<1x40xf32, #tpu.memory_space<vmem>>
      %dma_wait3A_927 = tpu.memref_squeeze %dma_wait3A_926 : memref<1x40xf32, #tpu.memory_space<vmem>> -> memref<40xf32, #tpu.memory_space<vmem>>
      %dma_wait3A_928 = arith.constant 0 : i32
      %dma_wait3A_929 = arith.constant 0 : i32
      %dma_wait3A_930 = tpu.memref_slice %arg5[%dma_wait3A_922, %dma_wait3A_928, %dma_wait3A_929] : memref<32x250x40xf32, #tpu.memory_space<hbm>> -> memref<1x250x40xf32, #tpu.memory_space<hbm>>
      %dma_wait3A_931 = tpu.memref_squeeze %dma_wait3A_930 : memref<1x250x40xf32, #tpu.memory_space<hbm>> -> memref<250x40xf32, #tpu.memory_space<hbm>>
      %dma_wait3A_932 = arith.constant 0 : i32
      %dma_wait3A_933 = tpu.memref_slice %dma_wait3A_931[%dma_wait3A_923, %dma_wait3A_932] : memref<250x40xf32, #tpu.memory_space<hbm>> -> memref<1x40xf32, #tpu.memory_space<hbm>>
      %dma_wait3A_934 = tpu.memref_squeeze %dma_wait3A_933 : memref<1x40xf32, #tpu.memory_space<hbm>> -> memref<40xf32, #tpu.memory_space<hbm>>
      %dma_wait3A_935 = arith.constant 0 : i32
      %dma_wait3A_936 = tpu.memref_slice %arg10[%dma_wait3A_924, %dma_wait3A_935] : memref<5x40xf32, #tpu.memory_space<vmem>> -> memref<1x40xf32, #tpu.memory_space<vmem>>
      %dma_wait3A_937 = tpu.memref_squeeze %dma_wait3A_936 : memref<1x40xf32, #tpu.memory_space<vmem>> -> memref<40xf32, #tpu.memory_space<vmem>>
      %dma_wait3A_938 = arith.constant 0 : i32
      %dma_wait3A_939 = arith.constant 0 : i32
      %dma_wait3A_940 = tpu.memref_slice %arg5[%dma_wait3A_922, %dma_wait3A_938, %dma_wait3A_939] : memref<32x250x40xf32, #tpu.memory_space<hbm>> -> memref<1x250x40xf32, #tpu.memory_space<hbm>>
      %dma_wait3A_941 = tpu.memref_squeeze %dma_wait3A_940 : memref<1x250x40xf32, #tpu.memory_space<hbm>> -> memref<250x40xf32, #tpu.memory_space<hbm>>
      %dma_wait3A_942 = arith.constant 0 : i32
      %dma_wait3A_943 = tpu.memref_slice %dma_wait3A_941[%dma_wait3A_923, %dma_wait3A_942] : memref<250x40xf32, #tpu.memory_space<hbm>> -> memref<1x40xf32, #tpu.memory_space<hbm>>
      %dma_wait3A_944 = tpu.memref_squeeze %dma_wait3A_943 : memref<1x40xf32, #tpu.memory_space<hbm>> -> memref<40xf32, #tpu.memory_space<hbm>>
      tpu.wait_dma2 semaphore(%arg36 : memref<!tpu.dma_semaphore, #tpu.memory_space<semaphore_mem>>) src(%dma_wait3A_944 : memref<40xf32, #tpu.memory_space<hbm>>) dst(%dma_wait3A_937 : memref<40xf32, #tpu.memory_space<vmem>>)
      %parallel_loop3A_945 = arith.constant 0 : i32
      %parallel_loop3A_946 = arith.constant 40 : i32
      %parallel_loop3A_947 = arith.constant 1 : i32
      %parallel_loop3A_948 = arith.constant 3 : i32
      scf.for %parallel_loop3A_1085 = %parallel_loop3A_945 to %parallel_loop3A_946 step %parallel_loop3A_947  : i32 {
        %parallel_loop3A_1086 = arith.constant 3 : i32
        %parallel_loop3A_1087 = vector.broadcast %parallel_loop3A_1086 : i32 to vector<16xi32>
        %parallel_loop3A_1088 = arith.constant 0 : i32
        %parallel_loop3A_1089 = vector.broadcast %parallel_loop3A_1088 : i32 to vector<16xi32>
        %parallel_loop3A_1090 = vector.broadcast %parallel_loop3A_1085 : i32 to vector<16xi32>
        %parallel_loop3A_1091 = arith.addi %parallel_loop3A_1089, %parallel_loop3A_1090 : vector<16xi32>
        %parallel_loop3A_1092 = tpu.vector_load_idx %arg10[%parallel_loop3A_1087, %parallel_loop3A_1091] : memref<5x40xf32, #tpu.memory_space<vmem>>[vector<16xi32>, vector<16xi32>], vector<16xf32>,
        %parallel_loop3A_1093 = arith.constant 0 : i32
        %parallel_loop3A_1094 = arith.constant 0 : i32
        %parallel_loop3A_1095 = tpu.memref_slice %arg11[%parallel_loop3A_948, %parallel_loop3A_1093, %parallel_loop3A_1094] : memref<5x40x128xf32, #tpu.memory_space<vmem>> -> memref<1x40x128xf32, #tpu.memory_space<vmem>>
        %parallel_loop3A_1096 = tpu.memref_squeeze %parallel_loop3A_1095 : memref<1x40x128xf32, #tpu.memory_space<vmem>> -> memref<40x128xf32, #tpu.memory_space<vmem>>
        %parallel_loop3A_1097 = arith.index_cast %parallel_loop3A_1085 : i32 to index
        %parallel_loop3A_1098 = arith.constant 0 : index
        %parallel_loop3A_1099 = tpu.vector_load %parallel_loop3A_1096[%parallel_loop3A_1097, %parallel_loop3A_1098] {strides = array<i32>} : memref<40x128xf32, #tpu.memory_space<vmem>>, vector<16xf32>,
        %parallel_loop3A_1100 = arith.mulf %parallel_loop3A_1099, %parallel_loop3A_1092 : vector<16xf32>
        %parallel_loop3A_1101 = arith.constant 0 : i32
        %parallel_loop3A_1102 = arith.constant 0 : i32
        %parallel_loop3A_1103 = tpu.memref_slice %arg11[%parallel_loop3A_948, %parallel_loop3A_1101, %parallel_loop3A_1102] : memref<5x40x128xf32, #tpu.memory_space<vmem>> -> memref<1x40x128xf32, #tpu.memory_space<vmem>>
        %parallel_loop3A_1104 = tpu.memref_squeeze %parallel_loop3A_1103 : memref<1x40x128xf32, #tpu.memory_space<vmem>> -> memref<40x128xf32, #tpu.memory_space<vmem>>
        %parallel_loop3A_1105 = arith.index_cast %parallel_loop3A_1085 : i32 to index
        %parallel_loop3A_1106 = arith.constant 0 : index
        %parallel_loop3A_1107 = tpu.vector_load %parallel_loop3A_1104[%parallel_loop3A_1105, %parallel_loop3A_1106] {strides = array<i32>} : memref<40x128xf32, #tpu.memory_space<vmem>>, vector<16xf32>,
        tpu.vector_store %parallel_loop3A_1104[%parallel_loop3A_1105, %parallel_loop3A_1106], %parallel_loop3A_1100 {strides = array<i32>} : memref<40x128xf32, #tpu.memory_space<vmem>>, vector<16xf32>,
        %parallel_loop3A_1108 = arith.constant 0 : i32
        %parallel_loop3A_1109 = arith.constant 0 : i32
        %parallel_loop3A_1110 = tpu.memref_slice %arg11[%parallel_loop3A_948, %parallel_loop3A_1108, %parallel_loop3A_1109] : memref<5x40x128xf32, #tpu.memory_space<vmem>> -> memref<1x40x128xf32, #tpu.memory_space<vmem>>
        %parallel_loop3A_1111 = tpu.memref_squeeze %parallel_loop3A_1110 : memref<1x40x128xf32, #tpu.memory_space<vmem>> -> memref<40x128xf32, #tpu.memory_space<vmem>>
        %parallel_loop3A_1112 = arith.index_cast %parallel_loop3A_1085 : i32 to index
        %parallel_loop3A_1113 = arith.constant 16 : index
        %parallel_loop3A_1114 = tpu.vector_load %parallel_loop3A_1111[%parallel_loop3A_1112, %parallel_loop3A_1113] {strides = array<i32>} : memref<40x128xf32, #tpu.memory_space<vmem>>, vector<16xf32>,
        %parallel_loop3A_1115 = arith.mulf %parallel_loop3A_1114, %parallel_loop3A_1092 : vector<16xf32>
        %parallel_loop3A_1116 = arith.constant 0 : i32
        %parallel_loop3A_1117 = arith.constant 0 : i32
        %parallel_loop3A_1118 = tpu.memref_slice %arg11[%parallel_loop3A_948, %parallel_loop3A_1116, %parallel_loop3A_1117] : memref<5x40x128xf32, #tpu.memory_space<vmem>> -> memref<1x40x128xf32, #tpu.memory_space<vmem>>
        %parallel_loop3A_1119 = tpu.memref_squeeze %parallel_loop3A_1118 : memref<1x40x128xf32, #tpu.memory_space<vmem>> -> memref<40x128xf32, #tpu.memory_space<vmem>>
        %parallel_loop3A_1120 = arith.index_cast %parallel_loop3A_1085 : i32 to index
        %parallel_loop3A_1121 = arith.constant 16 : index
        %parallel_loop3A_1122 = tpu.vector_load %parallel_loop3A_1119[%parallel_loop3A_1120, %parallel_loop3A_1121] {strides = array<i32>} : memref<40x128xf32, #tpu.memory_space<vmem>>, vector<16xf32>,
        tpu.vector_store %parallel_loop3A_1119[%parallel_loop3A_1120, %parallel_loop3A_1121], %parallel_loop3A_1115 {strides = array<i32>} : memref<40x128xf32, #tpu.memory_space<vmem>>, vector<16xf32>,
        %parallel_loop3A_1123 = arith.constant 0 : i32
        %parallel_loop3A_1124 = arith.constant 0 : i32
        %parallel_loop3A_1125 = tpu.memref_slice %arg11[%parallel_loop3A_948, %parallel_loop3A_1123, %parallel_loop3A_1124] : memref<5x40x128xf32, #tpu.memory_space<vmem>> -> memref<1x40x128xf32, #tpu.memory_space<vmem>>
        %parallel_loop3A_1126 = tpu.memref_squeeze %parallel_loop3A_1125 : memref<1x40x128xf32, #tpu.memory_space<vmem>> -> memref<40x128xf32, #tpu.memory_space<vmem>>
        %parallel_loop3A_1127 = arith.index_cast %parallel_loop3A_1085 : i32 to index
        %parallel_loop3A_1128 = arith.constant 32 : index
        %parallel_loop3A_1129 = tpu.vector_load %parallel_loop3A_1126[%parallel_loop3A_1127, %parallel_loop3A_1128] {strides = array<i32>} : memref<40x128xf32, #tpu.memory_space<vmem>>, vector<16xf32>,
        %parallel_loop3A_1130 = arith.mulf %parallel_loop3A_1129, %parallel_loop3A_1092 : vector<16xf32>
        %parallel_loop3A_1131 = arith.constant 0 : i32
        %parallel_loop3A_1132 = arith.constant 0 : i32
        %parallel_loop3A_1133 = tpu.memref_slice %arg11[%parallel_loop3A_948, %parallel_loop3A_1131, %parallel_loop3A_1132] : memref<5x40x128xf32, #tpu.memory_space<vmem>> -> memref<1x40x128xf32, #tpu.memory_space<vmem>>
        %parallel_loop3A_1134 = tpu.memref_squeeze %parallel_loop3A_1133 : memref<1x40x128xf32, #tpu.memory_space<vmem>> -> memref<40x128xf32, #tpu.memory_space<vmem>>
        %parallel_loop3A_1135 = arith.index_cast %parallel_loop3A_1085 : i32 to index
        %parallel_loop3A_1136 = arith.constant 32 : index
        %parallel_loop3A_1137 = tpu.vector_load %parallel_loop3A_1134[%parallel_loop3A_1135, %parallel_loop3A_1136] {strides = array<i32>} : memref<40x128xf32, #tpu.memory_space<vmem>>, vector<16xf32>,
        tpu.vector_store %parallel_loop3A_1134[%parallel_loop3A_1135, %parallel_loop3A_1136], %parallel_loop3A_1130 {strides = array<i32>} : memref<40x128xf32, #tpu.memory_space<vmem>>, vector<16xf32>,
        %parallel_loop3A_1138 = arith.constant 0 : i32
        %parallel_loop3A_1139 = arith.constant 0 : i32
        %parallel_loop3A_1140 = tpu.memref_slice %arg11[%parallel_loop3A_948, %parallel_loop3A_1138, %parallel_loop3A_1139] : memref<5x40x128xf32, #tpu.memory_space<vmem>> -> memref<1x40x128xf32, #tpu.memory_space<vmem>>
        %parallel_loop3A_1141 = tpu.memref_squeeze %parallel_loop3A_1140 : memref<1x40x128xf32, #tpu.memory_space<vmem>> -> memref<40x128xf32, #tpu.memory_space<vmem>>
        %parallel_loop3A_1142 = arith.index_cast %parallel_loop3A_1085 : i32 to index
        %parallel_loop3A_1143 = arith.constant 48 : index
        %parallel_loop3A_1144 = tpu.vector_load %parallel_loop3A_1141[%parallel_loop3A_1142, %parallel_loop3A_1143] {strides = array<i32>} : memref<40x128xf32, #tpu.memory_space<vmem>>, vector<16xf32>,
        %parallel_loop3A_1145 = arith.mulf %parallel_loop3A_1144, %parallel_loop3A_1092 : vector<16xf32>
        %parallel_loop3A_1146 = arith.constant 0 : i32
        %parallel_loop3A_1147 = arith.constant 0 : i32
        %parallel_loop3A_1148 = tpu.memref_slice %arg11[%parallel_loop3A_948, %parallel_loop3A_1146, %parallel_loop3A_1147] : memref<5x40x128xf32, #tpu.memory_space<vmem>> -> memref<1x40x128xf32, #tpu.memory_space<vmem>>
        %parallel_loop3A_1149 = tpu.memref_squeeze %parallel_loop3A_1148 : memref<1x40x128xf32, #tpu.memory_space<vmem>> -> memref<40x128xf32, #tpu.memory_space<vmem>>
        %parallel_loop3A_1150 = arith.index_cast %parallel_loop3A_1085 : i32 to index
        %parallel_loop3A_1151 = arith.constant 48 : index
        %parallel_loop3A_1152 = tpu.vector_load %parallel_loop3A_1149[%parallel_loop3A_1150, %parallel_loop3A_1151] {strides = array<i32>} : memref<40x128xf32, #tpu.memory_space<vmem>>, vector<16xf32>,
        tpu.vector_store %parallel_loop3A_1149[%parallel_loop3A_1150, %parallel_loop3A_1151], %parallel_loop3A_1145 {strides = array<i32>} : memref<40x128xf32, #tpu.memory_space<vmem>>, vector<16xf32>,
        %parallel_loop3A_1153 = arith.constant 0 : i32
        %parallel_loop3A_1154 = arith.constant 0 : i32
        %parallel_loop3A_1155 = tpu.memref_slice %arg11[%parallel_loop3A_948, %parallel_loop3A_1153, %parallel_loop3A_1154] : memref<5x40x128xf32, #tpu.memory_space<vmem>> -> memref<1x40x128xf32, #tpu.memory_space<vmem>>
        %parallel_loop3A_1156 = tpu.memref_squeeze %parallel_loop3A_1155 : memref<1x40x128xf32, #tpu.memory_space<vmem>> -> memref<40x128xf32, #tpu.memory_space<vmem>>
        %parallel_loop3A_1157 = arith.index_cast %parallel_loop3A_1085 : i32 to index
        %parallel_loop3A_1158 = arith.constant 64 : index
        %parallel_loop3A_1159 = tpu.vector_load %parallel_loop3A_1156[%parallel_loop3A_1157, %parallel_loop3A_1158] {strides = array<i32>} : memref<40x128xf32, #tpu.memory_space<vmem>>, vector<16xf32>,
        %parallel_loop3A_1160 = arith.mulf %parallel_loop3A_1159, %parallel_loop3A_1092 : vector<16xf32>
        %parallel_loop3A_1161 = arith.constant 0 : i32
        %parallel_loop3A_1162 = arith.constant 0 : i32
        %parallel_loop3A_1163 = tpu.memref_slice %arg11[%parallel_loop3A_948, %parallel_loop3A_1161, %parallel_loop3A_1162] : memref<5x40x128xf32, #tpu.memory_space<vmem>> -> memref<1x40x128xf32, #tpu.memory_space<vmem>>
        %parallel_loop3A_1164 = tpu.memref_squeeze %parallel_loop3A_1163 : memref<1x40x128xf32, #tpu.memory_space<vmem>> -> memref<40x128xf32, #tpu.memory_space<vmem>>
        %parallel_loop3A_1165 = arith.index_cast %parallel_loop3A_1085 : i32 to index
        %parallel_loop3A_1166 = arith.constant 64 : index
        %parallel_loop3A_1167 = tpu.vector_load %parallel_loop3A_1164[%parallel_loop3A_1165, %parallel_loop3A_1166] {strides = array<i32>} : memref<40x128xf32, #tpu.memory_space<vmem>>, vector<16xf32>,
        tpu.vector_store %parallel_loop3A_1164[%parallel_loop3A_1165, %parallel_loop3A_1166], %parallel_loop3A_1160 {strides = array<i32>} : memref<40x128xf32, #tpu.memory_space<vmem>>, vector<16xf32>,
        %parallel_loop3A_1168 = arith.constant 0 : i32
        %parallel_loop3A_1169 = arith.constant 0 : i32
        %parallel_loop3A_1170 = tpu.memref_slice %arg11[%parallel_loop3A_948, %parallel_loop3A_1168, %parallel_loop3A_1169] : memref<5x40x128xf32, #tpu.memory_space<vmem>> -> memref<1x40x128xf32, #tpu.memory_space<vmem>>
        %parallel_loop3A_1171 = tpu.memref_squeeze %parallel_loop3A_1170 : memref<1x40x128xf32, #tpu.memory_space<vmem>> -> memref<40x128xf32, #tpu.memory_space<vmem>>
        %parallel_loop3A_1172 = arith.index_cast %parallel_loop3A_1085 : i32 to index
        %parallel_loop3A_1173 = arith.constant 80 : index
        %parallel_loop3A_1174 = tpu.vector_load %parallel_loop3A_1171[%parallel_loop3A_1172, %parallel_loop3A_1173] {strides = array<i32>} : memref<40x128xf32, #tpu.memory_space<vmem>>, vector<16xf32>,
        %parallel_loop3A_1175 = arith.mulf %parallel_loop3A_1174, %parallel_loop3A_1092 : vector<16xf32>
        %parallel_loop3A_1176 = arith.constant 0 : i32
        %parallel_loop3A_1177 = arith.constant 0 : i32
        %parallel_loop3A_1178 = tpu.memref_slice %arg11[%parallel_loop3A_948, %parallel_loop3A_1176, %parallel_loop3A_1177] : memref<5x40x128xf32, #tpu.memory_space<vmem>> -> memref<1x40x128xf32, #tpu.memory_space<vmem>>
        %parallel_loop3A_1179 = tpu.memref_squeeze %parallel_loop3A_1178 : memref<1x40x128xf32, #tpu.memory_space<vmem>> -> memref<40x128xf32, #tpu.memory_space<vmem>>
        %parallel_loop3A_1180 = arith.index_cast %parallel_loop3A_1085 : i32 to index
        %parallel_loop3A_1181 = arith.constant 80 : index
        %parallel_loop3A_1182 = tpu.vector_load %parallel_loop3A_1179[%parallel_loop3A_1180, %parallel_loop3A_1181] {strides = array<i32>} : memref<40x128xf32, #tpu.memory_space<vmem>>, vector<16xf32>,
        tpu.vector_store %parallel_loop3A_1179[%parallel_loop3A_1180, %parallel_loop3A_1181], %parallel_loop3A_1175 {strides = array<i32>} : memref<40x128xf32, #tpu.memory_space<vmem>>, vector<16xf32>,
        %parallel_loop3A_1183 = arith.constant 0 : i32
        %parallel_loop3A_1184 = arith.constant 0 : i32
        %parallel_loop3A_1185 = tpu.memref_slice %arg11[%parallel_loop3A_948, %parallel_loop3A_1183, %parallel_loop3A_1184] : memref<5x40x128xf32, #tpu.memory_space<vmem>> -> memref<1x40x128xf32, #tpu.memory_space<vmem>>
        %parallel_loop3A_1186 = tpu.memref_squeeze %parallel_loop3A_1185 : memref<1x40x128xf32, #tpu.memory_space<vmem>> -> memref<40x128xf32, #tpu.memory_space<vmem>>
        %parallel_loop3A_1187 = arith.index_cast %parallel_loop3A_1085 : i32 to index
        %parallel_loop3A_1188 = arith.constant 96 : index
        %parallel_loop3A_1189 = tpu.vector_load %parallel_loop3A_1186[%parallel_loop3A_1187, %parallel_loop3A_1188] {strides = array<i32>} : memref<40x128xf32, #tpu.memory_space<vmem>>, vector<16xf32>,
        %parallel_loop3A_1190 = arith.mulf %parallel_loop3A_1189, %parallel_loop3A_1092 : vector<16xf32>
        %parallel_loop3A_1191 = arith.constant 0 : i32
        %parallel_loop3A_1192 = arith.constant 0 : i32
        %parallel_loop3A_1193 = tpu.memref_slice %arg11[%parallel_loop3A_948, %parallel_loop3A_1191, %parallel_loop3A_1192] : memref<5x40x128xf32, #tpu.memory_space<vmem>> -> memref<1x40x128xf32, #tpu.memory_space<vmem>>
        %parallel_loop3A_1194 = tpu.memref_squeeze %parallel_loop3A_1193 : memref<1x40x128xf32, #tpu.memory_space<vmem>> -> memref<40x128xf32, #tpu.memory_space<vmem>>
        %parallel_loop3A_1195 = arith.index_cast %parallel_loop3A_1085 : i32 to index
        %parallel_loop3A_1196 = arith.constant 96 : index
        %parallel_loop3A_1197 = tpu.vector_load %parallel_loop3A_1194[%parallel_loop3A_1195, %parallel_loop3A_1196] {strides = array<i32>} : memref<40x128xf32, #tpu.memory_space<vmem>>, vector<16xf32>,
        tpu.vector_store %parallel_loop3A_1194[%parallel_loop3A_1195, %parallel_loop3A_1196], %parallel_loop3A_1190 {strides = array<i32>} : memref<40x128xf32, #tpu.memory_space<vmem>>, vector<16xf32>,
        %parallel_loop3A_1198 = arith.constant 0 : i32
        %parallel_loop3A_1199 = arith.constant 0 : i32
        %parallel_loop3A_1200 = tpu.memref_slice %arg11[%parallel_loop3A_948, %parallel_loop3A_1198, %parallel_loop3A_1199] : memref<5x40x128xf32, #tpu.memory_space<vmem>> -> memref<1x40x128xf32, #tpu.memory_space<vmem>>
        %parallel_loop3A_1201 = tpu.memref_squeeze %parallel_loop3A_1200 : memref<1x40x128xf32, #tpu.memory_space<vmem>> -> memref<40x128xf32, #tpu.memory_space<vmem>>
        %parallel_loop3A_1202 = arith.index_cast %parallel_loop3A_1085 : i32 to index
        %parallel_loop3A_1203 = arith.constant 112 : index
        %parallel_loop3A_1204 = tpu.vector_load %parallel_loop3A_1201[%parallel_loop3A_1202, %parallel_loop3A_1203] {strides = array<i32>} : memref<40x128xf32, #tpu.memory_space<vmem>>, vector<16xf32>,
        %parallel_loop3A_1205 = arith.mulf %parallel_loop3A_1204, %parallel_loop3A_1092 : vector<16xf32>
        %parallel_loop3A_1206 = arith.constant 0 : i32
        %parallel_loop3A_1207 = arith.constant 0 : i32
        %parallel_loop3A_1208 = tpu.memref_slice %arg11[%parallel_loop3A_948, %parallel_loop3A_1206, %parallel_loop3A_1207] : memref<5x40x128xf32, #tpu.memory_space<vmem>> -> memref<1x40x128xf32, #tpu.memory_space<vmem>>
        %parallel_loop3A_1209 = tpu.memref_squeeze %parallel_loop3A_1208 : memref<1x40x128xf32, #tpu.memory_space<vmem>> -> memref<40x128xf32, #tpu.memory_space<vmem>>
        %parallel_loop3A_1210 = arith.index_cast %parallel_loop3A_1085 : i32 to index
        %parallel_loop3A_1211 = arith.constant 112 : index
        %parallel_loop3A_1212 = tpu.vector_load %parallel_loop3A_1209[%parallel_loop3A_1210, %parallel_loop3A_1211] {strides = array<i32>} : memref<40x128xf32, #tpu.memory_space<vmem>>, vector<16xf32>,
        tpu.vector_store %parallel_loop3A_1209[%parallel_loop3A_1210, %parallel_loop3A_1211], %parallel_loop3A_1205 {strides = array<i32>} : memref<40x128xf32, #tpu.memory_space<vmem>>, vector<16xf32>,
      } {sc.loop_unroll_factor = 8 : i64, sc.parallel_access}
      %add3A_949 = arith.constant 3 : i32
      %add3A_950 = arith.addi %add3A_312, %add3A_949 : i32
      %add3A_951 = arith.constant 5 : i32
      %add3A_952 = arith.addi %add3A_950, %add3A_951 : i32
      %lt3A_953 = arith.constant 250 : i32
      %lt3A_954 = arith.cmpi slt, %add3A_952, %lt3A_953 : i32
      %convert_element_type3A_955 = arith.extui %lt3A_954 : i1 to i32
      %cond3A_956 = arith.constant 0 : i32
      %cond3A_957 = arith.cmpi ne, %convert_element_type3A_955, %cond3A_956 : i32
      scf.if %cond3A_957 {
        %add3A_1085 = arith.constant 3 : i32
        %add3A_1086 = arith.addi %add3A_312, %add3A_1085 : i32
        %add3A_1087 = arith.constant 5 : i32
        %add3A_1088 = arith.addi %add3A_1086, %add3A_1087 : i32
        %dma_start3A_1089 = arith.constant 3 : i32
        %dma_start3A_1090 = arith.constant 0 : i32
        %dma_start3A_1091 = tpu.memref_slice %arg10[%dma_start3A_1089, %dma_start3A_1090] : memref<5x40xf32, #tpu.memory_space<vmem>> -> memref<1x40xf32, #tpu.memory_space<vmem>>
        %dma_start3A_1092 = tpu.memref_squeeze %dma_start3A_1091 : memref<1x40xf32, #tpu.memory_space<vmem>> -> memref<40xf32, #tpu.memory_space<vmem>>
        %dma_start3A_1093 = arith.constant 0 : i32
        %dma_start3A_1094 = arith.constant 0 : i32
        %dma_start3A_1095 = tpu.memref_slice %arg5[%add3A, %dma_start3A_1093, %dma_start3A_1094] : memref<32x250x40xf32, #tpu.memory_space<hbm>> -> memref<1x250x40xf32, #tpu.memory_space<hbm>>
        %dma_start3A_1096 = tpu.memref_squeeze %dma_start3A_1095 : memref<1x250x40xf32, #tpu.memory_space<hbm>> -> memref<250x40xf32, #tpu.memory_space<hbm>>
        %dma_start3A_1097 = arith.constant 0 : i32
        %dma_start3A_1098 = tpu.memref_slice %dma_start3A_1096[%add3A_1088, %dma_start3A_1097] : memref<250x40xf32, #tpu.memory_space<hbm>> -> memref<1x40xf32, #tpu.memory_space<hbm>>
        %dma_start3A_1099 = tpu.memref_squeeze %dma_start3A_1098 : memref<1x40xf32, #tpu.memory_space<hbm>> -> memref<40xf32, #tpu.memory_space<hbm>>
        %dma_start3A_1100 = arith.constant 0 : i32
        %dma_start3A_1101 = tpu.memref_slice %arg10[%dma_start3A_1089, %dma_start3A_1100] : memref<5x40xf32, #tpu.memory_space<vmem>> -> memref<1x40xf32, #tpu.memory_space<vmem>>
        %dma_start3A_1102 = tpu.memref_squeeze %dma_start3A_1101 : memref<1x40xf32, #tpu.memory_space<vmem>> -> memref<40xf32, #tpu.memory_space<vmem>>
        %dma_start3A_1103 = arith.constant 0 : i32
        %dma_start3A_1104 = arith.constant 0 : i32
        %dma_start3A_1105 = tpu.memref_slice %arg5[%add3A, %dma_start3A_1103, %dma_start3A_1104] : memref<32x250x40xf32, #tpu.memory_space<hbm>> -> memref<1x250x40xf32, #tpu.memory_space<hbm>>
        %dma_start3A_1106 = tpu.memref_squeeze %dma_start3A_1105 : memref<1x250x40xf32, #tpu.memory_space<hbm>> -> memref<250x40xf32, #tpu.memory_space<hbm>>
        %dma_start3A_1107 = arith.constant 0 : i32
        %dma_start3A_1108 = tpu.memref_slice %dma_start3A_1106[%add3A_1088, %dma_start3A_1107] : memref<250x40xf32, #tpu.memory_space<hbm>> -> memref<1x40xf32, #tpu.memory_space<hbm>>
        %dma_start3A_1109 = tpu.memref_squeeze %dma_start3A_1108 : memref<1x40xf32, #tpu.memory_space<hbm>> -> memref<40xf32, #tpu.memory_space<hbm>>
        tpu.enqueue_dma source(%dma_start3A_1109 : memref<40xf32, #tpu.memory_space<hbm>>) target(%dma_start3A_1102 : memref<40xf32, #tpu.memory_space<vmem>>) target_semaphore(%arg36 : memref<!tpu.dma_semaphore, #tpu.memory_space<semaphore_mem>>)
      } else {
      }
      %dma_wait3A_958 = arith.constant 0 : i32
      %dma_wait3A_959 = arith.constant 0 : i32
      %dma_wait3A_960 = arith.constant 3 : i32
      %dma_wait3A_961 = arith.constant 0 : i32
      %dma_wait3A_962 = tpu.memref_slice %arg9[%dma_wait3A_960, %dma_wait3A_961] : memref<5x40xi32, #tpu.memory_space<vmem>> -> memref<1x40xi32, #tpu.memory_space<vmem>>
      %dma_wait3A_963 = tpu.memref_squeeze %dma_wait3A_962 : memref<1x40xi32, #tpu.memory_space<vmem>> -> memref<40xi32, #tpu.memory_space<vmem>>
      %dma_wait3A_964 = arith.constant 0 : i32
      %dma_wait3A_965 = arith.constant 0 : i32
      %dma_wait3A_966 = tpu.memref_slice %arg4[%dma_wait3A_958, %dma_wait3A_964, %dma_wait3A_965] : memref<32x250x40xi32, #tpu.memory_space<hbm>> -> memref<1x250x40xi32, #tpu.memory_space<hbm>>
      %dma_wait3A_967 = tpu.memref_squeeze %dma_wait3A_966 : memref<1x250x40xi32, #tpu.memory_space<hbm>> -> memref<250x40xi32, #tpu.memory_space<hbm>>
      %dma_wait3A_968 = arith.constant 0 : i32
      %dma_wait3A_969 = tpu.memref_slice %dma_wait3A_967[%dma_wait3A_959, %dma_wait3A_968] : memref<250x40xi32, #tpu.memory_space<hbm>> -> memref<1x40xi32, #tpu.memory_space<hbm>>
      %dma_wait3A_970 = tpu.memref_squeeze %dma_wait3A_969 : memref<1x40xi32, #tpu.memory_space<hbm>> -> memref<40xi32, #tpu.memory_space<hbm>>
      %dma_wait3A_971 = arith.constant 0 : i32
      %dma_wait3A_972 = tpu.memref_slice %arg9[%dma_wait3A_960, %dma_wait3A_971] : memref<5x40xi32, #tpu.memory_space<vmem>> -> memref<1x40xi32, #tpu.memory_space<vmem>>
      %dma_wait3A_973 = tpu.memref_squeeze %dma_wait3A_972 : memref<1x40xi32, #tpu.memory_space<vmem>> -> memref<40xi32, #tpu.memory_space<vmem>>
      %dma_wait3A_974 = arith.constant 0 : i32
      %dma_wait3A_975 = arith.constant 0 : i32
      %dma_wait3A_976 = tpu.memref_slice %arg4[%dma_wait3A_958, %dma_wait3A_974, %dma_wait3A_975] : memref<32x250x40xi32, #tpu.memory_space<hbm>> -> memref<1x250x40xi32, #tpu.memory_space<hbm>>
      %dma_wait3A_977 = tpu.memref_squeeze %dma_wait3A_976 : memref<1x250x40xi32, #tpu.memory_space<hbm>> -> memref<250x40xi32, #tpu.memory_space<hbm>>
      %dma_wait3A_978 = arith.constant 0 : i32
      %dma_wait3A_979 = tpu.memref_slice %dma_wait3A_977[%dma_wait3A_959, %dma_wait3A_978] : memref<250x40xi32, #tpu.memory_space<hbm>> -> memref<1x40xi32, #tpu.memory_space<hbm>>
      %dma_wait3A_980 = tpu.memref_squeeze %dma_wait3A_979 : memref<1x40xi32, #tpu.memory_space<hbm>> -> memref<40xi32, #tpu.memory_space<hbm>>
      tpu.wait_dma2 semaphore(%arg31 : memref<!tpu.dma_semaphore, #tpu.memory_space<semaphore_mem>>) src(%dma_wait3A_980 : memref<40xi32, #tpu.memory_space<hbm>>) dst(%dma_wait3A_973 : memref<40xi32, #tpu.memory_space<vmem>>)
      %dma_start3A_981 = arith.constant 3 : i32
      %dma_start3A_982 = arith.constant 3 : i32
      %dma_start3A_983 = arith.constant 0 : i32
      %dma_start3A_984 = arith.constant 0 : i32
      %dma_start3A_985 = tpu.memref_slice %arg11[%dma_start3A_981, %dma_start3A_983, %dma_start3A_984] : memref<5x40x128xf32, #tpu.memory_space<vmem>> -> memref<1x40x128xf32, #tpu.memory_space<vmem>>
      %dma_start3A_986 = tpu.memref_squeeze %dma_start3A_985 : memref<1x40x128xf32, #tpu.memory_space<vmem>> -> memref<40x128xf32, #tpu.memory_space<vmem>>
      %dma_start3A_987 = arith.constant 0 : i32
      %dma_start3A_988 = tpu.memref_slice %arg9[%dma_start3A_982, %dma_start3A_987] : memref<5x40xi32, #tpu.memory_space<vmem>> -> memref<1x40xi32, #tpu.memory_space<vmem>>
      %dma_start3A_989 = tpu.memref_squeeze %dma_start3A_988 : memref<1x40xi32, #tpu.memory_space<vmem>> -> memref<40xi32, #tpu.memory_space<vmem>>
      %dma_start3A_990 = arith.constant 0 : i32
      %dma_start3A_991 = arith.constant 0 : i32
      %dma_start3A_992 = tpu.memref_slice %arg12[%dma_start3A_990, %dma_start3A_991] : memref<10000x128xf32, #tpu.memory_space<vmem_shared>> -> memref<10000x128xf32, #tpu.memory_space<vmem_shared>>
      tpu.enqueue_indirect_dma source(%dma_start3A_986 : memref<40x128xf32, #tpu.memory_space<vmem>>) target(%dma_start3A_992 : memref<10000x128xf32, #tpu.memory_space<vmem_shared>>) offsets(%dma_start3A_989 : memref<40xi32, #tpu.memory_space<vmem>>) semaphore(%arg21 : memref<!tpu.dma_semaphore, #tpu.memory_space<semaphore_mem>>) {add = true}
      %dma_wait3A_993 = arith.constant 4 : i32
      %dma_wait3A_994 = arith.constant 4 : i32
      %dma_wait3A_995 = arith.constant 0 : i32
      %dma_wait3A_996 = arith.constant 0 : i32
      %dma_wait3A_997 = tpu.memref_slice %arg11[%dma_wait3A_994, %dma_wait3A_995, %dma_wait3A_996] : memref<5x40x128xf32, #tpu.memory_space<vmem>> -> memref<1x40x128xf32, #tpu.memory_space<vmem>>
      %dma_wait3A_998 = tpu.memref_squeeze %dma_wait3A_997 : memref<1x40x128xf32, #tpu.memory_space<vmem>> -> memref<40x128xf32, #tpu.memory_space<vmem>>
      %dma_wait3A_999 = arith.constant 0 : i32
      %dma_wait3A_1000 = tpu.memref_slice %arg8[%dma_wait3A_993, %dma_wait3A_999] : memref<5x40xi32, #tpu.memory_space<vmem>> -> memref<1x40xi32, #tpu.memory_space<vmem>>
      %dma_wait3A_1001 = tpu.memref_squeeze %dma_wait3A_1000 : memref<1x40xi32, #tpu.memory_space<vmem>> -> memref<40xi32, #tpu.memory_space<vmem>>
      %dma_wait3A_1002 = arith.constant 0 : i32
      %dma_wait3A_1003 = arith.constant 0 : i32
      %dma_wait3A_1004 = tpu.memref_slice %arg2[%dma_wait3A_1002, %dma_wait3A_1003] : memref<10000x128xf32, #tpu.memory_space<hbm>> -> memref<10000x128xf32, #tpu.memory_space<hbm>>
      tpu.wait_indirect_dma semaphore(%arg17 : memref<!tpu.dma_semaphore, #tpu.memory_space<semaphore_mem>>) src(%dma_wait3A_1004 : memref<10000x128xf32, #tpu.memory_space<hbm>>) dst(%dma_wait3A_998 : memref<40x128xf32, #tpu.memory_space<vmem>>)
      %add3A_1005 = arith.constant 4 : i32
      %add3A_1006 = arith.addi %add3A_312, %add3A_1005 : i32
      %add3A_1007 = arith.constant 5 : i32
      %add3A_1008 = arith.addi %add3A_1006, %add3A_1007 : i32
      %lt3A_1009 = arith.constant 250 : i32
      %lt3A_1010 = arith.cmpi slt, %add3A_1008, %lt3A_1009 : i32
      %convert_element_type3A_1011 = arith.extui %lt3A_1010 : i1 to i32
      %cond3A_1012 = arith.constant 0 : i32
      %cond3A_1013 = arith.cmpi ne, %convert_element_type3A_1011, %cond3A_1012 : i32
      scf.if %cond3A_1013 {
        %add3A_1085 = arith.constant 4 : i32
        %add3A_1086 = arith.addi %add3A_312, %add3A_1085 : i32
        %add3A_1087 = arith.constant 5 : i32
        %add3A_1088 = arith.addi %add3A_1086, %add3A_1087 : i32
        %dma_start3A_1089 = arith.constant 4 : i32
        %dma_start3A_1090 = arith.constant 0 : i32
        %dma_start3A_1091 = tpu.memref_slice %arg8[%dma_start3A_1089, %dma_start3A_1090] : memref<5x40xi32, #tpu.memory_space<vmem>> -> memref<1x40xi32, #tpu.memory_space<vmem>>
        %dma_start3A_1092 = tpu.memref_squeeze %dma_start3A_1091 : memref<1x40xi32, #tpu.memory_space<vmem>> -> memref<40xi32, #tpu.memory_space<vmem>>
        %dma_start3A_1093 = arith.constant 0 : i32
        %dma_start3A_1094 = arith.constant 0 : i32
        %dma_start3A_1095 = tpu.memref_slice %arg3[%add3A, %dma_start3A_1093, %dma_start3A_1094] : memref<32x250x40xi32, #tpu.memory_space<hbm>> -> memref<1x250x40xi32, #tpu.memory_space<hbm>>
        %dma_start3A_1096 = tpu.memref_squeeze %dma_start3A_1095 : memref<1x250x40xi32, #tpu.memory_space<hbm>> -> memref<250x40xi32, #tpu.memory_space<hbm>>
        %dma_start3A_1097 = arith.constant 0 : i32
        %dma_start3A_1098 = tpu.memref_slice %dma_start3A_1096[%add3A_1088, %dma_start3A_1097] : memref<250x40xi32, #tpu.memory_space<hbm>> -> memref<1x40xi32, #tpu.memory_space<hbm>>
        %dma_start3A_1099 = tpu.memref_squeeze %dma_start3A_1098 : memref<1x40xi32, #tpu.memory_space<hbm>> -> memref<40xi32, #tpu.memory_space<hbm>>
        %dma_start3A_1100 = arith.constant 0 : i32
        %dma_start3A_1101 = tpu.memref_slice %arg8[%dma_start3A_1089, %dma_start3A_1100] : memref<5x40xi32, #tpu.memory_space<vmem>> -> memref<1x40xi32, #tpu.memory_space<vmem>>
        %dma_start3A_1102 = tpu.memref_squeeze %dma_start3A_1101 : memref<1x40xi32, #tpu.memory_space<vmem>> -> memref<40xi32, #tpu.memory_space<vmem>>
        %dma_start3A_1103 = arith.constant 0 : i32
        %dma_start3A_1104 = arith.constant 0 : i32
        %dma_start3A_1105 = tpu.memref_slice %arg3[%add3A, %dma_start3A_1103, %dma_start3A_1104] : memref<32x250x40xi32, #tpu.memory_space<hbm>> -> memref<1x250x40xi32, #tpu.memory_space<hbm>>
        %dma_start3A_1106 = tpu.memref_squeeze %dma_start3A_1105 : memref<1x250x40xi32, #tpu.memory_space<hbm>> -> memref<250x40xi32, #tpu.memory_space<hbm>>
        %dma_start3A_1107 = arith.constant 0 : i32
        %dma_start3A_1108 = tpu.memref_slice %dma_start3A_1106[%add3A_1088, %dma_start3A_1107] : memref<250x40xi32, #tpu.memory_space<hbm>> -> memref<1x40xi32, #tpu.memory_space<hbm>>
        %dma_start3A_1109 = tpu.memref_squeeze %dma_start3A_1108 : memref<1x40xi32, #tpu.memory_space<hbm>> -> memref<40xi32, #tpu.memory_space<hbm>>
        tpu.enqueue_dma source(%dma_start3A_1109 : memref<40xi32, #tpu.memory_space<hbm>>) target(%dma_start3A_1102 : memref<40xi32, #tpu.memory_space<vmem>>) target_semaphore(%arg27 : memref<!tpu.dma_semaphore, #tpu.memory_space<semaphore_mem>>)
      } else {
      }
      %dma_wait3A_1014 = arith.constant 0 : i32
      %dma_wait3A_1015 = arith.constant 0 : i32
      %dma_wait3A_1016 = arith.constant 4 : i32
      %dma_wait3A_1017 = arith.constant 0 : i32
      %dma_wait3A_1018 = tpu.memref_slice %arg10[%dma_wait3A_1016, %dma_wait3A_1017] : memref<5x40xf32, #tpu.memory_space<vmem>> -> memref<1x40xf32, #tpu.memory_space<vmem>>
      %dma_wait3A_1019 = tpu.memref_squeeze %dma_wait3A_1018 : memref<1x40xf32, #tpu.memory_space<vmem>> -> memref<40xf32, #tpu.memory_space<vmem>>
      %dma_wait3A_1020 = arith.constant 0 : i32
      %dma_wait3A_1021 = arith.constant 0 : i32
      %dma_wait3A_1022 = tpu.memref_slice %arg5[%dma_wait3A_1014, %dma_wait3A_1020, %dma_wait3A_1021] : memref<32x250x40xf32, #tpu.memory_space<hbm>> -> memref<1x250x40xf32, #tpu.memory_space<hbm>>
      %dma_wait3A_1023 = tpu.memref_squeeze %dma_wait3A_1022 : memref<1x250x40xf32, #tpu.memory_space<hbm>> -> memref<250x40xf32, #tpu.memory_space<hbm>>
      %dma_wait3A_1024 = arith.constant 0 : i32
      %dma_wait3A_1025 = tpu.memref_slice %dma_wait3A_1023[%dma_wait3A_1015, %dma_wait3A_1024] : memref<250x40xf32, #tpu.memory_space<hbm>> -> memref<1x40xf32, #tpu.memory_space<hbm>>
      %dma_wait3A_1026 = tpu.memref_squeeze %dma_wait3A_1025 : memref<1x40xf32, #tpu.memory_space<hbm>> -> memref<40xf32, #tpu.memory_space<hbm>>
      %dma_wait3A_1027 = arith.constant 0 : i32
      %dma_wait3A_1028 = tpu.memref_slice %arg10[%dma_wait3A_1016, %dma_wait3A_1027] : memref<5x40xf32, #tpu.memory_space<vmem>> -> memref<1x40xf32, #tpu.memory_space<vmem>>
      %dma_wait3A_1029 = tpu.memref_squeeze %dma_wait3A_1028 : memref<1x40xf32, #tpu.memory_space<vmem>> -> memref<40xf32, #tpu.memory_space<vmem>>
      %dma_wait3A_1030 = arith.constant 0 : i32
      %dma_wait3A_1031 = arith.constant 0 : i32
      %dma_wait3A_1032 = tpu.memref_slice %arg5[%dma_wait3A_1014, %dma_wait3A_1030, %dma_wait3A_1031] : memref<32x250x40xf32, #tpu.memory_space<hbm>> -> memref<1x250x40xf32, #tpu.memory_space<hbm>>
      %dma_wait3A_1033 = tpu.memref_squeeze %dma_wait3A_1032 : memref<1x250x40xf32, #tpu.memory_space<hbm>> -> memref<250x40xf32, #tpu.memory_space<hbm>>
      %dma_wait3A_1034 = arith.constant 0 : i32
      %dma_wait3A_1035 = tpu.memref_slice %dma_wait3A_1033[%dma_wait3A_1015, %dma_wait3A_1034] : memref<250x40xf32, #tpu.memory_space<hbm>> -> memref<1x40xf32, #tpu.memory_space<hbm>>
      %dma_wait3A_1036 = tpu.memref_squeeze %dma_wait3A_1035 : memref<1x40xf32, #tpu.memory_space<hbm>> -> memref<40xf32, #tpu.memory_space<hbm>>
      tpu.wait_dma2 semaphore(%arg37 : memref<!tpu.dma_semaphore, #tpu.memory_space<semaphore_mem>>) src(%dma_wait3A_1036 : memref<40xf32, #tpu.memory_space<hbm>>) dst(%dma_wait3A_1029 : memref<40xf32, #tpu.memory_space<vmem>>)
      %parallel_loop3A_1037 = arith.constant 0 : i32
      %parallel_loop3A_1038 = arith.constant 40 : i32
      %parallel_loop3A_1039 = arith.constant 1 : i32
      %parallel_loop3A_1040 = arith.constant 4 : i32
      scf.for %parallel_loop3A_1085 = %parallel_loop3A_1037 to %parallel_loop3A_1038 step %parallel_loop3A_1039  : i32 {
        %parallel_loop3A_1086 = arith.constant 4 : i32
        %parallel_loop3A_1087 = vector.broadcast %parallel_loop3A_1086 : i32 to vector<16xi32>
        %parallel_loop3A_1088 = arith.constant 0 : i32
        %parallel_loop3A_1089 = vector.broadcast %parallel_loop3A_1088 : i32 to vector<16xi32>
        %parallel_loop3A_1090 = vector.broadcast %parallel_loop3A_1085 : i32 to vector<16xi32>
        %parallel_loop3A_1091 = arith.addi %parallel_loop3A_1089, %parallel_loop3A_1090 : vector<16xi32>
        %parallel_loop3A_1092 = tpu.vector_load_idx %arg10[%parallel_loop3A_1087, %parallel_loop3A_1091] : memref<5x40xf32, #tpu.memory_space<vmem>>[vector<16xi32>, vector<16xi32>], vector<16xf32>,
        %parallel_loop3A_1093 = arith.constant 0 : i32
        %parallel_loop3A_1094 = arith.constant 0 : i32
        %parallel_loop3A_1095 = tpu.memref_slice %arg11[%parallel_loop3A_1040, %parallel_loop3A_1093, %parallel_loop3A_1094] : memref<5x40x128xf32, #tpu.memory_space<vmem>> -> memref<1x40x128xf32, #tpu.memory_space<vmem>>
        %parallel_loop3A_1096 = tpu.memref_squeeze %parallel_loop3A_1095 : memref<1x40x128xf32, #tpu.memory_space<vmem>> -> memref<40x128xf32, #tpu.memory_space<vmem>>
        %parallel_loop3A_1097 = arith.index_cast %parallel_loop3A_1085 : i32 to index
        %parallel_loop3A_1098 = arith.constant 0 : index
        %parallel_loop3A_1099 = tpu.vector_load %parallel_loop3A_1096[%parallel_loop3A_1097, %parallel_loop3A_1098] {strides = array<i32>} : memref<40x128xf32, #tpu.memory_space<vmem>>, vector<16xf32>,
        %parallel_loop3A_1100 = arith.mulf %parallel_loop3A_1099, %parallel_loop3A_1092 : vector<16xf32>
        %parallel_loop3A_1101 = arith.constant 0 : i32
        %parallel_loop3A_1102 = arith.constant 0 : i32
        %parallel_loop3A_1103 = tpu.memref_slice %arg11[%parallel_loop3A_1040, %parallel_loop3A_1101, %parallel_loop3A_1102] : memref<5x40x128xf32, #tpu.memory_space<vmem>> -> memref<1x40x128xf32, #tpu.memory_space<vmem>>
        %parallel_loop3A_1104 = tpu.memref_squeeze %parallel_loop3A_1103 : memref<1x40x128xf32, #tpu.memory_space<vmem>> -> memref<40x128xf32, #tpu.memory_space<vmem>>
        %parallel_loop3A_1105 = arith.index_cast %parallel_loop3A_1085 : i32 to index
        %parallel_loop3A_1106 = arith.constant 0 : index
        %parallel_loop3A_1107 = tpu.vector_load %parallel_loop3A_1104[%parallel_loop3A_1105, %parallel_loop3A_1106] {strides = array<i32>} : memref<40x128xf32, #tpu.memory_space<vmem>>, vector<16xf32>,
        tpu.vector_store %parallel_loop3A_1104[%parallel_loop3A_1105, %parallel_loop3A_1106], %parallel_loop3A_1100 {strides = array<i32>} : memref<40x128xf32, #tpu.memory_space<vmem>>, vector<16xf32>,
        %parallel_loop3A_1108 = arith.constant 0 : i32
        %parallel_loop3A_1109 = arith.constant 0 : i32
        %parallel_loop3A_1110 = tpu.memref_slice %arg11[%parallel_loop3A_1040, %parallel_loop3A_1108, %parallel_loop3A_1109] : memref<5x40x128xf32, #tpu.memory_space<vmem>> -> memref<1x40x128xf32, #tpu.memory_space<vmem>>
        %parallel_loop3A_1111 = tpu.memref_squeeze %parallel_loop3A_1110 : memref<1x40x128xf32, #tpu.memory_space<vmem>> -> memref<40x128xf32, #tpu.memory_space<vmem>>
        %parallel_loop3A_1112 = arith.index_cast %parallel_loop3A_1085 : i32 to index
        %parallel_loop3A_1113 = arith.constant 16 : index
        %parallel_loop3A_1114 = tpu.vector_load %parallel_loop3A_1111[%parallel_loop3A_1112, %parallel_loop3A_1113] {strides = array<i32>} : memref<40x128xf32, #tpu.memory_space<vmem>>, vector<16xf32>,
        %parallel_loop3A_1115 = arith.mulf %parallel_loop3A_1114, %parallel_loop3A_1092 : vector<16xf32>
        %parallel_loop3A_1116 = arith.constant 0 : i32
        %parallel_loop3A_1117 = arith.constant 0 : i32
        %parallel_loop3A_1118 = tpu.memref_slice %arg11[%parallel_loop3A_1040, %parallel_loop3A_1116, %parallel_loop3A_1117] : memref<5x40x128xf32, #tpu.memory_space<vmem>> -> memref<1x40x128xf32, #tpu.memory_space<vmem>>
        %parallel_loop3A_1119 = tpu.memref_squeeze %parallel_loop3A_1118 : memref<1x40x128xf32, #tpu.memory_space<vmem>> -> memref<40x128xf32, #tpu.memory_space<vmem>>
        %parallel_loop3A_1120 = arith.index_cast %parallel_loop3A_1085 : i32 to index
        %parallel_loop3A_1121 = arith.constant 16 : index
        %parallel_loop3A_1122 = tpu.vector_load %parallel_loop3A_1119[%parallel_loop3A_1120, %parallel_loop3A_1121] {strides = array<i32>} : memref<40x128xf32, #tpu.memory_space<vmem>>, vector<16xf32>,
        tpu.vector_store %parallel_loop3A_1119[%parallel_loop3A_1120, %parallel_loop3A_1121], %parallel_loop3A_1115 {strides = array<i32>} : memref<40x128xf32, #tpu.memory_space<vmem>>, vector<16xf32>,
        %parallel_loop3A_1123 = arith.constant 0 : i32
        %parallel_loop3A_1124 = arith.constant 0 : i32
        %parallel_loop3A_1125 = tpu.memref_slice %arg11[%parallel_loop3A_1040, %parallel_loop3A_1123, %parallel_loop3A_1124] : memref<5x40x128xf32, #tpu.memory_space<vmem>> -> memref<1x40x128xf32, #tpu.memory_space<vmem>>
        %parallel_loop3A_1126 = tpu.memref_squeeze %parallel_loop3A_1125 : memref<1x40x128xf32, #tpu.memory_space<vmem>> -> memref<40x128xf32, #tpu.memory_space<vmem>>
        %parallel_loop3A_1127 = arith.index_cast %parallel_loop3A_1085 : i32 to index
        %parallel_loop3A_1128 = arith.constant 32 : index
        %parallel_loop3A_1129 = tpu.vector_load %parallel_loop3A_1126[%parallel_loop3A_1127, %parallel_loop3A_1128] {strides = array<i32>} : memref<40x128xf32, #tpu.memory_space<vmem>>, vector<16xf32>,
        %parallel_loop3A_1130 = arith.mulf %parallel_loop3A_1129, %parallel_loop3A_1092 : vector<16xf32>
        %parallel_loop3A_1131 = arith.constant 0 : i32
        %parallel_loop3A_1132 = arith.constant 0 : i32
        %parallel_loop3A_1133 = tpu.memref_slice %arg11[%parallel_loop3A_1040, %parallel_loop3A_1131, %parallel_loop3A_1132] : memref<5x40x128xf32, #tpu.memory_space<vmem>> -> memref<1x40x128xf32, #tpu.memory_space<vmem>>
        %parallel_loop3A_1134 = tpu.memref_squeeze %parallel_loop3A_1133 : memref<1x40x128xf32, #tpu.memory_space<vmem>> -> memref<40x128xf32, #tpu.memory_space<vmem>>
        %parallel_loop3A_1135 = arith.index_cast %parallel_loop3A_1085 : i32 to index
        %parallel_loop3A_1136 = arith.constant 32 : index
        %parallel_loop3A_1137 = tpu.vector_load %parallel_loop3A_1134[%parallel_loop3A_1135, %parallel_loop3A_1136] {strides = array<i32>} : memref<40x128xf32, #tpu.memory_space<vmem>>, vector<16xf32>,
        tpu.vector_store %parallel_loop3A_1134[%parallel_loop3A_1135, %parallel_loop3A_1136], %parallel_loop3A_1130 {strides = array<i32>} : memref<40x128xf32, #tpu.memory_space<vmem>>, vector<16xf32>,
        %parallel_loop3A_1138 = arith.constant 0 : i32
        %parallel_loop3A_1139 = arith.constant 0 : i32
        %parallel_loop3A_1140 = tpu.memref_slice %arg11[%parallel_loop3A_1040, %parallel_loop3A_1138, %parallel_loop3A_1139] : memref<5x40x128xf32, #tpu.memory_space<vmem>> -> memref<1x40x128xf32, #tpu.memory_space<vmem>>
        %parallel_loop3A_1141 = tpu.memref_squeeze %parallel_loop3A_1140 : memref<1x40x128xf32, #tpu.memory_space<vmem>> -> memref<40x128xf32, #tpu.memory_space<vmem>>
        %parallel_loop3A_1142 = arith.index_cast %parallel_loop3A_1085 : i32 to index
        %parallel_loop3A_1143 = arith.constant 48 : index
        %parallel_loop3A_1144 = tpu.vector_load %parallel_loop3A_1141[%parallel_loop3A_1142, %parallel_loop3A_1143] {strides = array<i32>} : memref<40x128xf32, #tpu.memory_space<vmem>>, vector<16xf32>,
        %parallel_loop3A_1145 = arith.mulf %parallel_loop3A_1144, %parallel_loop3A_1092 : vector<16xf32>
        %parallel_loop3A_1146 = arith.constant 0 : i32
        %parallel_loop3A_1147 = arith.constant 0 : i32
        %parallel_loop3A_1148 = tpu.memref_slice %arg11[%parallel_loop3A_1040, %parallel_loop3A_1146, %parallel_loop3A_1147] : memref<5x40x128xf32, #tpu.memory_space<vmem>> -> memref<1x40x128xf32, #tpu.memory_space<vmem>>
        %parallel_loop3A_1149 = tpu.memref_squeeze %parallel_loop3A_1148 : memref<1x40x128xf32, #tpu.memory_space<vmem>> -> memref<40x128xf32, #tpu.memory_space<vmem>>
        %parallel_loop3A_1150 = arith.index_cast %parallel_loop3A_1085 : i32 to index
        %parallel_loop3A_1151 = arith.constant 48 : index
        %parallel_loop3A_1152 = tpu.vector_load %parallel_loop3A_1149[%parallel_loop3A_1150, %parallel_loop3A_1151] {strides = array<i32>} : memref<40x128xf32, #tpu.memory_space<vmem>>, vector<16xf32>,
        tpu.vector_store %parallel_loop3A_1149[%parallel_loop3A_1150, %parallel_loop3A_1151], %parallel_loop3A_1145 {strides = array<i32>} : memref<40x128xf32, #tpu.memory_space<vmem>>, vector<16xf32>,
        %parallel_loop3A_1153 = arith.constant 0 : i32
        %parallel_loop3A_1154 = arith.constant 0 : i32
        %parallel_loop3A_1155 = tpu.memref_slice %arg11[%parallel_loop3A_1040, %parallel_loop3A_1153, %parallel_loop3A_1154] : memref<5x40x128xf32, #tpu.memory_space<vmem>> -> memref<1x40x128xf32, #tpu.memory_space<vmem>>
        %parallel_loop3A_1156 = tpu.memref_squeeze %parallel_loop3A_1155 : memref<1x40x128xf32, #tpu.memory_space<vmem>> -> memref<40x128xf32, #tpu.memory_space<vmem>>
        %parallel_loop3A_1157 = arith.index_cast %parallel_loop3A_1085 : i32 to index
        %parallel_loop3A_1158 = arith.constant 64 : index
        %parallel_loop3A_1159 = tpu.vector_load %parallel_loop3A_1156[%parallel_loop3A_1157, %parallel_loop3A_1158] {strides = array<i32>} : memref<40x128xf32, #tpu.memory_space<vmem>>, vector<16xf32>,
        %parallel_loop3A_1160 = arith.mulf %parallel_loop3A_1159, %parallel_loop3A_1092 : vector<16xf32>
        %parallel_loop3A_1161 = arith.constant 0 : i32
        %parallel_loop3A_1162 = arith.constant 0 : i32
        %parallel_loop3A_1163 = tpu.memref_slice %arg11[%parallel_loop3A_1040, %parallel_loop3A_1161, %parallel_loop3A_1162] : memref<5x40x128xf32, #tpu.memory_space<vmem>> -> memref<1x40x128xf32, #tpu.memory_space<vmem>>
        %parallel_loop3A_1164 = tpu.memref_squeeze %parallel_loop3A_1163 : memref<1x40x128xf32, #tpu.memory_space<vmem>> -> memref<40x128xf32, #tpu.memory_space<vmem>>
        %parallel_loop3A_1165 = arith.index_cast %parallel_loop3A_1085 : i32 to index
        %parallel_loop3A_1166 = arith.constant 64 : index
        %parallel_loop3A_1167 = tpu.vector_load %parallel_loop3A_1164[%parallel_loop3A_1165, %parallel_loop3A_1166] {strides = array<i32>} : memref<40x128xf32, #tpu.memory_space<vmem>>, vector<16xf32>,
        tpu.vector_store %parallel_loop3A_1164[%parallel_loop3A_1165, %parallel_loop3A_1166], %parallel_loop3A_1160 {strides = array<i32>} : memref<40x128xf32, #tpu.memory_space<vmem>>, vector<16xf32>,
        %parallel_loop3A_1168 = arith.constant 0 : i32
        %parallel_loop3A_1169 = arith.constant 0 : i32
        %parallel_loop3A_1170 = tpu.memref_slice %arg11[%parallel_loop3A_1040, %parallel_loop3A_1168, %parallel_loop3A_1169] : memref<5x40x128xf32, #tpu.memory_space<vmem>> -> memref<1x40x128xf32, #tpu.memory_space<vmem>>
        %parallel_loop3A_1171 = tpu.memref_squeeze %parallel_loop3A_1170 : memref<1x40x128xf32, #tpu.memory_space<vmem>> -> memref<40x128xf32, #tpu.memory_space<vmem>>
        %parallel_loop3A_1172 = arith.index_cast %parallel_loop3A_1085 : i32 to index
        %parallel_loop3A_1173 = arith.constant 80 : index
        %parallel_loop3A_1174 = tpu.vector_load %parallel_loop3A_1171[%parallel_loop3A_1172, %parallel_loop3A_1173] {strides = array<i32>} : memref<40x128xf32, #tpu.memory_space<vmem>>, vector<16xf32>,
        %parallel_loop3A_1175 = arith.mulf %parallel_loop3A_1174, %parallel_loop3A_1092 : vector<16xf32>
        %parallel_loop3A_1176 = arith.constant 0 : i32
        %parallel_loop3A_1177 = arith.constant 0 : i32
        %parallel_loop3A_1178 = tpu.memref_slice %arg11[%parallel_loop3A_1040, %parallel_loop3A_1176, %parallel_loop3A_1177] : memref<5x40x128xf32, #tpu.memory_space<vmem>> -> memref<1x40x128xf32, #tpu.memory_space<vmem>>
        %parallel_loop3A_1179 = tpu.memref_squeeze %parallel_loop3A_1178 : memref<1x40x128xf32, #tpu.memory_space<vmem>> -> memref<40x128xf32, #tpu.memory_space<vmem>>
        %parallel_loop3A_1180 = arith.index_cast %parallel_loop3A_1085 : i32 to index
        %parallel_loop3A_1181 = arith.constant 80 : index
        %parallel_loop3A_1182 = tpu.vector_load %parallel_loop3A_1179[%parallel_loop3A_1180, %parallel_loop3A_1181] {strides = array<i32>} : memref<40x128xf32, #tpu.memory_space<vmem>>, vector<16xf32>,
        tpu.vector_store %parallel_loop3A_1179[%parallel_loop3A_1180, %parallel_loop3A_1181], %parallel_loop3A_1175 {strides = array<i32>} : memref<40x128xf32, #tpu.memory_space<vmem>>, vector<16xf32>,
        %parallel_loop3A_1183 = arith.constant 0 : i32
        %parallel_loop3A_1184 = arith.constant 0 : i32
        %parallel_loop3A_1185 = tpu.memref_slice %arg11[%parallel_loop3A_1040, %parallel_loop3A_1183, %parallel_loop3A_1184] : memref<5x40x128xf32, #tpu.memory_space<vmem>> -> memref<1x40x128xf32, #tpu.memory_space<vmem>>
        %parallel_loop3A_1186 = tpu.memref_squeeze %parallel_loop3A_1185 : memref<1x40x128xf32, #tpu.memory_space<vmem>> -> memref<40x128xf32, #tpu.memory_space<vmem>>
        %parallel_loop3A_1187 = arith.index_cast %parallel_loop3A_1085 : i32 to index
        %parallel_loop3A_1188 = arith.constant 96 : index
        %parallel_loop3A_1189 = tpu.vector_load %parallel_loop3A_1186[%parallel_loop3A_1187, %parallel_loop3A_1188] {strides = array<i32>} : memref<40x128xf32, #tpu.memory_space<vmem>>, vector<16xf32>,
        %parallel_loop3A_1190 = arith.mulf %parallel_loop3A_1189, %parallel_loop3A_1092 : vector<16xf32>
        %parallel_loop3A_1191 = arith.constant 0 : i32
        %parallel_loop3A_1192 = arith.constant 0 : i32
        %parallel_loop3A_1193 = tpu.memref_slice %arg11[%parallel_loop3A_1040, %parallel_loop3A_1191, %parallel_loop3A_1192] : memref<5x40x128xf32, #tpu.memory_space<vmem>> -> memref<1x40x128xf32, #tpu.memory_space<vmem>>
        %parallel_loop3A_1194 = tpu.memref_squeeze %parallel_loop3A_1193 : memref<1x40x128xf32, #tpu.memory_space<vmem>> -> memref<40x128xf32, #tpu.memory_space<vmem>>
        %parallel_loop3A_1195 = arith.index_cast %parallel_loop3A_1085 : i32 to index
        %parallel_loop3A_1196 = arith.constant 96 : index
        %parallel_loop3A_1197 = tpu.vector_load %parallel_loop3A_1194[%parallel_loop3A_1195, %parallel_loop3A_1196] {strides = array<i32>} : memref<40x128xf32, #tpu.memory_space<vmem>>, vector<16xf32>,
        tpu.vector_store %parallel_loop3A_1194[%parallel_loop3A_1195, %parallel_loop3A_1196], %parallel_loop3A_1190 {strides = array<i32>} : memref<40x128xf32, #tpu.memory_space<vmem>>, vector<16xf32>,
        %parallel_loop3A_1198 = arith.constant 0 : i32
        %parallel_loop3A_1199 = arith.constant 0 : i32
        %parallel_loop3A_1200 = tpu.memref_slice %arg11[%parallel_loop3A_1040, %parallel_loop3A_1198, %parallel_loop3A_1199] : memref<5x40x128xf32, #tpu.memory_space<vmem>> -> memref<1x40x128xf32, #tpu.memory_space<vmem>>
        %parallel_loop3A_1201 = tpu.memref_squeeze %parallel_loop3A_1200 : memref<1x40x128xf32, #tpu.memory_space<vmem>> -> memref<40x128xf32, #tpu.memory_space<vmem>>
        %parallel_loop3A_1202 = arith.index_cast %parallel_loop3A_1085 : i32 to index
        %parallel_loop3A_1203 = arith.constant 112 : index
        %parallel_loop3A_1204 = tpu.vector_load %parallel_loop3A_1201[%parallel_loop3A_1202, %parallel_loop3A_1203] {strides = array<i32>} : memref<40x128xf32, #tpu.memory_space<vmem>>, vector<16xf32>,
        %parallel_loop3A_1205 = arith.mulf %parallel_loop3A_1204, %parallel_loop3A_1092 : vector<16xf32>
        %parallel_loop3A_1206 = arith.constant 0 : i32
        %parallel_loop3A_1207 = arith.constant 0 : i32
        %parallel_loop3A_1208 = tpu.memref_slice %arg11[%parallel_loop3A_1040, %parallel_loop3A_1206, %parallel_loop3A_1207] : memref<5x40x128xf32, #tpu.memory_space<vmem>> -> memref<1x40x128xf32, #tpu.memory_space<vmem>>
        %parallel_loop3A_1209 = tpu.memref_squeeze %parallel_loop3A_1208 : memref<1x40x128xf32, #tpu.memory_space<vmem>> -> memref<40x128xf32, #tpu.memory_space<vmem>>
        %parallel_loop3A_1210 = arith.index_cast %parallel_loop3A_1085 : i32 to index
        %parallel_loop3A_1211 = arith.constant 112 : index
        %parallel_loop3A_1212 = tpu.vector_load %parallel_loop3A_1209[%parallel_loop3A_1210, %parallel_loop3A_1211] {strides = array<i32>} : memref<40x128xf32, #tpu.memory_space<vmem>>, vector<16xf32>,
        tpu.vector_store %parallel_loop3A_1209[%parallel_loop3A_1210, %parallel_loop3A_1211], %parallel_loop3A_1205 {strides = array<i32>} : memref<40x128xf32, #tpu.memory_space<vmem>>, vector<16xf32>,
      } {sc.loop_unroll_factor = 8 : i64, sc.parallel_access}
      %add3A_1041 = arith.constant 4 : i32
      %add3A_1042 = arith.addi %add3A_312, %add3A_1041 : i32
      %add3A_1043 = arith.constant 5 : i32
      %add3A_1044 = arith.addi %add3A_1042, %add3A_1043 : i32
      %lt3A_1045 = arith.constant 250 : i32
      %lt3A_1046 = arith.cmpi slt, %add3A_1044, %lt3A_1045 : i32
      %convert_element_type3A_1047 = arith.extui %lt3A_1046 : i1 to i32
      %cond3A_1048 = arith.constant 0 : i32
      %cond3A_1049 = arith.cmpi ne, %convert_element_type3A_1047, %cond3A_1048 : i32
      scf.if %cond3A_1049 {
        %add3A_1085 = arith.constant 4 : i32
        %add3A_1086 = arith.addi %add3A_312, %add3A_1085 : i32
        %add3A_1087 = arith.constant 5 : i32
        %add3A_1088 = arith.addi %add3A_1086, %add3A_1087 : i32
        %dma_start3A_1089 = arith.constant 4 : i32
        %dma_start3A_1090 = arith.constant 0 : i32
        %dma_start3A_1091 = tpu.memref_slice %arg10[%dma_start3A_1089, %dma_start3A_1090] : memref<5x40xf32, #tpu.memory_space<vmem>> -> memref<1x40xf32, #tpu.memory_space<vmem>>
        %dma_start3A_1092 = tpu.memref_squeeze %dma_start3A_1091 : memref<1x40xf32, #tpu.memory_space<vmem>> -> memref<40xf32, #tpu.memory_space<vmem>>
        %dma_start3A_1093 = arith.constant 0 : i32
        %dma_start3A_1094 = arith.constant 0 : i32
        %dma_start3A_1095 = tpu.memref_slice %arg5[%add3A, %dma_start3A_1093, %dma_start3A_1094] : memref<32x250x40xf32, #tpu.memory_space<hbm>> -> memref<1x250x40xf32, #tpu.memory_space<hbm>>
        %dma_start3A_1096 = tpu.memref_squeeze %dma_start3A_1095 : memref<1x250x40xf32, #tpu.memory_space<hbm>> -> memref<250x40xf32, #tpu.memory_space<hbm>>
        %dma_start3A_1097 = arith.constant 0 : i32
        %dma_start3A_1098 = tpu.memref_slice %dma_start3A_1096[%add3A_1088, %dma_start3A_1097] : memref<250x40xf32, #tpu.memory_space<hbm>> -> memref<1x40xf32, #tpu.memory_space<hbm>>
        %dma_start3A_1099 = tpu.memref_squeeze %dma_start3A_1098 : memref<1x40xf32, #tpu.memory_space<hbm>> -> memref<40xf32, #tpu.memory_space<hbm>>
        %dma_start3A_1100 = arith.constant 0 : i32
        %dma_start3A_1101 = tpu.memref_slice %arg10[%dma_start3A_1089, %dma_start3A_1100] : memref<5x40xf32, #tpu.memory_space<vmem>> -> memref<1x40xf32, #tpu.memory_space<vmem>>
        %dma_start3A_1102 = tpu.memref_squeeze %dma_start3A_1101 : memref<1x40xf32, #tpu.memory_space<vmem>> -> memref<40xf32, #tpu.memory_space<vmem>>
        %dma_start3A_1103 = arith.constant 0 : i32
        %dma_start3A_1104 = arith.constant 0 : i32
        %dma_start3A_1105 = tpu.memref_slice %arg5[%add3A, %dma_start3A_1103, %dma_start3A_1104] : memref<32x250x40xf32, #tpu.memory_space<hbm>> -> memref<1x250x40xf32, #tpu.memory_space<hbm>>
        %dma_start3A_1106 = tpu.memref_squeeze %dma_start3A_1105 : memref<1x250x40xf32, #tpu.memory_space<hbm>> -> memref<250x40xf32, #tpu.memory_space<hbm>>
        %dma_start3A_1107 = arith.constant 0 : i32
        %dma_start3A_1108 = tpu.memref_slice %dma_start3A_1106[%add3A_1088, %dma_start3A_1107] : memref<250x40xf32, #tpu.memory_space<hbm>> -> memref<1x40xf32, #tpu.memory_space<hbm>>
        %dma_start3A_1109 = tpu.memref_squeeze %dma_start3A_1108 : memref<1x40xf32, #tpu.memory_space<hbm>> -> memref<40xf32, #tpu.memory_space<hbm>>
        tpu.enqueue_dma source(%dma_start3A_1109 : memref<40xf32, #tpu.memory_space<hbm>>) target(%dma_start3A_1102 : memref<40xf32, #tpu.memory_space<vmem>>) target_semaphore(%arg37 : memref<!tpu.dma_semaphore, #tpu.memory_space<semaphore_mem>>)
      } else {
      }
      %dma_wait3A_1050 = arith.constant 0 : i32
      %dma_wait3A_1051 = arith.constant 0 : i32
      %dma_wait3A_1052 = arith.constant 4 : i32
      %dma_wait3A_1053 = arith.constant 0 : i32
      %dma_wait3A_1054 = tpu.memref_slice %arg9[%dma_wait3A_1052, %dma_wait3A_1053] : memref<5x40xi32, #tpu.memory_space<vmem>> -> memref<1x40xi32, #tpu.memory_space<vmem>>
      %dma_wait3A_1055 = tpu.memref_squeeze %dma_wait3A_1054 : memref<1x40xi32, #tpu.memory_space<vmem>> -> memref<40xi32, #tpu.memory_space<vmem>>
      %dma_wait3A_1056 = arith.constant 0 : i32
      %dma_wait3A_1057 = arith.constant 0 : i32
      %dma_wait3A_1058 = tpu.memref_slice %arg4[%dma_wait3A_1050, %dma_wait3A_1056, %dma_wait3A_1057] : memref<32x250x40xi32, #tpu.memory_space<hbm>> -> memref<1x250x40xi32, #tpu.memory_space<hbm>>
      %dma_wait3A_1059 = tpu.memref_squeeze %dma_wait3A_1058 : memref<1x250x40xi32, #tpu.memory_space<hbm>> -> memref<250x40xi32, #tpu.memory_space<hbm>>
      %dma_wait3A_1060 = arith.constant 0 : i32
      %dma_wait3A_1061 = tpu.memref_slice %dma_wait3A_1059[%dma_wait3A_1051, %dma_wait3A_1060] : memref<250x40xi32, #tpu.memory_space<hbm>> -> memref<1x40xi32, #tpu.memory_space<hbm>>
      %dma_wait3A_1062 = tpu.memref_squeeze %dma_wait3A_1061 : memref<1x40xi32, #tpu.memory_space<hbm>> -> memref<40xi32, #tpu.memory_space<hbm>>
      %dma_wait3A_1063 = arith.constant 0 : i32
      %dma_wait3A_1064 = tpu.memref_slice %arg9[%dma_wait3A_1052, %dma_wait3A_1063] : memref<5x40xi32, #tpu.memory_space<vmem>> -> memref<1x40xi32, #tpu.memory_space<vmem>>
      %dma_wait3A_1065 = tpu.memref_squeeze %dma_wait3A_1064 : memref<1x40xi32, #tpu.memory_space<vmem>> -> memref<40xi32, #tpu.memory_space<vmem>>
      %dma_wait3A_1066 = arith.constant 0 : i32
      %dma_wait3A_1067 = arith.constant 0 : i32
      %dma_wait3A_1068 = tpu.memref_slice %arg4[%dma_wait3A_1050, %dma_wait3A_1066, %dma_wait3A_1067] : memref<32x250x40xi32, #tpu.memory_space<hbm>> -> memref<1x250x40xi32, #tpu.memory_space<hbm>>
      %dma_wait3A_1069 = tpu.memref_squeeze %dma_wait3A_1068 : memref<1x250x40xi32, #tpu.memory_space<hbm>> -> memref<250x40xi32, #tpu.memory_space<hbm>>
      %dma_wait3A_1070 = arith.constant 0 : i32
      %dma_wait3A_1071 = tpu.memref_slice %dma_wait3A_1069[%dma_wait3A_1051, %dma_wait3A_1070] : memref<250x40xi32, #tpu.memory_space<hbm>> -> memref<1x40xi32, #tpu.memory_space<hbm>>
      %dma_wait3A_1072 = tpu.memref_squeeze %dma_wait3A_1071 : memref<1x40xi32, #tpu.memory_space<hbm>> -> memref<40xi32, #tpu.memory_space<hbm>>
      tpu.wait_dma2 semaphore(%arg32 : memref<!tpu.dma_semaphore, #tpu.memory_space<semaphore_mem>>) src(%dma_wait3A_1072 : memref<40xi32, #tpu.memory_space<hbm>>) dst(%dma_wait3A_1065 : memref<40xi32, #tpu.memory_space<vmem>>)
      %dma_start3A_1073 = arith.constant 4 : i32
      %dma_start3A_1074 = arith.constant 4 : i32
      %dma_start3A_1075 = arith.constant 0 : i32
      %dma_start3A_1076 = arith.constant 0 : i32
      %dma_start3A_1077 = tpu.memref_slice %arg11[%dma_start3A_1073, %dma_start3A_1075, %dma_start3A_1076] : memref<5x40x128xf32, #tpu.memory_space<vmem>> -> memref<1x40x128xf32, #tpu.memory_space<vmem>>
      %dma_start3A_1078 = tpu.memref_squeeze %dma_start3A_1077 : memref<1x40x128xf32, #tpu.memory_space<vmem>> -> memref<40x128xf32, #tpu.memory_space<vmem>>
      %dma_start3A_1079 = arith.constant 0 : i32
      %dma_start3A_1080 = tpu.memref_slice %arg9[%dma_start3A_1074, %dma_start3A_1079] : memref<5x40xi32, #tpu.memory_space<vmem>> -> memref<1x40xi32, #tpu.memory_space<vmem>>
      %dma_start3A_1081 = tpu.memref_squeeze %dma_start3A_1080 : memref<1x40xi32, #tpu.memory_space<vmem>> -> memref<40xi32, #tpu.memory_space<vmem>>
      %dma_start3A_1082 = arith.constant 0 : i32
      %dma_start3A_1083 = arith.constant 0 : i32
      %dma_start3A_1084 = tpu.memref_slice %arg12[%dma_start3A_1082, %dma_start3A_1083] : memref<10000x128xf32, #tpu.memory_space<vmem_shared>> -> memref<10000x128xf32, #tpu.memory_space<vmem_shared>>
      tpu.enqueue_indirect_dma source(%dma_start3A_1078 : memref<40x128xf32, #tpu.memory_space<vmem>>) target(%dma_start3A_1084 : memref<10000x128xf32, #tpu.memory_space<vmem_shared>>) offsets(%dma_start3A_1081 : memref<40xi32, #tpu.memory_space<vmem>>) semaphore(%arg22 : memref<!tpu.dma_semaphore, #tpu.memory_space<semaphore_mem>>) {add = true}
    }
    %scan3A_227 = arith.constant 50 : i32
    %dma_wait3A = arith.constant 0 : i32
    %dma_wait3A_228 = arith.constant 0 : i32
    %dma_wait3A_229 = arith.constant 0 : i32
    %dma_wait3A_230 = tpu.memref_slice %arg11[%dma_wait3A, %dma_wait3A_228, %dma_wait3A_229] : memref<5x40x128xf32, #tpu.memory_space<vmem>> -> memref<1x40x128xf32, #tpu.memory_space<vmem>>
    %dma_wait3A_231 = tpu.memref_squeeze %dma_wait3A_230 : memref<1x40x128xf32, #tpu.memory_space<vmem>> -> memref<40x128xf32, #tpu.memory_space<vmem>>
    %dma_wait3A_232 = arith.constant 0 : i32
    %dma_wait3A_233 = arith.constant 0 : i32
    %dma_wait3A_234 = tpu.memref_slice %arg2[%dma_wait3A_232, %dma_wait3A_233] : memref<10000x128xf32, #tpu.memory_space<hbm>> -> memref<40x128xf32, #tpu.memory_space<hbm>>
    %dma_wait3A_235 = arith.constant 0 : i32
    %dma_wait3A_236 = arith.constant 0 : i32
    %dma_wait3A_237 = tpu.memref_slice %arg11[%dma_wait3A, %dma_wait3A_235, %dma_wait3A_236] : memref<5x40x128xf32, #tpu.memory_space<vmem>> -> memref<1x40x128xf32, #tpu.memory_space<vmem>>
    %dma_wait3A_238 = tpu.memref_squeeze %dma_wait3A_237 : memref<1x40x128xf32, #tpu.memory_space<vmem>> -> memref<40x128xf32, #tpu.memory_space<vmem>>
    %dma_wait3A_239 = arith.constant 0 : i32
    %dma_wait3A_240 = arith.constant 0 : i32
    %dma_wait3A_241 = tpu.memref_slice %arg2[%dma_wait3A_239, %dma_wait3A_240] : memref<10000x128xf32, #tpu.memory_space<hbm>> -> memref<40x128xf32, #tpu.memory_space<hbm>>
    tpu.wait_dma2 semaphore(%arg18 : memref<!tpu.dma_semaphore, #tpu.memory_space<semaphore_mem>>) src(%dma_wait3A_241 : memref<40x128xf32, #tpu.memory_space<hbm>>) dst(%dma_wait3A_238 : memref<40x128xf32, #tpu.memory_space<vmem>>)
    %dma_wait3A_242 = arith.constant 1 : i32
    %dma_wait3A_243 = arith.constant 0 : i32
    %dma_wait3A_244 = arith.constant 0 : i32
    %dma_wait3A_245 = tpu.memref_slice %arg11[%dma_wait3A_242, %dma_wait3A_243, %dma_wait3A_244] : memref<5x40x128xf32, #tpu.memory_space<vmem>> -> memref<1x40x128xf32, #tpu.memory_space<vmem>>
    %dma_wait3A_246 = tpu.memref_squeeze %dma_wait3A_245 : memref<1x40x128xf32, #tpu.memory_space<vmem>> -> memref<40x128xf32, #tpu.memory_space<vmem>>
    %dma_wait3A_247 = arith.constant 0 : i32
    %dma_wait3A_248 = arith.constant 0 : i32
    %dma_wait3A_249 = tpu.memref_slice %arg2[%dma_wait3A_247, %dma_wait3A_248] : memref<10000x128xf32, #tpu.memory_space<hbm>> -> memref<40x128xf32, #tpu.memory_space<hbm>>
    %dma_wait3A_250 = arith.constant 0 : i32
    %dma_wait3A_251 = arith.constant 0 : i32
    %dma_wait3A_252 = tpu.memref_slice %arg11[%dma_wait3A_242, %dma_wait3A_250, %dma_wait3A_251] : memref<5x40x128xf32, #tpu.memory_space<vmem>> -> memref<1x40x128xf32, #tpu.memory_space<vmem>>
    %dma_wait3A_253 = tpu.memref_squeeze %dma_wait3A_252 : memref<1x40x128xf32, #tpu.memory_space<vmem>> -> memref<40x128xf32, #tpu.memory_space<vmem>>
    %dma_wait3A_254 = arith.constant 0 : i32
    %dma_wait3A_255 = arith.constant 0 : i32
    %dma_wait3A_256 = tpu.memref_slice %arg2[%dma_wait3A_254, %dma_wait3A_255] : memref<10000x128xf32, #tpu.memory_space<hbm>> -> memref<40x128xf32, #tpu.memory_space<hbm>>
    tpu.wait_dma2 semaphore(%arg19 : memref<!tpu.dma_semaphore, #tpu.memory_space<semaphore_mem>>) src(%dma_wait3A_256 : memref<40x128xf32, #tpu.memory_space<hbm>>) dst(%dma_wait3A_253 : memref<40x128xf32, #tpu.memory_space<vmem>>)
    %dma_wait3A_257 = arith.constant 2 : i32
    %dma_wait3A_258 = arith.constant 0 : i32
    %dma_wait3A_259 = arith.constant 0 : i32
    %dma_wait3A_260 = tpu.memref_slice %arg11[%dma_wait3A_257, %dma_wait3A_258, %dma_wait3A_259] : memref<5x40x128xf32, #tpu.memory_space<vmem>> -> memref<1x40x128xf32, #tpu.memory_space<vmem>>
    %dma_wait3A_261 = tpu.memref_squeeze %dma_wait3A_260 : memref<1x40x128xf32, #tpu.memory_space<vmem>> -> memref<40x128xf32, #tpu.memory_space<vmem>>
    %dma_wait3A_262 = arith.constant 0 : i32
    %dma_wait3A_263 = arith.constant 0 : i32
    %dma_wait3A_264 = tpu.memref_slice %arg2[%dma_wait3A_262, %dma_wait3A_263] : memref<10000x128xf32, #tpu.memory_space<hbm>> -> memref<40x128xf32, #tpu.memory_space<hbm>>
    %dma_wait3A_265 = arith.constant 0 : i32
    %dma_wait3A_266 = arith.constant 0 : i32
    %dma_wait3A_267 = tpu.memref_slice %arg11[%dma_wait3A_257, %dma_wait3A_265, %dma_wait3A_266] : memref<5x40x128xf32, #tpu.memory_space<vmem>> -> memref<1x40x128xf32, #tpu.memory_space<vmem>>
    %dma_wait3A_268 = tpu.memref_squeeze %dma_wait3A_267 : memref<1x40x128xf32, #tpu.memory_space<vmem>> -> memref<40x128xf32, #tpu.memory_space<vmem>>
    %dma_wait3A_269 = arith.constant 0 : i32
    %dma_wait3A_270 = arith.constant 0 : i32
    %dma_wait3A_271 = tpu.memref_slice %arg2[%dma_wait3A_269, %dma_wait3A_270] : memref<10000x128xf32, #tpu.memory_space<hbm>> -> memref<40x128xf32, #tpu.memory_space<hbm>>
    tpu.wait_dma2 semaphore(%arg20 : memref<!tpu.dma_semaphore, #tpu.memory_space<semaphore_mem>>) src(%dma_wait3A_271 : memref<40x128xf32, #tpu.memory_space<hbm>>) dst(%dma_wait3A_268 : memref<40x128xf32, #tpu.memory_space<vmem>>)
    %dma_wait3A_272 = arith.constant 3 : i32
    %dma_wait3A_273 = arith.constant 0 : i32
    %dma_wait3A_274 = arith.constant 0 : i32
    %dma_wait3A_275 = tpu.memref_slice %arg11[%dma_wait3A_272, %dma_wait3A_273, %dma_wait3A_274] : memref<5x40x128xf32, #tpu.memory_space<vmem>> -> memref<1x40x128xf32, #tpu.memory_space<vmem>>
    %dma_wait3A_276 = tpu.memref_squeeze %dma_wait3A_275 : memref<1x40x128xf32, #tpu.memory_space<vmem>> -> memref<40x128xf32, #tpu.memory_space<vmem>>
    %dma_wait3A_277 = arith.constant 0 : i32
    %dma_wait3A_278 = arith.constant 0 : i32
    %dma_wait3A_279 = tpu.memref_slice %arg2[%dma_wait3A_277, %dma_wait3A_278] : memref<10000x128xf32, #tpu.memory_space<hbm>> -> memref<40x128xf32, #tpu.memory_space<hbm>>
    %dma_wait3A_280 = arith.constant 0 : i32
    %dma_wait3A_281 = arith.constant 0 : i32
    %dma_wait3A_282 = tpu.memref_slice %arg11[%dma_wait3A_272, %dma_wait3A_280, %dma_wait3A_281] : memref<5x40x128xf32, #tpu.memory_space<vmem>> -> memref<1x40x128xf32, #tpu.memory_space<vmem>>
    %dma_wait3A_283 = tpu.memref_squeeze %dma_wait3A_282 : memref<1x40x128xf32, #tpu.memory_space<vmem>> -> memref<40x128xf32, #tpu.memory_space<vmem>>
    %dma_wait3A_284 = arith.constant 0 : i32
    %dma_wait3A_285 = arith.constant 0 : i32
    %dma_wait3A_286 = tpu.memref_slice %arg2[%dma_wait3A_284, %dma_wait3A_285] : memref<10000x128xf32, #tpu.memory_space<hbm>> -> memref<40x128xf32, #tpu.memory_space<hbm>>
    tpu.wait_dma2 semaphore(%arg21 : memref<!tpu.dma_semaphore, #tpu.memory_space<semaphore_mem>>) src(%dma_wait3A_286 : memref<40x128xf32, #tpu.memory_space<hbm>>) dst(%dma_wait3A_283 : memref<40x128xf32, #tpu.memory_space<vmem>>)
    %dma_wait3A_287 = arith.constant 4 : i32
    %dma_wait3A_288 = arith.constant 0 : i32
    %dma_wait3A_289 = arith.constant 0 : i32
    %dma_wait3A_290 = tpu.memref_slice %arg11[%dma_wait3A_287, %dma_wait3A_288, %dma_wait3A_289] : memref<5x40x128xf32, #tpu.memory_space<vmem>> -> memref<1x40x128xf32, #tpu.memory_space<vmem>>
    %dma_wait3A_291 = tpu.memref_squeeze %dma_wait3A_290 : memref<1x40x128xf32, #tpu.memory_space<vmem>> -> memref<40x128xf32, #tpu.memory_space<vmem>>
    %dma_wait3A_292 = arith.constant 0 : i32
    %dma_wait3A_293 = arith.constant 0 : i32
    %dma_wait3A_294 = tpu.memref_slice %arg2[%dma_wait3A_292, %dma_wait3A_293] : memref<10000x128xf32, #tpu.memory_space<hbm>> -> memref<40x128xf32, #tpu.memory_space<hbm>>
    %dma_wait3A_295 = arith.constant 0 : i32
    %dma_wait3A_296 = arith.constant 0 : i32
    %dma_wait3A_297 = tpu.memref_slice %arg11[%dma_wait3A_287, %dma_wait3A_295, %dma_wait3A_296] : memref<5x40x128xf32, #tpu.memory_space<vmem>> -> memref<1x40x128xf32, #tpu.memory_space<vmem>>
    %dma_wait3A_298 = tpu.memref_squeeze %dma_wait3A_297 : memref<1x40x128xf32, #tpu.memory_space<vmem>> -> memref<40x128xf32, #tpu.memory_space<vmem>>
    %dma_wait3A_299 = arith.constant 0 : i32
    %dma_wait3A_300 = arith.constant 0 : i32
    %dma_wait3A_301 = tpu.memref_slice %arg2[%dma_wait3A_299, %dma_wait3A_300] : memref<10000x128xf32, #tpu.memory_space<hbm>> -> memref<40x128xf32, #tpu.memory_space<hbm>>
    tpu.wait_dma2 semaphore(%arg22 : memref<!tpu.dma_semaphore, #tpu.memory_space<semaphore_mem>>) src(%dma_wait3A_301 : memref<40x128xf32, #tpu.memory_space<hbm>>) dst(%dma_wait3A_298 : memref<40x128xf32, #tpu.memory_space<vmem>>)
    %barrier3A_302 = arith.constant 0 : index
    tpu.barrier barrier_id(%barrier3A_302)
    "tpu.region"() ({
      %run_scoped3A = tpu.sem_alloc : memref<!tpu.dma_semaphore, #tpu.memory_space<semaphore_mem>>
      %dma_start3A_308 = arith.constant 0 : i32
      %dma_start3A_309 = arith.constant 0 : i32
      %dma_start3A_310 = tpu.memref_slice %arg7[%arg0, %dma_start3A_308, %dma_start3A_309] : memref<2x10000x128xf32, #tpu.memory_space<hbm>> -> memref<1x10000x128xf32, #tpu.memory_space<hbm>>
      %dma_start3A_311 = tpu.memref_squeeze %dma_start3A_310 : memref<1x10000x128xf32, #tpu.memory_space<hbm>> -> memref<10000x128xf32, #tpu.memory_space<hbm>>
      %dma_start3A_312 = arith.constant 0 : i32
      %dma_start3A_313 = tpu.memref_slice %dma_start3A_311[%mul3A_221, %dma_start3A_312] : memref<10000x128xf32, #tpu.memory_space<hbm>> -> memref<624x128xf32, #tpu.memory_space<hbm>>
      %dma_start3A_314 = arith.constant 0 : i32
      %dma_start3A_315 = tpu.memref_slice %arg12[%mul3A_221, %dma_start3A_314] : memref<10000x128xf32, #tpu.memory_space<vmem_shared>> -> memref<624x128xf32, #tpu.memory_space<vmem_shared>>
      tpu.enqueue_dma source(%dma_start3A_315 : memref<624x128xf32, #tpu.memory_space<vmem_shared>>) target(%dma_start3A_313 : memref<624x128xf32, #tpu.memory_space<hbm>>) target_semaphore(%run_scoped3A : memref<!tpu.dma_semaphore, #tpu.memory_space<semaphore_mem>>)
      %dma_wait3A_316 = arith.constant 0 : i32
      %dma_wait3A_317 = arith.constant 0 : i32
      %dma_wait3A_318 = tpu.memref_slice %arg7[%arg0, %dma_wait3A_316, %dma_wait3A_317] : memref<2x10000x128xf32, #tpu.memory_space<hbm>> -> memref<1x10000x128xf32, #tpu.memory_space<hbm>>
      %dma_wait3A_319 = tpu.memref_squeeze %dma_wait3A_318 : memref<1x10000x128xf32, #tpu.memory_space<hbm>> -> memref<10000x128xf32, #tpu.memory_space<hbm>>
      %dma_wait3A_320 = arith.constant 0 : i32
      %dma_wait3A_321 = tpu.memref_slice %dma_wait3A_319[%mul3A_221, %dma_wait3A_320] : memref<10000x128xf32, #tpu.memory_space<hbm>> -> memref<624x128xf32, #tpu.memory_space<hbm>>
      %dma_wait3A_322 = arith.constant 0 : i32
      %dma_wait3A_323 = tpu.memref_slice %arg12[%mul3A_221, %dma_wait3A_322] : memref<10000x128xf32, #tpu.memory_space<vmem_shared>> -> memref<624x128xf32, #tpu.memory_space<vmem_shared>>
      tpu.wait_dma2 semaphore(%run_scoped3A : memref<!tpu.dma_semaphore, #tpu.memory_space<semaphore_mem>>) src(%dma_wait3A_323 : memref<624x128xf32, #tpu.memory_space<vmem_shared>>) dst(%dma_wait3A_321 : memref<624x128xf32, #tpu.memory_space<hbm>>)
      tpu.yield
    }) : () -> ()
    %eq3A_303 = arith.constant 0 : i32
    %eq3A_304 = arith.cmpi eq, %arg1, %eq3A_303 : i32
    %convert_element_type3A_305 = arith.extui %eq3A_304 : i1 to i32
    %cond3A_306 = arith.constant 0 : i32
    %cond3A_307 = arith.cmpi ne, %convert_element_type3A_305, %cond3A_306 : i32
    scf.if %cond3A_307 {
      "tpu.region"() ({
        %run_scoped3A = tpu.sem_alloc : memref<!tpu.dma_semaphore, #tpu.memory_space<semaphore_mem>>
        %dma_start3A_308 = arith.constant 0 : i32
        %dma_start3A_309 = arith.constant 0 : i32
        %dma_start3A_310 = tpu.memref_slice %arg7[%arg0, %dma_start3A_308, %dma_start3A_309] : memref<2x10000x128xf32, #tpu.memory_space<hbm>> -> memref<1x10000x128xf32, #tpu.memory_space<hbm>>
        %dma_start3A_311 = tpu.memref_squeeze %dma_start3A_310 : memref<1x10000x128xf32, #tpu.memory_space<hbm>> -> memref<10000x128xf32, #tpu.memory_space<hbm>>
        %dma_start3A_312 = arith.constant 9984 : i32
        %dma_start3A_313 = arith.constant 0 : i32
        %dma_start3A_314 = tpu.memref_slice %dma_start3A_311[%dma_start3A_312, %dma_start3A_313] : memref<10000x128xf32, #tpu.memory_space<hbm>> -> memref<16x128xf32, #tpu.memory_space<hbm>>
        %dma_start3A_315 = arith.constant 9984 : i32
        %dma_start3A_316 = arith.constant 0 : i32
        %dma_start3A_317 = tpu.memref_slice %arg12[%dma_start3A_315, %dma_start3A_316] : memref<10000x128xf32, #tpu.memory_space<vmem_shared>> -> memref<16x128xf32, #tpu.memory_space<vmem_shared>>
        tpu.enqueue_dma source(%dma_start3A_317 : memref<16x128xf32, #tpu.memory_space<vmem_shared>>) target(%dma_start3A_314 : memref<16x128xf32, #tpu.memory_space<hbm>>) target_semaphore(%run_scoped3A : memref<!tpu.dma_semaphore, #tpu.memory_space<semaphore_mem>>)
        %dma_wait3A_318 = arith.constant 0 : i32
        %dma_wait3A_319 = arith.constant 0 : i32
        %dma_wait3A_320 = tpu.memref_slice %arg7[%arg0, %dma_wait3A_318, %dma_wait3A_319] : memref<2x10000x128xf32, #tpu.memory_space<hbm>> -> memref<1x10000x128xf32, #tpu.memory_space<hbm>>
        %dma_wait3A_321 = tpu.memref_squeeze %dma_wait3A_320 : memref<1x10000x128xf32, #tpu.memory_space<hbm>> -> memref<10000x128xf32, #tpu.memory_space<hbm>>
        %dma_wait3A_322 = arith.constant 9984 : i32
        %dma_wait3A_323 = arith.constant 0 : i32
        %dma_wait3A_324 = tpu.memref_slice %dma_wait3A_321[%dma_wait3A_322, %dma_wait3A_323] : memref<10000x128xf32, #tpu.memory_space<hbm>> -> memref<16x128xf32, #tpu.memory_space<hbm>>
        %dma_wait3A_325 = arith.constant 9984 : i32
        %dma_wait3A_326 = arith.constant 0 : i32
        %dma_wait3A_327 = tpu.memref_slice %arg12[%dma_wait3A_325, %dma_wait3A_326] : memref<10000x128xf32, #tpu.memory_space<vmem_shared>> -> memref<16x128xf32, #tpu.memory_space<vmem_shared>>
        tpu.wait_dma2 semaphore(%run_scoped3A : memref<!tpu.dma_semaphore, #tpu.memory_space<semaphore_mem>>) src(%dma_wait3A_327 : memref<16x128xf32, #tpu.memory_space<vmem_shared>>) dst(%dma_wait3A_324 : memref<16x128xf32, #tpu.memory_space<hbm>>)
        tpu.yield
      }) : () -> ()
    } else {
    }
    return
  }
}

module attributes {stable_mosaic.version = 14 : i64} {
  func.func @body(%arg0: i32, %arg1: memref<2x400x128xf32, #tpu.memory_space<vmem>>, %arg2: memref<128x128xf32, #tpu.memory_space<vmem>>, %arg3: memref<400x128xf32, #tpu.memory_space<vmem>>) attributes {dimension_semantics = [#tpu.dimension_semantics<arbitrary>], iteration_bounds = array<i64: 25>, scalar_prefetch = 0 : i64, scratch_operands = 0 : i64, tpu.core_type = #tpu.core_type<tc>, window_params = [{transform_indices = @transform_0, window_bounds = array<i64: 2, 400, 128>}, {pipeline_mode = #tpu.pipeline_mode<synchronous>, transform_indices = @transform_1, window_bounds = array<i64: 128, 128>}, {transform_indices = @transform_2, window_bounds = array<i64: 400, 128>}]} {
    %get3A = arith.constant 0 : index
    %get3A_0 = arith.constant 0 : index
    %get3A_1 = arith.constant 0 : index
    %get3A_2 = vector.load %arg1[%get3A, %get3A_0, %get3A_1] : memref<2x400x128xf32, #tpu.memory_space<vmem>>, vector<1x400x128xf32>
    %get3A_3 = vector.shape_cast %get3A_2 : vector<1x400x128xf32> to vector<400x128xf32>
    %get3A_4 = arith.constant 1 : index
    %get3A_5 = arith.constant 0 : index
    %get3A_6 = arith.constant 0 : index
    %get3A_7 = vector.load %arg1[%get3A_4, %get3A_5, %get3A_6] : memref<2x400x128xf32, #tpu.memory_space<vmem>>, vector<1x400x128xf32>
    %get3A_8 = vector.shape_cast %get3A_7 : vector<1x400x128xf32> to vector<400x128xf32>
    %add3A = arith.addf %get3A_3, %get3A_8 : vector<400x128xf32>
    %get3A_9 = arith.constant 0 : index
    %get3A_10 = arith.constant 0 : index
    %get3A_11 = vector.load %arg2[%get3A_9, %get3A_10] : memref<128x128xf32, #tpu.memory_space<vmem>>, vector<128x128xf32>
    %dot_general3A = arith.constant dense<0.000000e+00> : vector<400x128xf32>
    %dot_general3A_12 = tpu.matmul %add3A, %get3A_11, %dot_general3A {dimension_numbers = #tpu.dot_dimension_numbers<[1], [0], [0], [1], [0, 0, 1, 1], [], []>, precision = #tpu.contract_precision<fp32>, transpose_lhs_hint = false} : vector<400x128xf32>, vector<128x128xf32>, vector<400x128xf32> -> vector<400x128xf32>
    %swap3A = arith.constant 0 : index
    %swap3A_13 = arith.constant 0 : index
    %swap3A_14 = vector.load %arg3[%swap3A, %swap3A_13] : memref<400x128xf32, #tpu.memory_space<vmem>>, vector<400x128xf32>
    tpu.vector_store %arg3[%swap3A, %swap3A_13], %dot_general3A_12 {strides = array<i32>} : memref<400x128xf32, #tpu.memory_space<vmem>>, vector<400x128xf32>,
    return
  }
  func.func @transform_0(%arg0: i32) -> (i32, i32, i32) {
    %c0_i32 = arith.constant 0 : i32
    %c0_i32_0 = arith.constant 0 : i32
    %c0_i32_1 = arith.constant 0 : i32
    return %c0_i32, %arg0, %c0_i32_0 : i32, i32, i32
  }
  func.func @transform_1(%arg0: i32) -> (i32, i32) {
    %c0_i32 = arith.constant 0 : i32
    %c0_i32_0 = arith.constant 0 : i32
    %c0_i32_1 = arith.constant 0 : i32
    return %c0_i32, %c0_i32_0 : i32, i32
  }
  func.func @transform_2(%arg0: i32) -> (i32, i32) {
    %c0_i32 = arith.constant 0 : i32
    %c0_i32_0 = arith.constant 0 : i32
    return %arg0, %c0_i32 : i32, i32
  }
}

</mosaic_0001>

<sc_bundles>
// kernel: kernel.4.cloned.1.call-start
scs
__scs_entry_jumppad:
0x0: {  	(pc) =	sbr.rel $0x88, $3  }
0x1: {  	(tag) =	ssettag $0x0;
	lr =	simm.s32 $0x1  }
0x2: {  	[smem:$0x3F9D] =	sst lr;
	_ =	strace $0xD0000000  }
0x3: {  	_ = 	snop  }
0x4: {  	_ = 	snop  }
0x5: {  	_ = 	snop  }
0x6: {  	_ = 	snop  }
0x7: {  	_ = 	snop  }
__scs_overlays_trampoline_lowered:
0x8: {  	[smem:$0x3FAC] =	sst s0  }
0x9: {  	[smem:$0x3FAD] =	sst s1  }
0xa: {  	[smem:$0x3FAE] =	sst s2  }
0xb: {  	[smem:$0x3FAF] =	sst s3  }
0xc: {  	[smem:$0x3FB0] =	sst s4  }
0xd: {  	[smem:$0x3FB1] =	sst s5  }
0xe: {  	[smem:$0x3FB2] =	sst s6  }
0xf: {  	[smem:$0x3FB3] =	sst s7  }
0x10: {  	[smem:$0x3FB4] =	sst s8  }
0x11: {  	[smem:$0x3FB5] =	sst s9;
	s0 =	simm.s32 @!p0 $0x0  }
0x12: {  	s1 =	sld [smem:$0x3F9B];
	s0 =	simm.s32 @p0 $0x1  }
0x13: {  	[smem:$0x3FB6] =	sst s0;
	s0 =	simm.s32 @!p1 $0x0  }
0x14: {  	s2 =	sld [smem:$0x3F9A];
	s0 =	simm.s32 @p1 $0x1  }
0x15: {  	[smem:$0x3FB7] =	sst s0;
	s0 =	simm.s32 @!p2 $0x0  }
0x16: {  	s3 =	sld [smem:$0x3FDB];
	s0 =	simm.s32 @p2 $0x1  }
0x17: {  	s4 =	simm.s32 $0x1BF5;
	[smem:$0x3FB9] =	sst s0  }
0x18: {  	s0 =	sld [smem:$0x3F9C];
	_ =	swait.ge [sflag:s4], $0x0  }
0x19: {  	s7 =	sld [smem:$0x3F9D]  }
0x1a: {  	s8 =	sadd.s32 $0xFFFFE003, lr  }
0x1b: {  	s9 =	sadd.s32 $0xFFFFFEF7, lr;
	s5 =	simm.s32 $0xFFFFFFFF;
	p2 =	slt.u32 s8, $0xFFFFF086  }
0x1c: {  	p1 =	slt.u32 s9, $0xF7A;
	s5 =	simm.s32 @!p2 $0x0  }
0x1d: {  	s5 =	simm.s32 @p1 $0x1;
	p0 =	seq.s32 s7, s2  }
0x1e: {  	s7 =	smul.u32 @!p0 $0xF7A, s2;
	p2 =	seq.s32 @!p0 s5, $0x0  }
0x1f: {  	s9 =	smul.u32 $0xF7A, s1;
	s8 =	simm.s32 @!p0 $0x1BF5;
	p2 =	por !p2, p0  }
0x20: {  	[sflag:s8] =	ssyncset.s32 @!p0 $0xFFFFF086;
	s6 =	sadd.s32 @!p0 s3, s7;
	s7 =	simm.s32 @!p0 $0x108  }
0x21: {  	s3 =	sadd.s32 s3, s9;
	s6 =	sadd.s32 @!p0 $0x88, s6;
	s7 =	simm.s32 @p2 $0x1082  }
0x22: {  	[simem:s7], [sflag:s8] =	dma.local @!p0 [hbm:s6], $0xF7A  }
0x23: {  	s9 =	sor.u32 $0xD0000000, s2;
	s6 =	simm.s32 $0x108;
	_ =	swait.ge @!p0 [sflag:s8], $0x0  }
0x24: {  	s3 =	sadd.s32 $0x88, s3;
	s6 =	simm.s32 @!p1 $0x1082;
	[sflag:s4] =	ssyncset.s32 $0xFFFFF086  }
0x25: {  	[simem:s6], [sflag:s4] =	dma.local [hbm:s3], $0xF7A  }
0x26: {  	[smem:$0x3F9D] =	sst s1;
	(tag) =	ssettag s2;
	_ =	strace s9  }
0x27: {  	s1 =	sld [smem:$0x3FAD]  }
0x28: {  	s2 =	sld [smem:$0x3FAE]  }
0x29: {  	s4 =	sld [smem:$0x3FB0]  }
0x2a: {  	p0 =	seq.s32 s5, $0x0;
	s5 =	sld [smem:$0x3FB1]  }
0x2b: {  	s6 =	sld [smem:$0x3FB2]  }
0x2c: {  	s7 =	sld [smem:$0x3FB3]  }
0x2d: {  	s3 =	simm.s32 $0x108;
	s8 =	sld [smem:$0x3FB4]  }
0x2e: {  	s3 =	simm.s32 @!p0 $0x1082;
	s9 =	sld [smem:$0x3FB5]  }
0x2f: {  	lr =	sadd.s32 s0, s3;
	s0 =	sld [smem:$0x3FAC]  }
0x30: {  	s3 =	sld [smem:$0x3FAF]  }
0x31: {  	[smem:$0x3FB8] =	sst s10  }
0x32: {  	s10 =	sld [smem:$0x3FB6];
	_ =	sdelay $0x3  }
0x33: {  	p0 =	seq.s32 s10, $0x1;
	s10 =	sld [smem:$0x3FB8];
	_ =	sdelay $0x3  }
0x34: {  	[smem:$0x3FB8] =	sst s10  }
0x35: {  	s10 =	sld [smem:$0x3FB7];
	_ =	sdelay $0x3  }
0x36: {  	p1 =	seq.s32 s10, $0x1;
	s10 =	sld [smem:$0x3FB8];
	_ =	sdelay $0x3  }
0x37: {  	[smem:$0x3FB8] =	sst s10  }
0x38: {  	s10 =	sld [smem:$0x3FB9]  }
0x39: {  	_ = 	snop;
	(pc) =	sbr.ind lr, $3  }
0x3a: {  	_ = 	snop  }
0x3b: {  	_ = 	snop  }
0x3c: {  	p2 =	seq.s32 s10, $0x1;
	s10 =	sld [smem:$0x3FB8]  }
0x3d: {  	_ =	shalt  }
0x3e: {  	_ =	shalt  }
0x3f: {  	_ =	shalt  }
0x40: {  	_ =	shalt  }
0x41: {  	_ =	shalt  }
0x42: {  	_ =	shalt  }
0x43: {  	_ =	shalt  }
0x44: {  	_ =	shalt  }
0x45: {  	_ =	shalt  }
0x46: {  	_ =	shalt  }
0x47: {  	_ =	shalt  }
0x48: {  	_ =	shalt  }
0x49: {  	_ =	shalt  }
0x4a: {  	_ =	shalt  }
0x4b: {  	_ =	shalt  }
0x4c: {  	_ =	shalt  }
0x4d: {  	_ =	shalt  }
0x4e: {  	_ =	shalt  }
0x4f: {  	_ =	shalt  }
0x50: {  	_ =	shalt  }
0x51: {  	_ =	shalt  }
0x52: {  	_ =	shalt  }
0x53: {  	_ =	shalt  }
0x54: {  	_ =	shalt  }
0x55: {  	_ =	shalt  }
0x56: {  	_ =	shalt  }
0x57: {  	_ =	shalt  }
0x58: {  	_ =	shalt  }
0x59: {  	_ =	shalt  }
0x5a: {  	_ =	shalt  }
0x5b: {  	_ =	shalt  }
0x5c: {  	_ =	shalt  }
0x5d: {  	_ =	shalt  }
0x5e: {  	_ =	shalt  }
0x5f: {  	_ =	shalt  }
0x60: {  	_ =	shalt  }
0x61: {  	_ =	shalt  }
0x62: {  	_ =	shalt  }
0x63: {  	_ =	shalt  }
0x64: {  	_ =	shalt  }
0x65: {  	_ =	shalt  }
0x66: {  	_ =	shalt  }
0x67: {  	_ =	shalt  }
0x68: {  	_ =	shalt  }
0x69: {  	_ =	shalt  }
0x6a: {  	_ =	shalt  }
0x6b: {  	_ =	shalt  }
0x6c: {  	_ =	shalt  }
0x6d: {  	_ =	shalt  }
0x6e: {  	_ =	shalt  }
0x6f: {  	_ =	shalt  }
0x70: {  	_ =	shalt  }
0x71: {  	_ =	shalt  }
0x72: {  	_ =	shalt  }
0x73: {  	_ =	shalt  }
0x74: {  	_ =	shalt  }
0x75: {  	_ =	shalt  }
0x76: {  	_ =	shalt  }
0x77: {  	_ =	shalt  }
0x78: {  	_ =	shalt  }
0x79: {  	_ =	shalt  }
0x7a: {  	_ =	shalt  }
0x7b: {  	_ =	shalt  }
0x7c: {  	_ =	shalt  }
0x7d: {  	_ =	shalt  }
0x7e: {  	_ =	shalt  }
0x7f: {  	_ =	shalt  }
0x80: {  	_ =	shalt  }
0x81: {  	_ =	shalt  }
0x82: {  	_ =	shalt  }
0x83: {  	_ =	shalt  }
0x84: {  	_ =	shalt  }
0x85: {  	_ =	shalt  }
0x86: {  	_ =	shalt  }
0x87: {  	_ =	shalt  }
.Lfunc_end0:
.L_simem_size_0:
called_computation_lowered:
.L_overlay_start_0:
0x88: {  	s2 =	sld [smem:$0x3FD9]  }
0x89: {  	s3 =	sld [smem:$0x3FFE];
	_ =	sdelay $0x1  }
0x8a: {  	s1 =	srdreg.scid  }
0x8b: {  	s0 =	sand.u32 $0x1, s1  }
0x8c: {  	s17 =	sshll.u32 s0, $0xA;
	s2 =	sadd.s32 s3, s2  }
0x8d: {  	s2 =	sadd.s32 s2, s17  }
0x8e: {  	[smem:$0x3FC4] =	sst s2  }
0x8f: {  	_ = 	snop  }
0x90: {  	s2 =	sld [smem:$0x3FC9]  }
0x91: {  	s18 =	sld [smem:$0x3FD0];
	(tm) =	ssettm $0x1  }
0x92: {  	s4 =	sld [smem:$0x3FFB];
	_ =	sdelay $0x3  }
0x93: {  	_ =	strace s4  }
0x94: {  	s4 =	sld [smem:$0x3FFC];
	_ =	sdelay $0x3  }
0x95: {  	_ =	strace s4  }
0x96: {  	s4 =	sld [smem:$0x3FFD];
	_ =	sdelay $0x3  }
0x97: {  	_ =	strace s4  }
0x98: {  	_ =	strace $0x8FFFFFFF  }
0x99: {  	s19 =	sld [smem:$0x3FDB];
	_ =	sdelay $0x1  }
0x9a: {  	s5 =	simm.s32 $_scs_section_size  }
0x9b: {  	s6 =	simm.s32 $_size__tile_overlayer_lowered;
	s7 =	simm.s32 $_tile_overlayer_lowered  }
0x9c: {  	s22 =	simm.s32 $0x1BFF;
	s21 =	sshll.u32 s7, $0x1;
	s4 =	sadd.s32 s5, s19  }
0x9d: {  	s8 =	simm.s32 $0x0;
	s20 =	sshll.u32 s6, $0x1;
	s6 =	sadd.s32 s21, s4  }
0x9e: {  	[timem:s8], [sflag:s22] =	dma.local [hbm:s6], s20  }
0x9f: {  	_ =	swait.ge [sflag:s22], s20  }
0xa0: {  	s5 =	ssub.s32 $0x0, s20;
	[sflag:s22] =	ssyncset.done $0x0  }
0xa1: {  	[sflag:s22] =	ssyncadd.s32 s5;
	_ =	sdelay $0x1  }
0xa2: {  	s23 =	simm.s32 $0x1B8B  }
0xa3: {  	_ =	swait.ge [sflag:s23], $0x1  }
0xa4: {  	[sflag:s23] =	ssyncset.done $0x0  }
0xa5: {  	s25 =	simm.s32 $0x1B8E;
	s24 =	sld [smem:$0x3FFE];
	[sflag:s23] =	ssyncadd.s32 $0xFFFFFFFF  }
0xa6: {  	s26 =	simm.s32 $execute0_lowered;
	[smem:$0x3FD2] =	sst s25  }
0xa7: {  	s6 =	sshll.u32 s26, $0x1;
	_ =	strace $0x80000046;
	[dreg:$0x1] =	wrdreg $0xFFFFFFFF  }
0xa8: {  	s28 =	simm.s32 $_size_execute0_lowered;
	s4 =	sadd.s32 s4, s6;
	[dreg:$0x0] =	wrdreg $0x0  }
0xa9: {  	s6 =	sshll.u32 s28, $0x1;
	[dreg:$0x2] =	wrdreg s4  }
0xaa: {  	[dreg:$0x3] =	wrdreg s6  }
0xab: {  	[dreg:$0x4] =	wrdreg $0xC0  }
0xac: {  	_ =	task [dreg:s8], $0x5FFFF  }
0xad: {  	[dreg:$0x1] =	wrdreg $0xFFFFFFFF  }
0xae: {  	[dreg:$0x0] =	wrdreg $0x60  }
0xaf: {  	[dreg:$0x2] =	wrdreg s2  }
0xb0: {  	[dreg:$0x3] =	wrdreg s24  }
0xb1: {  	[dreg:$0x4] =	wrdreg s18  }
0xb2: {  	[dreg:$0x5] =	wrdreg $0x70000  }
0xb3: {  	[dreg:$0x6] =	wrdreg $0x9  }
0xb4: {  	_ =	task.clear_ibuf [dreg:s8], $0x7FFFF;
	_ =	strace $0x90000046  }
0xb5: {  	s29 =	simm.s32 $0x9;
	_ =	strace $0x80000048  }
0xb6: {  	_ =	swait.ge [sflag:s29], $0x1  }
0xb7: {  	[sflag:s29] =	ssyncadd.s32 $0xFFFFFFFF  }
0xb8: {  	_ =	strace $0x90000048  }
0xb9: {  	_ =	sfence  }
0xba: {  	s30 =	sld [smem:$0x0];
	_ =	sdelay $0x2  }
0xbb: {  	s31 =	sshll.u32 s1, $0xD;
	s1 =	sshrl.u32 s1, $0x2  }
0xbc: {  	s3 =	sand.u32 $0x4000, s31;
	s1 =	sadd.s32 s1, s30  }
0xbd: {  	s0 =	sor.u32 s3, s0;
	s1 =	sshll.u32 s1, $0x11  }
0xbe: {  	s0 =	sor.u32 s1, s0  }
0xbf: {  	s0 =	sadd.s32 $0x8F2B, s0  }
0xc0: {  	[sflag:s0] =	ssyncadd.remote.s32 $0x1  }
0xc1: {  	_ =	sfence.sel $0xFFFF  }
0xc2: {  	[dreg:$0x0] =	wrdreg $0xFFFFFFFF;
	(pc) =	sbr.abs _section_cstart, $3  }
0xc3: {  	[dreg:$0x1] =	wrdreg $0xFFFFFFFF  }
0xc4: {  	_ =	task.clear_ibuf [dreg:s8], $0x2FFFF;
	_ =	strace $0x9FFFFFFF  }
0xc5: {  	(tm) =	ssettm $0x7FFFFFFF  }
tec
execute0_lowered:
.L_overlay_start_1:
0x0: {  	(tag) =	ssettag $0x1  }
0x1: {  	s1 =	rddreg [dreg:$0x0]  }
0x2: {  	s0 =	rddreg [dreg:$0x1]  }
0x3: {  	s6 =	rddreg [dreg:$0x2]  }
0x4: {  	s2 =	rddreg [dreg:$0x3];
	s4 =	srdreg.scid  }
0x5: {  	s3 =	simm.s32 $0x0;
	s7 =	stileid.u32;
	s30 =	simm.s32 $0x28  }
0x6: {  	s13 =	simm.s32 $0x16;
	s29 =	simm.s32 $0x4;
	s31 =	simm.s32 $0x18  }
0x7: {  	s4 =	sand.u32 $0x1, s4;
	[smem:$0x7FF] =	sst s3;
	s20 =	smul.u32 $0x4E000, s7  }
0x8: {  	s8 =	sshll.u32 s7, $0xC;
	s24 =	smul.u32 $0x2700, s7;
	s25 =	sshll.u32 s7, $0x6  }
0x9: {  	s26 =	sadd.s32 $0x138000, s2;
	p0 =	sne.s32 s7, $0x0;
	s5 =	sshll.u32 s4, $0x10  }
0xa: {  	s9 =	smul.u32 $0x27100, s4;
	s4 =	ssub.s32 $0x2, s4;
	s5 =	sor.u32 s8, s5  }
0xb: {  	_ =	strace $0x80000047;
	[dreg:$0x11] =	wrdreg s26;
	s10 =	sadd.s32 s5, s0  }
0xc: {  	s26 =	simm.s32 $0x13;
	[dreg:$0xc] =	wrdreg s24;
	s17 =	sadd.s32 $0x20210, s10  }
0xd: {  	s16 =	sshrl.u32 s4, $0x1;
	s18 =	sadd.s32 $0x40210, s10;
	[dreg:$0x5] =	wrdreg s17  }
0xe: {  	s0 =	sadd.s32 s9, s0;
	s19 =	sadd.s32 $0x20220, s10;
	[dreg:$0x6] =	wrdreg s18  }
0xf: {  	s8 =	ssub.s32 s4, s16;
	s11 =	sadd.s32 $0x40220, s10;
	[dreg:$0x7] =	wrdreg s19  }
0x10: {  	s9 =	sshrl.u32 s20, $0x2;
	s21 =	sadd.s32 $0x20230, s10;
	[dreg:$0x8] =	wrdreg s11  }
0x11: {  	s16 =	simm.s32 $0x400;
	s22 =	sadd.s32 $0x40230, s10;
	[dreg:$0x9] =	wrdreg s21  }
0x12: {  	s4 =	sadd.s32 $0x20200, s10;
	s23 =	sadd.s32 $0x20240, s10;
	[dreg:$0xa] =	wrdreg s22  }
0x13: {  	s5 =	sadd.s32 $0x40200, s10;
	s12 =	sadd.s32 $0x40240, s10;
	[dreg:$0xb] =	wrdreg s23  }
0x14: {  	s9 =	sadd.s32 s9, s2;
	s20 =	sadd.s32 $0x200, s10;
	[dreg:$0xd] =	wrdreg s12  }
0x15: {  	s0 =	sadd.s32 $0x60200, s0;
	s28 =	smax.u32 s8, $0x1;
	[dreg:$0xe] =	wrdreg s9  }
0x16: {  	s8 =	simm.s32 $0x14;
	s11 =	sadd.s32 s6, s24;
	[dreg:$0x13] =	wrdreg s0  }
0x17: {  	s9 =	sor.u32 $0x1C1A, s25;
	s6 =	sadd.s32 $0x27000, s6;
	[dreg:$0x14] =	wrdreg s28  }
0x18: {  	s23 =	simm.s32 $0x800;
	s19 =	simm.s32 $0x10;
	s22 =	simm.s32 $0x2  }
0x19: {  	s21 =	simm.s32 $0x11;
	s25 =	simm.s32 $0x3;
	s17 =	simm.s32 $0x17  }
0x1a: {  	s24 =	simm.s32 $0x12;
	s0 =	simm.s32 $0x5;
	[dreg:$0xf] =	wrdreg s11  }
0x1b: {  	s12 =	simm.s32 $0x0;
	s18 =	simm.s32 $0x5C00;
	[dreg:$0x12] =	wrdreg s6  }
0x1c: {  	s11 =	simm.s32 $0x1A;
	s6 =	simm.s32 $0x19;
	[dreg:$0x10] =	wrdreg s9  }
.LBB2_1:
0x1d: {  	[dreg:$0x15] =	wrdreg s12  }
0x1e: {  	[tilespmem:s3], [sflag:$0xB] =	stream.linear.gather [hbm4b:s4+s3], $0x80, $0x38;
	[tilespmem:$0x1A880] =	vst v63  }
0x1f: {  	s7 =	rddreg [dreg:$0x5]  }
0x20: {  	s12 =	rddreg [dreg:$0x6]  }
0x21: {  	[tilespmem:s23], [sflag:$0x15] =	stream.linear.gather [hbm4b:s5+s3], $0x80, $0x38;
	[tilespmem:$0x1A880] =	vst v63  }
0x22: {  	s10 =	simm.s32 $0x80;
	s15 =	rddreg [dreg:$0x7]  }
0x23: {  	[tilespmem:s10], [sflag:$0xC] =	stream.linear.gather [hbm4b:s7+s3], $0x80, $0x38;
	[tilespmem:$0x1A880] =	vst v63  }
0x24: {  	s14 =	simm.s32 $0x880;
	s10 =	rddreg [dreg:$0xd]  }
0x25: {  	[tilespmem:s14], [sflag:$0x16] =	stream.linear.gather [hbm4b:s12+s3], $0x80, $0x38;
	[tilespmem:$0x1A880] =	vst v63  }
0x26: {  	s28 =	simm.s32 $0x100;
	s12 =	rddreg [dreg:$0x8]  }
0x27: {  	[tilespmem:s28], [sflag:$0xD] =	stream.linear.gather [hbm4b:s15+s3], $0x80, $0x38;
	[tilespmem:$0x1A880] =	vst v63  }
0x28: {  	s14 =	simm.s32 $0x900;
	s15 =	rddreg [dreg:$0x9]  }
0x29: {  	[tilespmem:s14], [sflag:$0x17] =	stream.linear.gather [hbm4b:s12+s3], $0x80, $0x38;
	[tilespmem:$0x1A880] =	vst v63  }
0x2a: {  	s28 =	simm.s32 $0x180;
	s12 =	rddreg [dreg:$0xa]  }
0x2b: {  	[tilespmem:s28], [sflag:$0xE] =	stream.linear.gather [hbm4b:s15+s3], $0x80, $0x38;
	[tilespmem:$0x1A880] =	vst v63  }
0x2c: {  	s14 =	simm.s32 $0x980;
	s15 =	rddreg [dreg:$0xb]  }
0x2d: {  	[tilespmem:s14], [sflag:$0x18] =	stream.linear.gather [hbm4b:s12+s3], $0x80, $0x38;
	[tilespmem:$0x1A880] =	vst v63  }
0x2e: {  	s28 =	simm.s32 $0x200;
	s14 =	rddreg [dreg:$0xe]  }
0x2f: {  	[tilespmem:s28], [sflag:$0xF] =	stream.linear.gather [hbm4b:s15+s3], $0x80, $0x38;
	[tilespmem:$0x1A880] =	vst v63  }
0x30: {  	s15 =	sshrl.u32 s14, $0x3;
	s28 =	rddreg [dreg:$0xf]  }
0x31: {  	s12 =	simm.s32 $0xA00;
	[dreg:$0x16] =	wrdreg s15  }
0x32: {  	[tilespmem:s12], [sflag:$0x19] =	stream.linear.gather [hbm4b:s10+s3], $0x80, $0x38;
	[tilespmem:$0x1A880] =	vst v63  }
0x33: {  	[spmem:s15], [sflag:s9] =	dma.local [hbm:s28], $0x2700  }
0x34: {  	_ =	swait.ge [sflag:s11], $0x2700  }
0x35: {  	s7 =	rddreg [dreg:$0x11]  }
0x36: {  	[sflag:s11] =	ssyncset.done $0x0;
	s10 =	sshrl.u32 @!p0 s7, $0x3;
	s7 =	rddreg [dreg:$0x12]  }
0x37: {  	[sflag:s11] =	ssyncadd.s32 $0xFFFFD900;
	[dreg:$0x17] =	wrdreg s10  }
0x38: {  	[spmem:s10], [sflag:s9] =	dma.local @!p0 [hbm:s7], $0x100  }
0x39: {  	s7 =	simm.s32 @!p0 $0x1A  }
0x3a: {  	_ =	swait.ge @!p0 [sflag:s7], $0x100  }
0x3b: {  	[sflag:s7] =	ssyncset.done @!p0 $0x0  }
0x3c: {  	[sflag:s7] =	ssyncadd.s32 @!p0 $0xFFFFFF00  }
0x3d: {  	s9 =	simm.s32 $0x0;
	[bflag:$0x0] =	sbarrier.arrive $0xFFFF  }
.LBB2_2:
0x3e: {  	p1 =	seq.s32 s9, $0x0  }
0x3f: {  	s7 =	smul.u32 $0x280, s9;
	s10 =	simm.s32 @!p1 $0x6  }
0x40: {  	_ =	swait.ge @!p1 [sflag:s10], $0x1400  }
0x41: {  	s11 =	sshrl.u32 s7, $0x3;
	[sflag:s10] =	ssyncset.done @!p1 $0x0  }
0x42: {  	s12 =	simm.s32 $0xB;
	s11 =	sadd.s32 s11, s20;
	[sflag:s10] =	ssyncadd.s32 @!p1 $0xFFFFEC00  }
0x43: {  	[tilespmem:s16], [sflag:$0x10] =	stream.linear.gather [hbm4b:s11+s3], $0x80, $0x38;
	[tilespmem:$0x1A880] =	vst v63  }
0x44: {  	_ =	swait.ge [sflag:s12], $0x80  }
0x45: {  	s14 =	simm.s32 $0xC00;
	[sflag:s12] =	ssyncset.done $0x0  }
0x46: {  	s10 =	simm.s32 @!p1 $0x7;
	s11 =	smul.u32 $0x50, s9;
	[sflag:s12] =	ssyncadd.s32 $0xFFFFFF80  }
0x47: {  	[tilespmem:s14], [sflag:$0x1] =	stream.indirect.gather [hbm4b:s1+s30], $0x80, s3, s30, $0xb8;
	[tilespmem:$0x1A880] =	vst v63  }
0x48: {  	_ =	swait.ge @!p1 [sflag:s10], $0x1400  }
0x49: {  	s12 =	sadd.s32 s20, s11;
	[sflag:s10] =	ssyncset.done @!p1 $0x0  }
0x4a: {  	s15 =	sadd.s32 $0x10, s12;
	s14 =	simm.s32 $0x480;
	[sflag:s10] =	ssyncadd.s32 @!p1 $0xFFFFEC00  }
0x4b: {  	[tilespmem:s14], [sflag:$0x11] =	stream.linear.gather [hbm4b:s15+s3], $0x80, $0x38;
	[tilespmem:$0x1A880] =	vst v63  }
0x4c: {  	s15 =	simm.s32 $0xC  }
0x4d: {  	_ =	swait.ge [sflag:s15], $0x80  }
0x4e: {  	[sflag:s15] =	ssyncset.done $0x0  }
0x4f: {  	s14 =	simm.s32 $0x80;
	[sflag:s15] =	ssyncadd.s32 $0xFFFFFF80;
	s15 =	simm.s32 $0x2000  }
0x50: {  	[tilespmem:s15], [sflag:$0x2] =	stream.indirect.gather [hbm4b:s1+s30], $0x80, s14, s30, $0xb8;
	[tilespmem:$0x1A880] =	vst v63  }
0x51: {  	s28 =	simm.s32 @p1 $0x500;
	s10 =	sadd.s32 @p1 $0x20, s20;
	s15 =	simm.s32 @p1 $0x0  }
0x52: {  	[tilespmem:s28], [sflag:$0x12] =	stream.linear.gather @p1 [hbm4b:s10+s15], $0x80, $0x38;
	[tilespmem:$0x1A880] =	vst v63  }
0x53: {  	s10 =	simm.s32 @p1 $0xD  }
0x54: {  	_ =	swait.ge @p1 [sflag:s10], $0x80  }
0x55: {  	s15 =	simm.s32 @p1 $0x100;
	[sflag:s10] =	ssyncset.done @p1 $0x0  }
0x56: {  	s28 =	simm.s32 @p1 $0x3400;
	[sflag:s10] =	ssyncadd.s32 @p1 $0xFFFFFF80;
	s10 =	simm.s32 @p1 $0x28  }
0x57: {  	[tilespmem:s28], [sflag:$0x3] =	stream.indirect.gather @p1 [hbm4b:s1+s10], $0x80, s15, s10, $0xb8;
	[tilespmem:$0x1A880] =	vst v63  }
0x58: {  	s10 =	simm.s32 @!p1 $0x8  }
0x59: {  	_ =	swait.ge @!p1 [sflag:s10], $0x1400  }
0x5a: {  	[sflag:s10] =	ssyncset.done @!p1 $0x0  }
0x5b: {  	[sflag:s10] =	ssyncadd.s32 @!p1 $0xFFFFEC00;
	s10 =	sadd.s32 @!p1 s20, s11  }
0x5c: {  	s15 =	simm.s32 @!p1 $0x500;
	s11 =	simm.s32 @!p1 $0x0;
	s10 =	sadd.s32 @!p1 $0x20, s10  }
0x5d: {  	[tilespmem:s15], [sflag:$0x12] =	stream.linear.gather @!p1 [hbm4b:s10+s11], $0x80, $0x38;
	[tilespmem:$0x1A880] =	vst v63  }
0x5e: {  	s10 =	simm.s32 @!p1 $0xD  }
0x5f: {  	_ =	swait.ge @!p1 [sflag:s10], $0x80  }
0x60: {  	s11 =	simm.s32 @!p1 $0x100;
	[sflag:s10] =	ssyncset.done @!p1 $0x0  }
0x61: {  	s15 =	simm.s32 @!p1 $0x3400;
	[sflag:s10] =	ssyncadd.s32 @!p1 $0xFFFFFF80;
	s10 =	simm.s32 @!p1 $0x28  }
0x62: {  	[tilespmem:s15], [sflag:$0x3] =	stream.indirect.gather @!p1 [hbm4b:s1+s10], $0x80, s11, s10, $0xb8;
	[tilespmem:$0x1A880] =	vst v63  }
0x63: {  	s10 =	simm.s32 @!p1 $0x9  }
0x64: {  	_ =	swait.ge @!p1 [sflag:s10], $0x1400  }
0x65: {  	s14 =	simm.s32 $0x580;
	[sflag:s10] =	ssyncset.done @!p1 $0x0  }
0x66: {  	s11 =	sadd.s32 $0x30, s12;
	s15 =	simm.s32 $0xE;
	[sflag:s10] =	ssyncadd.s32 @!p1 $0xFFFFEC00  }
0x67: {  	[tilespmem:s14], [sflag:$0x13] =	stream.linear.gather [hbm4b:s11+s3], $0x80, $0x38;
	[tilespmem:$0x1A880] =	vst v63  }
0x68: {  	_ =	swait.ge [sflag:s15], $0x80  }
0x69: {  	s10 =	simm.s32 @!p1 $0xA;
	[sflag:s15] =	ssyncset.done $0x0  }
0x6a: {  	s11 =	simm.s32 $0x180;
	s14 =	simm.s32 $0x4800;
	[sflag:s15] =	ssyncadd.s32 $0xFFFFFF80  }
0x6b: {  	[tilespmem:s14], [sflag:$0x4] =	stream.indirect.gather [hbm4b:s1+s30], $0x80, s11, s30, $0xb8;
	[tilespmem:$0x1A880] =	vst v63  }
0x6c: {  	_ =	swait.ge @!p1 [sflag:s10], $0x1400  }
0x6d: {  	s16 =	simm.s32 $0x600;
	[sflag:s10] =	ssyncset.done @!p1 $0x0  }
0x6e: {  	s15 =	sadd.s32 $0x40, s12;
	s11 =	simm.s32 $0xF;
	[sflag:s10] =	ssyncadd.s32 @!p1 $0xFFFFEC00  }
0x6f: {  	[tilespmem:s16], [sflag:$0x14] =	stream.linear.gather [hbm4b:s15+s3], $0x80, $0x38;
	[tilespmem:$0x1A880] =	vst v63  }
0x70: {  	s12 =	simm.s32 $0x200;
	_ =	swait.ge [sflag:s11], $0x80  }
0x71: {  	s14 =	simm.s32 $0x0;
	s15 =	simm.s32 $0x6;
	[sflag:s11] =	ssyncset.done $0x0  }
0x72: {  	s16 =	simm.s32 $0x1;
	[sflag:s11] =	ssyncadd.s32 $0xFFFFFF80;
	s11 =	smul.u32 $0x5, s9  }
0x73: {  	v0 =	vmov s14;
	[tilespmem:s18], [sflag:$0x5] =	stream.indirect.gather [hbm4b:s1+s30], $0x80, s12, s30, $0xb8;
	[tilespmem:$0x1A880] =	vst v63  }
0x74: {  	v0 =	vand.u32 $0xFFFFFFF8, v0;
	p1 =	seq.s32 s9, $0x31;
	v1 =	vmov s15;
	_ =	swait.ge [sflag:s16], $0x1400;
	s12 =	sadd.s32 $0x5, s11  }
0x75: {  	s14 =	simm.s32 $0x15;
	v0 =	vbroadcast v0, $0x0;
	v1 =	vand.u32 $0xFFFFFFFE, v1;
	[sflag:s16] =	ssyncset.done $0x0;
	s15 =	sshll.u32 @!p1 s12, $0x4  }
0x76: {  	v1 =	vbroadcast v1, $0x0;
	s12 =	simm.s32 @!p1 $0x0;
	[sflag:s16] =	ssyncadd.s32 $0xFFFFEC00;
	s10 =	sadd.s32 @!p1 s4, s15  }
0x77: {  	[tilespmem:s12], [sflag:$0xB] =	stream.linear.gather @!p1 [hbm4b:s10+s12], $0x80, $0x38;
	[tilespmem:$0x1A880] =	vst v63  }
0x78: {  	_ =	swait.ge [sflag:s14], $0x80  }
0x79: {  	[sflag:s14] =	ssyncset.done $0x0  }
0x7a: {  	[sflag:s14] =	ssyncadd.s32 $0xFFFFFF80  }
0x7b: {  	v0 =	vld.idx.msk [tilespmem:v0+s23+$0x0], $0xffff  }
0x7c: {  	s28 =	simm.s32 $0xE00;
	v1 =	vld.idx.msk [tilespmem:v1+s23+$0x0], $0xffff  }
0x7d: {  	v3 =	vld [tilespmem:s28+$0x170]  }
0x7e: {  	v4 =	vld [tilespmem:s28+$0xFFFFFE00]  }
0x7f: {  	v5 =	vld [tilespmem:s28+$0xFFFFFE10]  }
0x80: {  	v6 =	vld [tilespmem:s28+$0xFFFFFE20]  }
0x81: {  	s16 =	simm.s32 $0x1;
	v7 =	vld [tilespmem:s28+$0xFFFFFE30]  }
0x82: {  	v2 =	vmov s16;
	v8 =	vld [tilespmem:s28+$0xFFFFFE40]  }
0x83: {  	v2 =	vand.u32 $0xFFFFFFF9, v2;
	v9 =	vld [tilespmem:s28+$0xFFFFFE50]  }
0x84: {  	v2 =	vbroadcast v2, $0x0;
	v10 =	vld [tilespmem:s28+$0xFFFFFE60]  }
0x85: {  	v11 =	vld [tilespmem:s28+$0xFFFFFE70]  }
0x86: {  	v12 =	vld [tilespmem:s28+$0xFFFFFE80]  }
0x87: {  	v13 =	vld [tilespmem:s28+$0xFFFFFE90];
	v4 =	vmul.f32 v4, v0  }
0x88: {  	v14 =	vld [tilespmem:s28+$0xFFFFFEA0];
	v3 =	vmul.f32 v3, v1  }
0x89: {  	v15 =	vld [tilespmem:s28+$0xFFFFFEB0];
	v5 =	vmul.f32 v5, v0;
	[tilespmem:s28+$0xFFFFFE00] =	vst v4  }
0x8a: {  	v2 =	vld.idx.msk [tilespmem:v2+s23+$0x0], $0xffff;
	v7 =	vmul.f32 v7, v0;
	[tilespmem:s28+$0x170] =	vst v3  }
0x8b: {  	s12 =	simm.s32 $0x2;
	v8 =	vmul.f32 v8, v0;
	v3 =	vmul.f32 v6, v0;
	v6 =	vld [tilespmem:s28+$0xFFFFFEC0];
	[tilespmem:s28+$0xFFFFFE10] =	vst v5  }
0x8c: {  	v4 =	vmov s12;
	[tilespmem:s28+$0xFFFFFE30] =	vst v7;
	v7 =	vmul.f32 v9, v0;
	v9 =	vld [tilespmem:s28+$0xFFFFFEF0]  }
0x8d: {  	[tilespmem:s28+$0xFFFFFE40] =	vst v8;
	v8 =	vmul.f32 v10, v0;
	v10 =	vld [tilespmem:s28+$0xFFFFFF00];
	v4 =	vand.u32 $0xFFFFFFFA, v4  }
0x8e: {  	v0 =	vmul.f32 v11, v0;
	v11 =	vld [tilespmem:s28+$0xFFFFFF20];
	v4 =	vbroadcast v4, $0x0;
	[tilespmem:s28+$0xFFFFFE20] =	vst v3  }
0x8f: {  	v5 =	vmul.f32 v12, v2;
	v12 =	vld [tilespmem:s28+$0xFFFFFED0];
	[tilespmem:s28+$0xFFFFFE50] =	vst v7  }
0x90: {  	s14 =	simm.s32 $0x3;
	v3 =	vld [tilespmem:s28+$0xFFFFFEE0];
	[tilespmem:s28+$0xFFFFFE60] =	vst v8  }
0x91: {  	v7 =	vld [tilespmem:s28+$0xFFFFFF10];
	v8 =	vmul.f32 v13, v2;
	[tilespmem:s28+$0xFFFFFE80] =	vst v5;
	v5 =	vmov s14  }
0x92: {  	[tilespmem:s28+$0xFFFFFE70] =	vst v0;
	v0 =	vmul.f32 v14, v2;
	v13 =	vld [tilespmem:s28+$0xFFFFFF30];
	v5 =	vand.u32 $0xFFFFFFFB, v5  }
0x93: {  	v14 =	vld [tilespmem:s28+$0xFFFFFF40];
	[tilespmem:s28+$0xFFFFFE90] =	vst v8;
	v8 =	vmul.f32 v15, v2;
	v5 =	vbroadcast v5, $0x0  }
0x94: {  	v6 =	vmul.f32 v6, v2;
	v4 =	vld.idx.msk [tilespmem:v4+s23+$0x0], $0xffff  }
0x95: {  	[tilespmem:s28+$0xFFFFFEB0] =	vst v8;
	v8 =	vld [tilespmem:s28+$0xFFFFFF60]  }
0x96: {  	v12 =	vmul.f32 v12, v2;
	[tilespmem:s28+$0xFFFFFEC0] =	vst v6;
	v6 =	vld [tilespmem:s28+$0xFFFFFF70]  }
0x97: {  	[tilespmem:s28+$0xFFFFFEA0] =	vst v0;
	v3 =	vmul.f32 v3, v2;
	v2 =	vmul.f32 v9, v2;
	v9 =	vld [tilespmem:s28+$0xFFFFFF80]  }
0x98: {  	[tilespmem:s28+$0xFFFFFED0] =	vst v12;
	v12 =	vld [tilespmem:s28+$0xFFFFFFB0]  }
0x99: {  	[tilespmem:s28+$0xFFFFFEE0] =	vst v3;
	v5 =	vld.idx.msk [tilespmem:v5+s23+$0x0], $0xffff;
	v0 =	vmul.f32 v10, v4  }
0x9a: {  	[tilespmem:s28+$0xFFFFFEF0] =	vst v2;
	v10 =	vld [tilespmem:s28+$0xFFFFFF50];
	v3 =	vmul.f32 v7, v4  }
0x9b: {  	s16 =	simm.s32 $0x4;
	v7 =	vld [tilespmem:s28+$0xFFFFFF90];
	v2 =	vmul.f32 v11, v4;
	[tilespmem:s28+$0xFFFFFF00] =	vst v0  }
0x9c: {  	v11 =	vld [tilespmem:s28+$0xFFFFFFA0];
	v8 =	vmul.f32 v8, v4;
	v0 =	vmov s16;
	[tilespmem:s28+$0xFFFFFF10] =	vst v3  }
0x9d: {  	v3 =	vmul.f32 v13, v4;
	[tilespmem:s28+$0xFFFFFF20] =	vst v2;
	v13 =	vld [tilespmem:s28+$0xFFFFFFC0];
	v0 =	vand.u32 $0xFFFFFFFC, v0  }
0x9e: {  	v2 =	vmul.f32 v14, v4;
	[tilespmem:s28+$0xFFFFFF60] =	vst v8;
	v8 =	vld [tilespmem:s28+$0x0];
	v0 =	vbroadcast v0, $0x0  }
0x9f: {  	[tilespmem:s28+$0xFFFFFF30] =	vst v3;
	v3 =	vmul.f32 v9, v5;
	v9 =	vld [tilespmem:s28+$0xFFFFFFD0]  }
0xa0: {  	s12 =	simm.s32 $0x5;
	[tilespmem:s28+$0xFFFFFF40] =	vst v2;
	v2 =	vld [tilespmem:s28+$0xFFFFFFE0];
	v10 =	vmul.f32 v10, v4  }
0xa1: {  	v4 =	vmul.f32 v6, v4;
	v6 =	vld [tilespmem:s28+$0xFFFFFFF0];
	[tilespmem:s28+$0xFFFFFF80] =	vst v3;
	v3 =	vmov s12  }
0xa2: {  	v7 =	vmul.f32 v7, v5;
	[tilespmem:s28+$0xFFFFFF50] =	vst v10;
	v3 =	vand.u32 $0xFFFFFFFD, v3;
	v10 =	vld [tilespmem:s28+$0x10]  }
0xa3: {  	[tilespmem:s28+$0xFFFFFF70] =	vst v4;
	v4 =	vmul.f32 v11, v5;
	v11 =	vld [tilespmem:s28+$0x20];
	v3 =	vbroadcast v3, $0x0  }
0xa4: {  	[tilespmem:s28+$0xFFFFFF90] =	vst v7;
	v7 =	vmul.f32 v12, v5;
	v0 =	vld.idx.msk [tilespmem:v0+s23+$0x0], $0xffff  }
0xa5: {  	v12 =	vld [tilespmem:s28+$0x30];
	[tilespmem:s28+$0xFFFFFFA0] =	vst v4;
	v4 =	vmul.f32 v13, v5  }
0xa6: {  	[tilespmem:s28+$0xFFFFFFB0] =	vst v7;
	v7 =	vmul.f32 v9, v5;
	v9 =	vld [tilespmem:s28+$0x40]  }
0xa7: {  	v2 =	vmul.f32 v2, v5;
	v13 =	vld [tilespmem:s28+$0x180];
	[tilespmem:s28+$0xFFFFFFC0] =	vst v4  }
0xa8: {  	v5 =	vmul.f32 v6, v5;
	[tilespmem:s28+$0xFFFFFFD0] =	vst v7;
	v7 =	vld [tilespmem:s28+$0x60]  }
0xa9: {  	[tilespmem:s28+$0xFFFFFFE0] =	vst v2;
	v3 =	vld.idx.msk [tilespmem:v3+s23+$0x0], $0xffff;
	v4 =	vmul.f32 v8, v0  }
0xaa: {  	[tilespmem:s28+$0xFFFFFFF0] =	vst v5;
	v8 =	vld [tilespmem:s28+$0x50];
	v5 =	vmul.f32 v11, v0  }
0xab: {  	v2 =	vmul.f32 v10, v0;
	v10 =	vld [tilespmem:s28+$0x90];
	[tilespmem:s28+$0x0] =	vst v4  }
0xac: {  	v6 =	vld [tilespmem:s28+$0x80];
	[tilespmem:s28+$0x20] =	vst v5;
	v5 =	vmul.f32 v9, v0  }
0xad: {  	v4 =	vld [tilespmem:s28+$0x70];
	[tilespmem:s28+$0x10] =	vst v2;
	v2 =	vmul.f32 v12, v0  }
0xae: {  	v9 =	vld [tilespmem:s28+$0xA0];
	[tilespmem:s28+$0x40] =	vst v5;
	v5 =	vmul.f32 v7, v0  }
0xaf: {  	[tilespmem:s28+$0x30] =	vst v2;
	v7 =	vld [tilespmem:s28+$0xC0];
	v2 =	vmul.f32 v8, v0  }
0xb0: {  	v8 =	vld [tilespmem:s28+$0xB0];
	v10 =	vmul.f32 v10, v3;
	[tilespmem:s28+$0x60] =	vst v5  }
0xb1: {  	s14 =	simm.s32 $0x7;
	v5 =	vld [tilespmem:s28+$0xE0];
	[tilespmem:s28+$0x50] =	vst v2;
	v2 =	vmul.f32 v6, v3  }
0xb2: {  	v11 =	vmov s14;
	v6 =	vld [tilespmem:s28+$0xD0];
	v4 =	vmul.f32 v4, v0;
	[tilespmem:s28+$0x90] =	vst v10  }
0xb3: {  	v10 =	vld [tilespmem:s28+$0x150];
	[tilespmem:s28+$0x80] =	vst v2  }
0xb4: {  	[tilespmem:s28+$0x70] =	vst v4;
	v2 =	vmul.f32 v9, v3;
	v4 =	vld [tilespmem:s28+$0xF0]  }
0xb5: {  	v9 =	vld [tilespmem:s28+$0x100];
	v8 =	vmul.f32 v8, v3  }
0xb6: {  	[tilespmem:s28+$0xA0] =	vst v2;
	v2 =	vmul.f32 v7, v3;
	v7 =	vld [tilespmem:s28+$0x110]  }
0xb7: {  	v0 =	vld.idx.msk [tilespmem:v11+s23+$0x0], $0xffff;
	[tilespmem:s28+$0xB0] =	vst v8;
	v6 =	vmul.f32 v6, v3  }
0xb8: {  	v8 =	vld [tilespmem:s28+$0x120];
	v10 =	vmul.f32 v10, v1;
	[tilespmem:s28+$0xC0] =	vst v2  }
0xb9: {  	s14 =	simm.s32 $0x9;
	v2 =	vmul.f32 v5, v3;
	v5 =	vld [tilespmem:s28+$0x130];
	[tilespmem:s28+$0xD0] =	vst v6;
	v3 =	vmul.f32 v4, v3  }
0xba: {  	s16 =	simm.s32 $0x8;
	v11 =	vmov s14;
	v4 =	vld [tilespmem:s28+$0x140];
	[tilespmem:s28+$0x150] =	vst v10  }
0xbb: {  	s14 =	simm.s32 $0xC;
	v6 =	vmov s16;
	v9 =	vmul.f32 v9, v1;
	[tilespmem:s28+$0xF0] =	vst v3;
	v3 =	vmul.f32 v7, v1;
	v7 =	vld [tilespmem:s28+$0x160]  }
0xbc: {  	s12 =	simm.s32 $0xF;
	v14 =	vmov s14;
	v13 =	vmul.f32 v13, v0;
	s16 =	simm.s32 $0xA;
	[tilespmem:s28+$0xE0] =	vst v2;
	v6 =	vand.u32 $0xFFFFFFF8, v6  }
0xbd: {  	v16 =	vld [tilespmem:s28+$0x190];
	v2 =	vmov s12;
	v12 =	vmov s16;
	s12 =	simm.s32 $0xB;
	[tilespmem:s28+$0x100] =	vst v9;
	v8 =	vmul.f32 v8, v1  }
0xbe: {  	v9 =	vmov s12;
	[tilespmem:s28+$0x110] =	vst v3;
	v15 =	vmul.f32 v5, v1;
	v3 =	vbroadcast v6, $0x0;
	v5 =	vld [tilespmem:s28+$0x1A0]  }
0xbf: {  	v6 =	vld [tilespmem:s28+$0x1B0];
	[tilespmem:s28+$0x120] =	vst v8;
	v8 =	vmul.f32 v4, v1;
	v4 =	vand.u32 $0xFFFFFFF9, v11;
	v11 =	vand.u32 $0xFFFFFFFA, v12  }
0xc0: {  	s16 =	simm.s32 $0xD;
	v12 =	vand.u32 $0xFFFFFFFB, v9;
	[tilespmem:s28+$0x130] =	vst v15;
	v4 =	vbroadcast v4, $0x0;
	v15 =	vmul.f32 v7, v1;
	v7 =	vld [tilespmem:s28+$0x1C0]  }
0xc1: {  	v17 =	vmov s16;
	v9 =	vbroadcast v11, $0x0;
	v11 =	vbroadcast v12, $0x0;
	[tilespmem:s28+$0x140] =	vst v8;
	v8 =	vld [tilespmem:s28+$0x1D0]  }
0xc2: {  	s10 =	simm.s32 $0xE;
	v10 =	vld [tilespmem:s28+$0x1E0];
	s12 =	sand.u32 $0x380, s7;
	s7 =	simm.s32 $0x10;
	v12 =	vmul.f32 v16, v0;
	v1 =	vand.u32 $0xFFFFFFFC, v14;
	v14 =	vand.u32 $0xFFFFFFFD, v17;
	[tilespmem:s28+$0x160] =	vst v15  }
.LBB2_3:
0xc3: {  	p2 =	slt.u32 s7, $0x20;
	v1 =	vbroadcast v1, $0x0;
	v15 =	vmov s10;
	[tilespmem:s28+$0x180] =	vst v13;
	v5 =	vmul.f32 v5, v0;
	v13 =	vld [tilespmem:s28+$0x1F0]  }
0xc4: {  	v14 =	vbroadcast v14, $0x0;
	v15 =	vand.u32 $0xFFFFFFFE, v15;
	v16 =	vld.idx.msk [tilespmem:v2+s23+$0x0], $0xffff;
	[tilespmem:s28+$0x190] =	vst v12;
	v2 =	vmul.f32 v6, v0  }
0xc5: {  	v6 =	vld.idx.msk [tilespmem:v3+s23+$0x0], $0xffff;
	v12 =	vbroadcast v15, $0x0;
	[tilespmem:s28+$0x1A0] =	vst v5;
	v3 =	vmul.f32 v7, v0  }
0xc6: {  	v5 =	vld.idx.msk [tilespmem:v4+s23+$0x0], $0xffff;
	[tilespmem:s28+$0x1B0] =	vst v2;
	v2 =	vmul.f32 v8, v0  }
0xc7: {  	v7 =	vld.idx.msk [tilespmem:v9+s23+$0x0], $0xffff;
	[tilespmem:s28+$0x1C0] =	vst v3;
	v8 =	vmul.f32 v10, v0  }
0xc8: {  	v4 =	vld.idx.msk [tilespmem:v11+s23+$0x0], $0xffff;
	[tilespmem:s28+$0x1D0] =	vst v2;
	v9 =	vmul.f32 v13, v0  }
0xc9: {  	v3 =	vld.idx.msk [tilespmem:v1+s23+$0x0], $0xffff;
	[tilespmem:s28+$0x1E0] =	vst v8  }
0xca: {  	v0 =	vmov v16;
	v2 =	vld.idx.msk [tilespmem:v14+s23+$0x0], $0xffff;
	[tilespmem:s28+$0x1F0] =	vst v9  }
0xcb: {  	s28 =	sadd.s32 $0x400, s28;
	v1 =	vld.idx.msk [tilespmem:v12+s23+$0x0], $0xffff  }
0xcc: {  	v8 =	vld [tilespmem:s28+$0x170]  }
0xcd: {  	v9 =	vld [tilespmem:s28+$0xFFFFFE00]  }
0xce: {  	v10 =	vld [tilespmem:s28+$0xFFFFFE10]  }
0xcf: {  	v11 =	vld [tilespmem:s28+$0xFFFFFE20]  }
0xd0: {  	v12 =	vld [tilespmem:s28+$0xFFFFFE30]  }
0xd1: {  	v13 =	vld [tilespmem:s28+$0xFFFFFE40];
	v8 =	vmul.f32 v8, v1  }
0xd2: {  	v9 =	vmul.f32 v9, v6;
	v14 =	vld [tilespmem:s28+$0xFFFFFE50]  }
0xd3: {  	v10 =	vmul.f32 v10, v6;
	v15 =	vld [tilespmem:s28+$0xFFFFFE60];
	[tilespmem:s28+$0x170] =	vst v8  }
0xd4: {  	[tilespmem:s28+$0xFFFFFE00] =	vst v9;
	v8 =	vmul.f32 v11, v6;
	v9 =	vld [tilespmem:s28+$0xFFFFFE70]  }
0xd5: {  	[tilespmem:s28+$0xFFFFFE10] =	vst v10;
	v10 =	vmul.f32 v12, v6;
	v11 =	vld [tilespmem:s28+$0xFFFFFE80]  }
0xd6: {  	[tilespmem:s28+$0xFFFFFE20] =	vst v8;
	v8 =	vmul.f32 v13, v6;
	v12 =	vld [tilespmem:s28+$0xFFFFFE90]  }
0xd7: {  	[tilespmem:s28+$0xFFFFFE30] =	vst v10;
	v10 =	vmul.f32 v14, v6;
	v13 =	vld [tilespmem:s28+$0xFFFFFEA0]  }
0xd8: {  	[tilespmem:s28+$0xFFFFFE40] =	vst v8;
	v8 =	vmul.f32 v15, v6;
	v14 =	vld [tilespmem:s28+$0xFFFFFEB0]  }
0xd9: {  	[tilespmem:s28+$0xFFFFFE50] =	vst v10;
	v6 =	vmul.f32 v9, v6;
	v9 =	vld [tilespmem:s28+$0xFFFFFEC0]  }
0xda: {  	[tilespmem:s28+$0xFFFFFE60] =	vst v8;
	v8 =	vmul.f32 v11, v5;
	v10 =	vld [tilespmem:s28+$0xFFFFFED0]  }
0xdb: {  	[tilespmem:s28+$0xFFFFFE70] =	vst v6;
	v6 =	vmul.f32 v12, v5;
	v11 =	vld [tilespmem:s28+$0xFFFFFEE0]  }
0xdc: {  	[tilespmem:s28+$0xFFFFFE80] =	vst v8;
	v8 =	vmul.f32 v13, v5;
	v12 =	vld [tilespmem:s28+$0xFFFFFEF0]  }
0xdd: {  	[tilespmem:s28+$0xFFFFFE90] =	vst v6;
	v6 =	vmul.f32 v14, v5;
	v13 =	vld [tilespmem:s28+$0xFFFFFF00]  }
0xde: {  	[tilespmem:s28+$0xFFFFFEA0] =	vst v8;
	v8 =	vmul.f32 v9, v5;
	v9 =	vld [tilespmem:s28+$0xFFFFFF10]  }
0xdf: {  	[tilespmem:s28+$0xFFFFFEB0] =	vst v6;
	v6 =	vmul.f32 v10, v5;
	v10 =	vld [tilespmem:s28+$0xFFFFFF20]  }
0xe0: {  	[tilespmem:s28+$0xFFFFFEC0] =	vst v8;
	v8 =	vmul.f32 v11, v5;
	v11 =	vld [tilespmem:s28+$0xFFFFFF30]  }
0xe1: {  	[tilespmem:s28+$0xFFFFFED0] =	vst v6;
	v5 =	vmul.f32 v12, v5;
	v6 =	vld [tilespmem:s28+$0xFFFFFF40]  }
0xe2: {  	[tilespmem:s28+$0xFFFFFEE0] =	vst v8;
	v8 =	vmul.f32 v13, v7;
	v12 =	vld [tilespmem:s28+$0xFFFFFF50]  }
0xe3: {  	[tilespmem:s28+$0xFFFFFEF0] =	vst v5;
	v5 =	vmul.f32 v9, v7;
	v9 =	vld [tilespmem:s28+$0xFFFFFF60]  }
0xe4: {  	[tilespmem:s28+$0xFFFFFF00] =	vst v8;
	v8 =	vmul.f32 v10, v7;
	v10 =	vld [tilespmem:s28+$0xFFFFFF70]  }
0xe5: {  	[tilespmem:s28+$0xFFFFFF10] =	vst v5;
	v5 =	vmul.f32 v11, v7;
	v11 =	vld [tilespmem:s28+$0xFFFFFF80]  }
0xe6: {  	[tilespmem:s28+$0xFFFFFF20] =	vst v8;
	v6 =	vmul.f32 v6, v7;
	v8 =	vld [tilespmem:s28+$0xFFFFFF90]  }
0xe7: {  	[tilespmem:s28+$0xFFFFFF30] =	vst v5;
	v5 =	vmul.f32 v12, v7;
	v12 =	vld [tilespmem:s28+$0xFFFFFFA0]  }
0xe8: {  	[tilespmem:s28+$0xFFFFFF40] =	vst v6;
	v6 =	vmul.f32 v9, v7;
	v9 =	vld [tilespmem:s28+$0xFFFFFFB0]  }
0xe9: {  	[tilespmem:s28+$0xFFFFFF50] =	vst v5;
	v5 =	vmul.f32 v10, v7;
	v7 =	vld [tilespmem:s28+$0xFFFFFFC0]  }
0xea: {  	[tilespmem:s28+$0xFFFFFF60] =	vst v6;
	v6 =	vmul.f32 v11, v4;
	v10 =	vld [tilespmem:s28+$0xFFFFFFD0]  }
0xeb: {  	[tilespmem:s28+$0xFFFFFF70] =	vst v5;
	v5 =	vmul.f32 v8, v4;
	v8 =	vld [tilespmem:s28+$0xFFFFFFE0]  }
0xec: {  	[tilespmem:s28+$0xFFFFFF80] =	vst v6;
	v6 =	vmul.f32 v12, v4;
	v11 =	vld [tilespmem:s28+$0xFFFFFFF0]  }
0xed: {  	[tilespmem:s28+$0xFFFFFF90] =	vst v5;
	v5 =	vmul.f32 v9, v4;
	v9 =	vld [tilespmem:s28+$0x0]  }
0xee: {  	[tilespmem:s28+$0xFFFFFFA0] =	vst v6;
	v6 =	vmul.f32 v7, v4;
	v7 =	vld [tilespmem:s28+$0x10]  }
0xef: {  	[tilespmem:s28+$0xFFFFFFB0] =	vst v5;
	v5 =	vmul.f32 v10, v4;
	v10 =	vld [tilespmem:s28+$0x20]  }
0xf0: {  	[tilespmem:s28+$0xFFFFFFC0] =	vst v6;
	v6 =	vmul.f32 v8, v4;
	v8 =	vld [tilespmem:s28+$0x30]  }
0xf1: {  	[tilespmem:s28+$0xFFFFFFD0] =	vst v5;
	v4 =	vmul.f32 v11, v4;
	v5 =	vld [tilespmem:s28+$0x40]  }
0xf2: {  	[tilespmem:s28+$0xFFFFFFE0] =	vst v6;
	v6 =	vmul.f32 v9, v3;
	v9 =	vld [tilespmem:s28+$0x50]  }
0xf3: {  	[tilespmem:s28+$0xFFFFFFF0] =	vst v4;
	v4 =	vmul.f32 v7, v3;
	v7 =	vld [tilespmem:s28+$0x60]  }
0xf4: {  	[tilespmem:s28+$0x0] =	vst v6;
	v6 =	vmul.f32 v10, v3;
	v10 =	vld [tilespmem:s28+$0x70]  }
0xf5: {  	[tilespmem:s28+$0x10] =	vst v4;
	v4 =	vmul.f32 v8, v3;
	v8 =	vld [tilespmem:s28+$0x80]  }
0xf6: {  	[tilespmem:s28+$0x20] =	vst v6;
	v5 =	vmul.f32 v5, v3;
	v6 =	vld [tilespmem:s28+$0x90]  }
0xf7: {  	[tilespmem:s28+$0x30] =	vst v4;
	v4 =	vmul.f32 v9, v3;
	v9 =	vld [tilespmem:s28+$0xA0]  }
0xf8: {  	[tilespmem:s28+$0x40] =	vst v5;
	v5 =	vmul.f32 v7, v3;
	v7 =	vld [tilespmem:s28+$0xB0]  }
0xf9: {  	[tilespmem:s28+$0x50] =	vst v4;
	v3 =	vmul.f32 v10, v3;
	v4 =	vld [tilespmem:s28+$0xC0]  }
0xfa: {  	[tilespmem:s28+$0x60] =	vst v5;
	v5 =	vmul.f32 v8, v2;
	v8 =	vld [tilespmem:s28+$0xD0]  }
0xfb: {  	[tilespmem:s28+$0x70] =	vst v3;
	v3 =	vmul.f32 v6, v2;
	v6 =	vld [tilespmem:s28+$0xE0]  }
0xfc: {  	[tilespmem:s28+$0x80] =	vst v5;
	v5 =	vmul.f32 v9, v2;
	v9 =	vld [tilespmem:s28+$0xF0]  }
0xfd: {  	[tilespmem:s28+$0x90] =	vst v3;
	v3 =	vmul.f32 v7, v2;
	v7 =	vld [tilespmem:s28+$0x100]  }
0xfe: {  	[tilespmem:s28+$0xA0] =	vst v5;
	v4 =	vmul.f32 v4, v2;
	v5 =	vld [tilespmem:s28+$0x110]  }
0xff: {  	[tilespmem:s28+$0xB0] =	vst v3;
	v3 =	vmul.f32 v8, v2;
	v8 =	vld [tilespmem:s28+$0x120]  }
0x100: {  	[tilespmem:s28+$0xC0] =	vst v4;
	v4 =	vmul.f32 v6, v2;
	v6 =	vld [tilespmem:s28+$0x130]  }
0x101: {  	[tilespmem:s28+$0xD0] =	vst v3;
	v3 =	vmul.f32 v9, v2;
	v9 =	vld [tilespmem:s28+$0x140]  }
0x102: {  	s10 =	sadd.s32 $0x7, s7;
	v2 =	vmov s7;
	[tilespmem:s28+$0xE0] =	vst v4;
	v4 =	vmul.f32 v7, v1;
	v7 =	vld [tilespmem:s28+$0x150]  }
0x103: {  	s14 =	sadd.s32 $0x1, s7;
	s16 =	sadd.s32 $0x2, s7;
	v10 =	vand.u32 $0xFFFFFFF8, v2;
	v2 =	vmov s10;
	[tilespmem:s28+$0xF0] =	vst v3;
	v3 =	vmul.f32 v5, v1;
	v11 =	vld [tilespmem:s28+$0x160]  }
0x104: {  	v13 =	vmov s16;
	v12 =	vmov s14;
	s14 =	sadd.s32 $0x4, s7;
	s10 =	sadd.s32 $0x3, s7;
	[tilespmem:s28+$0x100] =	vst v4;
	v4 =	vmul.f32 v8, v1;
	v8 =	vld [tilespmem:s28+$0x180]  }
0x105: {  	v15 =	vmov s14;
	v14 =	vmov s10;
	s10 =	sadd.s32 $0x5, s7;
	[tilespmem:s28+$0x110] =	vst v3;
	v6 =	vmul.f32 v6, v1;
	v16 =	vld [tilespmem:s28+$0x190]  }
.Ltmp0:
0x106: {  	v3 =	vbroadcast v10, $0x0;
	v10 =	vmov s10;
	[tilespmem:s28+$0x120] =	vst v4;
	v9 =	vmul.f32 v9, v1;
	v5 =	vld [tilespmem:s28+$0x1A0];
	(pc) =	sbr.rel @p2 .LBB2_3-.Ltmp0, $4  }
0x107: {  	v4 =	vand.u32 $0xFFFFFFF9, v12;
	v12 =	vand.u32 $0xFFFFFFFA, v13;
	[tilespmem:s28+$0x130] =	vst v6;
	v13 =	vmul.f32 v7, v1;
	v6 =	vld [tilespmem:s28+$0x1B0]  }
0x108: {  	v14 =	vand.u32 $0xFFFFFFFB, v14;
	v4 =	vbroadcast v4, $0x0;
	[tilespmem:s28+$0x140] =	vst v9;
	v17 =	vmul.f32 v11, v1;
	v7 =	vld [tilespmem:s28+$0x1C0]  }
0x109: {  	v9 =	vbroadcast v12, $0x0;
	v1 =	vand.u32 $0xFFFFFFFC, v15;
	[tilespmem:s28+$0x150] =	vst v13;
	v13 =	vmul.f32 v8, v0;
	v8 =	vld [tilespmem:s28+$0x1D0]  }
0x10a: {  	s10 =	sadd.s32 $0x6, s7;
	s7 =	sadd.s32 $0x8, s7;
	v11 =	vbroadcast v14, $0x0;
	v14 =	vand.u32 $0xFFFFFFFD, v10;
	[tilespmem:s28+$0x160] =	vst v17;
	v12 =	vmul.f32 v16, v0;
	v10 =	vld [tilespmem:s28+$0x1E0]  }
0x10b: {  	_ =	sdelay $0x2  }
0x10c: {  	v15 =	vld [tilespmem:s28+$0x1F0]  }
0x10d: {  	v17 =	vld.idx.msk [tilespmem:v3+s23+$0x0], $0xffff  }
0x10e: {  	v59 =	vld.idx.msk [tilespmem:v4+s23+$0x0], $0xffff  }
0x10f: {  	[tilespmem:s28+$0x180] =	vst v13;
	v13 =	vbroadcast v1, $0x0;
	v1 =	vmov s10;
	v9 =	vld.idx.msk [tilespmem:v9+s23+$0x0], $0xffff  }
0x110: {  	v16 =	vand.u32 $0xFFFFFFFE, v1;
	v1 =	vld.idx.msk [tilespmem:v2+s23+$0x0], $0xffff  }
0x111: {  	v5 =	vmul.f32 v5, v0;
	s7 =	sadd.s32 $0x400, s28;
	v11 =	vld.idx.msk [tilespmem:v11+s23+$0x0], $0xffff  }
0x112: {  	v14 =	vbroadcast v14, $0x0;
	[tilespmem:s28+$0x190] =	vst v12;
	v6 =	vmul.f32 v6, v0;
	v12 =	vld [tilespmem:s7+$0x170]  }
0x113: {  	[tilespmem:s28+$0x1A0] =	vst v5;
	v5 =	vmul.f32 v7, v0;
	v7 =	vld [tilespmem:s7+$0xFFFFFE00]  }
0x114: {  	v2 =	vbroadcast v16, $0x0;
	[tilespmem:s28+$0x1B0] =	vst v6;
	v6 =	vmul.f32 v8, v0;
	v8 =	vld [tilespmem:s7+$0xFFFFFE10]  }
0x115: {  	[tilespmem:s28+$0x1C0] =	vst v5;
	v5 =	vmul.f32 v10, v0;
	v10 =	vld [tilespmem:s7+$0xFFFFFE20]  }
0x116: {  	[tilespmem:s28+$0x1D0] =	vst v6;
	v6 =	vld [tilespmem:s7+$0xFFFFFE30]  }
0x117: {  	v4 =	vld.idx.msk [tilespmem:v13+s23+$0x0], $0xffff  }
0x118: {  	v0 =	vmul.f32 v15, v0;
	v3 =	vld.idx.msk [tilespmem:v14+s23+$0x0], $0xffff  }
0x119: {  	[tilespmem:s28+$0x1E0] =	vst v5;
	v5 =	vld [tilespmem:s7+$0xFFFFFE40]  }
0x11a: {  	[tilespmem:s28+$0x1F0] =	vst v0;
	v0 =	vmul.f32 v7, v17;
	v2 =	vld.idx.msk [tilespmem:v2+s23+$0x0], $0xffff  }
0x11b: {  	v7 =	vld [tilespmem:s7+$0xFFFFFE50];
	v8 =	vmul.f32 v8, v17  }
0x11c: {  	v13 =	vld [tilespmem:s7+$0xFFFFFE60];
	[tilespmem:s7+$0xFFFFFE00] =	vst v0;
	v0 =	vmul.f32 v10, v17  }
0x11d: {  	v10 =	vld [tilespmem:s7+$0xFFFFFE70];
	[tilespmem:s7+$0xFFFFFE10] =	vst v8;
	v6 =	vmul.f32 v6, v17  }
0x11e: {  	v8 =	vld [tilespmem:s7+$0xFFFFFE80];
	[tilespmem:s7+$0xFFFFFE20] =	vst v0;
	v0 =	vmul.f32 v5, v17  }
0x11f: {  	v5 =	vld [tilespmem:s7+$0xFFFFFE90];
	[tilespmem:s7+$0xFFFFFE30] =	vst v6;
	v12 =	vmul.f32 v12, v2  }
0x120: {  	v6 =	vmul.f32 v7, v17;
	v7 =	vld [tilespmem:s7+$0xFFFFFEA0];
	[tilespmem:s7+$0xFFFFFE40] =	vst v0  }
0x121: {  	v0 =	vmul.f32 v13, v17;
	[tilespmem:s7+$0x170] =	vst v12;
	v12 =	vld [tilespmem:s7+$0xFFFFFEB0]  }
0x122: {  	[tilespmem:s7+$0xFFFFFE50] =	vst v6;
	v6 =	vmul.f32 v10, v17;
	v10 =	vld [tilespmem:s7+$0xFFFFFEC0]  }
0x123: {  	[tilespmem:s7+$0xFFFFFE60] =	vst v0;
	v0 =	vmul.f32 v8, v59;
	v8 =	vld [tilespmem:s7+$0xFFFFFED0]  }
0x124: {  	[tilespmem:s7+$0xFFFFFE70] =	vst v6;
	v5 =	vmul.f32 v5, v59;
	v6 =	vld [tilespmem:s7+$0xFFFFFEE0]  }
0x125: {  	[tilespmem:s7+$0xFFFFFE80] =	vst v0;
	v0 =	vmul.f32 v7, v59;
	v7 =	vld [tilespmem:s7+$0xFFFFFEF0]  }
0x126: {  	[tilespmem:s7+$0xFFFFFE90] =	vst v5;
	v5 =	vmul.f32 v12, v59;
	v12 =	vld [tilespmem:s7+$0xFFFFFF00]  }
0x127: {  	[tilespmem:s7+$0xFFFFFEA0] =	vst v0;
	v0 =	vmul.f32 v10, v59;
	v10 =	vld [tilespmem:s7+$0xFFFFFF10]  }
0x128: {  	[tilespmem:s7+$0xFFFFFEB0] =	vst v5;
	v5 =	vmul.f32 v8, v59;
	v8 =	vld [tilespmem:s7+$0xFFFFFF20]  }
0x129: {  	[tilespmem:s7+$0xFFFFFEC0] =	vst v0;
	v0 =	vmul.f32 v6, v59;
	v6 =	vld [tilespmem:s7+$0xFFFFFF30]  }
0x12a: {  	[tilespmem:s7+$0xFFFFFED0] =	vst v5;
	v5 =	vmul.f32 v7, v59;
	v7 =	vld [tilespmem:s7+$0xFFFFFF40]  }
0x12b: {  	[tilespmem:s7+$0xFFFFFEE0] =	vst v0;
	v0 =	vmul.f32 v12, v9;
	v12 =	vld [tilespmem:s7+$0xFFFFFF50]  }
0x12c: {  	[tilespmem:s7+$0xFFFFFEF0] =	vst v5;
	v5 =	vmul.f32 v10, v9;
	v10 =	vld [tilespmem:s7+$0xFFFFFF60]  }
0x12d: {  	[tilespmem:s7+$0xFFFFFF00] =	vst v0;
	v0 =	vmul.f32 v8, v9;
	v8 =	vld [tilespmem:s7+$0xFFFFFF70]  }
0x12e: {  	[tilespmem:s7+$0xFFFFFF10] =	vst v5;
	v5 =	vmul.f32 v6, v9;
	v6 =	vld [tilespmem:s7+$0xFFFFFF80]  }
0x12f: {  	[tilespmem:s7+$0xFFFFFF20] =	vst v0;
	v0 =	vmul.f32 v7, v9;
	v7 =	vld [tilespmem:s7+$0xFFFFFF90]  }
0x130: {  	[tilespmem:s7+$0xFFFFFF30] =	vst v5;
	v5 =	vmul.f32 v12, v9;
	v12 =	vld [tilespmem:s7+$0xFFFFFFA0]  }
0x131: {  	[tilespmem:s7+$0xFFFFFF40] =	vst v0;
	v0 =	vmul.f32 v10, v9;
	v10 =	vld [tilespmem:s7+$0xFFFFFFB0]  }
0x132: {  	[tilespmem:s7+$0xFFFFFF50] =	vst v5;
	v5 =	vmul.f32 v8, v9;
	v8 =	vld [tilespmem:s7+$0xFFFFFFC0]  }
0x133: {  	[tilespmem:s7+$0xFFFFFF60] =	vst v0;
	v0 =	vmul.f32 v6, v11;
	v6 =	vld [tilespmem:s7+$0xFFFFFFD0]  }
0x134: {  	[tilespmem:s7+$0xFFFFFF70] =	vst v5;
	v5 =	vmul.f32 v7, v11;
	v7 =	vld [tilespmem:s7+$0xFFFFFFE0]  }
0x135: {  	v9 =	vld [tilespmem:s7+$0xFFFFFFF0];
	[tilespmem:s7+$0xFFFFFF80] =	vst v0;
	v0 =	vmul.f32 v12, v11  }
0x136: {  	[tilespmem:s7+$0xFFFFFF90] =	vst v5;
	v5 =	vmul.f32 v10, v11;
	v10 =	vld [tilespmem:s7+$0x0]  }
0x137: {  	[tilespmem:s7+$0xFFFFFFA0] =	vst v0;
	v0 =	vmul.f32 v8, v11;
	v8 =	vld [tilespmem:s7+$0x10]  }
0x138: {  	[tilespmem:s7+$0xFFFFFFB0] =	vst v5;
	v5 =	vmul.f32 v6, v11;
	v6 =	vld [tilespmem:s7+$0x20]  }
0x139: {  	[tilespmem:s7+$0xFFFFFFC0] =	vst v0;
	v0 =	vmul.f32 v7, v11;
	v7 =	vld [tilespmem:s7+$0x30]  }
0x13a: {  	[tilespmem:s7+$0xFFFFFFD0] =	vst v5;
	v5 =	vmul.f32 v9, v11;
	v9 =	vld [tilespmem:s7+$0x40]  }
0x13b: {  	[tilespmem:s7+$0xFFFFFFE0] =	vst v0;
	v0 =	vmul.f32 v10, v4;
	v10 =	vld [tilespmem:s7+$0x50]  }
0x13c: {  	[tilespmem:s7+$0xFFFFFFF0] =	vst v5;
	v5 =	vmul.f32 v8, v4;
	v8 =	vld [tilespmem:s7+$0x60]  }
0x13d: {  	[tilespmem:s7+$0x0] =	vst v0;
	v0 =	vmul.f32 v6, v4;
	v6 =	vld [tilespmem:s7+$0x70]  }
0x13e: {  	[tilespmem:s7+$0x10] =	vst v5;
	v5 =	vmul.f32 v7, v4;
	v7 =	vld [tilespmem:s7+$0x80]  }
0x13f: {  	[tilespmem:s7+$0x20] =	vst v0;
	v0 =	vmul.f32 v9, v4;
	v9 =	vld [tilespmem:s7+$0x90]  }
0x140: {  	[tilespmem:s7+$0x30] =	vst v5;
	v5 =	vmul.f32 v10, v4;
	v10 =	vld [tilespmem:s7+$0xA0]  }
0x141: {  	[tilespmem:s7+$0x40] =	vst v0;
	v0 =	vmul.f32 v8, v4;
	v8 =	vld [tilespmem:s7+$0xB0]  }
0x142: {  	[tilespmem:s7+$0x50] =	vst v5;
	v4 =	vmul.f32 v6, v4;
	v5 =	vld [tilespmem:s7+$0xC0]  }
0x143: {  	v6 =	vld [tilespmem:s7+$0xD0];
	[tilespmem:s7+$0x60] =	vst v0;
	v0 =	vmul.f32 v7, v3  }
0x144: {  	v7 =	vld [tilespmem:s7+$0xE0];
	[tilespmem:s7+$0x70] =	vst v4;
	v4 =	vmul.f32 v9, v3  }
0x145: {  	v9 =	vld [tilespmem:s7+$0xF0];
	[tilespmem:s7+$0x80] =	vst v0;
	v0 =	vmul.f32 v10, v3  }
0x146: {  	[tilespmem:s7+$0x90] =	vst v4;
	v4 =	vmul.f32 v8, v3;
	v8 =	vld [tilespmem:s7+$0x100]  }
0x147: {  	[tilespmem:s7+$0xA0] =	vst v0;
	v0 =	vmul.f32 v5, v3;
	v5 =	vld [tilespmem:s7+$0x110]  }
0x148: {  	[tilespmem:s7+$0xB0] =	vst v4;
	v4 =	vmul.f32 v6, v3;
	v6 =	vld [tilespmem:s7+$0x120]  }
0x149: {  	[tilespmem:s7+$0xC0] =	vst v0;
	v0 =	vmul.f32 v7, v3;
	v7 =	vld [tilespmem:s7+$0x130]  }
0x14a: {  	v3 =	vmul.f32 v9, v3;
	[tilespmem:s7+$0xD0] =	vst v4;
	v4 =	vld [tilespmem:s7+$0x140]  }
0x14b: {  	[tilespmem:s7+$0xE0] =	vst v0;
	v0 =	vmul.f32 v8, v2;
	v8 =	vld [tilespmem:s7+$0x150]  }
0x14c: {  	[tilespmem:s7+$0xF0] =	vst v3;
	v3 =	vmul.f32 v5, v2;
	v5 =	vld [tilespmem:s7+$0x160]  }
0x14d: {  	[tilespmem:s7+$0x100] =	vst v0;
	v0 =	vmul.f32 v6, v2;
	v6 =	vld [tilespmem:s7+$0x180]  }
0x14e: {  	[tilespmem:s7+$0x110] =	vst v3;
	v3 =	vmul.f32 v7, v2;
	v7 =	vld [tilespmem:s7+$0x190]  }
0x14f: {  	[tilespmem:s7+$0x120] =	vst v0;
	v0 =	vmul.f32 v4, v2;
	v4 =	vld [tilespmem:s7+$0x1A0]  }
0x150: {  	[tilespmem:s7+$0x130] =	vst v3;
	v3 =	vmul.f32 v8, v2;
	v8 =	vld [tilespmem:s7+$0x1B0]  }
0x151: {  	[tilespmem:s7+$0x140] =	vst v0;
	v0 =	vmul.f32 v5, v2;
	v2 =	vld [tilespmem:s7+$0x1C0]  }
0x152: {  	v5 =	vld [tilespmem:s7+$0x1D0];
	[tilespmem:s7+$0x150] =	vst v3;
	v3 =	vmul.f32 v6, v1  }
0x153: {  	v6 =	vld [tilespmem:s7+$0x1E0];
	[tilespmem:s7+$0x160] =	vst v0;
	v0 =	vmul.f32 v7, v1  }
0x154: {  	[tilespmem:s7+$0x180] =	vst v3;
	v3 =	vmul.f32 v4, v1;
	v4 =	vld [tilespmem:s7+$0x1F0]  }
0x155: {  	[tilespmem:s7+$0x190] =	vst v0;
	v0 =	vmul.f32 v8, v1  }
0x156: {  	[tilespmem:s7+$0x1A0] =	vst v3;
	v2 =	vmul.f32 v2, v1  }
0x157: {  	[tilespmem:s7+$0x1B0] =	vst v0;
	v0 =	vmul.f32 v5, v1  }
0x158: {  	[tilespmem:s7+$0x1C0] =	vst v2;
	v2 =	vmul.f32 v6, v1  }
0x159: {  	[tilespmem:s7+$0x1D0] =	vst v0;
	v0 =	vmul.f32 v4, v1  }
0x15a: {  	[tilespmem:s7+$0x1E0] =	vst v2  }
0x15b: {  	s10 =	simm.s32 @!p1 $0x0;
	s14 =	simm.s32 @!p1 $0x800;
	[tilespmem:s7+$0x1F0] =	vst v0;
	s7 =	sadd.s32 @!p1 s5, s15  }
0x15c: {  	[tilespmem:s14], [sflag:$0x15] =	stream.linear.gather @!p1 [hbm4b:s7+s10], $0x80, $0x38;
	[tilespmem:$0x1A880] =	vst v63  }
0x15d: {  	_ =	swait.ge [sflag:s19], $0x80  }
0x15e: {  	s16 =	simm.s32 $0x400;
	s15 =	simm.s32 $0x0;
	[sflag:s19] =	ssyncset.done $0x0  }
0x15f: {  	s14 =	simm.s32 $0xC00;
	v0 =	vmov s15;
	s15 =	simm.s32 $0x7;
	[sflag:s19] =	ssyncadd.s32 $0xFFFFFF80  }
0x160: {  	[spmem:s2] =	stream.indirect.scatter.add.f32 [tilespmem:s14], [sflag:$0x6], $0x80, s16, s30, $0xb8;
	[tilespmem:$0x1A880] =	vst v63  }
0x161: {  	v0 =	vand.u32 $0x78, v0;
	v2 =	vmov s15;
	s14 =	simm.s32 $0x1  }
0x162: {  	v0 =	vor.u32 $0x80, v0;
	v2 =	vand.u32 $0x7F, v2;
	v1 =	vmov s14;
	_ =	swait.ge [sflag:s22], $0x1400;
	s14 =	sadd.s32 $0x6, s11  }
0x163: {  	v0 =	vbroadcast v0, $0x0;
	v2 =	vor.u32 $0x80, v2;
	[sflag:s22] =	ssyncset.done $0x0;
	s15 =	sshll.u32 @!p1 s14, $0x4  }
0x164: {  	v2 =	vbroadcast v2, $0x0;
	s14 =	simm.s32 @!p1 $0x80;
	[sflag:s22] =	ssyncadd.s32 $0xFFFFEC00;
	s7 =	sadd.s32 @!p1 s4, s15  }
0x165: {  	[tilespmem:s14], [sflag:$0xC] =	stream.linear.gather @!p1 [hbm4b:s7+s10], $0x80, $0x38;
	[tilespmem:$0x1A880] =	vst v63  }
0x166: {  	_ =	swait.ge [sflag:s13], $0x80  }
0x167: {  	[sflag:s13] =	ssyncset.done $0x0  }
0x168: {  	[sflag:s13] =	ssyncadd.s32 $0xFFFFFF80  }
0x169: {  	v3 =	vld.idx.msk [tilespmem:v0+s23+$0x0], $0xffff  }
0x16a: {  	s28 =	simm.s32 $0x23F0;
	v0 =	vld.idx.msk [tilespmem:v2+s23+$0x0], $0xffff  }
0x16b: {  	v2 =	vld [tilespmem:s28+$0xFFFFFC10]  }
0x16c: {  	v4 =	vld [tilespmem:s28+$0xFFFFFC20]  }
0x16d: {  	v1 =	vand.u32 $0x79, v1;
	v5 =	vld [tilespmem:s28+$0xFFFFFC30]  }
0x16e: {  	v1 =	vor.u32 $0x80, v1;
	v6 =	vld [tilespmem:s28+$0xFFFFFC40]  }
0x16f: {  	v1 =	vbroadcast v1, $0x0;
	v7 =	vld [tilespmem:s28+$0xFFFFFC50]  }
0x170: {  	v8 =	vld [tilespmem:s28+$0xFFFFFC60]  }
0x171: {  	v9 =	vld [tilespmem:s28+$0xFFFFFC70]  }
0x172: {  	v11 =	vld [tilespmem:s28+$0x0]  }
0x173: {  	v12 =	vld [tilespmem:s28+$0xFFFFFC90]  }
0x174: {  	v13 =	vld [tilespmem:s28+$0xFFFFFCA0]  }
0x175: {  	v1 =	vld.idx.msk [tilespmem:v1+s23+$0x0], $0xffff  }
0x176: {  	v14 =	vld [tilespmem:s28+$0xFFFFFCB0];
	v2 =	vmul.f32 v2, v3  }
0x177: {  	s14 =	simm.s32 $0x2;
	v15 =	vld [tilespmem:s28+$0xFFFFFCC0];
	v11 =	vmul.f32 v11, v0  }
0x178: {  	v10 =	vmov s14;
	v60 =	vld [tilespmem:s28+$0xFFFFFCD0];
	v4 =	vmul.f32 v4, v3;
	[tilespmem:s28+$0xFFFFFC10] =	vst v2  }
0x179: {  	v5 =	vmul.f32 v5, v3;
	v2 =	vand.u32 $0x7A, v10;
	v10 =	vld [tilespmem:s28+$0xFFFFFC80];
	[tilespmem:s28+$0x0] =	vst v11  }
0x17a: {  	v6 =	vmul.f32 v6, v3;
	v11 =	vmul.f32 v12, v1;
	v12 =	vld [tilespmem:s28+$0xFFFFFCE0];
	[tilespmem:s28+$0xFFFFFC20] =	vst v4  }
0x17b: {  	v4 =	vld [tilespmem:s28+$0xFFFFFCF0];
	[tilespmem:s28+$0xFFFFFC30] =	vst v5;
	v2 =	vor.u32 $0x80, v2  }
0x17c: {  	v5 =	vmul.f32 v7, v3;
	v7 =	vld [tilespmem:s28+$0xFFFFFD00];
	[tilespmem:s28+$0xFFFFFC40] =	vst v6;
	v2 =	vbroadcast v2, $0x0  }
0x17d: {  	s10 =	simm.s32 $0x3;
	v6 =	vmul.f32 v8, v3;
	v8 =	vld [tilespmem:s28+$0xFFFFFD10];
	[tilespmem:s28+$0xFFFFFC90] =	vst v11  }
0x17e: {  	v11 =	vmov s10;
	[tilespmem:s28+$0xFFFFFC50] =	vst v5;
	v5 =	vmul.f32 v9, v3;
	v9 =	vld [tilespmem:s28+$0xFFFFFD20]  }
0x17f: {  	v16 =	vmul.f32 v60, v1;
	[tilespmem:s28+$0xFFFFFC60] =	vst v6;
	v6 =	vld [tilespmem:s28+$0xFFFFFD30];
	v11 =	vand.u32 $0x7B, v11  }
0x180: {  	v11 =	vor.u32 $0x80, v11;
	[tilespmem:s28+$0xFFFFFC70] =	vst v5;
	v5 =	vmul.f32 v13, v1;
	v13 =	vld [tilespmem:s28+$0xFFFFFD50];
	v3 =	vmul.f32 v10, v3  }
0x181: {  	v11 =	vbroadcast v11, $0x0;
	v10 =	vld [tilespmem:s28+$0xFFFFFD40];
	v12 =	vmul.f32 v12, v1  }
0x182: {  	v4 =	vmul.f32 v4, v1;
	[tilespmem:s28+$0xFFFFFC80] =	vst v3;
	v3 =	vmul.f32 v14, v1;
	v2 =	vld.idx.msk [tilespmem:v2+s23+$0x0], $0xffff  }
0x183: {  	[tilespmem:s28+$0xFFFFFCA0] =	vst v5;
	v14 =	vmul.f32 v15, v1;
	v1 =	vmul.f32 v7, v1;
	v7 =	vld [tilespmem:s28+$0xFFFFFDA0]  }
0x184: {  	[tilespmem:s28+$0xFFFFFCE0] =	vst v12;
	v12 =	vld [tilespmem:s28+$0xFFFFFDE0]  }
0x185: {  	[tilespmem:s28+$0xFFFFFCB0] =	vst v3;
	v3 =	vld [tilespmem:s28+$0xFFFFFD70]  }
0x186: {  	[tilespmem:s28+$0xFFFFFCC0] =	vst v14;
	v14 =	vld [tilespmem:s28+$0xFFFFFD80]  }
0x187: {  	[tilespmem:s28+$0xFFFFFCF0] =	vst v4;
	v11 =	vld.idx.msk [tilespmem:v11+s23+$0x0], $0xffff;
	v5 =	vmul.f32 v8, v2  }
0x188: {  	s14 =	simm.s32 $0x4;
	[tilespmem:s28+$0xFFFFFD00] =	vst v1;
	v8 =	vld [tilespmem:s28+$0xFFFFFD60];
	v4 =	vmul.f32 v9, v2  }
0x189: {  	v15 =	vmov s14;
	v9 =	vld [tilespmem:s28+$0xFFFFFDB0];
	v1 =	vmul.f32 v6, v2;
	[tilespmem:s28+$0xFFFFFD10] =	vst v5  }
0x18a: {  	v13 =	vmul.f32 v13, v2;
	v5 =	vand.u32 $0x7C, v15;
	v15 =	vld [tilespmem:s28+$0xFFFFFD90];
	[tilespmem:s28+$0xFFFFFD20] =	vst v4  }
0x18b: {  	v6 =	vld [tilespmem:s28+$0xFFFFFDC0];
	v3 =	vmul.f32 v3, v2;
	[tilespmem:s28+$0xFFFFFD30] =	vst v1;
	v5 =	vor.u32 $0x80, v5  }
0x18c: {  	v4 =	vmul.f32 v10, v2;
	v10 =	vld [tilespmem:s28+$0xFFFFFDD0];
	[tilespmem:s28+$0xFFFFFD50] =	vst v13;
	v5 =	vbroadcast v5, $0x0  }
0x18d: {  	v13 =	vld [tilespmem:s28+$0xFFFFFE00];
	[tilespmem:s28+$0xFFFFFD70] =	vst v3;
	v3 =	vmul.f32 v7, v11  }
0x18e: {  	v7 =	vld [tilespmem:s28+$0xFFFFFE20];
	[tilespmem:s28+$0xFFFFFD40] =	vst v4;
	v8 =	vmul.f32 v8, v2  }
0x18f: {  	s10 =	simm.s32 $0x5;
	v4 =	vld [tilespmem:s28+$0xFFFFFDF0];
	[tilespmem:s28+$0xFFFFFDA0] =	vst v3;
	v1 =	vmul.f32 v15, v11  }
0x190: {  	v2 =	vmul.f32 v14, v2;
	v3 =	vmul.f32 v6, v11;
	v6 =	vld [tilespmem:s28+$0xFFFFFE40];
	v15 =	vmov s10;
	[tilespmem:s28+$0xFFFFFD60] =	vst v8  }
0x191: {  	v12 =	vmul.f32 v12, v11;
	v8 =	vld [tilespmem:s28+$0xFFFFFE10];
	[tilespmem:s28+$0xFFFFFD90] =	vst v1;
	v1 =	vand.u32 $0x7D, v15  }
0x192: {  	[tilespmem:s28+$0xFFFFFD80] =	vst v2;
	v2 =	vmul.f32 v9, v11;
	v5 =	vld.idx.msk [tilespmem:v5+s23+$0x0], $0xffff;
	v1 =	vor.u32 $0x80, v1  }
0x193: {  	[tilespmem:s28+$0xFFFFFDE0] =	vst v12;
	v12 =	vld [tilespmem:s28+$0xFFFFFE80];
	v1 =	vbroadcast v1, $0x0  }
0x194: {  	v9 =	vld [tilespmem:s28+$0xFFFFFE30];
	[tilespmem:s28+$0xFFFFFDB0] =	vst v2;
	v2 =	vmul.f32 v10, v11  }
0x195: {  	[tilespmem:s28+$0xFFFFFDC0] =	vst v3;
	v10 =	vld [tilespmem:s28+$0xFFFFFE50];
	v4 =	vmul.f32 v4, v11;
	v11 =	vmul.f32 v13, v11  }
0x196: {  	[tilespmem:s28+$0xFFFFFDD0] =	vst v2;
	v2 =	vld [tilespmem:s28+$0xFFFFFE70]  }
0x197: {  	s14 =	simm.s32 $0x6;
	[tilespmem:s28+$0xFFFFFE00] =	vst v11;
	v11 =	vld [tilespmem:s28+$0xFFFFFEA0];
	v3 =	vmul.f32 v8, v5  }
0x198: {  	v14 =	vmov s14;
	[tilespmem:s28+$0xFFFFFDF0] =	vst v4;
	v8 =	vld [tilespmem:s28+$0xFFFFFE60];
	v4 =	vmul.f32 v7, v5  }
0x199: {  	v9 =	vmul.f32 v9, v5;
	v1 =	vld.idx.msk [tilespmem:v1+s23+$0x0], $0xffff;
	[tilespmem:s28+$0xFFFFFE10] =	vst v3;
	v3 =	vand.u32 $0x7E, v14  }
0x19a: {  	v7 =	vld [tilespmem:s28+$0xFFFFFE90];
	[tilespmem:s28+$0xFFFFFE20] =	vst v4;
	v4 =	vmul.f32 v6, v5;
	v3 =	vor.u32 $0x80, v3  }
0x19b: {  	[tilespmem:s28+$0xFFFFFE30] =	vst v9;
	v9 =	vmul.f32 v10, v5;
	v10 =	vld [tilespmem:s28+$0xFFFFFEC0];
	v3 =	vbroadcast v3, $0x0  }
0x19c: {  	v2 =	vmul.f32 v2, v5;
	v6 =	vld [tilespmem:s28+$0xFFFFFEB0];
	[tilespmem:s28+$0xFFFFFE40] =	vst v4  }
0x19d: {  	[tilespmem:s28+$0xFFFFFE50] =	vst v9;
	v9 =	vld [tilespmem:s28+$0xFFFFFEE0];
	v4 =	vmul.f32 v8, v5  }
0x19e: {  	[tilespmem:s28+$0xFFFFFE70] =	vst v2;
	v8 =	vld [tilespmem:s28+$0xFFFFFED0];
	v2 =	vmul.f32 v11, v1  }
0x19f: {  	[tilespmem:s28+$0xFFFFFE60] =	vst v4;
	v4 =	vld [tilespmem:s28+$0xFFFFFEF0]  }
0x1a0: {  	[tilespmem:s28+$0xFFFFFEA0] =	vst v2;
	v2 =	vmul.f32 v10, v1;
	v10 =	vld [tilespmem:s28+$0xFFFFFF20]  }
0x1a1: {  	v15 =	vld.idx.msk [tilespmem:v3+s23+$0x0], $0xffff  }
0x1a2: {  	[tilespmem:s28+$0xFFFFFCD0] =	vst v16;
	v3 =	vmul.f32 v12, v5;
	v5 =	vld [tilespmem:s28+$0xFFFFFF00]  }
0x1a3: {  	s14 =	simm.s32 $0x9;
	v7 =	vmul.f32 v7, v1;
	[tilespmem:s28+$0xFFFFFEC0] =	vst v2;
	v2 =	vmul.f32 v9, v1;
	v9 =	vld [tilespmem:s28+$0xFFFFFF40]  }
0x1a4: {  	s10 =	simm.s32 $0x8;
	v11 =	vmov s14;
	s14 =	simm.s32 $0xB;
	[tilespmem:s28+$0xFFFFFE80] =	vst v3;
	v3 =	vmul.f32 v6, v1;
	v6 =	vld [tilespmem:s28+$0xFFFFFF10]  }
0x1a5: {  	v13 =	vmov s14;
	s14 =	simm.s32 $0xD;
	[tilespmem:s28+$0xFFFFFE90] =	vst v7;
	v7 =	vmov s10;
	s10 =	simm.s32 $0xA  }
0x1a6: {  	v61 =	vmov s14;
	v12 =	vmov s10;
	s10 =	simm.s32 $0xC;
	[tilespmem:s28+$0xFFFFFEB0] =	vst v3;
	v3 =	vmul.f32 v8, v1;
	v8 =	vld [tilespmem:s28+$0xFFFFFF30]  }
0x1a7: {  	v7 =	vand.u32 $0x78, v7;
	v14 =	vmov s10;
	[tilespmem:s28+$0xFFFFFEE0] =	vst v2;
	v10 =	vmul.f32 v10, v15  }
0x1a8: {  	s14 =	simm.s32 $0xE;
	v7 =	vor.u32 $0x80, v7;
	[tilespmem:s28+$0xFFFFFED0] =	vst v3;
	v3 =	vmul.f32 v4, v1;
	v4 =	vld [tilespmem:s28+$0xFFFFFF50];
	v1 =	vmul.f32 v5, v1  }
0x1a9: {  	v62 =	vld [tilespmem:s28+$0xFFFFFF60];
	v5 =	vmov s14;
	v9 =	vmul.f32 v9, v15;
	v2 =	vmul.f32 v6, v15;
	[tilespmem:s28+$0xFFFFFF20] =	vst v10  }
0x1aa: {  	v18 =	vld [tilespmem:s28+$0xFFFFFF70];
	v6 =	vand.u32 $0x79, v11;
	v11 =	vand.u32 $0x7A, v12;
	v12 =	vand.u32 $0x7C, v14;
	[tilespmem:s28+$0xFFFFFEF0] =	vst v3  }
0x1ab: {  	v63 =	vld [tilespmem:s28+$0xFFFFFF80];
	v14 =	vand.u32 $0x7E, v5;
	v3 =	vand.u32 $0x7B, v13;
	[tilespmem:s28+$0xFFFFFF00] =	vst v1;
	v8 =	vmul.f32 v8, v15  }
0x1ac: {  	v5 =	vld [tilespmem:s28+$0xFFFFFF90];
	v1 =	vand.u32 $0x7D, v61;
	v10 =	vor.u32 $0x80, v11;
	v12 =	vor.u32 $0x80, v12;
	[tilespmem:s28+$0xFFFFFF10] =	vst v2  }
0x1ad: {  	v2 =	vbroadcast v7, $0x0;
	v7 =	vor.u32 $0x80, v6;
	v6 =	vld [tilespmem:s28+$0xFFFFFFA0];
	[tilespmem:s28+$0xFFFFFF30] =	vst v8;
	v8 =	vmul.f32 v4, v15  }
0x1ae: {  	[tilespmem:s28+$0xFFFFFF40] =	vst v9;
	v9 =	vmul.f32 v62, v15;
	v19 =	vor.u32 $0x80, v3;
	v3 =	vbroadcast v7, $0x0;
	v7 =	vld [tilespmem:s28+$0xFFFFFFB0]  }
0x1af: {  	v11 =	vmul.f32 v18, v15;
	v14 =	vor.u32 $0x80, v14;
	v4 =	vbroadcast v10, $0x0;
	[tilespmem:s28+$0xFFFFFF50] =	vst v8;
	v8 =	vld [tilespmem:s28+$0xFFFFFFC0]  }
0x1b0: {  	s7 =	simm.s32 $0x10;
	s10 =	simm.s32 $0xF;
	v13 =	vor.u32 $0x80, v1;
	v1 =	vmul.f32 v63, v15;
	[tilespmem:s28+$0xFFFFFF60] =	vst v9;
	v9 =	vld [tilespmem:s28+$0xFFFFFFD0];
	v10 =	vbroadcast v19, $0x0  }
.LBB2_5:
0x1b1: {  	p2 =	slt.u32 s7, $0x20;
	v12 =	vbroadcast v12, $0x0;
	v15 =	vmov s10;
	[tilespmem:s28+$0xFFFFFF70] =	vst v11;
	v5 =	vmul.f32 v5, v0;
	v11 =	vld [tilespmem:s28+$0xFFFFFFE0]  }
0x1b2: {  	v13 =	vbroadcast v13, $0x0;
	v15 =	vand.u32 $0x7F, v15;
	[tilespmem:s28+$0xFFFFFF80] =	vst v1;
	v1 =	vmul.f32 v6, v0;
	v6 =	vld [tilespmem:s28+$0xFFFFFFF0]  }
0x1b3: {  	v14 =	vbroadcast v14, $0x0;
	v16 =	vld.idx.msk [tilespmem:v2+s23+$0x0], $0xffff;
	v2 =	vor.u32 $0x80, v15;
	[tilespmem:s28+$0xFFFFFF90] =	vst v5;
	v5 =	vmul.f32 v7, v0  }
0x1b4: {  	v7 =	vld.idx.msk [tilespmem:v3+s23+$0x0], $0xffff;
	v15 =	vbroadcast v2, $0x0;
	[tilespmem:s28+$0xFFFFFFA0] =	vst v1;
	v1 =	vmul.f32 v8, v0  }
0x1b5: {  	v8 =	vld.idx.msk [tilespmem:v4+s23+$0x0], $0xffff;
	[tilespmem:s28+$0xFFFFFFB0] =	vst v5;
	v2 =	vmul.f32 v9, v0  }
0x1b6: {  	v4 =	vld.idx.msk [tilespmem:v10+s23+$0x0], $0xffff;
	[tilespmem:s28+$0xFFFFFFC0] =	vst v1;
	v1 =	vmul.f32 v11, v0  }
0x1b7: {  	v3 =	vld.idx.msk [tilespmem:v12+s23+$0x0], $0xffff;
	[tilespmem:s28+$0xFFFFFFD0] =	vst v2;
	v0 =	vmul.f32 v6, v0  }
0x1b8: {  	v2 =	vld.idx.msk [tilespmem:v13+s23+$0x0], $0xffff;
	[tilespmem:s28+$0xFFFFFFE0] =	vst v1  }
0x1b9: {  	v1 =	vld.idx.msk [tilespmem:v14+s23+$0x0], $0xffff;
	[tilespmem:s28+$0xFFFFFFF0] =	vst v0  }
0x1ba: {  	s28 =	sadd.s32 $0x400, s28;
	v0 =	vld.idx.msk [tilespmem:v15+s23+$0x0], $0xffff  }
0x1bb: {  	v5 =	vld [tilespmem:s28+$0x0]  }
0x1bc: {  	v6 =	vld [tilespmem:s28+$0xFFFFFC10]  }
0x1bd: {  	v9 =	vld [tilespmem:s28+$0xFFFFFC20]  }
0x1be: {  	v10 =	vld [tilespmem:s28+$0xFFFFFC30]  }
0x1bf: {  	v11 =	vld [tilespmem:s28+$0xFFFFFC40]  }
0x1c0: {  	v12 =	vld [tilespmem:s28+$0xFFFFFC50];
	v5 =	vmul.f32 v5, v0  }
0x1c1: {  	v6 =	vmul.f32 v6, v16;
	v13 =	vld [tilespmem:s28+$0xFFFFFC60]  }
0x1c2: {  	v9 =	vmul.f32 v9, v16;
	v14 =	vld [tilespmem:s28+$0xFFFFFC70];
	[tilespmem:s28+$0x0] =	vst v5  }
0x1c3: {  	[tilespmem:s28+$0xFFFFFC10] =	vst v6;
	v5 =	vmul.f32 v10, v16;
	v6 =	vld [tilespmem:s28+$0xFFFFFC80]  }
0x1c4: {  	[tilespmem:s28+$0xFFFFFC20] =	vst v9;
	v9 =	vmul.f32 v11, v16;
	v10 =	vld [tilespmem:s28+$0xFFFFFC90]  }
0x1c5: {  	[tilespmem:s28+$0xFFFFFC30] =	vst v5;
	v5 =	vmul.f32 v12, v16;
	v11 =	vld [tilespmem:s28+$0xFFFFFCA0]  }
0x1c6: {  	[tilespmem:s28+$0xFFFFFC40] =	vst v9;
	v9 =	vmul.f32 v13, v16;
	v12 =	vld [tilespmem:s28+$0xFFFFFCB0]  }
0x1c7: {  	[tilespmem:s28+$0xFFFFFC50] =	vst v5;
	v5 =	vmul.f32 v14, v16;
	v13 =	vld [tilespmem:s28+$0xFFFFFCC0]  }
0x1c8: {  	[tilespmem:s28+$0xFFFFFC60] =	vst v9;
	v6 =	vmul.f32 v6, v16;
	v9 =	vld [tilespmem:s28+$0xFFFFFCD0]  }
0x1c9: {  	[tilespmem:s28+$0xFFFFFC70] =	vst v5;
	v5 =	vmul.f32 v10, v7;
	v10 =	vld [tilespmem:s28+$0xFFFFFCE0]  }
0x1ca: {  	[tilespmem:s28+$0xFFFFFC80] =	vst v6;
	v6 =	vmul.f32 v11, v7;
	v11 =	vld [tilespmem:s28+$0xFFFFFCF0]  }
0x1cb: {  	[tilespmem:s28+$0xFFFFFC90] =	vst v5;
	v5 =	vmul.f32 v12, v7;
	v12 =	vld [tilespmem:s28+$0xFFFFFD00]  }
0x1cc: {  	[tilespmem:s28+$0xFFFFFCA0] =	vst v6;
	v6 =	vmul.f32 v13, v7;
	v13 =	vld [tilespmem:s28+$0xFFFFFD10]  }
0x1cd: {  	[tilespmem:s28+$0xFFFFFCB0] =	vst v5;
	v5 =	vmul.f32 v9, v7;
	v9 =	vld [tilespmem:s28+$0xFFFFFD20]  }
0x1ce: {  	[tilespmem:s28+$0xFFFFFCC0] =	vst v6;
	v6 =	vmul.f32 v10, v7;
	v10 =	vld [tilespmem:s28+$0xFFFFFD30]  }
0x1cf: {  	[tilespmem:s28+$0xFFFFFCD0] =	vst v5;
	v5 =	vmul.f32 v11, v7;
	v11 =	vld [tilespmem:s28+$0xFFFFFD40]  }
0x1d0: {  	[tilespmem:s28+$0xFFFFFCE0] =	vst v6;
	v6 =	vmul.f32 v12, v7;
	v7 =	vld [tilespmem:s28+$0xFFFFFD50]  }
0x1d1: {  	[tilespmem:s28+$0xFFFFFCF0] =	vst v5;
	v5 =	vmul.f32 v13, v8;
	v12 =	vld [tilespmem:s28+$0xFFFFFD60]  }
0x1d2: {  	[tilespmem:s28+$0xFFFFFD00] =	vst v6;
	v6 =	vmul.f32 v9, v8;
	v9 =	vld [tilespmem:s28+$0xFFFFFD70]  }
0x1d3: {  	[tilespmem:s28+$0xFFFFFD10] =	vst v5;
	v5 =	vmul.f32 v10, v8;
	v10 =	vld [tilespmem:s28+$0xFFFFFD80]  }
0x1d4: {  	[tilespmem:s28+$0xFFFFFD20] =	vst v6;
	v6 =	vmul.f32 v11, v8;
	v11 =	vld [tilespmem:s28+$0xFFFFFD90]  }
0x1d5: {  	[tilespmem:s28+$0xFFFFFD30] =	vst v5;
	v5 =	vmul.f32 v7, v8;
	v7 =	vld [tilespmem:s28+$0xFFFFFDA0]  }
0x1d6: {  	[tilespmem:s28+$0xFFFFFD40] =	vst v6;
	v6 =	vmul.f32 v12, v8;
	v12 =	vld [tilespmem:s28+$0xFFFFFDB0]  }
0x1d7: {  	[tilespmem:s28+$0xFFFFFD50] =	vst v5;
	v5 =	vmul.f32 v9, v8;
	v9 =	vld [tilespmem:s28+$0xFFFFFDC0]  }
0x1d8: {  	[tilespmem:s28+$0xFFFFFD60] =	vst v6;
	v6 =	vmul.f32 v10, v8;
	v8 =	vld [tilespmem:s28+$0xFFFFFDD0]  }
0x1d9: {  	[tilespmem:s28+$0xFFFFFD70] =	vst v5;
	v5 =	vmul.f32 v11, v4;
	v10 =	vld [tilespmem:s28+$0xFFFFFDE0]  }
0x1da: {  	[tilespmem:s28+$0xFFFFFD80] =	vst v6;
	v6 =	vmul.f32 v7, v4;
	v7 =	vld [tilespmem:s28+$0xFFFFFDF0]  }
0x1db: {  	[tilespmem:s28+$0xFFFFFD90] =	vst v5;
	v5 =	vmul.f32 v12, v4;
	v11 =	vld [tilespmem:s28+$0xFFFFFE00]  }
0x1dc: {  	[tilespmem:s28+$0xFFFFFDA0] =	vst v6;
	v6 =	vmul.f32 v9, v4;
	v9 =	vld [tilespmem:s28+$0xFFFFFE10]  }
0x1dd: {  	[tilespmem:s28+$0xFFFFFDB0] =	vst v5;
	v5 =	vmul.f32 v8, v4;
	v8 =	vld [tilespmem:s28+$0xFFFFFE20]  }
0x1de: {  	[tilespmem:s28+$0xFFFFFDC0] =	vst v6;
	v6 =	vmul.f32 v10, v4;
	v10 =	vld [tilespmem:s28+$0xFFFFFE30]  }
0x1df: {  	[tilespmem:s28+$0xFFFFFDD0] =	vst v5;
	v5 =	vmul.f32 v7, v4;
	v7 =	vld [tilespmem:s28+$0xFFFFFE40]  }
0x1e0: {  	[tilespmem:s28+$0xFFFFFDE0] =	vst v6;
	v4 =	vmul.f32 v11, v4;
	v6 =	vld [tilespmem:s28+$0xFFFFFE50]  }
0x1e1: {  	[tilespmem:s28+$0xFFFFFDF0] =	vst v5;
	v5 =	vmul.f32 v9, v3;
	v9 =	vld [tilespmem:s28+$0xFFFFFE60]  }
0x1e2: {  	[tilespmem:s28+$0xFFFFFE00] =	vst v4;
	v4 =	vmul.f32 v8, v3;
	v8 =	vld [tilespmem:s28+$0xFFFFFE70]  }
0x1e3: {  	[tilespmem:s28+$0xFFFFFE10] =	vst v5;
	v5 =	vmul.f32 v10, v3;
	v10 =	vld [tilespmem:s28+$0xFFFFFE80]  }
0x1e4: {  	[tilespmem:s28+$0xFFFFFE20] =	vst v4;
	v4 =	vmul.f32 v7, v3;
	v7 =	vld [tilespmem:s28+$0xFFFFFE90]  }
0x1e5: {  	[tilespmem:s28+$0xFFFFFE30] =	vst v5;
	v5 =	vmul.f32 v6, v3;
	v6 =	vld [tilespmem:s28+$0xFFFFFEA0]  }
0x1e6: {  	[tilespmem:s28+$0xFFFFFE40] =	vst v4;
	v4 =	vmul.f32 v9, v3;
	v9 =	vld [tilespmem:s28+$0xFFFFFEB0]  }
0x1e7: {  	[tilespmem:s28+$0xFFFFFE50] =	vst v5;
	v5 =	vmul.f32 v8, v3;
	v8 =	vld [tilespmem:s28+$0xFFFFFEC0]  }
0x1e8: {  	[tilespmem:s28+$0xFFFFFE60] =	vst v4;
	v3 =	vmul.f32 v10, v3;
	v4 =	vld [tilespmem:s28+$0xFFFFFED0]  }
0x1e9: {  	[tilespmem:s28+$0xFFFFFE70] =	vst v5;
	v5 =	vmul.f32 v7, v2;
	v7 =	vld [tilespmem:s28+$0xFFFFFEE0]  }
0x1ea: {  	[tilespmem:s28+$0xFFFFFE80] =	vst v3;
	v3 =	vmul.f32 v6, v2;
	v6 =	vld [tilespmem:s28+$0xFFFFFEF0]  }
0x1eb: {  	[tilespmem:s28+$0xFFFFFE90] =	vst v5;
	v5 =	vmul.f32 v9, v2;
	v9 =	vld [tilespmem:s28+$0xFFFFFF00]  }
0x1ec: {  	s10 =	sadd.s32 $0x1, s7;
	v10 =	vmov s7;
	[tilespmem:s28+$0xFFFFFEA0] =	vst v3;
	v3 =	vmul.f32 v8, v2;
	v8 =	vld [tilespmem:s28+$0xFFFFFF10]  }
0x1ed: {  	s14 =	sadd.s32 $0x3, s7;
	v11 =	vmov s10;
	s10 =	sadd.s32 $0x2, s7;
	v10 =	vand.u32 $0x78, v10;
	[tilespmem:s28+$0xFFFFFEB0] =	vst v5;
	v4 =	vmul.f32 v4, v2;
	v5 =	vld [tilespmem:s28+$0xFFFFFF20]  }
0x1ee: {  	v13 =	vmov s14;
	s14 =	sadd.s32 $0x5, s7;
	v12 =	vmov s10;
	s10 =	sadd.s32 $0x4, s7;
	[tilespmem:s28+$0xFFFFFEC0] =	vst v3;
	v3 =	vmul.f32 v7, v2;
	v7 =	vld [tilespmem:s28+$0xFFFFFF30]  }
0x1ef: {  	v15 =	vmov s14;
	v14 =	vmov s10;
	s10 =	sadd.s32 $0x6, s7;
	[tilespmem:s28+$0xFFFFFED0] =	vst v4;
	v4 =	vmul.f32 v6, v2;
	v6 =	vld [tilespmem:s28+$0xFFFFFF40]  }
0x1f0: {  	v16 =	vmov s10;
	v10 =	vor.u32 $0x80, v10;
	[tilespmem:s28+$0xFFFFFEE0] =	vst v3;
	v2 =	vmul.f32 v9, v2;
	v3 =	vld [tilespmem:s28+$0xFFFFFF50]  }
0x1f1: {  	v9 =	vand.u32 $0x79, v11;
	v11 =	vand.u32 $0x7A, v12;
	[tilespmem:s28+$0xFFFFFEF0] =	vst v4;
	v4 =	vmul.f32 v8, v1;
	v8 =	vld [tilespmem:s28+$0xFFFFFF60]  }
0x1f2: {  	v12 =	vand.u32 $0x7B, v13;
	v13 =	vand.u32 $0x7C, v14;
	[tilespmem:s28+$0xFFFFFF00] =	vst v2;
	v5 =	vmul.f32 v5, v1;
	v14 =	vld [tilespmem:s28+$0xFFFFFF70]  }
0x1f3: {  	v15 =	vand.u32 $0x7D, v15;
	v16 =	vand.u32 $0x7E, v16;
	[tilespmem:s28+$0xFFFFFF10] =	vst v4;
	v4 =	vmul.f32 v7, v1;
	v17 =	vld [tilespmem:s28+$0xFFFFFF80]  }
.Ltmp1:
0x1f4: {  	v2 =	vbroadcast v10, $0x0;
	v7 =	vor.u32 $0x80, v9;
	[tilespmem:s28+$0xFFFFFF20] =	vst v5;
	v9 =	vmul.f32 v6, v1;
	v5 =	vld [tilespmem:s28+$0xFFFFFF90];
	(pc) =	sbr.rel @p2 .LBB2_5-.Ltmp1, $4  }
0x1f5: {  	v18 =	vor.u32 $0x80, v12;
	v10 =	vor.u32 $0x80, v11;
	[tilespmem:s28+$0xFFFFFF30] =	vst v4;
	v11 =	vmul.f32 v3, v1;
	v6 =	vld [tilespmem:s28+$0xFFFFFFA0]  }
0x1f6: {  	v12 =	vor.u32 $0x80, v13;
	v3 =	vbroadcast v7, $0x0;
	[tilespmem:s28+$0xFFFFFF40] =	vst v9;
	v9 =	vmul.f32 v8, v1;
	v7 =	vld [tilespmem:s28+$0xFFFFFFB0]  }
0x1f7: {  	v13 =	vor.u32 $0x80, v15;
	v4 =	vbroadcast v10, $0x0;
	[tilespmem:s28+$0xFFFFFF50] =	vst v11;
	v11 =	vmul.f32 v14, v1;
	v8 =	vld [tilespmem:s28+$0xFFFFFFC0]  }
0x1f8: {  	s10 =	sadd.s32 $0x7, s7;
	s7 =	sadd.s32 $0x8, s7;
	v10 =	vbroadcast v18, $0x0;
	v14 =	vor.u32 $0x80, v16;
	[tilespmem:s28+$0xFFFFFF60] =	vst v9;
	v1 =	vmul.f32 v17, v1;
	v9 =	vld [tilespmem:s28+$0xFFFFFFD0]  }
0x1f9: {  	_ =	sdelay $0x1  }
0x1fa: {  	v16 =	vld [tilespmem:s28+$0xFFFFFFE0]  }
0x1fb: {  	v17 =	vld [tilespmem:s28+$0xFFFFFFF0]  }
0x1fc: {  	v15 =	vmov s10;
	v18 =	vld.idx.msk [tilespmem:v2+s23+$0x0], $0xffff  }
0x1fd: {  	v19 =	vld.idx.msk [tilespmem:v4+s23+$0x0], $0xffff;
	v15 =	vand.u32 $0x7F, v15  }
0x1fe: {  	v12 =	vbroadcast v12, $0x0;
	v2 =	vbroadcast v14, $0x0;
	s7 =	sadd.s32 $0x400, s28;
	v10 =	vld.idx.msk [tilespmem:v10+s23+$0x0], $0xffff;
	v14 =	vor.u32 $0x80, v15  }
0x1ff: {  	[tilespmem:s28+$0xFFFFFF70] =	vst v11;
	v5 =	vmul.f32 v5, v0;
	v11 =	vld [tilespmem:s7+$0xFFFFFC30];
	v14 =	vbroadcast v14, $0x0  }
0x200: {  	v13 =	vbroadcast v13, $0x0;
	v6 =	vmul.f32 v6, v0;
	v15 =	vld.idx.msk [tilespmem:v3+s23+$0x0], $0xffff  }
0x201: {  	[tilespmem:s28+$0xFFFFFF90] =	vst v5;
	v5 =	vmul.f32 v7, v0;
	v7 =	vld [tilespmem:s7+$0x0]  }
0x202: {  	[tilespmem:s28+$0xFFFFFFA0] =	vst v6;
	v6 =	vmul.f32 v8, v0;
	v8 =	vld [tilespmem:s7+$0xFFFFFC10]  }
0x203: {  	[tilespmem:s28+$0xFFFFFFB0] =	vst v5;
	v5 =	vmul.f32 v9, v0;
	v9 =	vld [tilespmem:s7+$0xFFFFFC20]  }
0x204: {  	v4 =	vld.idx.msk [tilespmem:v12+s23+$0x0], $0xffff  }
0x205: {  	[tilespmem:s28+$0xFFFFFF80] =	vst v1;
	v1 =	vld.idx.msk [tilespmem:v14+s23+$0x0], $0xffff  }
0x206: {  	[tilespmem:s28+$0xFFFFFFC0] =	vst v6;
	v6 =	vmul.f32 v16, v0;
	v3 =	vld.idx.msk [tilespmem:v13+s23+$0x0], $0xffff  }
0x207: {  	v0 =	vmul.f32 v17, v0;
	v2 =	vld.idx.msk [tilespmem:v2+s23+$0x0], $0xffff;
	[tilespmem:s28+$0xFFFFFFD0] =	vst v5  }
0x208: {  	v5 =	vld [tilespmem:s7+$0xFFFFFC40];
	[tilespmem:s28+$0xFFFFFFE0] =	vst v6  }
0x209: {  	v6 =	vld [tilespmem:s7+$0xFFFFFC50];
	[tilespmem:s28+$0xFFFFFFF0] =	vst v0;
	v0 =	vmul.f32 v8, v18  }
0x20a: {  	v8 =	vld [tilespmem:s7+$0xFFFFFC60];
	v7 =	vmul.f32 v7, v1  }
0x20b: {  	v12 =	vld [tilespmem:s7+$0xFFFFFC70];
	v9 =	vmul.f32 v9, v18;
	[tilespmem:s7+$0xFFFFFC10] =	vst v0  }
0x20c: {  	v0 =	vmul.f32 v11, v18;
	[tilespmem:s7+$0x0] =	vst v7;
	v7 =	vld [tilespmem:s7+$0xFFFFFC80]  }
0x20d: {  	[tilespmem:s7+$0xFFFFFC20] =	vst v9;
	v5 =	vmul.f32 v5, v18;
	v9 =	vld [tilespmem:s7+$0xFFFFFC90]  }
0x20e: {  	[tilespmem:s7+$0xFFFFFC30] =	vst v0;
	v0 =	vmul.f32 v6, v18;
	v6 =	vld [tilespmem:s7+$0xFFFFFCA0]  }
0x20f: {  	[tilespmem:s7+$0xFFFFFC40] =	vst v5;
	v5 =	vmul.f32 v8, v18;
	v8 =	vld [tilespmem:s7+$0xFFFFFCB0]  }
0x210: {  	v11 =	vld [tilespmem:s7+$0xFFFFFCC0];
	[tilespmem:s7+$0xFFFFFC50] =	vst v0;
	v0 =	vmul.f32 v12, v18  }
0x211: {  	[tilespmem:s7+$0xFFFFFC60] =	vst v5;
	v5 =	vmul.f32 v7, v18;
	v7 =	vld [tilespmem:s7+$0xFFFFFCD0]  }
0x212: {  	[tilespmem:s7+$0xFFFFFC70] =	vst v0;
	v0 =	vmul.f32 v9, v15;
	v9 =	vld [tilespmem:s7+$0xFFFFFCE0]  }
0x213: {  	[tilespmem:s7+$0xFFFFFC80] =	vst v5;
	v5 =	vmul.f32 v6, v15;
	v6 =	vld [tilespmem:s7+$0xFFFFFCF0]  }
0x214: {  	[tilespmem:s7+$0xFFFFFC90] =	vst v0;
	v0 =	vmul.f32 v8, v15;
	v8 =	vld [tilespmem:s7+$0xFFFFFD00]  }
0x215: {  	[tilespmem:s7+$0xFFFFFCA0] =	vst v5;
	v5 =	vmul.f32 v11, v15;
	v11 =	vld [tilespmem:s7+$0xFFFFFD10]  }
0x216: {  	[tilespmem:s7+$0xFFFFFCB0] =	vst v0;
	v0 =	vmul.f32 v7, v15;
	v7 =	vld [tilespmem:s7+$0xFFFFFD20]  }
0x217: {  	[tilespmem:s7+$0xFFFFFCC0] =	vst v5;
	v5 =	vmul.f32 v9, v15;
	v9 =	vld [tilespmem:s7+$0xFFFFFD30]  }
0x218: {  	[tilespmem:s7+$0xFFFFFCD0] =	vst v0;
	v0 =	vmul.f32 v6, v15;
	v6 =	vld [tilespmem:s7+$0xFFFFFD40]  }
0x219: {  	[tilespmem:s7+$0xFFFFFCE0] =	vst v5;
	v5 =	vmul.f32 v8, v15;
	v8 =	vld [tilespmem:s7+$0xFFFFFD50]  }
0x21a: {  	[tilespmem:s7+$0xFFFFFCF0] =	vst v0;
	v0 =	vmul.f32 v11, v19;
	v11 =	vld [tilespmem:s7+$0xFFFFFD60]  }
0x21b: {  	[tilespmem:s7+$0xFFFFFD00] =	vst v5;
	v5 =	vmul.f32 v7, v19;
	v7 =	vld [tilespmem:s7+$0xFFFFFD70]  }
0x21c: {  	[tilespmem:s7+$0xFFFFFD10] =	vst v0;
	v0 =	vmul.f32 v9, v19;
	v9 =	vld [tilespmem:s7+$0xFFFFFD80]  }
0x21d: {  	[tilespmem:s7+$0xFFFFFD20] =	vst v5;
	v5 =	vmul.f32 v6, v19;
	v6 =	vld [tilespmem:s7+$0xFFFFFD90]  }
0x21e: {  	[tilespmem:s7+$0xFFFFFD30] =	vst v0;
	v0 =	vmul.f32 v8, v19;
	v8 =	vld [tilespmem:s7+$0xFFFFFDA0]  }
0x21f: {  	[tilespmem:s7+$0xFFFFFD40] =	vst v5;
	v5 =	vmul.f32 v11, v19;
	v11 =	vld [tilespmem:s7+$0xFFFFFDB0]  }
0x220: {  	[tilespmem:s7+$0xFFFFFD50] =	vst v0;
	v0 =	vmul.f32 v7, v19;
	v7 =	vld [tilespmem:s7+$0xFFFFFDC0]  }
0x221: {  	[tilespmem:s7+$0xFFFFFD60] =	vst v5;
	v5 =	vmul.f32 v9, v19;
	v9 =	vld [tilespmem:s7+$0xFFFFFDD0]  }
0x222: {  	[tilespmem:s7+$0xFFFFFD70] =	vst v0;
	v0 =	vmul.f32 v6, v10;
	v6 =	vld [tilespmem:s7+$0xFFFFFDE0]  }
0x223: {  	[tilespmem:s7+$0xFFFFFD80] =	vst v5;
	v5 =	vmul.f32 v8, v10;
	v8 =	vld [tilespmem:s7+$0xFFFFFDF0]  }
0x224: {  	[tilespmem:s7+$0xFFFFFD90] =	vst v0;
	v0 =	vmul.f32 v11, v10;
	v11 =	vld [tilespmem:s7+$0xFFFFFE00]  }
0x225: {  	[tilespmem:s7+$0xFFFFFDA0] =	vst v5;
	v5 =	vmul.f32 v7, v10;
	v7 =	vld [tilespmem:s7+$0xFFFFFE10]  }
0x226: {  	[tilespmem:s7+$0xFFFFFDB0] =	vst v0;
	v0 =	vmul.f32 v9, v10;
	v9 =	vld [tilespmem:s7+$0xFFFFFE20]  }
0x227: {  	[tilespmem:s7+$0xFFFFFDC0] =	vst v5;
	v5 =	vmul.f32 v6, v10;
	v6 =	vld [tilespmem:s7+$0xFFFFFE30]  }
0x228: {  	[tilespmem:s7+$0xFFFFFDD0] =	vst v0;
	v0 =	vmul.f32 v8, v10;
	v8 =	vld [tilespmem:s7+$0xFFFFFE40]  }
0x229: {  	[tilespmem:s7+$0xFFFFFDE0] =	vst v5;
	v5 =	vmul.f32 v11, v10;
	v10 =	vld [tilespmem:s7+$0xFFFFFE50]  }
0x22a: {  	[tilespmem:s7+$0xFFFFFDF0] =	vst v0;
	v0 =	vmul.f32 v7, v4;
	v7 =	vld [tilespmem:s7+$0xFFFFFE60]  }
0x22b: {  	[tilespmem:s7+$0xFFFFFE00] =	vst v5;
	v5 =	vmul.f32 v9, v4;
	v9 =	vld [tilespmem:s7+$0xFFFFFE70]  }
0x22c: {  	[tilespmem:s7+$0xFFFFFE10] =	vst v0;
	v0 =	vmul.f32 v6, v4;
	v6 =	vld [tilespmem:s7+$0xFFFFFE80]  }
0x22d: {  	[tilespmem:s7+$0xFFFFFE20] =	vst v5;
	v5 =	vmul.f32 v8, v4;
	v8 =	vld [tilespmem:s7+$0xFFFFFE90]  }
0x22e: {  	[tilespmem:s7+$0xFFFFFE30] =	vst v0;
	v0 =	vmul.f32 v10, v4;
	v10 =	vld [tilespmem:s7+$0xFFFFFEA0]  }
0x22f: {  	[tilespmem:s7+$0xFFFFFE40] =	vst v5;
	v5 =	vmul.f32 v7, v4;
	v7 =	vld [tilespmem:s7+$0xFFFFFEB0]  }
0x230: {  	[tilespmem:s7+$0xFFFFFE50] =	vst v0;
	v0 =	vmul.f32 v9, v4;
	v9 =	vld [tilespmem:s7+$0xFFFFFEC0]  }
0x231: {  	[tilespmem:s7+$0xFFFFFE60] =	vst v5;
	v4 =	vmul.f32 v6, v4;
	v5 =	vld [tilespmem:s7+$0xFFFFFED0]  }
0x232: {  	v6 =	vld [tilespmem:s7+$0xFFFFFEE0];
	[tilespmem:s7+$0xFFFFFE70] =	vst v0;
	v0 =	vmul.f32 v8, v3  }
0x233: {  	v8 =	vld [tilespmem:s7+$0xFFFFFEF0];
	[tilespmem:s7+$0xFFFFFE80] =	vst v4;
	v4 =	vmul.f32 v10, v3  }
0x234: {  	[tilespmem:s7+$0xFFFFFE90] =	vst v0;
	v0 =	vmul.f32 v7, v3;
	v7 =	vld [tilespmem:s7+$0xFFFFFF00]  }
0x235: {  	[tilespmem:s7+$0xFFFFFEA0] =	vst v4;
	v4 =	vmul.f32 v9, v3;
	v9 =	vld [tilespmem:s7+$0xFFFFFF10]  }
0x236: {  	[tilespmem:s7+$0xFFFFFEB0] =	vst v0;
	v0 =	vmul.f32 v5, v3;
	v5 =	vld [tilespmem:s7+$0xFFFFFF20]  }
0x237: {  	[tilespmem:s7+$0xFFFFFEC0] =	vst v4;
	v4 =	vmul.f32 v6, v3;
	v6 =	vld [tilespmem:s7+$0xFFFFFF30]  }
0x238: {  	[tilespmem:s7+$0xFFFFFED0] =	vst v0;
	v0 =	vmul.f32 v8, v3;
	v8 =	vld [tilespmem:s7+$0xFFFFFF40]  }
0x239: {  	[tilespmem:s7+$0xFFFFFEE0] =	vst v4;
	v3 =	vmul.f32 v7, v3;
	v4 =	vld [tilespmem:s7+$0xFFFFFF50]  }
0x23a: {  	v7 =	vld [tilespmem:s7+$0xFFFFFF60];
	[tilespmem:s7+$0xFFFFFEF0] =	vst v0;
	v0 =	vmul.f32 v9, v2  }
0x23b: {  	[tilespmem:s7+$0xFFFFFF00] =	vst v3;
	v3 =	vmul.f32 v5, v2;
	v5 =	vld [tilespmem:s7+$0xFFFFFF70]  }
0x23c: {  	[tilespmem:s7+$0xFFFFFF10] =	vst v0;
	v0 =	vmul.f32 v6, v2;
	v6 =	vld [tilespmem:s7+$0xFFFFFF80]  }
0x23d: {  	[tilespmem:s7+$0xFFFFFF20] =	vst v3;
	v3 =	vmul.f32 v8, v2;
	v8 =	vld [tilespmem:s7+$0xFFFFFF90]  }
0x23e: {  	[tilespmem:s7+$0xFFFFFF30] =	vst v0;
	v0 =	vmul.f32 v4, v2;
	v4 =	vld [tilespmem:s7+$0xFFFFFFA0]  }
0x23f: {  	[tilespmem:s7+$0xFFFFFF40] =	vst v3;
	v3 =	vmul.f32 v7, v2;
	v7 =	vld [tilespmem:s7+$0xFFFFFFB0]  }
0x240: {  	[tilespmem:s7+$0xFFFFFF50] =	vst v0;
	v0 =	vmul.f32 v5, v2;
	v5 =	vld [tilespmem:s7+$0xFFFFFFC0]  }
0x241: {  	[tilespmem:s7+$0xFFFFFF60] =	vst v3;
	v2 =	vmul.f32 v6, v2;
	v3 =	vld [tilespmem:s7+$0xFFFFFFD0]  }
0x242: {  	v6 =	vld [tilespmem:s7+$0xFFFFFFE0];
	[tilespmem:s7+$0xFFFFFF70] =	vst v0;
	v0 =	vmul.f32 v8, v1  }
0x243: {  	[tilespmem:s7+$0xFFFFFF80] =	vst v2;
	v2 =	vmul.f32 v4, v1;
	v4 =	vld [tilespmem:s7+$0xFFFFFFF0]  }
0x244: {  	[tilespmem:s7+$0xFFFFFF90] =	vst v0;
	v0 =	vmul.f32 v7, v1  }
0x245: {  	[tilespmem:s7+$0xFFFFFFA0] =	vst v2;
	v2 =	vmul.f32 v5, v1  }
0x246: {  	[tilespmem:s7+$0xFFFFFFB0] =	vst v0;
	v0 =	vmul.f32 v3, v1  }
0x247: {  	[tilespmem:s7+$0xFFFFFFC0] =	vst v2;
	v2 =	vmul.f32 v6, v1  }
0x248: {  	[tilespmem:s7+$0xFFFFFFD0] =	vst v0;
	v0 =	vmul.f32 v4, v1  }
0x249: {  	[tilespmem:s7+$0xFFFFFFE0] =	vst v2  }
0x24a: {  	s10 =	simm.s32 @!p1 $0x0;
	s14 =	simm.s32 @!p1 $0x880;
	[tilespmem:s7+$0xFFFFFFF0] =	vst v0;
	s7 =	sadd.s32 @!p1 s5, s15  }
0x24b: {  	[tilespmem:s14], [sflag:$0x16] =	stream.linear.gather @!p1 [hbm4b:s7+s10], $0x80, $0x38;
	[tilespmem:$0x1A880] =	vst v63  }
0x24c: {  	_ =	swait.ge [sflag:s21], $0x80  }
0x24d: {  	[sflag:s21] =	ssyncset.done $0x0  }
0x24e: {  	s15 =	simm.s32 $0x2000;
	s14 =	simm.s32 $0x480;
	[sflag:s21] =	ssyncadd.s32 $0xFFFFFF80  }
0x24f: {  	[spmem:s2] =	stream.indirect.scatter.add.f32 [tilespmem:s15], [sflag:$0x7], $0x80, s14, s30, $0xb8;
	[tilespmem:$0x1A880] =	vst v63  }
0x250: {  	s15 =	simm.s32 $0x0;
	s14 =	simm.s32 $0x1  }
0x251: {  	v0 =	vmov s15;
	v1 =	vmov s14;
	s15 =	simm.s32 $0x7;
	_ =	swait.ge [sflag:s25], $0x1400;
	s14 =	sadd.s32 $0x7, s11  }
0x252: {  	v2 =	vmov s15;
	[sflag:s25] =	ssyncset.done $0x0;
	s15 =	sshll.u32 @!p1 s14, $0x4  }
0x253: {  	s14 =	simm.s32 @!p1 $0x100;
	[sflag:s25] =	ssyncadd.s32 $0xFFFFEC00;
	s7 =	sadd.s32 @!p1 s4, s15  }
0x254: {  	[tilespmem:s14], [sflag:$0xD] =	stream.linear.gather @!p1 [hbm4b:s7+s10], $0x80, $0x38;
	[tilespmem:$0x1A880] =	vst v63  }
0x255: {  	_ =	swait.ge [sflag:s17], $0x80  }
0x256: {  	[sflag:s17] =	ssyncset.done $0x0  }
0x257: {  	s28 =	simm.s32 $0x37F0;
	[sflag:s17] =	ssyncadd.s32 $0xFFFFFF80  }
0x258: {  	v0 =	vand.u32 $0x78, v0;
	v4 =	vld [tilespmem:s28+$0xFFFFFC20]  }
0x259: {  	v0 =	vor.u32 $0x100, v0;
	v2 =	vand.u32 $0x7F, v2;
	v5 =	vld [tilespmem:s28+$0xFFFFFC30]  }
0x25a: {  	v0 =	vbroadcast v0, $0x0;
	v2 =	vor.u32 $0x100, v2;
	v6 =	vld [tilespmem:s28+$0xFFFFFC40]  }
0x25b: {  	v2 =	vbroadcast v2, $0x0;
	v7 =	vld [tilespmem:s28+$0xFFFFFC50]  }
0x25c: {  	v8 =	vld [tilespmem:s28+$0xFFFFFC60]  }
0x25d: {  	v9 =	vld [tilespmem:s28+$0xFFFFFC70]  }
0x25e: {  	v1 =	vand.u32 $0x79, v1;
	v11 =	vld [tilespmem:s28+$0x0]  }
0x25f: {  	v1 =	vor.u32 $0x100, v1;
	v12 =	vld [tilespmem:s28+$0xFFFFFC90]  }
0x260: {  	v1 =	vbroadcast v1, $0x0;
	v3 =	vld.idx.msk [tilespmem:v0+s23+$0x0], $0xffff  }
0x261: {  	v0 =	vld.idx.msk [tilespmem:v2+s23+$0x0], $0xffff  }
0x262: {  	v2 =	vld [tilespmem:s28+$0xFFFFFC10]  }
0x263: {  	v13 =	vld [tilespmem:s28+$0xFFFFFCA0]  }
0x264: {  	v14 =	vld [tilespmem:s28+$0xFFFFFCB0]  }
0x265: {  	v15 =	vld [tilespmem:s28+$0xFFFFFCC0];
	v4 =	vmul.f32 v4, v3  }
0x266: {  	v1 =	vld.idx.msk [tilespmem:v1+s23+$0x0], $0xffff;
	v5 =	vmul.f32 v5, v3  }
0x267: {  	s14 =	simm.s32 $0x2;
	v58 =	vld [tilespmem:s28+$0xFFFFFCD0];
	v2 =	vmul.f32 v2, v3;
	[tilespmem:s28+$0xFFFFFC20] =	vst v4  }
0x268: {  	v10 =	vmov s14;
	v6 =	vmul.f32 v6, v3;
	v4 =	vld [tilespmem:s28+$0xFFFFFCF0];
	[tilespmem:s28+$0xFFFFFC30] =	vst v5  }
0x269: {  	v11 =	vmul.f32 v11, v0;
	v5 =	vmul.f32 v7, v3;
	v7 =	vld [tilespmem:s28+$0xFFFFFD00];
	[tilespmem:s28+$0xFFFFFC10] =	vst v2;
	v2 =	vand.u32 $0x7A, v10  }
0x26a: {  	[tilespmem:s28+$0xFFFFFC40] =	vst v6;
	v6 =	vmul.f32 v8, v3;
	v10 =	vld [tilespmem:s28+$0xFFFFFC80];
	v2 =	vor.u32 $0x100, v2  }
0x26b: {  	v8 =	vld [tilespmem:s28+$0xFFFFFD10];
	[tilespmem:s28+$0x0] =	vst v11;
	v11 =	vmul.f32 v12, v1;
	v2 =	vbroadcast v2, $0x0  }
0x26c: {  	s10 =	simm.s32 $0x3;
	v12 =	vld [tilespmem:s28+$0xFFFFFCE0];
	[tilespmem:s28+$0xFFFFFC50] =	vst v5  }
0x26d: {  	v5 =	vmul.f32 v9, v3;
	v9 =	vld [tilespmem:s28+$0xFFFFFD20];
	[tilespmem:s28+$0xFFFFFC90] =	vst v11;
	v11 =	vmov s10  }
0x26e: {  	v16 =	vmul.f32 v58, v1;
	[tilespmem:s28+$0xFFFFFC60] =	vst v6;
	v6 =	vld [tilespmem:s28+$0xFFFFFD30];
	v11 =	vand.u32 $0x7B, v11  }
0x26f: {  	[tilespmem:s28+$0xFFFFFC70] =	vst v5;
	v5 =	vmul.f32 v13, v1;
	v13 =	vld [tilespmem:s28+$0xFFFFFD50];
	v11 =	vor.u32 $0x100, v11;
	v3 =	vmul.f32 v10, v3  }
0x270: {  	v4 =	vmul.f32 v4, v1;
	v11 =	vbroadcast v11, $0x0;
	v10 =	vld [tilespmem:s28+$0xFFFFFD40]  }
0x271: {  	v12 =	vmul.f32 v12, v1;
	[tilespmem:s28+$0xFFFFFC80] =	vst v3;
	v3 =	vmul.f32 v14, v1;
	v2 =	vld.idx.msk [tilespmem:v2+s23+$0x0], $0xffff  }
0x272: {  	[tilespmem:s28+$0xFFFFFCA0] =	vst v5;
	v14 =	vmul.f32 v15, v1;
	v1 =	vmul.f32 v7, v1;
	v7 =	vld [tilespmem:s28+$0xFFFFFDA0]  }
0x273: {  	[tilespmem:s28+$0xFFFFFCE0] =	vst v12;
	v12 =	vld [tilespmem:s28+$0xFFFFFDE0]  }
0x274: {  	[tilespmem:s28+$0xFFFFFCB0] =	vst v3;
	v3 =	vld [tilespmem:s28+$0xFFFFFD70]  }
0x275: {  	[tilespmem:s28+$0xFFFFFCC0] =	vst v14;
	v14 =	vld [tilespmem:s28+$0xFFFFFD80]  }
0x276: {  	[tilespmem:s28+$0xFFFFFCF0] =	vst v4;
	v11 =	vld.idx.msk [tilespmem:v11+s23+$0x0], $0xffff;
	v5 =	vmul.f32 v8, v2  }
0x277: {  	s14 =	simm.s32 $0x4;
	[tilespmem:s28+$0xFFFFFD00] =	vst v1;
	v8 =	vld [tilespmem:s28+$0xFFFFFD60];
	v4 =	vmul.f32 v9, v2  }
0x278: {  	v15 =	vmov s14;
	v9 =	vld [tilespmem:s28+$0xFFFFFDB0];
	v1 =	vmul.f32 v6, v2;
	[tilespmem:s28+$0xFFFFFD10] =	vst v5  }
0x279: {  	v13 =	vmul.f32 v13, v2;
	v5 =	vand.u32 $0x7C, v15;
	v15 =	vld [tilespmem:s28+$0xFFFFFD90];
	[tilespmem:s28+$0xFFFFFD20] =	vst v4  }
0x27a: {  	v6 =	vld [tilespmem:s28+$0xFFFFFDC0];
	v3 =	vmul.f32 v3, v2;
	[tilespmem:s28+$0xFFFFFD30] =	vst v1;
	v5 =	vor.u32 $0x100, v5  }
0x27b: {  	v4 =	vmul.f32 v10, v2;
	v10 =	vld [tilespmem:s28+$0xFFFFFDD0];
	[tilespmem:s28+$0xFFFFFD50] =	vst v13;
	v5 =	vbroadcast v5, $0x0  }
0x27c: {  	v13 =	vld [tilespmem:s28+$0xFFFFFE00];
	[tilespmem:s28+$0xFFFFFD70] =	vst v3;
	v3 =	vmul.f32 v7, v11  }
0x27d: {  	v7 =	vld [tilespmem:s28+$0xFFFFFE20];
	[tilespmem:s28+$0xFFFFFD40] =	vst v4;
	v8 =	vmul.f32 v8, v2  }
0x27e: {  	s10 =	simm.s32 $0x5;
	v4 =	vld [tilespmem:s28+$0xFFFFFDF0];
	[tilespmem:s28+$0xFFFFFDA0] =	vst v3;
	v1 =	vmul.f32 v15, v11  }
0x27f: {  	v2 =	vmul.f32 v14, v2;
	v3 =	vmul.f32 v6, v11;
	v6 =	vld [tilespmem:s28+$0xFFFFFE40];
	v15 =	vmov s10;
	[tilespmem:s28+$0xFFFFFD60] =	vst v8  }
0x280: {  	v12 =	vmul.f32 v12, v11;
	v8 =	vld [tilespmem:s28+$0xFFFFFE10];
	[tilespmem:s28+$0xFFFFFD90] =	vst v1;
	v1 =	vand.u32 $0x7D, v15  }
0x281: {  	[tilespmem:s28+$0xFFFFFD80] =	vst v2;
	v2 =	vmul.f32 v9, v11;
	v5 =	vld.idx.msk [tilespmem:v5+s23+$0x0], $0xffff;
	v1 =	vor.u32 $0x100, v1  }
0x282: {  	[tilespmem:s28+$0xFFFFFDE0] =	vst v12;
	v12 =	vld [tilespmem:s28+$0xFFFFFE80];
	v1 =	vbroadcast v1, $0x0  }
0x283: {  	v9 =	vld [tilespmem:s28+$0xFFFFFE30];
	[tilespmem:s28+$0xFFFFFDB0] =	vst v2;
	v2 =	vmul.f32 v10, v11  }
0x284: {  	[tilespmem:s28+$0xFFFFFDC0] =	vst v3;
	v10 =	vld [tilespmem:s28+$0xFFFFFE50];
	v4 =	vmul.f32 v4, v11;
	v11 =	vmul.f32 v13, v11  }
0x285: {  	[tilespmem:s28+$0xFFFFFDD0] =	vst v2;
	v2 =	vld [tilespmem:s28+$0xFFFFFE70]  }
0x286: {  	s14 =	simm.s32 $0x6;
	[tilespmem:s28+$0xFFFFFE00] =	vst v11;
	v11 =	vld [tilespmem:s28+$0xFFFFFEA0];
	v3 =	vmul.f32 v8, v5  }
0x287: {  	v14 =	vmov s14;
	[tilespmem:s28+$0xFFFFFDF0] =	vst v4;
	v8 =	vld [tilespmem:s28+$0xFFFFFE60];
	v4 =	vmul.f32 v7, v5  }
0x288: {  	v9 =	vmul.f32 v9, v5;
	v1 =	vld.idx.msk [tilespmem:v1+s23+$0x0], $0xffff;
	[tilespmem:s28+$0xFFFFFE10] =	vst v3;
	v3 =	vand.u32 $0x7E, v14  }
0x289: {  	v7 =	vld [tilespmem:s28+$0xFFFFFE90];
	[tilespmem:s28+$0xFFFFFE20] =	vst v4;
	v4 =	vmul.f32 v6, v5;
	v3 =	vor.u32 $0x100, v3  }
0x28a: {  	[tilespmem:s28+$0xFFFFFE30] =	vst v9;
	v9 =	vmul.f32 v10, v5;
	v10 =	vld [tilespmem:s28+$0xFFFFFEC0];
	v3 =	vbroadcast v3, $0x0  }
0x28b: {  	v2 =	vmul.f32 v2, v5;
	v6 =	vld [tilespmem:s28+$0xFFFFFEB0];
	[tilespmem:s28+$0xFFFFFE40] =	vst v4  }
0x28c: {  	[tilespmem:s28+$0xFFFFFE50] =	vst v9;
	v9 =	vld [tilespmem:s28+$0xFFFFFEE0];
	v4 =	vmul.f32 v8, v5  }
0x28d: {  	[tilespmem:s28+$0xFFFFFE70] =	vst v2;
	v8 =	vld [tilespmem:s28+$0xFFFFFED0];
	v2 =	vmul.f32 v11, v1  }
0x28e: {  	[tilespmem:s28+$0xFFFFFE60] =	vst v4;
	v4 =	vld [tilespmem:s28+$0xFFFFFEF0]  }
0x28f: {  	[tilespmem:s28+$0xFFFFFEA0] =	vst v2;
	v2 =	vmul.f32 v10, v1;
	v10 =	vld [tilespmem:s28+$0xFFFFFF20]  }
0x290: {  	v15 =	vld.idx.msk [tilespmem:v3+s23+$0x0], $0xffff  }
0x291: {  	[tilespmem:s28+$0xFFFFFCD0] =	vst v16;
	v3 =	vmul.f32 v12, v5;
	v5 =	vld [tilespmem:s28+$0xFFFFFF00]  }
0x292: {  	s14 =	simm.s32 $0x9;
	v7 =	vmul.f32 v7, v1;
	[tilespmem:s28+$0xFFFFFEC0] =	vst v2;
	v2 =	vmul.f32 v9, v1;
	v9 =	vld [tilespmem:s28+$0xFFFFFF40]  }
0x293: {  	s10 =	simm.s32 $0x8;
	v11 =	vmov s14;
	s14 =	simm.s32 $0xB;
	[tilespmem:s28+$0xFFFFFE80] =	vst v3;
	v3 =	vmul.f32 v6, v1;
	v6 =	vld [tilespmem:s28+$0xFFFFFF10]  }
0x294: {  	v13 =	vmov s14;
	s14 =	simm.s32 $0xD;
	[tilespmem:s28+$0xFFFFFE90] =	vst v7;
	v7 =	vmov s10;
	s10 =	simm.s32 $0xA  }
0x295: {  	v59 =	vmov s14;
	v12 =	vmov s10;
	s10 =	simm.s32 $0xC;
	[tilespmem:s28+$0xFFFFFEB0] =	vst v3;
	v3 =	vmul.f32 v8, v1;
	v8 =	vld [tilespmem:s28+$0xFFFFFF30]  }
0x296: {  	v7 =	vand.u32 $0x78, v7;
	v14 =	vmov s10;
	[tilespmem:s28+$0xFFFFFEE0] =	vst v2;
	v10 =	vmul.f32 v10, v15  }
0x297: {  	s14 =	simm.s32 $0xE;
	v7 =	vor.u32 $0x100, v7;
	[tilespmem:s28+$0xFFFFFED0] =	vst v3;
	v3 =	vmul.f32 v4, v1;
	v4 =	vld [tilespmem:s28+$0xFFFFFF50];
	v1 =	vmul.f32 v5, v1  }
0x298: {  	v60 =	vld [tilespmem:s28+$0xFFFFFF60];
	v5 =	vmov s14;
	v9 =	vmul.f32 v9, v15;
	v2 =	vmul.f32 v6, v15;
	[tilespmem:s28+$0xFFFFFF20] =	vst v10  }
0x299: {  	v61 =	vld [tilespmem:s28+$0xFFFFFF70];
	v6 =	vand.u32 $0x79, v11;
	v11 =	vand.u32 $0x7A, v12;
	v12 =	vand.u32 $0x7C, v14;
	[tilespmem:s28+$0xFFFFFEF0] =	vst v3  }
0x29a: {  	v62 =	vld [tilespmem:s28+$0xFFFFFF80];
	v14 =	vand.u32 $0x7E, v5;
	v3 =	vand.u32 $0x7B, v13;
	[tilespmem:s28+$0xFFFFFF00] =	vst v1;
	v8 =	vmul.f32 v8, v15  }
0x29b: {  	v5 =	vld [tilespmem:s28+$0xFFFFFF90];
	v1 =	vand.u32 $0x7D, v59;
	v10 =	vor.u32 $0x100, v11;
	v12 =	vor.u32 $0x100, v12;
	[tilespmem:s28+$0xFFFFFF10] =	vst v2  }
0x29c: {  	v2 =	vbroadcast v7, $0x0;
	v7 =	vor.u32 $0x100, v6;
	v6 =	vld [tilespmem:s28+$0xFFFFFFA0];
	[tilespmem:s28+$0xFFFFFF30] =	vst v8;
	v8 =	vmul.f32 v4, v15  }
0x29d: {  	[tilespmem:s28+$0xFFFFFF40] =	vst v9;
	v9 =	vmul.f32 v60, v15;
	v63 =	vor.u32 $0x100, v3;
	v3 =	vbroadcast v7, $0x0;
	v7 =	vld [tilespmem:s28+$0xFFFFFFB0]  }
0x29e: {  	v11 =	vmul.f32 v61, v15;
	v14 =	vor.u32 $0x100, v14;
	v4 =	vbroadcast v10, $0x0;
	[tilespmem:s28+$0xFFFFFF50] =	vst v8;
	v8 =	vld [tilespmem:s28+$0xFFFFFFC0]  }
0x29f: {  	s7 =	simm.s32 $0x10;
	s10 =	simm.s32 $0xF;
	v13 =	vor.u32 $0x100, v1;
	v1 =	vmul.f32 v62, v15;
	[tilespmem:s28+$0xFFFFFF60] =	vst v9;
	v9 =	vld [tilespmem:s28+$0xFFFFFFD0];
	v10 =	vbroadcast v63, $0x0  }
.LBB2_7:
0x2a0: {  	p2 =	slt.u32 s7, $0x20;
	v12 =	vbroadcast v12, $0x0;
	v15 =	vmov s10;
	[tilespmem:s28+$0xFFFFFF70] =	vst v11;
	v5 =	vmul.f32 v5, v0;
	v11 =	vld [tilespmem:s28+$0xFFFFFFE0]  }
0x2a1: {  	v13 =	vbroadcast v13, $0x0;
	v15 =	vand.u32 $0x7F, v15;
	[tilespmem:s28+$0xFFFFFF80] =	vst v1;
	v1 =	vmul.f32 v6, v0;
	v6 =	vld [tilespmem:s28+$0xFFFFFFF0]  }
0x2a2: {  	v14 =	vbroadcast v14, $0x0;
	v16 =	vld.idx.msk [tilespmem:v2+s23+$0x0], $0xffff;
	v2 =	vor.u32 $0x100, v15;
	[tilespmem:s28+$0xFFFFFF90] =	vst v5;
	v5 =	vmul.f32 v7, v0  }
0x2a3: {  	v7 =	vld.idx.msk [tilespmem:v3+s23+$0x0], $0xffff;
	v15 =	vbroadcast v2, $0x0;
	[tilespmem:s28+$0xFFFFFFA0] =	vst v1;
	v1 =	vmul.f32 v8, v0  }
0x2a4: {  	v8 =	vld.idx.msk [tilespmem:v4+s23+$0x0], $0xffff;
	[tilespmem:s28+$0xFFFFFFB0] =	vst v5;
	v2 =	vmul.f32 v9, v0  }
0x2a5: {  	v4 =	vld.idx.msk [tilespmem:v10+s23+$0x0], $0xffff;
	[tilespmem:s28+$0xFFFFFFC0] =	vst v1;
	v1 =	vmul.f32 v11, v0  }
0x2a6: {  	v3 =	vld.idx.msk [tilespmem:v12+s23+$0x0], $0xffff;
	[tilespmem:s28+$0xFFFFFFD0] =	vst v2;
	v0 =	vmul.f32 v6, v0  }
0x2a7: {  	v2 =	vld.idx.msk [tilespmem:v13+s23+$0x0], $0xffff;
	[tilespmem:s28+$0xFFFFFFE0] =	vst v1  }
0x2a8: {  	v1 =	vld.idx.msk [tilespmem:v14+s23+$0x0], $0xffff;
	[tilespmem:s28+$0xFFFFFFF0] =	vst v0  }
0x2a9: {  	s28 =	sadd.s32 $0x400, s28;
	v0 =	vld.idx.msk [tilespmem:v15+s23+$0x0], $0xffff  }
0x2aa: {  	v5 =	vld [tilespmem:s28+$0x0]  }
0x2ab: {  	v6 =	vld [tilespmem:s28+$0xFFFFFC10]  }
0x2ac: {  	v9 =	vld [tilespmem:s28+$0xFFFFFC20]  }
0x2ad: {  	v10 =	vld [tilespmem:s28+$0xFFFFFC30]  }
0x2ae: {  	v11 =	vld [tilespmem:s28+$0xFFFFFC40]  }
0x2af: {  	v12 =	vld [tilespmem:s28+$0xFFFFFC50];
	v5 =	vmul.f32 v5, v0  }
0x2b0: {  	v6 =	vmul.f32 v6, v16;
	v13 =	vld [tilespmem:s28+$0xFFFFFC60]  }
0x2b1: {  	v9 =	vmul.f32 v9, v16;
	v14 =	vld [tilespmem:s28+$0xFFFFFC70];
	[tilespmem:s28+$0x0] =	vst v5  }
0x2b2: {  	[tilespmem:s28+$0xFFFFFC10] =	vst v6;
	v5 =	vmul.f32 v10, v16;
	v6 =	vld [tilespmem:s28+$0xFFFFFC80]  }
0x2b3: {  	[tilespmem:s28+$0xFFFFFC20] =	vst v9;
	v9 =	vmul.f32 v11, v16;
	v10 =	vld [tilespmem:s28+$0xFFFFFC90]  }
0x2b4: {  	[tilespmem:s28+$0xFFFFFC30] =	vst v5;
	v5 =	vmul.f32 v12, v16;
	v11 =	vld [tilespmem:s28+$0xFFFFFCA0]  }
0x2b5: {  	[tilespmem:s28+$0xFFFFFC40] =	vst v9;
	v9 =	vmul.f32 v13, v16;
	v12 =	vld [tilespmem:s28+$0xFFFFFCB0]  }
0x2b6: {  	[tilespmem:s28+$0xFFFFFC50] =	vst v5;
	v5 =	vmul.f32 v14, v16;
	v13 =	vld [tilespmem:s28+$0xFFFFFCC0]  }
0x2b7: {  	[tilespmem:s28+$0xFFFFFC60] =	vst v9;
	v6 =	vmul.f32 v6, v16;
	v9 =	vld [tilespmem:s28+$0xFFFFFCD0]  }
0x2b8: {  	[tilespmem:s28+$0xFFFFFC70] =	vst v5;
	v5 =	vmul.f32 v10, v7;
	v10 =	vld [tilespmem:s28+$0xFFFFFCE0]  }
0x2b9: {  	[tilespmem:s28+$0xFFFFFC80] =	vst v6;
	v6 =	vmul.f32 v11, v7;
	v11 =	vld [tilespmem:s28+$0xFFFFFCF0]  }
0x2ba: {  	[tilespmem:s28+$0xFFFFFC90] =	vst v5;
	v5 =	vmul.f32 v12, v7;
	v12 =	vld [tilespmem:s28+$0xFFFFFD00]  }
0x2bb: {  	[tilespmem:s28+$0xFFFFFCA0] =	vst v6;
	v6 =	vmul.f32 v13, v7;
	v13 =	vld [tilespmem:s28+$0xFFFFFD10]  }
0x2bc: {  	[tilespmem:s28+$0xFFFFFCB0] =	vst v5;
	v5 =	vmul.f32 v9, v7;
	v9 =	vld [tilespmem:s28+$0xFFFFFD20]  }
0x2bd: {  	[tilespmem:s28+$0xFFFFFCC0] =	vst v6;
	v6 =	vmul.f32 v10, v7;
	v10 =	vld [tilespmem:s28+$0xFFFFFD30]  }
0x2be: {  	[tilespmem:s28+$0xFFFFFCD0] =	vst v5;
	v5 =	vmul.f32 v11, v7;
	v11 =	vld [tilespmem:s28+$0xFFFFFD40]  }
0x2bf: {  	[tilespmem:s28+$0xFFFFFCE0] =	vst v6;
	v6 =	vmul.f32 v12, v7;
	v7 =	vld [tilespmem:s28+$0xFFFFFD50]  }
0x2c0: {  	[tilespmem:s28+$0xFFFFFCF0] =	vst v5;
	v5 =	vmul.f32 v13, v8;
	v12 =	vld [tilespmem:s28+$0xFFFFFD60]  }
0x2c1: {  	[tilespmem:s28+$0xFFFFFD00] =	vst v6;
	v6 =	vmul.f32 v9, v8;
	v9 =	vld [tilespmem:s28+$0xFFFFFD70]  }
0x2c2: {  	[tilespmem:s28+$0xFFFFFD10] =	vst v5;
	v5 =	vmul.f32 v10, v8;
	v10 =	vld [tilespmem:s28+$0xFFFFFD80]  }
0x2c3: {  	[tilespmem:s28+$0xFFFFFD20] =	vst v6;
	v6 =	vmul.f32 v11, v8;
	v11 =	vld [tilespmem:s28+$0xFFFFFD90]  }
0x2c4: {  	[tilespmem:s28+$0xFFFFFD30] =	vst v5;
	v5 =	vmul.f32 v7, v8;
	v7 =	vld [tilespmem:s28+$0xFFFFFDA0]  }
0x2c5: {  	[tilespmem:s28+$0xFFFFFD40] =	vst v6;
	v6 =	vmul.f32 v12, v8;
	v12 =	vld [tilespmem:s28+$0xFFFFFDB0]  }
0x2c6: {  	[tilespmem:s28+$0xFFFFFD50] =	vst v5;
	v5 =	vmul.f32 v9, v8;
	v9 =	vld [tilespmem:s28+$0xFFFFFDC0]  }
0x2c7: {  	[tilespmem:s28+$0xFFFFFD60] =	vst v6;
	v6 =	vmul.f32 v10, v8;
	v8 =	vld [tilespmem:s28+$0xFFFFFDD0]  }
0x2c8: {  	[tilespmem:s28+$0xFFFFFD70] =	vst v5;
	v5 =	vmul.f32 v11, v4;
	v10 =	vld [tilespmem:s28+$0xFFFFFDE0]  }
0x2c9: {  	[tilespmem:s28+$0xFFFFFD80] =	vst v6;
	v6 =	vmul.f32 v7, v4;
	v7 =	vld [tilespmem:s28+$0xFFFFFDF0]  }
0x2ca: {  	[tilespmem:s28+$0xFFFFFD90] =	vst v5;
	v5 =	vmul.f32 v12, v4;
	v11 =	vld [tilespmem:s28+$0xFFFFFE00]  }
0x2cb: {  	[tilespmem:s28+$0xFFFFFDA0] =	vst v6;
	v6 =	vmul.f32 v9, v4;
	v9 =	vld [tilespmem:s28+$0xFFFFFE10]  }
0x2cc: {  	[tilespmem:s28+$0xFFFFFDB0] =	vst v5;
	v5 =	vmul.f32 v8, v4;
	v8 =	vld [tilespmem:s28+$0xFFFFFE20]  }
0x2cd: {  	[tilespmem:s28+$0xFFFFFDC0] =	vst v6;
	v6 =	vmul.f32 v10, v4;
	v10 =	vld [tilespmem:s28+$0xFFFFFE30]  }
0x2ce: {  	[tilespmem:s28+$0xFFFFFDD0] =	vst v5;
	v5 =	vmul.f32 v7, v4;
	v7 =	vld [tilespmem:s28+$0xFFFFFE40]  }
0x2cf: {  	[tilespmem:s28+$0xFFFFFDE0] =	vst v6;
	v4 =	vmul.f32 v11, v4;
	v6 =	vld [tilespmem:s28+$0xFFFFFE50]  }
0x2d0: {  	[tilespmem:s28+$0xFFFFFDF0] =	vst v5;
	v5 =	vmul.f32 v9, v3;
	v9 =	vld [tilespmem:s28+$0xFFFFFE60]  }
0x2d1: {  	[tilespmem:s28+$0xFFFFFE00] =	vst v4;
	v4 =	vmul.f32 v8, v3;
	v8 =	vld [tilespmem:s28+$0xFFFFFE70]  }
0x2d2: {  	[tilespmem:s28+$0xFFFFFE10] =	vst v5;
	v5 =	vmul.f32 v10, v3;
	v10 =	vld [tilespmem:s28+$0xFFFFFE80]  }
0x2d3: {  	[tilespmem:s28+$0xFFFFFE20] =	vst v4;
	v4 =	vmul.f32 v7, v3;
	v7 =	vld [tilespmem:s28+$0xFFFFFE90]  }
0x2d4: {  	[tilespmem:s28+$0xFFFFFE30] =	vst v5;
	v5 =	vmul.f32 v6, v3;
	v6 =	vld [tilespmem:s28+$0xFFFFFEA0]  }
0x2d5: {  	[tilespmem:s28+$0xFFFFFE40] =	vst v4;
	v4 =	vmul.f32 v9, v3;
	v9 =	vld [tilespmem:s28+$0xFFFFFEB0]  }
0x2d6: {  	[tilespmem:s28+$0xFFFFFE50] =	vst v5;
	v5 =	vmul.f32 v8, v3;
	v8 =	vld [tilespmem:s28+$0xFFFFFEC0]  }
0x2d7: {  	[tilespmem:s28+$0xFFFFFE60] =	vst v4;
	v3 =	vmul.f32 v10, v3;
	v4 =	vld [tilespmem:s28+$0xFFFFFED0]  }
0x2d8: {  	[tilespmem:s28+$0xFFFFFE70] =	vst v5;
	v5 =	vmul.f32 v7, v2;
	v7 =	vld [tilespmem:s28+$0xFFFFFEE0]  }
0x2d9: {  	[tilespmem:s28+$0xFFFFFE80] =	vst v3;
	v3 =	vmul.f32 v6, v2;
	v6 =	vld [tilespmem:s28+$0xFFFFFEF0]  }
0x2da: {  	[tilespmem:s28+$0xFFFFFE90] =	vst v5;
	v5 =	vmul.f32 v9, v2;
	v9 =	vld [tilespmem:s28+$0xFFFFFF00]  }
0x2db: {  	s10 =	sadd.s32 $0x1, s7;
	v10 =	vmov s7;
	[tilespmem:s28+$0xFFFFFEA0] =	vst v3;
	v3 =	vmul.f32 v8, v2;
	v8 =	vld [tilespmem:s28+$0xFFFFFF10]  }
0x2dc: {  	s14 =	sadd.s32 $0x3, s7;
	v11 =	vmov s10;
	s10 =	sadd.s32 $0x2, s7;
	v10 =	vand.u32 $0x78, v10;
	[tilespmem:s28+$0xFFFFFEB0] =	vst v5;
	v4 =	vmul.f32 v4, v2;
	v5 =	vld [tilespmem:s28+$0xFFFFFF20]  }
0x2dd: {  	v13 =	vmov s14;
	s14 =	sadd.s32 $0x5, s7;
	v12 =	vmov s10;
	s10 =	sadd.s32 $0x4, s7;
	[tilespmem:s28+$0xFFFFFEC0] =	vst v3;
	v3 =	vmul.f32 v7, v2;
	v7 =	vld [tilespmem:s28+$0xFFFFFF30]  }
0x2de: {  	v15 =	vmov s14;
	v14 =	vmov s10;
	s10 =	sadd.s32 $0x6, s7;
	[tilespmem:s28+$0xFFFFFED0] =	vst v4;
	v4 =	vmul.f32 v6, v2;
	v6 =	vld [tilespmem:s28+$0xFFFFFF40]  }
0x2df: {  	v16 =	vmov s10;
	v10 =	vor.u32 $0x100, v10;
	[tilespmem:s28+$0xFFFFFEE0] =	vst v3;
	v2 =	vmul.f32 v9, v2;
	v3 =	vld [tilespmem:s28+$0xFFFFFF50]  }
0x2e0: {  	v9 =	vand.u32 $0x79, v11;
	v11 =	vand.u32 $0x7A, v12;
	[tilespmem:s28+$0xFFFFFEF0] =	vst v4;
	v4 =	vmul.f32 v8, v1;
	v8 =	vld [tilespmem:s28+$0xFFFFFF60]  }
0x2e1: {  	v12 =	vand.u32 $0x7B, v13;
	v13 =	vand.u32 $0x7C, v14;
	[tilespmem:s28+$0xFFFFFF00] =	vst v2;
	v5 =	vmul.f32 v5, v1;
	v14 =	vld [tilespmem:s28+$0xFFFFFF70]  }
0x2e2: {  	v15 =	vand.u32 $0x7D, v15;
	v16 =	vand.u32 $0x7E, v16;
	[tilespmem:s28+$0xFFFFFF10] =	vst v4;
	v4 =	vmul.f32 v7, v1;
	v17 =	vld [tilespmem:s28+$0xFFFFFF80]  }
.Ltmp2:
0x2e3: {  	v2 =	vbroadcast v10, $0x0;
	v7 =	vor.u32 $0x100, v9;
	[tilespmem:s28+$0xFFFFFF20] =	vst v5;
	v9 =	vmul.f32 v6, v1;
	v5 =	vld [tilespmem:s28+$0xFFFFFF90];
	(pc) =	sbr.rel @p2 .LBB2_7-.Ltmp2, $4  }
0x2e4: {  	v18 =	vor.u32 $0x100, v12;
	v10 =	vor.u32 $0x100, v11;
	[tilespmem:s28+$0xFFFFFF30] =	vst v4;
	v11 =	vmul.f32 v3, v1;
	v6 =	vld [tilespmem:s28+$0xFFFFFFA0]  }
0x2e5: {  	v12 =	vor.u32 $0x100, v13;
	v3 =	vbroadcast v7, $0x0;
	[tilespmem:s28+$0xFFFFFF40] =	vst v9;
	v9 =	vmul.f32 v8, v1;
	v7 =	vld [tilespmem:s28+$0xFFFFFFB0]  }
0x2e6: {  	v13 =	vor.u32 $0x100, v15;
	v4 =	vbroadcast v10, $0x0;
	[tilespmem:s28+$0xFFFFFF50] =	vst v11;
	v11 =	vmul.f32 v14, v1;
	v8 =	vld [tilespmem:s28+$0xFFFFFFC0]  }
0x2e7: {  	s10 =	sadd.s32 $0x7, s7;
	s7 =	sadd.s32 $0x8, s7;
	v10 =	vbroadcast v18, $0x0;
	v14 =	vor.u32 $0x100, v16;
	[tilespmem:s28+$0xFFFFFF60] =	vst v9;
	v1 =	vmul.f32 v17, v1;
	v9 =	vld [tilespmem:s28+$0xFFFFFFD0]  }
0x2e8: {  	_ =	sdelay $0x1  }
0x2e9: {  	v16 =	vld [tilespmem:s28+$0xFFFFFFE0]  }
0x2ea: {  	v17 =	vld [tilespmem:s28+$0xFFFFFFF0]  }
0x2eb: {  	v15 =	vmov s10;
	v18 =	vld.idx.msk [tilespmem:v2+s23+$0x0], $0xffff  }
0x2ec: {  	v19 =	vld.idx.msk [tilespmem:v4+s23+$0x0], $0xffff;
	v15 =	vand.u32 $0x7F, v15  }
0x2ed: {  	v12 =	vbroadcast v12, $0x0;
	v2 =	vbroadcast v14, $0x0;
	s7 =	sadd.s32 $0x400, s28;
	v10 =	vld.idx.msk [tilespmem:v10+s23+$0x0], $0xffff;
	v14 =	vor.u32 $0x100, v15  }
0x2ee: {  	[tilespmem:s28+$0xFFFFFF70] =	vst v11;
	v5 =	vmul.f32 v5, v0;
	v11 =	vld [tilespmem:s7+$0xFFFFFC30];
	v14 =	vbroadcast v14, $0x0  }
0x2ef: {  	v13 =	vbroadcast v13, $0x0;
	v6 =	vmul.f32 v6, v0;
	v15 =	vld.idx.msk [tilespmem:v3+s23+$0x0], $0xffff  }
0x2f0: {  	[tilespmem:s28+$0xFFFFFF90] =	vst v5;
	v5 =	vmul.f32 v7, v0;
	v7 =	vld [tilespmem:s7+$0x0]  }
0x2f1: {  	[tilespmem:s28+$0xFFFFFFA0] =	vst v6;
	v6 =	vmul.f32 v8, v0;
	v8 =	vld [tilespmem:s7+$0xFFFFFC10]  }
0x2f2: {  	[tilespmem:s28+$0xFFFFFFB0] =	vst v5;
	v5 =	vmul.f32 v9, v0;
	v9 =	vld [tilespmem:s7+$0xFFFFFC20]  }
0x2f3: {  	v4 =	vld.idx.msk [tilespmem:v12+s23+$0x0], $0xffff  }
0x2f4: {  	[tilespmem:s28+$0xFFFFFF80] =	vst v1;
	v1 =	vld.idx.msk [tilespmem:v14+s23+$0x0], $0xffff  }
0x2f5: {  	[tilespmem:s28+$0xFFFFFFC0] =	vst v6;
	v6 =	vmul.f32 v16, v0;
	v3 =	vld.idx.msk [tilespmem:v13+s23+$0x0], $0xffff  }
0x2f6: {  	v0 =	vmul.f32 v17, v0;
	v2 =	vld.idx.msk [tilespmem:v2+s23+$0x0], $0xffff;
	[tilespmem:s28+$0xFFFFFFD0] =	vst v5  }
0x2f7: {  	v5 =	vld [tilespmem:s7+$0xFFFFFC40];
	[tilespmem:s28+$0xFFFFFFE0] =	vst v6  }
0x2f8: {  	v6 =	vld [tilespmem:s7+$0xFFFFFC50];
	[tilespmem:s28+$0xFFFFFFF0] =	vst v0;
	v0 =	vmul.f32 v8, v18  }
0x2f9: {  	v8 =	vld [tilespmem:s7+$0xFFFFFC60];
	v7 =	vmul.f32 v7, v1  }
0x2fa: {  	v12 =	vld [tilespmem:s7+$0xFFFFFC70];
	v9 =	vmul.f32 v9, v18;
	[tilespmem:s7+$0xFFFFFC10] =	vst v0  }
0x2fb: {  	v0 =	vmul.f32 v11, v18;
	[tilespmem:s7+$0x0] =	vst v7;
	v7 =	vld [tilespmem:s7+$0xFFFFFC80]  }
0x2fc: {  	[tilespmem:s7+$0xFFFFFC20] =	vst v9;
	v5 =	vmul.f32 v5, v18;
	v9 =	vld [tilespmem:s7+$0xFFFFFC90]  }
0x2fd: {  	[tilespmem:s7+$0xFFFFFC30] =	vst v0;
	v0 =	vmul.f32 v6, v18;
	v6 =	vld [tilespmem:s7+$0xFFFFFCA0]  }
0x2fe: {  	[tilespmem:s7+$0xFFFFFC40] =	vst v5;
	v5 =	vmul.f32 v8, v18;
	v8 =	vld [tilespmem:s7+$0xFFFFFCB0]  }
0x2ff: {  	v11 =	vld [tilespmem:s7+$0xFFFFFCC0];
	[tilespmem:s7+$0xFFFFFC50] =	vst v0;
	v0 =	vmul.f32 v12, v18  }
0x300: {  	[tilespmem:s7+$0xFFFFFC60] =	vst v5;
	v5 =	vmul.f32 v7, v18;
	v7 =	vld [tilespmem:s7+$0xFFFFFCD0]  }
0x301: {  	[tilespmem:s7+$0xFFFFFC70] =	vst v0;
	v0 =	vmul.f32 v9, v15;
	v9 =	vld [tilespmem:s7+$0xFFFFFCE0]  }
0x302: {  	[tilespmem:s7+$0xFFFFFC80] =	vst v5;
	v5 =	vmul.f32 v6, v15;
	v6 =	vld [tilespmem:s7+$0xFFFFFCF0]  }
0x303: {  	[tilespmem:s7+$0xFFFFFC90] =	vst v0;
	v0 =	vmul.f32 v8, v15;
	v8 =	vld [tilespmem:s7+$0xFFFFFD00]  }
0x304: {  	[tilespmem:s7+$0xFFFFFCA0] =	vst v5;
	v5 =	vmul.f32 v11, v15;
	v11 =	vld [tilespmem:s7+$0xFFFFFD10]  }
0x305: {  	[tilespmem:s7+$0xFFFFFCB0] =	vst v0;
	v0 =	vmul.f32 v7, v15;
	v7 =	vld [tilespmem:s7+$0xFFFFFD20]  }
0x306: {  	[tilespmem:s7+$0xFFFFFCC0] =	vst v5;
	v5 =	vmul.f32 v9, v15;
	v9 =	vld [tilespmem:s7+$0xFFFFFD30]  }
0x307: {  	[tilespmem:s7+$0xFFFFFCD0] =	vst v0;
	v0 =	vmul.f32 v6, v15;
	v6 =	vld [tilespmem:s7+$0xFFFFFD40]  }
0x308: {  	[tilespmem:s7+$0xFFFFFCE0] =	vst v5;
	v5 =	vmul.f32 v8, v15;
	v8 =	vld [tilespmem:s7+$0xFFFFFD50]  }
0x309: {  	[tilespmem:s7+$0xFFFFFCF0] =	vst v0;
	v0 =	vmul.f32 v11, v19;
	v11 =	vld [tilespmem:s7+$0xFFFFFD60]  }
0x30a: {  	[tilespmem:s7+$0xFFFFFD00] =	vst v5;
	v5 =	vmul.f32 v7, v19;
	v7 =	vld [tilespmem:s7+$0xFFFFFD70]  }
0x30b: {  	[tilespmem:s7+$0xFFFFFD10] =	vst v0;
	v0 =	vmul.f32 v9, v19;
	v9 =	vld [tilespmem:s7+$0xFFFFFD80]  }
0x30c: {  	[tilespmem:s7+$0xFFFFFD20] =	vst v5;
	v5 =	vmul.f32 v6, v19;
	v6 =	vld [tilespmem:s7+$0xFFFFFD90]  }
0x30d: {  	[tilespmem:s7+$0xFFFFFD30] =	vst v0;
	v0 =	vmul.f32 v8, v19;
	v8 =	vld [tilespmem:s7+$0xFFFFFDA0]  }
0x30e: {  	[tilespmem:s7+$0xFFFFFD40] =	vst v5;
	v5 =	vmul.f32 v11, v19;
	v11 =	vld [tilespmem:s7+$0xFFFFFDB0]  }
0x30f: {  	[tilespmem:s7+$0xFFFFFD50] =	vst v0;
	v0 =	vmul.f32 v7, v19;
	v7 =	vld [tilespmem:s7+$0xFFFFFDC0]  }
0x310: {  	[tilespmem:s7+$0xFFFFFD60] =	vst v5;
	v5 =	vmul.f32 v9, v19;
	v9 =	vld [tilespmem:s7+$0xFFFFFDD0]  }
0x311: {  	[tilespmem:s7+$0xFFFFFD70] =	vst v0;
	v0 =	vmul.f32 v6, v10;
	v6 =	vld [tilespmem:s7+$0xFFFFFDE0]  }
0x312: {  	[tilespmem:s7+$0xFFFFFD80] =	vst v5;
	v5 =	vmul.f32 v8, v10;
	v8 =	vld [tilespmem:s7+$0xFFFFFDF0]  }
0x313: {  	[tilespmem:s7+$0xFFFFFD90] =	vst v0;
	v0 =	vmul.f32 v11, v10;
	v11 =	vld [tilespmem:s7+$0xFFFFFE00]  }
0x314: {  	[tilespmem:s7+$0xFFFFFDA0] =	vst v5;
	v5 =	vmul.f32 v7, v10;
	v7 =	vld [tilespmem:s7+$0xFFFFFE10]  }
0x315: {  	[tilespmem:s7+$0xFFFFFDB0] =	vst v0;
	v0 =	vmul.f32 v9, v10;
	v9 =	vld [tilespmem:s7+$0xFFFFFE20]  }
0x316: {  	[tilespmem:s7+$0xFFFFFDC0] =	vst v5;
	v5 =	vmul.f32 v6, v10;
	v6 =	vld [tilespmem:s7+$0xFFFFFE30]  }
0x317: {  	[tilespmem:s7+$0xFFFFFDD0] =	vst v0;
	v0 =	vmul.f32 v8, v10;
	v8 =	vld [tilespmem:s7+$0xFFFFFE40]  }
0x318: {  	[tilespmem:s7+$0xFFFFFDE0] =	vst v5;
	v5 =	vmul.f32 v11, v10;
	v10 =	vld [tilespmem:s7+$0xFFFFFE50]  }
0x319: {  	[tilespmem:s7+$0xFFFFFDF0] =	vst v0;
	v0 =	vmul.f32 v7, v4;
	v7 =	vld [tilespmem:s7+$0xFFFFFE60]  }
0x31a: {  	[tilespmem:s7+$0xFFFFFE00] =	vst v5;
	v5 =	vmul.f32 v9, v4;
	v9 =	vld [tilespmem:s7+$0xFFFFFE70]  }
0x31b: {  	[tilespmem:s7+$0xFFFFFE10] =	vst v0;
	v0 =	vmul.f32 v6, v4;
	v6 =	vld [tilespmem:s7+$0xFFFFFE80]  }
0x31c: {  	[tilespmem:s7+$0xFFFFFE20] =	vst v5;
	v5 =	vmul.f32 v8, v4;
	v8 =	vld [tilespmem:s7+$0xFFFFFE90]  }
0x31d: {  	[tilespmem:s7+$0xFFFFFE30] =	vst v0;
	v0 =	vmul.f32 v10, v4;
	v10 =	vld [tilespmem:s7+$0xFFFFFEA0]  }
0x31e: {  	[tilespmem:s7+$0xFFFFFE40] =	vst v5;
	v5 =	vmul.f32 v7, v4;
	v7 =	vld [tilespmem:s7+$0xFFFFFEB0]  }
0x31f: {  	[tilespmem:s7+$0xFFFFFE50] =	vst v0;
	v0 =	vmul.f32 v9, v4;
	v9 =	vld [tilespmem:s7+$0xFFFFFEC0]  }
0x320: {  	[tilespmem:s7+$0xFFFFFE60] =	vst v5;
	v4 =	vmul.f32 v6, v4;
	v5 =	vld [tilespmem:s7+$0xFFFFFED0]  }
0x321: {  	v6 =	vld [tilespmem:s7+$0xFFFFFEE0];
	[tilespmem:s7+$0xFFFFFE70] =	vst v0;
	v0 =	vmul.f32 v8, v3  }
0x322: {  	v8 =	vld [tilespmem:s7+$0xFFFFFEF0];
	[tilespmem:s7+$0xFFFFFE80] =	vst v4;
	v4 =	vmul.f32 v10, v3  }
0x323: {  	[tilespmem:s7+$0xFFFFFE90] =	vst v0;
	v0 =	vmul.f32 v7, v3;
	v7 =	vld [tilespmem:s7+$0xFFFFFF00]  }
0x324: {  	[tilespmem:s7+$0xFFFFFEA0] =	vst v4;
	v4 =	vmul.f32 v9, v3;
	v9 =	vld [tilespmem:s7+$0xFFFFFF10]  }
0x325: {  	[tilespmem:s7+$0xFFFFFEB0] =	vst v0;
	v0 =	vmul.f32 v5, v3;
	v5 =	vld [tilespmem:s7+$0xFFFFFF20]  }
0x326: {  	[tilespmem:s7+$0xFFFFFEC0] =	vst v4;
	v4 =	vmul.f32 v6, v3;
	v6 =	vld [tilespmem:s7+$0xFFFFFF30]  }
0x327: {  	[tilespmem:s7+$0xFFFFFED0] =	vst v0;
	v0 =	vmul.f32 v8, v3;
	v8 =	vld [tilespmem:s7+$0xFFFFFF40]  }
0x328: {  	[tilespmem:s7+$0xFFFFFEE0] =	vst v4;
	v3 =	vmul.f32 v7, v3;
	v4 =	vld [tilespmem:s7+$0xFFFFFF50]  }
0x329: {  	v7 =	vld [tilespmem:s7+$0xFFFFFF60];
	[tilespmem:s7+$0xFFFFFEF0] =	vst v0;
	v0 =	vmul.f32 v9, v2  }
0x32a: {  	[tilespmem:s7+$0xFFFFFF00] =	vst v3;
	v3 =	vmul.f32 v5, v2;
	v5 =	vld [tilespmem:s7+$0xFFFFFF70]  }
0x32b: {  	[tilespmem:s7+$0xFFFFFF10] =	vst v0;
	v0 =	vmul.f32 v6, v2;
	v6 =	vld [tilespmem:s7+$0xFFFFFF80]  }
0x32c: {  	[tilespmem:s7+$0xFFFFFF20] =	vst v3;
	v3 =	vmul.f32 v8, v2;
	v8 =	vld [tilespmem:s7+$0xFFFFFF90]  }
0x32d: {  	[tilespmem:s7+$0xFFFFFF30] =	vst v0;
	v0 =	vmul.f32 v4, v2;
	v4 =	vld [tilespmem:s7+$0xFFFFFFA0]  }
0x32e: {  	[tilespmem:s7+$0xFFFFFF40] =	vst v3;
	v3 =	vmul.f32 v7, v2;
	v7 =	vld [tilespmem:s7+$0xFFFFFFB0]  }
0x32f: {  	[tilespmem:s7+$0xFFFFFF50] =	vst v0;
	v0 =	vmul.f32 v5, v2;
	v5 =	vld [tilespmem:s7+$0xFFFFFFC0]  }
0x330: {  	[tilespmem:s7+$0xFFFFFF60] =	vst v3;
	v2 =	vmul.f32 v6, v2;
	v3 =	vld [tilespmem:s7+$0xFFFFFFD0]  }
0x331: {  	v6 =	vld [tilespmem:s7+$0xFFFFFFE0];
	[tilespmem:s7+$0xFFFFFF70] =	vst v0;
	v0 =	vmul.f32 v8, v1  }
0x332: {  	[tilespmem:s7+$0xFFFFFF80] =	vst v2;
	v2 =	vmul.f32 v4, v1;
	v4 =	vld [tilespmem:s7+$0xFFFFFFF0]  }
0x333: {  	[tilespmem:s7+$0xFFFFFF90] =	vst v0;
	v0 =	vmul.f32 v7, v1  }
0x334: {  	[tilespmem:s7+$0xFFFFFFA0] =	vst v2;
	v2 =	vmul.f32 v5, v1  }
0x335: {  	[tilespmem:s7+$0xFFFFFFB0] =	vst v0;
	v0 =	vmul.f32 v3, v1  }
0x336: {  	[tilespmem:s7+$0xFFFFFFC0] =	vst v2;
	v2 =	vmul.f32 v6, v1  }
0x337: {  	[tilespmem:s7+$0xFFFFFFD0] =	vst v0;
	v0 =	vmul.f32 v4, v1  }
0x338: {  	s10 =	simm.s32 @!p1 $0x0;
	[tilespmem:s7+$0xFFFFFFE0] =	vst v2  }
0x339: {  	s14 =	simm.s32 @!p1 $0x900;
	s28 =	simm.s32 $0x0;
	[tilespmem:s7+$0xFFFFFFF0] =	vst v0;
	s7 =	sadd.s32 @!p1 s5, s15  }
0x33a: {  	[tilespmem:s14], [sflag:$0x17] =	stream.linear.gather @!p1 [hbm4b:s7+s10], $0x80, $0x38;
	[tilespmem:$0x1A880] =	vst v63  }
0x33b: {  	s15 =	simm.s32 $0x3400;
	s7 =	sadd.s32 $0x8, s11;
	_ =	swait.ge [sflag:s24], $0x80  }
0x33c: {  	v0 =	vmov s28;
	s28 =	simm.s32 $0x7;
	s7 =	sshll.u32 @!p1 s7, $0x7;
	[sflag:s24] =	ssyncset.done $0x0  }
0x33d: {  	s14 =	simm.s32 $0x500;
	s7 =	sand.u32 @!p1 $0x1FC00, s7;
	[sflag:s24] =	ssyncadd.s32 $0xFFFFFF80  }
0x33e: {  	v0 =	vand.u32 $0x78, v0;
	v2 =	vmov s28;
	[spmem:s2] =	stream.indirect.scatter.add.f32 [tilespmem:s15], [sflag:$0x8], $0x80, s14, s30, $0xb8;
	[tilespmem:$0x1A880] =	vst v63  }
0x33f: {  	v0 =	vor.u32 $0x180, v0;
	v2 =	vand.u32 $0x7F, v2;
	s7 =	sor.u32 @!p1 s12, s7;
	_ =	swait.ge [sflag:s29], $0x1400  }
0x340: {  	v0 =	vbroadcast v0, $0x0;
	v2 =	vor.u32 $0x180, v2;
	s12 =	sshrl.u32 @!p1 s7, $0x3;
	[sflag:s29] =	ssyncset.done $0x0  }
0x341: {  	v2 =	vbroadcast v2, $0x0;
	s14 =	simm.s32 @!p1 $0x180;
	s7 =	sadd.s32 @!p1 s4, s12;
	[sflag:s29] =	ssyncadd.s32 $0xFFFFEC00  }
0x342: {  	[tilespmem:s14], [sflag:$0xE] =	stream.linear.gather @!p1 [hbm4b:s7+s10], $0x80, $0x38;
	[tilespmem:$0x1A880] =	vst v63  }
0x343: {  	_ =	swait.ge [sflag:s31], $0x80  }
0x344: {  	[sflag:s31] =	ssyncset.done $0x0  }
0x345: {  	[sflag:s31] =	ssyncadd.s32 $0xFFFFFF80  }
0x346: {  	s15 =	simm.s32 $0x1;
	v3 =	vld.idx.msk [tilespmem:v0+s23+$0x0], $0xffff  }
0x347: {  	v1 =	vmov s15;
	s15 =	simm.s32 $0x4BF0;
	v0 =	vld.idx.msk [tilespmem:v2+s23+$0x0], $0xffff  }
0x348: {  	v2 =	vld [tilespmem:s15+$0xFFFFFC10]  }
0x349: {  	v4 =	vld [tilespmem:s15+$0xFFFFFC20]  }
0x34a: {  	v1 =	vand.u32 $0x79, v1;
	v5 =	vld [tilespmem:s15+$0xFFFFFC30]  }
0x34b: {  	v1 =	vor.u32 $0x180, v1;
	v6 =	vld [tilespmem:s15+$0xFFFFFC40]  }
0x34c: {  	v1 =	vbroadcast v1, $0x0;
	v7 =	vld [tilespmem:s15+$0xFFFFFC50]  }
0x34d: {  	v8 =	vld [tilespmem:s15+$0xFFFFFC60]  }
0x34e: {  	v9 =	vld [tilespmem:s15+$0xFFFFFC70]  }
0x34f: {  	v11 =	vld [tilespmem:s15+$0x0]  }
0x350: {  	v12 =	vld [tilespmem:s15+$0xFFFFFC90]  }
0x351: {  	v13 =	vld [tilespmem:s15+$0xFFFFFCA0]  }
0x352: {  	v1 =	vld.idx.msk [tilespmem:v1+s23+$0x0], $0xffff  }
0x353: {  	v14 =	vld [tilespmem:s15+$0xFFFFFCB0];
	v2 =	vmul.f32 v2, v3  }
0x354: {  	s10 =	simm.s32 $0x2;
	v15 =	vld [tilespmem:s15+$0xFFFFFCC0];
	v11 =	vmul.f32 v11, v0  }
0x355: {  	v10 =	vmov s10;
	v58 =	vld [tilespmem:s15+$0xFFFFFCD0];
	v4 =	vmul.f32 v4, v3;
	[tilespmem:s15+$0xFFFFFC10] =	vst v2  }
0x356: {  	v5 =	vmul.f32 v5, v3;
	v2 =	vand.u32 $0x7A, v10;
	v10 =	vld [tilespmem:s15+$0xFFFFFC80];
	[tilespmem:s15+$0x0] =	vst v11  }
0x357: {  	v6 =	vmul.f32 v6, v3;
	v11 =	vmul.f32 v12, v1;
	v12 =	vld [tilespmem:s15+$0xFFFFFCE0];
	[tilespmem:s15+$0xFFFFFC20] =	vst v4  }
0x358: {  	v4 =	vld [tilespmem:s15+$0xFFFFFCF0];
	[tilespmem:s15+$0xFFFFFC30] =	vst v5;
	v2 =	vor.u32 $0x180, v2  }
0x359: {  	v5 =	vmul.f32 v7, v3;
	v7 =	vld [tilespmem:s15+$0xFFFFFD00];
	[tilespmem:s15+$0xFFFFFC40] =	vst v6;
	v2 =	vbroadcast v2, $0x0  }
0x35a: {  	s14 =	simm.s32 $0x3;
	v6 =	vmul.f32 v8, v3;
	v8 =	vld [tilespmem:s15+$0xFFFFFD10];
	[tilespmem:s15+$0xFFFFFC90] =	vst v11  }
0x35b: {  	v11 =	vmov s14;
	[tilespmem:s15+$0xFFFFFC50] =	vst v5;
	v5 =	vmul.f32 v9, v3;
	v9 =	vld [tilespmem:s15+$0xFFFFFD20]  }
0x35c: {  	v16 =	vmul.f32 v58, v1;
	[tilespmem:s15+$0xFFFFFC60] =	vst v6;
	v6 =	vld [tilespmem:s15+$0xFFFFFD30];
	v11 =	vand.u32 $0x7B, v11  }
0x35d: {  	v11 =	vor.u32 $0x180, v11;
	[tilespmem:s15+$0xFFFFFC70] =	vst v5;
	v5 =	vmul.f32 v13, v1;
	v13 =	vld [tilespmem:s15+$0xFFFFFD50];
	v3 =	vmul.f32 v10, v3  }
0x35e: {  	v11 =	vbroadcast v11, $0x0;
	v10 =	vld [tilespmem:s15+$0xFFFFFD40];
	v12 =	vmul.f32 v12, v1  }
0x35f: {  	v4 =	vmul.f32 v4, v1;
	[tilespmem:s15+$0xFFFFFC80] =	vst v3;
	v3 =	vmul.f32 v14, v1;
	v2 =	vld.idx.msk [tilespmem:v2+s23+$0x0], $0xffff  }
0x360: {  	[tilespmem:s15+$0xFFFFFCA0] =	vst v5;
	v14 =	vmul.f32 v15, v1;
	v1 =	vmul.f32 v7, v1;
	v7 =	vld [tilespmem:s15+$0xFFFFFDA0]  }
0x361: {  	[tilespmem:s15+$0xFFFFFCE0] =	vst v12;
	v12 =	vld [tilespmem:s15+$0xFFFFFDE0]  }
0x362: {  	[tilespmem:s15+$0xFFFFFCB0] =	vst v3;
	v3 =	vld [tilespmem:s15+$0xFFFFFD70]  }
0x363: {  	[tilespmem:s15+$0xFFFFFCC0] =	vst v14;
	v14 =	vld [tilespmem:s15+$0xFFFFFD80]  }
0x364: {  	[tilespmem:s15+$0xFFFFFCF0] =	vst v4;
	v11 =	vld.idx.msk [tilespmem:v11+s23+$0x0], $0xffff;
	v5 =	vmul.f32 v8, v2  }
0x365: {  	s28 =	simm.s32 $0x4;
	[tilespmem:s15+$0xFFFFFD00] =	vst v1;
	v8 =	vld [tilespmem:s15+$0xFFFFFD60];
	v4 =	vmul.f32 v9, v2  }
0x366: {  	v15 =	vmov s28;
	v9 =	vld [tilespmem:s15+$0xFFFFFDB0];
	v1 =	vmul.f32 v6, v2;
	[tilespmem:s15+$0xFFFFFD10] =	vst v5  }
0x367: {  	v13 =	vmul.f32 v13, v2;
	v5 =	vand.u32 $0x7C, v15;
	v15 =	vld [tilespmem:s15+$0xFFFFFD90];
	[tilespmem:s15+$0xFFFFFD20] =	vst v4  }
0x368: {  	v6 =	vld [tilespmem:s15+$0xFFFFFDC0];
	v3 =	vmul.f32 v3, v2;
	[tilespmem:s15+$0xFFFFFD30] =	vst v1;
	v5 =	vor.u32 $0x180, v5  }
0x369: {  	v4 =	vmul.f32 v10, v2;
	v10 =	vld [tilespmem:s15+$0xFFFFFDD0];
	[tilespmem:s15+$0xFFFFFD50] =	vst v13;
	v5 =	vbroadcast v5, $0x0  }
0x36a: {  	v13 =	vld [tilespmem:s15+$0xFFFFFE00];
	[tilespmem:s15+$0xFFFFFD70] =	vst v3;
	v3 =	vmul.f32 v7, v11  }
0x36b: {  	v7 =	vld [tilespmem:s15+$0xFFFFFE20];
	[tilespmem:s15+$0xFFFFFD40] =	vst v4;
	v8 =	vmul.f32 v8, v2  }
0x36c: {  	s10 =	simm.s32 $0x5;
	v4 =	vld [tilespmem:s15+$0xFFFFFDF0];
	[tilespmem:s15+$0xFFFFFDA0] =	vst v3;
	v1 =	vmul.f32 v15, v11  }
0x36d: {  	v2 =	vmul.f32 v14, v2;
	v3 =	vmul.f32 v6, v11;
	v6 =	vld [tilespmem:s15+$0xFFFFFE40];
	v15 =	vmov s10;
	[tilespmem:s15+$0xFFFFFD60] =	vst v8  }
0x36e: {  	v12 =	vmul.f32 v12, v11;
	v8 =	vld [tilespmem:s15+$0xFFFFFE10];
	[tilespmem:s15+$0xFFFFFD90] =	vst v1;
	v1 =	vand.u32 $0x7D, v15  }
0x36f: {  	[tilespmem:s15+$0xFFFFFD80] =	vst v2;
	v2 =	vmul.f32 v9, v11;
	v5 =	vld.idx.msk [tilespmem:v5+s23+$0x0], $0xffff;
	v1 =	vor.u32 $0x180, v1  }
0x370: {  	[tilespmem:s15+$0xFFFFFDE0] =	vst v12;
	v12 =	vld [tilespmem:s15+$0xFFFFFE80];
	v1 =	vbroadcast v1, $0x0  }
0x371: {  	v9 =	vld [tilespmem:s15+$0xFFFFFE30];
	[tilespmem:s15+$0xFFFFFDB0] =	vst v2;
	v2 =	vmul.f32 v10, v11  }
0x372: {  	[tilespmem:s15+$0xFFFFFDC0] =	vst v3;
	v10 =	vld [tilespmem:s15+$0xFFFFFE50];
	v4 =	vmul.f32 v4, v11;
	v11 =	vmul.f32 v13, v11  }
0x373: {  	[tilespmem:s15+$0xFFFFFDD0] =	vst v2;
	v2 =	vld [tilespmem:s15+$0xFFFFFE70]  }
0x374: {  	s14 =	simm.s32 $0x6;
	[tilespmem:s15+$0xFFFFFE00] =	vst v11;
	v11 =	vld [tilespmem:s15+$0xFFFFFEA0];
	v3 =	vmul.f32 v8, v5  }
0x375: {  	v14 =	vmov s14;
	[tilespmem:s15+$0xFFFFFDF0] =	vst v4;
	v8 =	vld [tilespmem:s15+$0xFFFFFE60];
	v4 =	vmul.f32 v7, v5  }
0x376: {  	v9 =	vmul.f32 v9, v5;
	v1 =	vld.idx.msk [tilespmem:v1+s23+$0x0], $0xffff;
	[tilespmem:s15+$0xFFFFFE10] =	vst v3;
	v3 =	vand.u32 $0x7E, v14  }
0x377: {  	v7 =	vld [tilespmem:s15+$0xFFFFFE90];
	[tilespmem:s15+$0xFFFFFE20] =	vst v4;
	v4 =	vmul.f32 v6, v5;
	v3 =	vor.u32 $0x180, v3  }
0x378: {  	[tilespmem:s15+$0xFFFFFE30] =	vst v9;
	v9 =	vmul.f32 v10, v5;
	v10 =	vld [tilespmem:s15+$0xFFFFFEC0];
	v3 =	vbroadcast v3, $0x0  }
0x379: {  	v2 =	vmul.f32 v2, v5;
	v6 =	vld [tilespmem:s15+$0xFFFFFEB0];
	[tilespmem:s15+$0xFFFFFE40] =	vst v4  }
0x37a: {  	[tilespmem:s15+$0xFFFFFE50] =	vst v9;
	v9 =	vld [tilespmem:s15+$0xFFFFFEE0];
	v4 =	vmul.f32 v8, v5  }
0x37b: {  	[tilespmem:s15+$0xFFFFFE70] =	vst v2;
	v8 =	vld [tilespmem:s15+$0xFFFFFED0];
	v2 =	vmul.f32 v11, v1  }
0x37c: {  	[tilespmem:s15+$0xFFFFFE60] =	vst v4;
	v4 =	vld [tilespmem:s15+$0xFFFFFEF0]  }
0x37d: {  	[tilespmem:s15+$0xFFFFFEA0] =	vst v2;
	v2 =	vmul.f32 v10, v1;
	v10 =	vld [tilespmem:s15+$0xFFFFFF20]  }
0x37e: {  	v15 =	vld.idx.msk [tilespmem:v3+s23+$0x0], $0xffff  }
0x37f: {  	[tilespmem:s15+$0xFFFFFCD0] =	vst v16;
	v3 =	vmul.f32 v12, v5;
	v5 =	vld [tilespmem:s15+$0xFFFFFF00]  }
0x380: {  	s10 =	simm.s32 $0x9;
	v7 =	vmul.f32 v7, v1;
	[tilespmem:s15+$0xFFFFFEC0] =	vst v2;
	v2 =	vmul.f32 v9, v1;
	v9 =	vld [tilespmem:s15+$0xFFFFFF40]  }
0x381: {  	s28 =	simm.s32 $0x8;
	v11 =	vmov s10;
	s10 =	simm.s32 $0xC;
	[tilespmem:s15+$0xFFFFFE80] =	vst v3;
	v3 =	vmul.f32 v6, v1;
	v6 =	vld [tilespmem:s15+$0xFFFFFF10]  }
0x382: {  	s14 =	simm.s32 $0xA;
	v14 =	vmov s10;
	[tilespmem:s15+$0xFFFFFE90] =	vst v7;
	v7 =	vmov s28  }
0x383: {  	s28 =	simm.s32 $0xB;
	v7 =	vand.u32 $0x78, v7;
	v12 =	vmov s14;
	s14 =	simm.s32 $0xD;
	[tilespmem:s15+$0xFFFFFEB0] =	vst v3;
	v3 =	vmul.f32 v8, v1;
	v8 =	vld [tilespmem:s15+$0xFFFFFF30]  }
0x384: {  	v13 =	vmov s28;
	v59 =	vmov s14;
	[tilespmem:s15+$0xFFFFFEE0] =	vst v2;
	v10 =	vmul.f32 v10, v15  }
0x385: {  	s28 =	simm.s32 $0xE;
	v7 =	vor.u32 $0x180, v7;
	[tilespmem:s15+$0xFFFFFED0] =	vst v3;
	v3 =	vmul.f32 v4, v1;
	v4 =	vld [tilespmem:s15+$0xFFFFFF50];
	v1 =	vmul.f32 v5, v1  }
0x386: {  	v60 =	vld [tilespmem:s15+$0xFFFFFF60];
	v5 =	vmov s28;
	v9 =	vmul.f32 v9, v15;
	v2 =	vmul.f32 v6, v15;
	[tilespmem:s15+$0xFFFFFF20] =	vst v10  }
0x387: {  	v61 =	vld [tilespmem:s15+$0xFFFFFF70];
	v6 =	vand.u32 $0x79, v11;
	v11 =	vand.u32 $0x7A, v12;
	v12 =	vand.u32 $0x7C, v14;
	[tilespmem:s15+$0xFFFFFEF0] =	vst v3  }
0x388: {  	v62 =	vld [tilespmem:s15+$0xFFFFFF80];
	v14 =	vand.u32 $0x7E, v5;
	v3 =	vand.u32 $0x7B, v13;
	[tilespmem:s15+$0xFFFFFF00] =	vst v1;
	v8 =	vmul.f32 v8, v15  }
0x389: {  	v5 =	vld [tilespmem:s15+$0xFFFFFF90];
	v1 =	vand.u32 $0x7D, v59;
	v10 =	vor.u32 $0x180, v11;
	v12 =	vor.u32 $0x180, v12;
	[tilespmem:s15+$0xFFFFFF10] =	vst v2  }
0x38a: {  	v2 =	vbroadcast v7, $0x0;
	v7 =	vor.u32 $0x180, v6;
	v6 =	vld [tilespmem:s15+$0xFFFFFFA0];
	[tilespmem:s15+$0xFFFFFF30] =	vst v8;
	v8 =	vmul.f32 v4, v15  }
0x38b: {  	[tilespmem:s15+$0xFFFFFF40] =	vst v9;
	v9 =	vmul.f32 v60, v15;
	v63 =	vor.u32 $0x180, v3;
	v3 =	vbroadcast v7, $0x0;
	v7 =	vld [tilespmem:s15+$0xFFFFFFB0]  }
0x38c: {  	v11 =	vmul.f32 v61, v15;
	v14 =	vor.u32 $0x180, v14;
	v4 =	vbroadcast v10, $0x0;
	[tilespmem:s15+$0xFFFFFF50] =	vst v8;
	v8 =	vld [tilespmem:s15+$0xFFFFFFC0]  }
0x38d: {  	s7 =	simm.s32 $0x10;
	s10 =	simm.s32 $0xF;
	v13 =	vor.u32 $0x180, v1;
	v1 =	vmul.f32 v62, v15;
	[tilespmem:s15+$0xFFFFFF60] =	vst v9;
	v9 =	vld [tilespmem:s15+$0xFFFFFFD0];
	v10 =	vbroadcast v63, $0x0  }
.LBB2_9:
0x38e: {  	p2 =	slt.u32 s7, $0x20;
	v12 =	vbroadcast v12, $0x0;
	v15 =	vmov s10;
	[tilespmem:s15+$0xFFFFFF70] =	vst v11;
	v5 =	vmul.f32 v5, v0;
	v11 =	vld [tilespmem:s15+$0xFFFFFFE0]  }
0x38f: {  	v13 =	vbroadcast v13, $0x0;
	v15 =	vand.u32 $0x7F, v15;
	[tilespmem:s15+$0xFFFFFF80] =	vst v1;
	v1 =	vmul.f32 v6, v0;
	v6 =	vld [tilespmem:s15+$0xFFFFFFF0]  }
0x390: {  	v14 =	vbroadcast v14, $0x0;
	v16 =	vld.idx.msk [tilespmem:v2+s23+$0x0], $0xffff;
	v2 =	vor.u32 $0x180, v15;
	[tilespmem:s15+$0xFFFFFF90] =	vst v5;
	v5 =	vmul.f32 v7, v0  }
0x391: {  	v7 =	vld.idx.msk [tilespmem:v3+s23+$0x0], $0xffff;
	v15 =	vbroadcast v2, $0x0;
	[tilespmem:s15+$0xFFFFFFA0] =	vst v1;
	v1 =	vmul.f32 v8, v0  }
0x392: {  	v8 =	vld.idx.msk [tilespmem:v4+s23+$0x0], $0xffff;
	[tilespmem:s15+$0xFFFFFFB0] =	vst v5;
	v2 =	vmul.f32 v9, v0  }
0x393: {  	v4 =	vld.idx.msk [tilespmem:v10+s23+$0x0], $0xffff;
	[tilespmem:s15+$0xFFFFFFC0] =	vst v1;
	v1 =	vmul.f32 v11, v0  }
0x394: {  	v3 =	vld.idx.msk [tilespmem:v12+s23+$0x0], $0xffff;
	[tilespmem:s15+$0xFFFFFFD0] =	vst v2;
	v0 =	vmul.f32 v6, v0  }
0x395: {  	v2 =	vld.idx.msk [tilespmem:v13+s23+$0x0], $0xffff;
	[tilespmem:s15+$0xFFFFFFE0] =	vst v1  }
0x396: {  	v1 =	vld.idx.msk [tilespmem:v14+s23+$0x0], $0xffff;
	[tilespmem:s15+$0xFFFFFFF0] =	vst v0  }
0x397: {  	s15 =	sadd.s32 $0x400, s15;
	v0 =	vld.idx.msk [tilespmem:v15+s23+$0x0], $0xffff  }
0x398: {  	v5 =	vld [tilespmem:s15+$0x0]  }
0x399: {  	v6 =	vld [tilespmem:s15+$0xFFFFFC10]  }
0x39a: {  	v9 =	vld [tilespmem:s15+$0xFFFFFC20]  }
0x39b: {  	v10 =	vld [tilespmem:s15+$0xFFFFFC30]  }
0x39c: {  	v11 =	vld [tilespmem:s15+$0xFFFFFC40]  }
0x39d: {  	v12 =	vld [tilespmem:s15+$0xFFFFFC50];
	v5 =	vmul.f32 v5, v0  }
0x39e: {  	v6 =	vmul.f32 v6, v16;
	v13 =	vld [tilespmem:s15+$0xFFFFFC60]  }
0x39f: {  	v9 =	vmul.f32 v9, v16;
	v14 =	vld [tilespmem:s15+$0xFFFFFC70];
	[tilespmem:s15+$0x0] =	vst v5  }
0x3a0: {  	[tilespmem:s15+$0xFFFFFC10] =	vst v6;
	v5 =	vmul.f32 v10, v16;
	v6 =	vld [tilespmem:s15+$0xFFFFFC80]  }
0x3a1: {  	[tilespmem:s15+$0xFFFFFC20] =	vst v9;
	v9 =	vmul.f32 v11, v16;
	v10 =	vld [tilespmem:s15+$0xFFFFFC90]  }
0x3a2: {  	[tilespmem:s15+$0xFFFFFC30] =	vst v5;
	v5 =	vmul.f32 v12, v16;
	v11 =	vld [tilespmem:s15+$0xFFFFFCA0]  }
0x3a3: {  	[tilespmem:s15+$0xFFFFFC40] =	vst v9;
	v9 =	vmul.f32 v13, v16;
	v12 =	vld [tilespmem:s15+$0xFFFFFCB0]  }
0x3a4: {  	[tilespmem:s15+$0xFFFFFC50] =	vst v5;
	v5 =	vmul.f32 v14, v16;
	v13 =	vld [tilespmem:s15+$0xFFFFFCC0]  }
0x3a5: {  	[tilespmem:s15+$0xFFFFFC60] =	vst v9;
	v6 =	vmul.f32 v6, v16;
	v9 =	vld [tilespmem:s15+$0xFFFFFCD0]  }
0x3a6: {  	[tilespmem:s15+$0xFFFFFC70] =	vst v5;
	v5 =	vmul.f32 v10, v7;
	v10 =	vld [tilespmem:s15+$0xFFFFFCE0]  }
0x3a7: {  	[tilespmem:s15+$0xFFFFFC80] =	vst v6;
	v6 =	vmul.f32 v11, v7;
	v11 =	vld [tilespmem:s15+$0xFFFFFCF0]  }
0x3a8: {  	[tilespmem:s15+$0xFFFFFC90] =	vst v5;
	v5 =	vmul.f32 v12, v7;
	v12 =	vld [tilespmem:s15+$0xFFFFFD00]  }
0x3a9: {  	[tilespmem:s15+$0xFFFFFCA0] =	vst v6;
	v6 =	vmul.f32 v13, v7;
	v13 =	vld [tilespmem:s15+$0xFFFFFD10]  }
0x3aa: {  	[tilespmem:s15+$0xFFFFFCB0] =	vst v5;
	v5 =	vmul.f32 v9, v7;
	v9 =	vld [tilespmem:s15+$0xFFFFFD20]  }
0x3ab: {  	[tilespmem:s15+$0xFFFFFCC0] =	vst v6;
	v6 =	vmul.f32 v10, v7;
	v10 =	vld [tilespmem:s15+$0xFFFFFD30]  }
0x3ac: {  	[tilespmem:s15+$0xFFFFFCD0] =	vst v5;
	v5 =	vmul.f32 v11, v7;
	v11 =	vld [tilespmem:s15+$0xFFFFFD40]  }
0x3ad: {  	[tilespmem:s15+$0xFFFFFCE0] =	vst v6;
	v6 =	vmul.f32 v12, v7;
	v7 =	vld [tilespmem:s15+$0xFFFFFD50]  }
0x3ae: {  	[tilespmem:s15+$0xFFFFFCF0] =	vst v5;
	v5 =	vmul.f32 v13, v8;
	v12 =	vld [tilespmem:s15+$0xFFFFFD60]  }
0x3af: {  	[tilespmem:s15+$0xFFFFFD00] =	vst v6;
	v6 =	vmul.f32 v9, v8;
	v9 =	vld [tilespmem:s15+$0xFFFFFD70]  }
0x3b0: {  	[tilespmem:s15+$0xFFFFFD10] =	vst v5;
	v5 =	vmul.f32 v10, v8;
	v10 =	vld [tilespmem:s15+$0xFFFFFD80]  }
0x3b1: {  	[tilespmem:s15+$0xFFFFFD20] =	vst v6;
	v6 =	vmul.f32 v11, v8;
	v11 =	vld [tilespmem:s15+$0xFFFFFD90]  }
0x3b2: {  	[tilespmem:s15+$0xFFFFFD30] =	vst v5;
	v5 =	vmul.f32 v7, v8;
	v7 =	vld [tilespmem:s15+$0xFFFFFDA0]  }
0x3b3: {  	[tilespmem:s15+$0xFFFFFD40] =	vst v6;
	v6 =	vmul.f32 v12, v8;
	v12 =	vld [tilespmem:s15+$0xFFFFFDB0]  }
0x3b4: {  	[tilespmem:s15+$0xFFFFFD50] =	vst v5;
	v5 =	vmul.f32 v9, v8;
	v9 =	vld [tilespmem:s15+$0xFFFFFDC0]  }
0x3b5: {  	[tilespmem:s15+$0xFFFFFD60] =	vst v6;
	v6 =	vmul.f32 v10, v8;
	v8 =	vld [tilespmem:s15+$0xFFFFFDD0]  }
0x3b6: {  	[tilespmem:s15+$0xFFFFFD70] =	vst v5;
	v5 =	vmul.f32 v11, v4;
	v10 =	vld [tilespmem:s15+$0xFFFFFDE0]  }
0x3b7: {  	[tilespmem:s15+$0xFFFFFD80] =	vst v6;
	v6 =	vmul.f32 v7, v4;
	v7 =	vld [tilespmem:s15+$0xFFFFFDF0]  }
0x3b8: {  	[tilespmem:s15+$0xFFFFFD90] =	vst v5;
	v5 =	vmul.f32 v12, v4;
	v11 =	vld [tilespmem:s15+$0xFFFFFE00]  }
0x3b9: {  	[tilespmem:s15+$0xFFFFFDA0] =	vst v6;
	v6 =	vmul.f32 v9, v4;
	v9 =	vld [tilespmem:s15+$0xFFFFFE10]  }
0x3ba: {  	[tilespmem:s15+$0xFFFFFDB0] =	vst v5;
	v5 =	vmul.f32 v8, v4;
	v8 =	vld [tilespmem:s15+$0xFFFFFE20]  }
0x3bb: {  	[tilespmem:s15+$0xFFFFFDC0] =	vst v6;
	v6 =	vmul.f32 v10, v4;
	v10 =	vld [tilespmem:s15+$0xFFFFFE30]  }
0x3bc: {  	[tilespmem:s15+$0xFFFFFDD0] =	vst v5;
	v5 =	vmul.f32 v7, v4;
	v7 =	vld [tilespmem:s15+$0xFFFFFE40]  }
0x3bd: {  	[tilespmem:s15+$0xFFFFFDE0] =	vst v6;
	v4 =	vmul.f32 v11, v4;
	v6 =	vld [tilespmem:s15+$0xFFFFFE50]  }
0x3be: {  	[tilespmem:s15+$0xFFFFFDF0] =	vst v5;
	v5 =	vmul.f32 v9, v3;
	v9 =	vld [tilespmem:s15+$0xFFFFFE60]  }
0x3bf: {  	[tilespmem:s15+$0xFFFFFE00] =	vst v4;
	v4 =	vmul.f32 v8, v3;
	v8 =	vld [tilespmem:s15+$0xFFFFFE70]  }
0x3c0: {  	[tilespmem:s15+$0xFFFFFE10] =	vst v5;
	v5 =	vmul.f32 v10, v3;
	v10 =	vld [tilespmem:s15+$0xFFFFFE80]  }
0x3c1: {  	[tilespmem:s15+$0xFFFFFE20] =	vst v4;
	v4 =	vmul.f32 v7, v3;
	v7 =	vld [tilespmem:s15+$0xFFFFFE90]  }
0x3c2: {  	[tilespmem:s15+$0xFFFFFE30] =	vst v5;
	v5 =	vmul.f32 v6, v3;
	v6 =	vld [tilespmem:s15+$0xFFFFFEA0]  }
0x3c3: {  	[tilespmem:s15+$0xFFFFFE40] =	vst v4;
	v4 =	vmul.f32 v9, v3;
	v9 =	vld [tilespmem:s15+$0xFFFFFEB0]  }
0x3c4: {  	[tilespmem:s15+$0xFFFFFE50] =	vst v5;
	v5 =	vmul.f32 v8, v3;
	v8 =	vld [tilespmem:s15+$0xFFFFFEC0]  }
0x3c5: {  	[tilespmem:s15+$0xFFFFFE60] =	vst v4;
	v3 =	vmul.f32 v10, v3;
	v4 =	vld [tilespmem:s15+$0xFFFFFED0]  }
0x3c6: {  	[tilespmem:s15+$0xFFFFFE70] =	vst v5;
	v5 =	vmul.f32 v7, v2;
	v7 =	vld [tilespmem:s15+$0xFFFFFEE0]  }
0x3c7: {  	[tilespmem:s15+$0xFFFFFE80] =	vst v3;
	v3 =	vmul.f32 v6, v2;
	v6 =	vld [tilespmem:s15+$0xFFFFFEF0]  }
0x3c8: {  	[tilespmem:s15+$0xFFFFFE90] =	vst v5;
	v5 =	vmul.f32 v9, v2;
	v9 =	vld [tilespmem:s15+$0xFFFFFF00]  }
0x3c9: {  	s10 =	sadd.s32 $0x1, s7;
	v10 =	vmov s7;
	[tilespmem:s15+$0xFFFFFEA0] =	vst v3;
	v3 =	vmul.f32 v8, v2;
	v8 =	vld [tilespmem:s15+$0xFFFFFF10]  }
0x3ca: {  	s14 =	sadd.s32 $0x3, s7;
	v11 =	vmov s10;
	s10 =	sadd.s32 $0x2, s7;
	v10 =	vand.u32 $0x78, v10;
	[tilespmem:s15+$0xFFFFFEB0] =	vst v5;
	v4 =	vmul.f32 v4, v2;
	v5 =	vld [tilespmem:s15+$0xFFFFFF20]  }
0x3cb: {  	v13 =	vmov s14;
	s14 =	sadd.s32 $0x5, s7;
	v12 =	vmov s10;
	s10 =	sadd.s32 $0x4, s7;
	[tilespmem:s15+$0xFFFFFEC0] =	vst v3;
	v3 =	vmul.f32 v7, v2;
	v7 =	vld [tilespmem:s15+$0xFFFFFF30]  }
0x3cc: {  	v15 =	vmov s14;
	v14 =	vmov s10;
	s10 =	sadd.s32 $0x6, s7;
	[tilespmem:s15+$0xFFFFFED0] =	vst v4;
	v4 =	vmul.f32 v6, v2;
	v6 =	vld [tilespmem:s15+$0xFFFFFF40]  }
0x3cd: {  	v16 =	vmov s10;
	v10 =	vor.u32 $0x180, v10;
	[tilespmem:s15+$0xFFFFFEE0] =	vst v3;
	v2 =	vmul.f32 v9, v2;
	v3 =	vld [tilespmem:s15+$0xFFFFFF50]  }
0x3ce: {  	v9 =	vand.u32 $0x79, v11;
	v11 =	vand.u32 $0x7A, v12;
	[tilespmem:s15+$0xFFFFFEF0] =	vst v4;
	v4 =	vmul.f32 v8, v1;
	v8 =	vld [tilespmem:s15+$0xFFFFFF60]  }
0x3cf: {  	v12 =	vand.u32 $0x7B, v13;
	v13 =	vand.u32 $0x7C, v14;
	[tilespmem:s15+$0xFFFFFF00] =	vst v2;
	v5 =	vmul.f32 v5, v1;
	v14 =	vld [tilespmem:s15+$0xFFFFFF70]  }
0x3d0: {  	v15 =	vand.u32 $0x7D, v15;
	v16 =	vand.u32 $0x7E, v16;
	[tilespmem:s15+$0xFFFFFF10] =	vst v4;
	v4 =	vmul.f32 v7, v1;
	v17 =	vld [tilespmem:s15+$0xFFFFFF80]  }
.Ltmp3:
0x3d1: {  	v2 =	vbroadcast v10, $0x0;
	v7 =	vor.u32 $0x180, v9;
	[tilespmem:s15+$0xFFFFFF20] =	vst v5;
	v9 =	vmul.f32 v6, v1;
	v5 =	vld [tilespmem:s15+$0xFFFFFF90];
	(pc) =	sbr.rel @p2 .LBB2_9-.Ltmp3, $4  }
0x3d2: {  	v18 =	vor.u32 $0x180, v12;
	v10 =	vor.u32 $0x180, v11;
	[tilespmem:s15+$0xFFFFFF30] =	vst v4;
	v11 =	vmul.f32 v3, v1;
	v6 =	vld [tilespmem:s15+$0xFFFFFFA0]  }
0x3d3: {  	v12 =	vor.u32 $0x180, v13;
	v3 =	vbroadcast v7, $0x0;
	[tilespmem:s15+$0xFFFFFF40] =	vst v9;
	v9 =	vmul.f32 v8, v1;
	v7 =	vld [tilespmem:s15+$0xFFFFFFB0]  }
0x3d4: {  	v13 =	vor.u32 $0x180, v15;
	v4 =	vbroadcast v10, $0x0;
	[tilespmem:s15+$0xFFFFFF50] =	vst v11;
	v11 =	vmul.f32 v14, v1;
	v8 =	vld [tilespmem:s15+$0xFFFFFFC0]  }
0x3d5: {  	s10 =	sadd.s32 $0x7, s7;
	s7 =	sadd.s32 $0x8, s7;
	v10 =	vbroadcast v18, $0x0;
	v14 =	vor.u32 $0x180, v16;
	[tilespmem:s15+$0xFFFFFF60] =	vst v9;
	v1 =	vmul.f32 v17, v1;
	v9 =	vld [tilespmem:s15+$0xFFFFFFD0]  }
0x3d6: {  	_ =	sdelay $0x1  }
0x3d7: {  	v16 =	vld [tilespmem:s15+$0xFFFFFFE0]  }
0x3d8: {  	v17 =	vld [tilespmem:s15+$0xFFFFFFF0]  }
0x3d9: {  	v15 =	vmov s10;
	v18 =	vld.idx.msk [tilespmem:v2+s23+$0x0], $0xffff  }
0x3da: {  	v19 =	vld.idx.msk [tilespmem:v4+s23+$0x0], $0xffff;
	v15 =	vand.u32 $0x7F, v15  }
0x3db: {  	v12 =	vbroadcast v12, $0x0;
	v2 =	vbroadcast v14, $0x0;
	s7 =	sadd.s32 $0x400, s15;
	v10 =	vld.idx.msk [tilespmem:v10+s23+$0x0], $0xffff;
	v14 =	vor.u32 $0x180, v15  }
0x3dc: {  	[tilespmem:s15+$0xFFFFFF70] =	vst v11;
	v5 =	vmul.f32 v5, v0;
	v11 =	vld [tilespmem:s7+$0xFFFFFC30];
	v14 =	vbroadcast v14, $0x0  }
0x3dd: {  	v13 =	vbroadcast v13, $0x0;
	v6 =	vmul.f32 v6, v0;
	v15 =	vld.idx.msk [tilespmem:v3+s23+$0x0], $0xffff  }
0x3de: {  	[tilespmem:s15+$0xFFFFFF90] =	vst v5;
	v5 =	vmul.f32 v7, v0;
	v7 =	vld [tilespmem:s7+$0x0]  }
0x3df: {  	[tilespmem:s15+$0xFFFFFFA0] =	vst v6;
	v6 =	vmul.f32 v8, v0;
	v8 =	vld [tilespmem:s7+$0xFFFFFC10]  }
0x3e0: {  	[tilespmem:s15+$0xFFFFFFB0] =	vst v5;
	v5 =	vmul.f32 v9, v0;
	v9 =	vld [tilespmem:s7+$0xFFFFFC20]  }
0x3e1: {  	v4 =	vld.idx.msk [tilespmem:v12+s23+$0x0], $0xffff  }
0x3e2: {  	[tilespmem:s15+$0xFFFFFF80] =	vst v1;
	v1 =	vld.idx.msk [tilespmem:v14+s23+$0x0], $0xffff  }
0x3e3: {  	[tilespmem:s15+$0xFFFFFFC0] =	vst v6;
	v6 =	vmul.f32 v16, v0;
	v3 =	vld.idx.msk [tilespmem:v13+s23+$0x0], $0xffff  }
0x3e4: {  	v0 =	vmul.f32 v17, v0;
	v2 =	vld.idx.msk [tilespmem:v2+s23+$0x0], $0xffff;
	[tilespmem:s15+$0xFFFFFFD0] =	vst v5  }
0x3e5: {  	v5 =	vld [tilespmem:s7+$0xFFFFFC40];
	[tilespmem:s15+$0xFFFFFFE0] =	vst v6  }
0x3e6: {  	v6 =	vld [tilespmem:s7+$0xFFFFFC50];
	[tilespmem:s15+$0xFFFFFFF0] =	vst v0;
	v0 =	vmul.f32 v8, v18  }
0x3e7: {  	v8 =	vld [tilespmem:s7+$0xFFFFFC60];
	v7 =	vmul.f32 v7, v1  }
0x3e8: {  	v12 =	vld [tilespmem:s7+$0xFFFFFC70];
	v9 =	vmul.f32 v9, v18;
	[tilespmem:s7+$0xFFFFFC10] =	vst v0  }
0x3e9: {  	v0 =	vmul.f32 v11, v18;
	[tilespmem:s7+$0x0] =	vst v7;
	v7 =	vld [tilespmem:s7+$0xFFFFFC80]  }
0x3ea: {  	[tilespmem:s7+$0xFFFFFC20] =	vst v9;
	v5 =	vmul.f32 v5, v18;
	v9 =	vld [tilespmem:s7+$0xFFFFFC90]  }
0x3eb: {  	[tilespmem:s7+$0xFFFFFC30] =	vst v0;
	v0 =	vmul.f32 v6, v18;
	v6 =	vld [tilespmem:s7+$0xFFFFFCA0]  }
0x3ec: {  	[tilespmem:s7+$0xFFFFFC40] =	vst v5;
	v5 =	vmul.f32 v8, v18;
	v8 =	vld [tilespmem:s7+$0xFFFFFCB0]  }
0x3ed: {  	v11 =	vld [tilespmem:s7+$0xFFFFFCC0];
	[tilespmem:s7+$0xFFFFFC50] =	vst v0;
	v0 =	vmul.f32 v12, v18  }
0x3ee: {  	[tilespmem:s7+$0xFFFFFC60] =	vst v5;
	v5 =	vmul.f32 v7, v18;
	v7 =	vld [tilespmem:s7+$0xFFFFFCD0]  }
0x3ef: {  	[tilespmem:s7+$0xFFFFFC70] =	vst v0;
	v0 =	vmul.f32 v9, v15;
	v9 =	vld [tilespmem:s7+$0xFFFFFCE0]  }
0x3f0: {  	[tilespmem:s7+$0xFFFFFC80] =	vst v5;
	v5 =	vmul.f32 v6, v15;
	v6 =	vld [tilespmem:s7+$0xFFFFFCF0]  }
0x3f1: {  	[tilespmem:s7+$0xFFFFFC90] =	vst v0;
	v0 =	vmul.f32 v8, v15;
	v8 =	vld [tilespmem:s7+$0xFFFFFD00]  }
0x3f2: {  	[tilespmem:s7+$0xFFFFFCA0] =	vst v5;
	v5 =	vmul.f32 v11, v15;
	v11 =	vld [tilespmem:s7+$0xFFFFFD10]  }
0x3f3: {  	[tilespmem:s7+$0xFFFFFCB0] =	vst v0;
	v0 =	vmul.f32 v7, v15;
	v7 =	vld [tilespmem:s7+$0xFFFFFD20]  }
0x3f4: {  	[tilespmem:s7+$0xFFFFFCC0] =	vst v5;
	v5 =	vmul.f32 v9, v15;
	v9 =	vld [tilespmem:s7+$0xFFFFFD30]  }
0x3f5: {  	[tilespmem:s7+$0xFFFFFCD0] =	vst v0;
	v0 =	vmul.f32 v6, v15;
	v6 =	vld [tilespmem:s7+$0xFFFFFD40]  }
0x3f6: {  	[tilespmem:s7+$0xFFFFFCE0] =	vst v5;
	v5 =	vmul.f32 v8, v15;
	v8 =	vld [tilespmem:s7+$0xFFFFFD50]  }
0x3f7: {  	[tilespmem:s7+$0xFFFFFCF0] =	vst v0;
	v0 =	vmul.f32 v11, v19;
	v11 =	vld [tilespmem:s7+$0xFFFFFD60]  }
0x3f8: {  	[tilespmem:s7+$0xFFFFFD00] =	vst v5;
	v5 =	vmul.f32 v7, v19;
	v7 =	vld [tilespmem:s7+$0xFFFFFD70]  }
0x3f9: {  	[tilespmem:s7+$0xFFFFFD10] =	vst v0;
	v0 =	vmul.f32 v9, v19;
	v9 =	vld [tilespmem:s7+$0xFFFFFD80]  }
0x3fa: {  	[tilespmem:s7+$0xFFFFFD20] =	vst v5;
	v5 =	vmul.f32 v6, v19;
	v6 =	vld [tilespmem:s7+$0xFFFFFD90]  }
0x3fb: {  	[tilespmem:s7+$0xFFFFFD30] =	vst v0;
	v0 =	vmul.f32 v8, v19;
	v8 =	vld [tilespmem:s7+$0xFFFFFDA0]  }
0x3fc: {  	[tilespmem:s7+$0xFFFFFD40] =	vst v5;
	v5 =	vmul.f32 v11, v19;
	v11 =	vld [tilespmem:s7+$0xFFFFFDB0]  }
0x3fd: {  	[tilespmem:s7+$0xFFFFFD50] =	vst v0;
	v0 =	vmul.f32 v7, v19;
	v7 =	vld [tilespmem:s7+$0xFFFFFDC0]  }
0x3fe: {  	[tilespmem:s7+$0xFFFFFD60] =	vst v5;
	v5 =	vmul.f32 v9, v19;
	v9 =	vld [tilespmem:s7+$0xFFFFFDD0]  }
0x3ff: {  	[tilespmem:s7+$0xFFFFFD70] =	vst v0;
	v0 =	vmul.f32 v6, v10;
	v6 =	vld [tilespmem:s7+$0xFFFFFDE0]  }
0x400: {  	[tilespmem:s7+$0xFFFFFD80] =	vst v5;
	v5 =	vmul.f32 v8, v10;
	v8 =	vld [tilespmem:s7+$0xFFFFFDF0]  }
0x401: {  	[tilespmem:s7+$0xFFFFFD90] =	vst v0;
	v0 =	vmul.f32 v11, v10;
	v11 =	vld [tilespmem:s7+$0xFFFFFE00]  }
0x402: {  	[tilespmem:s7+$0xFFFFFDA0] =	vst v5;
	v5 =	vmul.f32 v7, v10;
	v7 =	vld [tilespmem:s7+$0xFFFFFE10]  }
0x403: {  	[tilespmem:s7+$0xFFFFFDB0] =	vst v0;
	v0 =	vmul.f32 v9, v10;
	v9 =	vld [tilespmem:s7+$0xFFFFFE20]  }
0x404: {  	[tilespmem:s7+$0xFFFFFDC0] =	vst v5;
	v5 =	vmul.f32 v6, v10;
	v6 =	vld [tilespmem:s7+$0xFFFFFE30]  }
0x405: {  	[tilespmem:s7+$0xFFFFFDD0] =	vst v0;
	v0 =	vmul.f32 v8, v10;
	v8 =	vld [tilespmem:s7+$0xFFFFFE40]  }
0x406: {  	[tilespmem:s7+$0xFFFFFDE0] =	vst v5;
	v5 =	vmul.f32 v11, v10;
	v10 =	vld [tilespmem:s7+$0xFFFFFE50]  }
0x407: {  	[tilespmem:s7+$0xFFFFFDF0] =	vst v0;
	v0 =	vmul.f32 v7, v4;
	v7 =	vld [tilespmem:s7+$0xFFFFFE60]  }
0x408: {  	[tilespmem:s7+$0xFFFFFE00] =	vst v5;
	v5 =	vmul.f32 v9, v4;
	v9 =	vld [tilespmem:s7+$0xFFFFFE70]  }
0x409: {  	[tilespmem:s7+$0xFFFFFE10] =	vst v0;
	v0 =	vmul.f32 v6, v4;
	v6 =	vld [tilespmem:s7+$0xFFFFFE80]  }
0x40a: {  	[tilespmem:s7+$0xFFFFFE20] =	vst v5;
	v5 =	vmul.f32 v8, v4;
	v8 =	vld [tilespmem:s7+$0xFFFFFE90]  }
0x40b: {  	[tilespmem:s7+$0xFFFFFE30] =	vst v0;
	v0 =	vmul.f32 v10, v4;
	v10 =	vld [tilespmem:s7+$0xFFFFFEA0]  }
0x40c: {  	[tilespmem:s7+$0xFFFFFE40] =	vst v5;
	v5 =	vmul.f32 v7, v4;
	v7 =	vld [tilespmem:s7+$0xFFFFFEB0]  }
0x40d: {  	[tilespmem:s7+$0xFFFFFE50] =	vst v0;
	v0 =	vmul.f32 v9, v4;
	v9 =	vld [tilespmem:s7+$0xFFFFFEC0]  }
0x40e: {  	[tilespmem:s7+$0xFFFFFE60] =	vst v5;
	v4 =	vmul.f32 v6, v4;
	v5 =	vld [tilespmem:s7+$0xFFFFFED0]  }
0x40f: {  	v6 =	vld [tilespmem:s7+$0xFFFFFEE0];
	[tilespmem:s7+$0xFFFFFE70] =	vst v0;
	v0 =	vmul.f32 v8, v3  }
0x410: {  	v8 =	vld [tilespmem:s7+$0xFFFFFEF0];
	[tilespmem:s7+$0xFFFFFE80] =	vst v4;
	v4 =	vmul.f32 v10, v3  }
0x411: {  	[tilespmem:s7+$0xFFFFFE90] =	vst v0;
	v0 =	vmul.f32 v7, v3;
	v7 =	vld [tilespmem:s7+$0xFFFFFF00]  }
0x412: {  	[tilespmem:s7+$0xFFFFFEA0] =	vst v4;
	v4 =	vmul.f32 v9, v3;
	v9 =	vld [tilespmem:s7+$0xFFFFFF10]  }
0x413: {  	[tilespmem:s7+$0xFFFFFEB0] =	vst v0;
	v0 =	vmul.f32 v5, v3;
	v5 =	vld [tilespmem:s7+$0xFFFFFF20]  }
0x414: {  	[tilespmem:s7+$0xFFFFFEC0] =	vst v4;
	v4 =	vmul.f32 v6, v3;
	v6 =	vld [tilespmem:s7+$0xFFFFFF30]  }
0x415: {  	[tilespmem:s7+$0xFFFFFED0] =	vst v0;
	v0 =	vmul.f32 v8, v3;
	v8 =	vld [tilespmem:s7+$0xFFFFFF40]  }
0x416: {  	[tilespmem:s7+$0xFFFFFEE0] =	vst v4;
	v3 =	vmul.f32 v7, v3;
	v4 =	vld [tilespmem:s7+$0xFFFFFF50]  }
0x417: {  	v7 =	vld [tilespmem:s7+$0xFFFFFF60];
	[tilespmem:s7+$0xFFFFFEF0] =	vst v0;
	v0 =	vmul.f32 v9, v2  }
0x418: {  	[tilespmem:s7+$0xFFFFFF00] =	vst v3;
	v3 =	vmul.f32 v5, v2;
	v5 =	vld [tilespmem:s7+$0xFFFFFF70]  }
0x419: {  	[tilespmem:s7+$0xFFFFFF10] =	vst v0;
	v0 =	vmul.f32 v6, v2;
	v6 =	vld [tilespmem:s7+$0xFFFFFF80]  }
0x41a: {  	[tilespmem:s7+$0xFFFFFF20] =	vst v3;
	v3 =	vmul.f32 v8, v2;
	v8 =	vld [tilespmem:s7+$0xFFFFFF90]  }
0x41b: {  	[tilespmem:s7+$0xFFFFFF30] =	vst v0;
	v0 =	vmul.f32 v4, v2;
	v4 =	vld [tilespmem:s7+$0xFFFFFFA0]  }
0x41c: {  	[tilespmem:s7+$0xFFFFFF40] =	vst v3;
	v3 =	vmul.f32 v7, v2;
	v7 =	vld [tilespmem:s7+$0xFFFFFFB0]  }
0x41d: {  	[tilespmem:s7+$0xFFFFFF50] =	vst v0;
	v0 =	vmul.f32 v5, v2;
	v5 =	vld [tilespmem:s7+$0xFFFFFFC0]  }
0x41e: {  	[tilespmem:s7+$0xFFFFFF60] =	vst v3;
	v2 =	vmul.f32 v6, v2;
	v3 =	vld [tilespmem:s7+$0xFFFFFFD0]  }
0x41f: {  	v6 =	vld [tilespmem:s7+$0xFFFFFFE0];
	[tilespmem:s7+$0xFFFFFF70] =	vst v0;
	v0 =	vmul.f32 v8, v1  }
0x420: {  	[tilespmem:s7+$0xFFFFFF80] =	vst v2;
	v2 =	vmul.f32 v4, v1;
	v4 =	vld [tilespmem:s7+$0xFFFFFFF0]  }
0x421: {  	[tilespmem:s7+$0xFFFFFF90] =	vst v0;
	v0 =	vmul.f32 v7, v1  }
0x422: {  	[tilespmem:s7+$0xFFFFFFA0] =	vst v2;
	v2 =	vmul.f32 v5, v1  }
0x423: {  	[tilespmem:s7+$0xFFFFFFB0] =	vst v0;
	v0 =	vmul.f32 v3, v1  }
0x424: {  	[tilespmem:s7+$0xFFFFFFC0] =	vst v2;
	v2 =	vmul.f32 v6, v1  }
0x425: {  	[tilespmem:s7+$0xFFFFFFD0] =	vst v0;
	v0 =	vmul.f32 v4, v1  }
0x426: {  	[tilespmem:s7+$0xFFFFFFE0] =	vst v2  }
0x427: {  	s10 =	simm.s32 @!p1 $0x0;
	[tilespmem:s7+$0xFFFFFFF0] =	vst v0;
	s7 =	sadd.s32 @!p1 s5, s12;
	s12 =	simm.s32 @!p1 $0x980  }
0x428: {  	[tilespmem:s12], [sflag:$0x18] =	stream.linear.gather @!p1 [hbm4b:s7+s10], $0x80, $0x38;
	[tilespmem:$0x1A880] =	vst v63  }
0x429: {  	_ =	swait.ge [sflag:s26], $0x80  }
0x42a: {  	s28 =	simm.s32 $0x4800;
	s12 =	simm.s32 $0x0;
	[sflag:s26] =	ssyncset.done $0x0  }
0x42b: {  	s14 =	simm.s32 $0x1;
	s15 =	simm.s32 $0x580;
	v0 =	vmov s12;
	[sflag:s26] =	ssyncadd.s32 $0xFFFFFF80  }
0x42c: {  	v1 =	vmov s14;
	v0 =	vand.u32 $0x78, v0;
	[spmem:s2] =	stream.indirect.scatter.add.f32 [tilespmem:s28], [sflag:$0x9], $0x80, s15, s30, $0xb8;
	[tilespmem:$0x1A880] =	vst v63  }
0x42d: {  	s11 =	sadd.s32 $0x9, s11;
	v1 =	vand.u32 $0x79, v1;
	v0 =	vor.u32 $0x200, v0;
	_ =	swait.ge [sflag:s0], $0x1400  }
0x42e: {  	s11 =	sshll.u32 @!p1 s11, $0x4;
	v1 =	vor.u32 $0x200, v1;
	v0 =	vbroadcast v0, $0x0;
	[sflag:s0] =	ssyncset.done $0x0  }
0x42f: {  	s7 =	sadd.s32 @!p1 s4, s11;
	v1 =	vbroadcast v1, $0x0;
	s12 =	simm.s32 @!p1 $0x200;
	[sflag:s0] =	ssyncadd.s32 $0xFFFFEC00  }
0x430: {  	[tilespmem:s12], [sflag:$0xF] =	stream.linear.gather @!p1 [hbm4b:s7+s10], $0x80, $0x38;
	[tilespmem:$0x1A880] =	vst v63  }
0x431: {  	_ =	swait.ge [sflag:s6], $0x80  }
0x432: {  	[sflag:s6] =	ssyncset.done $0x0  }
0x433: {  	s15 =	simm.s32 $0x7;
	[sflag:s6] =	ssyncadd.s32 $0xFFFFFF80  }
0x434: {  	v2 =	vmov s15;
	v3 =	vld.idx.msk [tilespmem:v0+s23+$0x0], $0xffff  }
0x435: {  	v2 =	vand.u32 $0x7F, v2;
	s12 =	simm.s32 $0x5FF0;
	v1 =	vld.idx.msk [tilespmem:v1+s23+$0x0], $0xffff  }
0x436: {  	v2 =	vor.u32 $0x200, v2;
	v4 =	vld [tilespmem:s12+$0xFFFFFC20]  }
0x437: {  	v2 =	vbroadcast v2, $0x0;
	v5 =	vld [tilespmem:s12+$0xFFFFFC30]  }
0x438: {  	v6 =	vld [tilespmem:s12+$0xFFFFFC40]  }
0x439: {  	v7 =	vld [tilespmem:s12+$0xFFFFFC50]  }
0x43a: {  	v8 =	vld [tilespmem:s12+$0xFFFFFC60]  }
0x43b: {  	v9 =	vld [tilespmem:s12+$0xFFFFFC70]  }
0x43c: {  	v11 =	vld [tilespmem:s12+$0x0]  }
0x43d: {  	v0 =	vld.idx.msk [tilespmem:v2+s23+$0x0], $0xffff  }
0x43e: {  	v2 =	vld [tilespmem:s12+$0xFFFFFC10]  }
0x43f: {  	v12 =	vld [tilespmem:s12+$0xFFFFFC90]  }
0x440: {  	v13 =	vld [tilespmem:s12+$0xFFFFFCA0]  }
0x441: {  	v14 =	vld [tilespmem:s12+$0xFFFFFCB0];
	v4 =	vmul.f32 v4, v3  }
0x442: {  	v15 =	vld [tilespmem:s12+$0xFFFFFCC0];
	v5 =	vmul.f32 v5, v3  }
0x443: {  	s28 =	simm.s32 $0x2;
	v58 =	vld [tilespmem:s12+$0xFFFFFCD0];
	v2 =	vmul.f32 v2, v3;
	[tilespmem:s12+$0xFFFFFC20] =	vst v4  }
0x444: {  	v10 =	vmov s28;
	v6 =	vmul.f32 v6, v3;
	v4 =	vld [tilespmem:s12+$0xFFFFFCF0];
	[tilespmem:s12+$0xFFFFFC30] =	vst v5  }
0x445: {  	v11 =	vmul.f32 v11, v0;
	v5 =	vmul.f32 v7, v3;
	v7 =	vld [tilespmem:s12+$0xFFFFFD00];
	[tilespmem:s12+$0xFFFFFC10] =	vst v2;
	v2 =	vand.u32 $0x7A, v10  }
0x446: {  	[tilespmem:s12+$0xFFFFFC40] =	vst v6;
	v6 =	vmul.f32 v8, v3;
	v10 =	vld [tilespmem:s12+$0xFFFFFC80];
	v2 =	vor.u32 $0x200, v2  }
0x447: {  	v8 =	vld [tilespmem:s12+$0xFFFFFD10];
	[tilespmem:s12+$0x0] =	vst v11;
	v11 =	vmul.f32 v12, v1;
	v2 =	vbroadcast v2, $0x0  }
0x448: {  	s10 =	simm.s32 $0x3;
	v12 =	vld [tilespmem:s12+$0xFFFFFCE0];
	[tilespmem:s12+$0xFFFFFC50] =	vst v5  }
0x449: {  	v5 =	vmul.f32 v9, v3;
	v9 =	vld [tilespmem:s12+$0xFFFFFD20];
	[tilespmem:s12+$0xFFFFFC90] =	vst v11;
	v11 =	vmov s10  }
0x44a: {  	v16 =	vmul.f32 v58, v1;
	[tilespmem:s12+$0xFFFFFC60] =	vst v6;
	v6 =	vld [tilespmem:s12+$0xFFFFFD30];
	v11 =	vand.u32 $0x7B, v11  }
0x44b: {  	[tilespmem:s12+$0xFFFFFC70] =	vst v5;
	v5 =	vmul.f32 v13, v1;
	v13 =	vld [tilespmem:s12+$0xFFFFFD50];
	v11 =	vor.u32 $0x200, v11;
	v3 =	vmul.f32 v10, v3  }
0x44c: {  	v4 =	vmul.f32 v4, v1;
	v11 =	vbroadcast v11, $0x0;
	v10 =	vld [tilespmem:s12+$0xFFFFFD40]  }
0x44d: {  	v12 =	vmul.f32 v12, v1;
	[tilespmem:s12+$0xFFFFFC80] =	vst v3;
	v3 =	vmul.f32 v14, v1;
	v2 =	vld.idx.msk [tilespmem:v2+s23+$0x0], $0xffff  }
0x44e: {  	[tilespmem:s12+$0xFFFFFCA0] =	vst v5;
	v14 =	vmul.f32 v15, v1;
	v1 =	vmul.f32 v7, v1;
	v7 =	vld [tilespmem:s12+$0xFFFFFDA0]  }
0x44f: {  	[tilespmem:s12+$0xFFFFFCE0] =	vst v12;
	v12 =	vld [tilespmem:s12+$0xFFFFFDE0]  }
0x450: {  	[tilespmem:s12+$0xFFFFFCB0] =	vst v3;
	v3 =	vld [tilespmem:s12+$0xFFFFFD70]  }
0x451: {  	[tilespmem:s12+$0xFFFFFCC0] =	vst v14;
	v14 =	vld [tilespmem:s12+$0xFFFFFD80]  }
0x452: {  	[tilespmem:s12+$0xFFFFFCF0] =	vst v4;
	v11 =	vld.idx.msk [tilespmem:v11+s23+$0x0], $0xffff;
	v5 =	vmul.f32 v8, v2  }
0x453: {  	s14 =	simm.s32 $0x4;
	[tilespmem:s12+$0xFFFFFD00] =	vst v1;
	v8 =	vld [tilespmem:s12+$0xFFFFFD60];
	v4 =	vmul.f32 v9, v2  }
0x454: {  	v15 =	vmov s14;
	v9 =	vld [tilespmem:s12+$0xFFFFFDB0];
	v1 =	vmul.f32 v6, v2;
	[tilespmem:s12+$0xFFFFFD10] =	vst v5  }
0x455: {  	v13 =	vmul.f32 v13, v2;
	v5 =	vand.u32 $0x7C, v15;
	v15 =	vld [tilespmem:s12+$0xFFFFFD90];
	[tilespmem:s12+$0xFFFFFD20] =	vst v4  }
0x456: {  	v6 =	vld [tilespmem:s12+$0xFFFFFDC0];
	v3 =	vmul.f32 v3, v2;
	[tilespmem:s12+$0xFFFFFD30] =	vst v1;
	v5 =	vor.u32 $0x200, v5  }
0x457: {  	v4 =	vmul.f32 v10, v2;
	v10 =	vld [tilespmem:s12+$0xFFFFFDD0];
	[tilespmem:s12+$0xFFFFFD50] =	vst v13;
	v5 =	vbroadcast v5, $0x0  }
0x458: {  	v13 =	vld [tilespmem:s12+$0xFFFFFE00];
	[tilespmem:s12+$0xFFFFFD70] =	vst v3;
	v3 =	vmul.f32 v7, v11  }
0x459: {  	v7 =	vld [tilespmem:s12+$0xFFFFFE20];
	[tilespmem:s12+$0xFFFFFD40] =	vst v4;
	v8 =	vmul.f32 v8, v2  }
0x45a: {  	s15 =	simm.s32 $0x5;
	v4 =	vld [tilespmem:s12+$0xFFFFFDF0];
	[tilespmem:s12+$0xFFFFFDA0] =	vst v3;
	v1 =	vmul.f32 v15, v11  }
0x45b: {  	v2 =	vmul.f32 v14, v2;
	v3 =	vmul.f32 v6, v11;
	v6 =	vld [tilespmem:s12+$0xFFFFFE40];
	v15 =	vmov s15;
	[tilespmem:s12+$0xFFFFFD60] =	vst v8  }
0x45c: {  	v12 =	vmul.f32 v12, v11;
	v8 =	vld [tilespmem:s12+$0xFFFFFE10];
	[tilespmem:s12+$0xFFFFFD90] =	vst v1;
	v1 =	vand.u32 $0x7D, v15  }
0x45d: {  	[tilespmem:s12+$0xFFFFFD80] =	vst v2;
	v2 =	vmul.f32 v9, v11;
	v5 =	vld.idx.msk [tilespmem:v5+s23+$0x0], $0xffff;
	v1 =	vor.u32 $0x200, v1  }
0x45e: {  	[tilespmem:s12+$0xFFFFFDE0] =	vst v12;
	v12 =	vld [tilespmem:s12+$0xFFFFFE80];
	v1 =	vbroadcast v1, $0x0  }
0x45f: {  	v9 =	vld [tilespmem:s12+$0xFFFFFE30];
	[tilespmem:s12+$0xFFFFFDB0] =	vst v2;
	v2 =	vmul.f32 v10, v11  }
0x460: {  	[tilespmem:s12+$0xFFFFFDC0] =	vst v3;
	v10 =	vld [tilespmem:s12+$0xFFFFFE50];
	v4 =	vmul.f32 v4, v11;
	v11 =	vmul.f32 v13, v11  }
0x461: {  	[tilespmem:s12+$0xFFFFFDD0] =	vst v2;
	v2 =	vld [tilespmem:s12+$0xFFFFFE70]  }
0x462: {  	s28 =	simm.s32 $0x6;
	[tilespmem:s12+$0xFFFFFE00] =	vst v11;
	v11 =	vld [tilespmem:s12+$0xFFFFFEA0];
	v3 =	vmul.f32 v8, v5  }
0x463: {  	v14 =	vmov s28;
	[tilespmem:s12+$0xFFFFFDF0] =	vst v4;
	v8 =	vld [tilespmem:s12+$0xFFFFFE60];
	v4 =	vmul.f32 v7, v5  }
0x464: {  	v9 =	vmul.f32 v9, v5;
	v1 =	vld.idx.msk [tilespmem:v1+s23+$0x0], $0xffff;
	[tilespmem:s12+$0xFFFFFE10] =	vst v3;
	v3 =	vand.u32 $0x7E, v14  }
0x465: {  	v7 =	vld [tilespmem:s12+$0xFFFFFE90];
	[tilespmem:s12+$0xFFFFFE20] =	vst v4;
	v4 =	vmul.f32 v6, v5;
	v3 =	vor.u32 $0x200, v3  }
0x466: {  	[tilespmem:s12+$0xFFFFFE30] =	vst v9;
	v9 =	vmul.f32 v10, v5;
	v10 =	vld [tilespmem:s12+$0xFFFFFEC0];
	v3 =	vbroadcast v3, $0x0  }
0x467: {  	v2 =	vmul.f32 v2, v5;
	v6 =	vld [tilespmem:s12+$0xFFFFFEB0];
	[tilespmem:s12+$0xFFFFFE40] =	vst v4  }
0x468: {  	[tilespmem:s12+$0xFFFFFE50] =	vst v9;
	v9 =	vld [tilespmem:s12+$0xFFFFFEE0];
	v4 =	vmul.f32 v8, v5  }
0x469: {  	[tilespmem:s12+$0xFFFFFE70] =	vst v2;
	v8 =	vld [tilespmem:s12+$0xFFFFFED0];
	v2 =	vmul.f32 v11, v1  }
0x46a: {  	[tilespmem:s12+$0xFFFFFE60] =	vst v4;
	v4 =	vld [tilespmem:s12+$0xFFFFFEF0]  }
0x46b: {  	[tilespmem:s12+$0xFFFFFEA0] =	vst v2;
	v2 =	vmul.f32 v10, v1;
	v10 =	vld [tilespmem:s12+$0xFFFFFF20]  }
0x46c: {  	v15 =	vld.idx.msk [tilespmem:v3+s23+$0x0], $0xffff  }
0x46d: {  	[tilespmem:s12+$0xFFFFFCD0] =	vst v16;
	v3 =	vmul.f32 v12, v5;
	v5 =	vld [tilespmem:s12+$0xFFFFFF00]  }
0x46e: {  	s14 =	simm.s32 $0x9;
	v7 =	vmul.f32 v7, v1;
	[tilespmem:s12+$0xFFFFFEC0] =	vst v2;
	v2 =	vmul.f32 v9, v1;
	v9 =	vld [tilespmem:s12+$0xFFFFFF40]  }
0x46f: {  	s28 =	simm.s32 $0xB;
	v11 =	vmov s14;
	s14 =	simm.s32 $0xC;
	[tilespmem:s12+$0xFFFFFE80] =	vst v3;
	v3 =	vmul.f32 v6, v1;
	v6 =	vld [tilespmem:s12+$0xFFFFFF10]  }
0x470: {  	s10 =	simm.s32 $0x8;
	s15 =	simm.s32 $0xA;
	v13 =	vmov s28;
	v14 =	vmov s14;
	[tilespmem:s12+$0xFFFFFE90] =	vst v7  }
0x471: {  	v7 =	vmov s10;
	v12 =	vmov s15;
	s15 =	simm.s32 $0xD;
	[tilespmem:s12+$0xFFFFFEB0] =	vst v3;
	v3 =	vmul.f32 v8, v1;
	v8 =	vld [tilespmem:s12+$0xFFFFFF30]  }
0x472: {  	v7 =	vand.u32 $0x78, v7;
	v59 =	vmov s15;
	[tilespmem:s12+$0xFFFFFEE0] =	vst v2;
	v10 =	vmul.f32 v10, v15  }
0x473: {  	s28 =	simm.s32 $0xE;
	v7 =	vor.u32 $0x200, v7;
	[tilespmem:s12+$0xFFFFFED0] =	vst v3;
	v3 =	vmul.f32 v4, v1;
	v4 =	vld [tilespmem:s12+$0xFFFFFF50];
	v1 =	vmul.f32 v5, v1  }
0x474: {  	v60 =	vld [tilespmem:s12+$0xFFFFFF60];
	v5 =	vmov s28;
	v9 =	vmul.f32 v9, v15;
	v2 =	vmul.f32 v6, v15;
	[tilespmem:s12+$0xFFFFFF20] =	vst v10  }
0x475: {  	v61 =	vld [tilespmem:s12+$0xFFFFFF70];
	v6 =	vand.u32 $0x79, v11;
	v11 =	vand.u32 $0x7A, v12;
	v12 =	vand.u32 $0x7C, v14;
	[tilespmem:s12+$0xFFFFFEF0] =	vst v3  }
0x476: {  	v62 =	vld [tilespmem:s12+$0xFFFFFF80];
	v14 =	vand.u32 $0x7E, v5;
	v3 =	vand.u32 $0x7B, v13;
	[tilespmem:s12+$0xFFFFFF00] =	vst v1;
	v8 =	vmul.f32 v8, v15  }
0x477: {  	v5 =	vld [tilespmem:s12+$0xFFFFFF90];
	v1 =	vand.u32 $0x7D, v59;
	v10 =	vor.u32 $0x200, v11;
	v12 =	vor.u32 $0x200, v12;
	[tilespmem:s12+$0xFFFFFF10] =	vst v2  }
0x478: {  	v2 =	vbroadcast v7, $0x0;
	v7 =	vor.u32 $0x200, v6;
	v6 =	vld [tilespmem:s12+$0xFFFFFFA0];
	[tilespmem:s12+$0xFFFFFF30] =	vst v8;
	v8 =	vmul.f32 v4, v15  }
0x479: {  	[tilespmem:s12+$0xFFFFFF40] =	vst v9;
	v9 =	vmul.f32 v60, v15;
	v63 =	vor.u32 $0x200, v3;
	v3 =	vbroadcast v7, $0x0;
	v7 =	vld [tilespmem:s12+$0xFFFFFFB0]  }
0x47a: {  	v11 =	vmul.f32 v61, v15;
	v14 =	vor.u32 $0x200, v14;
	v4 =	vbroadcast v10, $0x0;
	[tilespmem:s12+$0xFFFFFF50] =	vst v8;
	v8 =	vld [tilespmem:s12+$0xFFFFFFC0]  }
0x47b: {  	s7 =	simm.s32 $0x10;
	s10 =	simm.s32 $0xF;
	v13 =	vor.u32 $0x200, v1;
	v1 =	vmul.f32 v62, v15;
	[tilespmem:s12+$0xFFFFFF60] =	vst v9;
	v9 =	vld [tilespmem:s12+$0xFFFFFFD0];
	v10 =	vbroadcast v63, $0x0  }
.LBB2_11:
0x47c: {  	p2 =	slt.u32 s7, $0x20;
	v12 =	vbroadcast v12, $0x0;
	v15 =	vmov s10;
	[tilespmem:s12+$0xFFFFFF70] =	vst v11;
	v5 =	vmul.f32 v5, v0;
	v11 =	vld [tilespmem:s12+$0xFFFFFFE0]  }
0x47d: {  	v13 =	vbroadcast v13, $0x0;
	v15 =	vand.u32 $0x7F, v15;
	[tilespmem:s12+$0xFFFFFF80] =	vst v1;
	v1 =	vmul.f32 v6, v0;
	v6 =	vld [tilespmem:s12+$0xFFFFFFF0]  }
0x47e: {  	v14 =	vbroadcast v14, $0x0;
	v16 =	vld.idx.msk [tilespmem:v2+s23+$0x0], $0xffff;
	v2 =	vor.u32 $0x200, v15;
	[tilespmem:s12+$0xFFFFFF90] =	vst v5;
	v5 =	vmul.f32 v7, v0  }
0x47f: {  	v7 =	vld.idx.msk [tilespmem:v3+s23+$0x0], $0xffff;
	v15 =	vbroadcast v2, $0x0;
	[tilespmem:s12+$0xFFFFFFA0] =	vst v1;
	v1 =	vmul.f32 v8, v0  }
0x480: {  	v8 =	vld.idx.msk [tilespmem:v4+s23+$0x0], $0xffff;
	[tilespmem:s12+$0xFFFFFFB0] =	vst v5;
	v2 =	vmul.f32 v9, v0  }
0x481: {  	v4 =	vld.idx.msk [tilespmem:v10+s23+$0x0], $0xffff;
	[tilespmem:s12+$0xFFFFFFC0] =	vst v1;
	v1 =	vmul.f32 v11, v0  }
0x482: {  	v3 =	vld.idx.msk [tilespmem:v12+s23+$0x0], $0xffff;
	[tilespmem:s12+$0xFFFFFFD0] =	vst v2;
	v0 =	vmul.f32 v6, v0  }
0x483: {  	v2 =	vld.idx.msk [tilespmem:v13+s23+$0x0], $0xffff;
	[tilespmem:s12+$0xFFFFFFE0] =	vst v1  }
0x484: {  	v1 =	vld.idx.msk [tilespmem:v14+s23+$0x0], $0xffff;
	[tilespmem:s12+$0xFFFFFFF0] =	vst v0  }
0x485: {  	s12 =	sadd.s32 $0x400, s12;
	v0 =	vld.idx.msk [tilespmem:v15+s23+$0x0], $0xffff  }
0x486: {  	v5 =	vld [tilespmem:s12+$0x0]  }
0x487: {  	v6 =	vld [tilespmem:s12+$0xFFFFFC10]  }
0x488: {  	v9 =	vld [tilespmem:s12+$0xFFFFFC20]  }
0x489: {  	v10 =	vld [tilespmem:s12+$0xFFFFFC30]  }
0x48a: {  	v11 =	vld [tilespmem:s12+$0xFFFFFC40]  }
0x48b: {  	v12 =	vld [tilespmem:s12+$0xFFFFFC50];
	v5 =	vmul.f32 v5, v0  }
0x48c: {  	v6 =	vmul.f32 v6, v16;
	v13 =	vld [tilespmem:s12+$0xFFFFFC60]  }
0x48d: {  	v9 =	vmul.f32 v9, v16;
	v14 =	vld [tilespmem:s12+$0xFFFFFC70];
	[tilespmem:s12+$0x0] =	vst v5  }
0x48e: {  	[tilespmem:s12+$0xFFFFFC10] =	vst v6;
	v5 =	vmul.f32 v10, v16;
	v6 =	vld [tilespmem:s12+$0xFFFFFC80]  }
0x48f: {  	[tilespmem:s12+$0xFFFFFC20] =	vst v9;
	v9 =	vmul.f32 v11, v16;
	v10 =	vld [tilespmem:s12+$0xFFFFFC90]  }
0x490: {  	[tilespmem:s12+$0xFFFFFC30] =	vst v5;
	v5 =	vmul.f32 v12, v16;
	v11 =	vld [tilespmem:s12+$0xFFFFFCA0]  }
0x491: {  	[tilespmem:s12+$0xFFFFFC40] =	vst v9;
	v9 =	vmul.f32 v13, v16;
	v12 =	vld [tilespmem:s12+$0xFFFFFCB0]  }
0x492: {  	[tilespmem:s12+$0xFFFFFC50] =	vst v5;
	v5 =	vmul.f32 v14, v16;
	v13 =	vld [tilespmem:s12+$0xFFFFFCC0]  }
0x493: {  	[tilespmem:s12+$0xFFFFFC60] =	vst v9;
	v6 =	vmul.f32 v6, v16;
	v9 =	vld [tilespmem:s12+$0xFFFFFCD0]  }
0x494: {  	[tilespmem:s12+$0xFFFFFC70] =	vst v5;
	v5 =	vmul.f32 v10, v7;
	v10 =	vld [tilespmem:s12+$0xFFFFFCE0]  }
0x495: {  	[tilespmem:s12+$0xFFFFFC80] =	vst v6;
	v6 =	vmul.f32 v11, v7;
	v11 =	vld [tilespmem:s12+$0xFFFFFCF0]  }
0x496: {  	[tilespmem:s12+$0xFFFFFC90] =	vst v5;
	v5 =	vmul.f32 v12, v7;
	v12 =	vld [tilespmem:s12+$0xFFFFFD00]  }
0x497: {  	[tilespmem:s12+$0xFFFFFCA0] =	vst v6;
	v6 =	vmul.f32 v13, v7;
	v13 =	vld [tilespmem:s12+$0xFFFFFD10]  }
0x498: {  	[tilespmem:s12+$0xFFFFFCB0] =	vst v5;
	v5 =	vmul.f32 v9, v7;
	v9 =	vld [tilespmem:s12+$0xFFFFFD20]  }
0x499: {  	[tilespmem:s12+$0xFFFFFCC0] =	vst v6;
	v6 =	vmul.f32 v10, v7;
	v10 =	vld [tilespmem:s12+$0xFFFFFD30]  }
0x49a: {  	[tilespmem:s12+$0xFFFFFCD0] =	vst v5;
	v5 =	vmul.f32 v11, v7;
	v11 =	vld [tilespmem:s12+$0xFFFFFD40]  }
0x49b: {  	[tilespmem:s12+$0xFFFFFCE0] =	vst v6;
	v6 =	vmul.f32 v12, v7;
	v7 =	vld [tilespmem:s12+$0xFFFFFD50]  }
0x49c: {  	[tilespmem:s12+$0xFFFFFCF0] =	vst v5;
	v5 =	vmul.f32 v13, v8;
	v12 =	vld [tilespmem:s12+$0xFFFFFD60]  }
0x49d: {  	[tilespmem:s12+$0xFFFFFD00] =	vst v6;
	v6 =	vmul.f32 v9, v8;
	v9 =	vld [tilespmem:s12+$0xFFFFFD70]  }
0x49e: {  	[tilespmem:s12+$0xFFFFFD10] =	vst v5;
	v5 =	vmul.f32 v10, v8;
	v10 =	vld [tilespmem:s12+$0xFFFFFD80]  }
0x49f: {  	[tilespmem:s12+$0xFFFFFD20] =	vst v6;
	v6 =	vmul.f32 v11, v8;
	v11 =	vld [tilespmem:s12+$0xFFFFFD90]  }
0x4a0: {  	[tilespmem:s12+$0xFFFFFD30] =	vst v5;
	v5 =	vmul.f32 v7, v8;
	v7 =	vld [tilespmem:s12+$0xFFFFFDA0]  }
0x4a1: {  	[tilespmem:s12+$0xFFFFFD40] =	vst v6;
	v6 =	vmul.f32 v12, v8;
	v12 =	vld [tilespmem:s12+$0xFFFFFDB0]  }
0x4a2: {  	[tilespmem:s12+$0xFFFFFD50] =	vst v5;
	v5 =	vmul.f32 v9, v8;
	v9 =	vld [tilespmem:s12+$0xFFFFFDC0]  }
0x4a3: {  	[tilespmem:s12+$0xFFFFFD60] =	vst v6;
	v6 =	vmul.f32 v10, v8;
	v8 =	vld [tilespmem:s12+$0xFFFFFDD0]  }
0x4a4: {  	[tilespmem:s12+$0xFFFFFD70] =	vst v5;
	v5 =	vmul.f32 v11, v4;
	v10 =	vld [tilespmem:s12+$0xFFFFFDE0]  }
0x4a5: {  	[tilespmem:s12+$0xFFFFFD80] =	vst v6;
	v6 =	vmul.f32 v7, v4;
	v7 =	vld [tilespmem:s12+$0xFFFFFDF0]  }
0x4a6: {  	[tilespmem:s12+$0xFFFFFD90] =	vst v5;
	v5 =	vmul.f32 v12, v4;
	v11 =	vld [tilespmem:s12+$0xFFFFFE00]  }
0x4a7: {  	[tilespmem:s12+$0xFFFFFDA0] =	vst v6;
	v6 =	vmul.f32 v9, v4;
	v9 =	vld [tilespmem:s12+$0xFFFFFE10]  }
0x4a8: {  	[tilespmem:s12+$0xFFFFFDB0] =	vst v5;
	v5 =	vmul.f32 v8, v4;
	v8 =	vld [tilespmem:s12+$0xFFFFFE20]  }
0x4a9: {  	[tilespmem:s12+$0xFFFFFDC0] =	vst v6;
	v6 =	vmul.f32 v10, v4;
	v10 =	vld [tilespmem:s12+$0xFFFFFE30]  }
0x4aa: {  	[tilespmem:s12+$0xFFFFFDD0] =	vst v5;
	v5 =	vmul.f32 v7, v4;
	v7 =	vld [tilespmem:s12+$0xFFFFFE40]  }
0x4ab: {  	[tilespmem:s12+$0xFFFFFDE0] =	vst v6;
	v4 =	vmul.f32 v11, v4;
	v6 =	vld [tilespmem:s12+$0xFFFFFE50]  }
0x4ac: {  	[tilespmem:s12+$0xFFFFFDF0] =	vst v5;
	v5 =	vmul.f32 v9, v3;
	v9 =	vld [tilespmem:s12+$0xFFFFFE60]  }
0x4ad: {  	[tilespmem:s12+$0xFFFFFE00] =	vst v4;
	v4 =	vmul.f32 v8, v3;
	v8 =	vld [tilespmem:s12+$0xFFFFFE70]  }
0x4ae: {  	[tilespmem:s12+$0xFFFFFE10] =	vst v5;
	v5 =	vmul.f32 v10, v3;
	v10 =	vld [tilespmem:s12+$0xFFFFFE80]  }
0x4af: {  	[tilespmem:s12+$0xFFFFFE20] =	vst v4;
	v4 =	vmul.f32 v7, v3;
	v7 =	vld [tilespmem:s12+$0xFFFFFE90]  }
0x4b0: {  	[tilespmem:s12+$0xFFFFFE30] =	vst v5;
	v5 =	vmul.f32 v6, v3;
	v6 =	vld [tilespmem:s12+$0xFFFFFEA0]  }
0x4b1: {  	[tilespmem:s12+$0xFFFFFE40] =	vst v4;
	v4 =	vmul.f32 v9, v3;
	v9 =	vld [tilespmem:s12+$0xFFFFFEB0]  }
0x4b2: {  	[tilespmem:s12+$0xFFFFFE50] =	vst v5;
	v5 =	vmul.f32 v8, v3;
	v8 =	vld [tilespmem:s12+$0xFFFFFEC0]  }
0x4b3: {  	[tilespmem:s12+$0xFFFFFE60] =	vst v4;
	v3 =	vmul.f32 v10, v3;
	v4 =	vld [tilespmem:s12+$0xFFFFFED0]  }
0x4b4: {  	[tilespmem:s12+$0xFFFFFE70] =	vst v5;
	v5 =	vmul.f32 v7, v2;
	v7 =	vld [tilespmem:s12+$0xFFFFFEE0]  }
0x4b5: {  	[tilespmem:s12+$0xFFFFFE80] =	vst v3;
	v3 =	vmul.f32 v6, v2;
	v6 =	vld [tilespmem:s12+$0xFFFFFEF0]  }
0x4b6: {  	[tilespmem:s12+$0xFFFFFE90] =	vst v5;
	v5 =	vmul.f32 v9, v2;
	v9 =	vld [tilespmem:s12+$0xFFFFFF00]  }
0x4b7: {  	s10 =	sadd.s32 $0x1, s7;
	v10 =	vmov s7;
	[tilespmem:s12+$0xFFFFFEA0] =	vst v3;
	v3 =	vmul.f32 v8, v2;
	v8 =	vld [tilespmem:s12+$0xFFFFFF10]  }
0x4b8: {  	s14 =	sadd.s32 $0x3, s7;
	v11 =	vmov s10;
	s10 =	sadd.s32 $0x2, s7;
	v10 =	vand.u32 $0x78, v10;
	[tilespmem:s12+$0xFFFFFEB0] =	vst v5;
	v4 =	vmul.f32 v4, v2;
	v5 =	vld [tilespmem:s12+$0xFFFFFF20]  }
0x4b9: {  	v13 =	vmov s14;
	s14 =	sadd.s32 $0x5, s7;
	v12 =	vmov s10;
	s10 =	sadd.s32 $0x4, s7;
	[tilespmem:s12+$0xFFFFFEC0] =	vst v3;
	v3 =	vmul.f32 v7, v2;
	v7 =	vld [tilespmem:s12+$0xFFFFFF30]  }
0x4ba: {  	v15 =	vmov s14;
	v14 =	vmov s10;
	s10 =	sadd.s32 $0x6, s7;
	[tilespmem:s12+$0xFFFFFED0] =	vst v4;
	v4 =	vmul.f32 v6, v2;
	v6 =	vld [tilespmem:s12+$0xFFFFFF40]  }
0x4bb: {  	v16 =	vmov s10;
	v10 =	vor.u32 $0x200, v10;
	[tilespmem:s12+$0xFFFFFEE0] =	vst v3;
	v2 =	vmul.f32 v9, v2;
	v3 =	vld [tilespmem:s12+$0xFFFFFF50]  }
0x4bc: {  	v9 =	vand.u32 $0x79, v11;
	v11 =	vand.u32 $0x7A, v12;
	[tilespmem:s12+$0xFFFFFEF0] =	vst v4;
	v4 =	vmul.f32 v8, v1;
	v8 =	vld [tilespmem:s12+$0xFFFFFF60]  }
0x4bd: {  	v12 =	vand.u32 $0x7B, v13;
	v13 =	vand.u32 $0x7C, v14;
	[tilespmem:s12+$0xFFFFFF00] =	vst v2;
	v5 =	vmul.f32 v5, v1;
	v14 =	vld [tilespmem:s12+$0xFFFFFF70]  }
0x4be: {  	v15 =	vand.u32 $0x7D, v15;
	v16 =	vand.u32 $0x7E, v16;
	[tilespmem:s12+$0xFFFFFF10] =	vst v4;
	v4 =	vmul.f32 v7, v1;
	v17 =	vld [tilespmem:s12+$0xFFFFFF80]  }
.Ltmp4:
0x4bf: {  	v2 =	vbroadcast v10, $0x0;
	v7 =	vor.u32 $0x200, v9;
	[tilespmem:s12+$0xFFFFFF20] =	vst v5;
	v9 =	vmul.f32 v6, v1;
	v5 =	vld [tilespmem:s12+$0xFFFFFF90];
	(pc) =	sbr.rel @p2 .LBB2_11-.Ltmp4, $4  }
0x4c0: {  	v18 =	vor.u32 $0x200, v12;
	v10 =	vor.u32 $0x200, v11;
	[tilespmem:s12+$0xFFFFFF30] =	vst v4;
	v11 =	vmul.f32 v3, v1;
	v6 =	vld [tilespmem:s12+$0xFFFFFFA0]  }
0x4c1: {  	v12 =	vor.u32 $0x200, v13;
	v3 =	vbroadcast v7, $0x0;
	[tilespmem:s12+$0xFFFFFF40] =	vst v9;
	v9 =	vmul.f32 v8, v1;
	v7 =	vld [tilespmem:s12+$0xFFFFFFB0]  }
0x4c2: {  	v13 =	vor.u32 $0x200, v15;
	v4 =	vbroadcast v10, $0x0;
	[tilespmem:s12+$0xFFFFFF50] =	vst v11;
	v11 =	vmul.f32 v14, v1;
	v8 =	vld [tilespmem:s12+$0xFFFFFFC0]  }
0x4c3: {  	s10 =	sadd.s32 $0x7, s7;
	s7 =	sadd.s32 $0x8, s7;
	v10 =	vbroadcast v18, $0x0;
	v14 =	vor.u32 $0x200, v16;
	[tilespmem:s12+$0xFFFFFF60] =	vst v9;
	v1 =	vmul.f32 v17, v1;
	v9 =	vld [tilespmem:s12+$0xFFFFFFD0]  }
0x4c4: {  	_ =	sdelay $0x1  }
0x4c5: {  	v16 =	vld [tilespmem:s12+$0xFFFFFFE0]  }
0x4c6: {  	v17 =	vld [tilespmem:s12+$0xFFFFFFF0]  }
0x4c7: {  	v18 =	vld.idx.msk [tilespmem:v2+s23+$0x0], $0xffff  }
0x4c8: {  	v38 =	vld.idx.msk [tilespmem:v3+s23+$0x0], $0xffff  }
0x4c9: {  	v19 =	vld.idx.msk [tilespmem:v4+s23+$0x0], $0xffff  }
0x4ca: {  	s7 =	sadd.s32 $0x400, s12;
	v10 =	vld.idx.msk [tilespmem:v10+s23+$0x0], $0xffff  }
0x4cb: {  	v42 =	vld [tilespmem:s7+$0xFFFFFC10]  }
0x4cc: {  	v44 =	vld [tilespmem:s7+$0xFFFFFC20]  }
0x4cd: {  	[tilespmem:s12+$0xFFFFFF70] =	vst v11;
	v5 =	vmul.f32 v5, v0;
	v46 =	vld [tilespmem:s7+$0xFFFFFC30]  }
0x4ce: {  	[tilespmem:s12+$0xFFFFFF80] =	vst v1;
	v6 =	vmul.f32 v6, v0;
	v48 =	vld [tilespmem:s7+$0xFFFFFC40]  }
0x4cf: {  	v49 =	vld [tilespmem:s7+$0xFFFFFC50];
	[tilespmem:s12+$0xFFFFFF90] =	vst v5;
	v39 =	vmul.f32 v7, v0  }
0x4d0: {  	v51 =	vld [tilespmem:s7+$0xFFFFFC60];
	[tilespmem:s12+$0xFFFFFFA0] =	vst v6;
	v41 =	vmul.f32 v8, v0  }
0x4d1: {  	v52 =	vld [tilespmem:s7+$0xFFFFFC70];
	[tilespmem:s12+$0xFFFFFFB0] =	vst v39;
	v43 =	vmul.f32 v9, v0  }
0x4d2: {  	v54 =	vld [tilespmem:s7+$0xFFFFFC80];
	[tilespmem:s12+$0xFFFFFFC0] =	vst v41;
	v45 =	vmul.f32 v16, v0  }
0x4d3: {  	v55 =	vld [tilespmem:s7+$0xFFFFFC90];
	v47 =	vmul.f32 v17, v0;
	[tilespmem:s12+$0xFFFFFFD0] =	vst v43  }
0x4d4: {  	v57 =	vld [tilespmem:s7+$0xFFFFFCA0];
	v50 =	vmul.f32 v42, v18;
	[tilespmem:s12+$0xFFFFFFE0] =	vst v45  }
0x4d5: {  	v59 =	vld [tilespmem:s7+$0xFFFFFCB0];
	v9 =	vmul.f32 v44, v18;
	[tilespmem:s12+$0xFFFFFFF0] =	vst v47  }
0x4d6: {  	v12 =	vbroadcast v12, $0x0;
	v61 =	vld [tilespmem:s7+$0xFFFFFCC0];
	v53 =	vmul.f32 v46, v18;
	[tilespmem:s7+$0xFFFFFC10] =	vst v50  }
0x4d7: {  	v63 =	vld [tilespmem:s7+$0xFFFFFCD0];
	v5 =	vmul.f32 v48, v18;
	[tilespmem:s7+$0xFFFFFC20] =	vst v9  }
0x4d8: {  	v21 =	vld [tilespmem:s7+$0xFFFFFD10];
	v56 =	vmul.f32 v49, v18;
	[tilespmem:s7+$0xFFFFFC30] =	vst v53  }
0x4d9: {  	v23 =	vld [tilespmem:s7+$0xFFFFFD20];
	v58 =	vmul.f32 v51, v18;
	[tilespmem:s7+$0xFFFFFC40] =	vst v5  }
0x4da: {  	v25 =	vld [tilespmem:s7+$0xFFFFFD30];
	v60 =	vmul.f32 v52, v18;
	[tilespmem:s7+$0xFFFFFC50] =	vst v56  }
0x4db: {  	v27 =	vld [tilespmem:s7+$0xFFFFFD40];
	v62 =	vmul.f32 v54, v18;
	[tilespmem:s7+$0xFFFFFC60] =	vst v58  }
0x4dc: {  	v15 =	vmov s10;
	v4 =	vld.idx.msk [tilespmem:v12+s23+$0x0], $0xffff;
	v12 =	vmul.f32 v55, v38;
	[tilespmem:s7+$0xFFFFFC70] =	vst v60  }
0x4dd: {  	v36 =	vbroadcast v14, $0x0;
	v15 =	vand.u32 $0x7F, v15;
	v33 =	vld [tilespmem:s7+$0xFFFFFD70];
	v17 =	vmul.f32 v59, v38;
	[tilespmem:s7+$0xFFFFFC80] =	vst v62  }
0x4de: {  	v13 =	vbroadcast v13, $0x0;
	v35 =	vld [tilespmem:s7+$0xFFFFFD80];
	v37 =	vor.u32 $0x200, v15;
	v20 =	vmul.f32 v61, v38;
	[tilespmem:s7+$0xFFFFFC90] =	vst v12  }
0x4df: {  	v14 =	vbroadcast v37, $0x0;
	v37 =	vld [tilespmem:s7+$0xFFFFFD90];
	v22 =	vmul.f32 v63, v38;
	[tilespmem:s7+$0xFFFFFCB0] =	vst v17  }
0x4e0: {  	v39 =	vld [tilespmem:s7+$0xFFFFFDA0];
	v30 =	vmul.f32 v21, v19;
	[tilespmem:s7+$0xFFFFFCC0] =	vst v20  }
0x4e1: {  	v16 =	vld [tilespmem:s7+$0xFFFFFCF0];
	v32 =	vmul.f32 v23, v19;
	[tilespmem:s7+$0xFFFFFCD0] =	vst v22  }
0x4e2: {  	v41 =	vld [tilespmem:s7+$0xFFFFFDB0];
	v34 =	vmul.f32 v25, v19;
	[tilespmem:s7+$0xFFFFFD10] =	vst v30  }
0x4e3: {  	v2 =	vld.idx.msk [tilespmem:v36+s23+$0x0], $0xffff;
	v36 =	vmul.f32 v27, v19;
	[tilespmem:s7+$0xFFFFFD20] =	vst v32  }
0x4e4: {  	v3 =	vld.idx.msk [tilespmem:v13+s23+$0x0], $0xffff;
	v42 =	vmul.f32 v33, v19;
	[tilespmem:s7+$0xFFFFFD30] =	vst v34  }
0x4e5: {  	v13 =	vld [tilespmem:s7+$0xFFFFFCE0];
	v44 =	vmul.f32 v35, v19;
	[tilespmem:s7+$0xFFFFFD40] =	vst v36  }
0x4e6: {  	v18 =	vld [tilespmem:s7+$0xFFFFFD00];
	[tilespmem:s7+$0xFFFFFD70] =	vst v42;
	v46 =	vmul.f32 v37, v10  }
0x4e7: {  	[tilespmem:s7+$0xFFFFFD80] =	vst v44;
	v1 =	vld.idx.msk [tilespmem:v14+s23+$0x0], $0xffff;
	v14 =	vmul.f32 v57, v38  }
0x4e8: {  	v29 =	vld [tilespmem:s7+$0xFFFFFD50];
	v48 =	vmul.f32 v39, v10;
	[tilespmem:s7+$0xFFFFFD90] =	vst v46  }
0x4e9: {  	v43 =	vld [tilespmem:s7+$0xFFFFFDC0];
	v26 =	vmul.f32 v16, v38;
	[tilespmem:s7+$0xFFFFFCA0] =	vst v14  }
0x4ea: {  	v49 =	vld [tilespmem:s7+$0xFFFFFDF0];
	v50 =	vmul.f32 v41, v10;
	[tilespmem:s7+$0xFFFFFDA0] =	vst v48  }
0x4eb: {  	v51 =	vld [tilespmem:s7+$0xFFFFFE00];
	v24 =	vmul.f32 v13, v38;
	[tilespmem:s7+$0xFFFFFCF0] =	vst v26  }
0x4ec: {  	v55 =	vld [tilespmem:s7+$0xFFFFFE20];
	v28 =	vmul.f32 v18, v38;
	[tilespmem:s7+$0xFFFFFDB0] =	vst v50  }
0x4ed: {  	v59 =	vld [tilespmem:s7+$0xFFFFFE40];
	v38 =	vmul.f32 v29, v19;
	[tilespmem:s7+$0xFFFFFCE0] =	vst v24  }
0x4ee: {  	v61 =	vld [tilespmem:s7+$0xFFFFFE50];
	v52 =	vmul.f32 v43, v10;
	[tilespmem:s7+$0xFFFFFD00] =	vst v28  }
0x4ef: {  	v63 =	vld [tilespmem:s7+$0xFFFFFE60];
	v58 =	vmul.f32 v49, v10;
	[tilespmem:s7+$0xFFFFFD50] =	vst v38  }
0x4f0: {  	v21 =	vld [tilespmem:s7+$0xFFFFFEB0];
	v60 =	vmul.f32 v51, v10;
	[tilespmem:s7+$0xFFFFFDC0] =	vst v52  }
0x4f1: {  	v45 =	vld [tilespmem:s7+$0xFFFFFDD0];
	v12 =	vmul.f32 v55, v4;
	[tilespmem:s7+$0xFFFFFDF0] =	vst v58  }
0x4f2: {  	v47 =	vld [tilespmem:s7+$0xFFFFFDE0];
	v16 =	vmul.f32 v59, v4;
	[tilespmem:s7+$0xFFFFFE00] =	vst v60  }
0x4f3: {  	v53 =	vld [tilespmem:s7+$0xFFFFFE10];
	v18 =	vmul.f32 v61, v4;
	[tilespmem:s7+$0xFFFFFE20] =	vst v12  }
0x4f4: {  	v17 =	vld [tilespmem:s7+$0xFFFFFE90];
	v20 =	vmul.f32 v63, v4;
	[tilespmem:s7+$0xFFFFFE40] =	vst v16  }
0x4f5: {  	v34 =	vld [tilespmem:s7+$0xFFFFFF20];
	v29 =	vmul.f32 v21, v3;
	[tilespmem:s7+$0xFFFFFE50] =	vst v18  }
0x4f6: {  	v36 =	vld [tilespmem:s7+$0xFFFFFF30];
	v54 =	vmul.f32 v45, v10;
	[tilespmem:s7+$0xFFFFFE60] =	vst v20  }
0x4f7: {  	v40 =	vld [tilespmem:s7+$0x0];
	v56 =	vmul.f32 v47, v10;
	[tilespmem:s7+$0xFFFFFEB0] =	vst v29  }
0x4f8: {  	v31 =	vld [tilespmem:s7+$0xFFFFFD60];
	v62 =	vmul.f32 v53, v4;
	[tilespmem:s7+$0xFFFFFDD0] =	vst v54  }
0x4f9: {  	v57 =	vld [tilespmem:s7+$0xFFFFFE30];
	v25 =	vmul.f32 v17, v3;
	[tilespmem:s7+$0xFFFFFDE0] =	vst v56  }
0x4fa: {  	v23 =	vld [tilespmem:s7+$0xFFFFFEC0];
	v42 =	vmul.f32 v34, v2;
	[tilespmem:s7+$0xFFFFFE10] =	vst v62  }
0x4fb: {  	v39 =	vld [tilespmem:s7+$0xFFFFFF50];
	v44 =	vmul.f32 v36, v2;
	[tilespmem:s7+$0xFFFFFE90] =	vst v25  }
0x4fc: {  	v41 =	vld [tilespmem:s7+$0xFFFFFF60];
	v7 =	vmul.f32 v40, v1;
	[tilespmem:s7+$0xFFFFFF20] =	vst v42  }
0x4fd: {  	v13 =	vld [tilespmem:s7+$0xFFFFFE70];
	v40 =	vmul.f32 v31, v19;
	[tilespmem:s7+$0xFFFFFF30] =	vst v44  }
0x4fe: {  	v15 =	vld [tilespmem:s7+$0xFFFFFE80];
	v14 =	vmul.f32 v57, v4;
	[tilespmem:s7+$0x0] =	vst v7  }
0x4ff: {  	v32 =	vld [tilespmem:s7+$0xFFFFFF10];
	v31 =	vmul.f32 v23, v3;
	[tilespmem:s7+$0xFFFFFD60] =	vst v40  }
0x500: {  	v43 =	vld [tilespmem:s7+$0xFFFFFF70];
	v48 =	vmul.f32 v39, v2;
	[tilespmem:s7+$0xFFFFFE30] =	vst v14  }
0x501: {  	v49 =	vld [tilespmem:s7+$0xFFFFFFA0];
	v50 =	vmul.f32 v41, v2;
	[tilespmem:s7+$0xFFFFFEC0] =	vst v31  }
0x502: {  	v51 =	vld [tilespmem:s7+$0xFFFFFFB0];
	v22 =	vmul.f32 v13, v4;
	[tilespmem:s7+$0xFFFFFF50] =	vst v48  }
0x503: {  	v26 =	vld [tilespmem:s7+$0xFFFFFEE0];
	v4 =	vmul.f32 v15, v4;
	[tilespmem:s7+$0xFFFFFF60] =	vst v50  }
0x504: {  	v47 =	vld [tilespmem:s7+$0xFFFFFF90];
	v40 =	vmul.f32 v32, v2;
	[tilespmem:s7+$0xFFFFFE70] =	vst v22  }
0x505: {  	v24 =	vld [tilespmem:s7+$0xFFFFFED0];
	v52 =	vmul.f32 v43, v2;
	[tilespmem:s7+$0xFFFFFE80] =	vst v4  }
0x506: {  	v28 =	vld [tilespmem:s7+$0xFFFFFEF0];
	v57 =	vmul.f32 v49, v1;
	[tilespmem:s7+$0xFFFFFF10] =	vst v40  }
0x507: {  	v38 =	vld [tilespmem:s7+$0xFFFFFF40];
	v59 =	vmul.f32 v51, v1;
	[tilespmem:s7+$0xFFFFFF70] =	vst v52  }
0x508: {  	v45 =	vld [tilespmem:s7+$0xFFFFFF80];
	v35 =	vmul.f32 v26, v3;
	[tilespmem:s7+$0xFFFFFFA0] =	vst v57  }
0x509: {  	v53 =	vld [tilespmem:s7+$0xFFFFFFC0];
	v55 =	vmul.f32 v47, v1;
	[tilespmem:s7+$0xFFFFFFB0] =	vst v59  }
0x50a: {  	v58 =	vld [tilespmem:s7+$0xFFFFFFF0];
	v33 =	vmul.f32 v24, v3;
	[tilespmem:s7+$0xFFFFFEE0] =	vst v35  }
0x50b: {  	v19 =	vld [tilespmem:s7+$0xFFFFFEA0];
	v37 =	vmul.f32 v28, v3;
	[tilespmem:s7+$0xFFFFFF90] =	vst v55  }
0x50c: {  	v30 =	vld [tilespmem:s7+$0xFFFFFF00];
	v46 =	vmul.f32 v38, v2;
	[tilespmem:s7+$0xFFFFFED0] =	vst v33  }
0x50d: {  	v54 =	vld [tilespmem:s7+$0xFFFFFFD0];
	v2 =	vmul.f32 v45, v2;
	[tilespmem:s7+$0xFFFFFEF0] =	vst v37  }
0x50e: {  	v56 =	vld [tilespmem:s7+$0xFFFFFFE0];
	v60 =	vmul.f32 v53, v1;
	[tilespmem:s7+$0xFFFFFF40] =	vst v46  }
0x50f: {  	v63 =	vmul.f32 v58, v1;
	[tilespmem:s7+$0xFFFFFF80] =	vst v2  }
0x510: {  	v27 =	vmul.f32 v19, v3;
	[tilespmem:s7+$0xFFFFFFC0] =	vst v60  }
0x511: {  	v3 =	vmul.f32 v30, v3;
	[tilespmem:s7+$0xFFFFFFF0] =	vst v63  }
0x512: {  	v61 =	vmul.f32 v54, v1;
	[tilespmem:s7+$0xFFFFFEA0] =	vst v27  }
0x513: {  	v62 =	vmul.f32 v56, v1;
	[tilespmem:s7+$0xFFFFFF00] =	vst v3  }
0x514: {  	s10 =	simm.s32 @!p1 $0x0;
	[tilespmem:s7+$0xFFFFFFD0] =	vst v61  }
0x515: {  	s9 =	sadd.s32 $0x1, s9;
	[tilespmem:s7+$0xFFFFFFE0] =	vst v62;
	s7 =	sadd.s32 @!p1 s5, s11;
	s11 =	simm.s32 @!p1 $0xA00  }
0x516: {  	[tilespmem:s11], [sflag:$0x19] =	stream.linear.gather @!p1 [hbm4b:s7+s10], $0x80, $0x38;
	[tilespmem:$0x1A880] =	vst v63  }
0x517: {  	p1 =	sne.s32 s9, $0x32  }
.Ltmp5:
0x518: {  	_ = 	snop;
	(pc) =	sbr.rel @p1 .LBB2_2-.Ltmp5, $4  }
0x519: {  	_ =	swait.ge [sflag:s8], $0x80  }
0x51a: {  	[sflag:s8] =	ssyncset.done $0x0  }
0x51b: {  	s15 =	simm.s32 $0x600;
	s28 =	simm.s32 $0x5C00;
	[sflag:s8] =	ssyncadd.s32 $0xFFFFFF80  }
0x51c: {  	[spmem:s2] =	stream.indirect.scatter.add.f32 [tilespmem:s28], [sflag:$0xA], $0x80, s15, s30, $0xb8;
	[tilespmem:$0x1A880] =	vst v63  }
0x51d: {  	s7 =	simm.s32 $0x6  }
0x51e: {  	_ =	swait.ge [sflag:s7], $0x1400  }
0x51f: {  	[sflag:s7] =	ssyncset.done $0x0  }
0x520: {  	s10 =	simm.s32 $0x7;
	[sflag:s7] =	ssyncadd.s32 $0xFFFFEC00  }
0x521: {  	_ =	swait.ge [sflag:s10], $0x1400  }
0x522: {  	[sflag:s10] =	ssyncset.done $0x0  }
0x523: {  	s11 =	simm.s32 $0x8;
	[sflag:s10] =	ssyncadd.s32 $0xFFFFEC00  }
0x524: {  	_ =	swait.ge [sflag:s11], $0x1400  }
0x525: {  	[sflag:s11] =	ssyncset.done $0x0  }
0x526: {  	s12 =	simm.s32 $0x9;
	[sflag:s11] =	ssyncadd.s32 $0xFFFFEC00  }
0x527: {  	_ =	swait.ge [sflag:s12], $0x1400  }
0x528: {  	[sflag:s12] =	ssyncset.done $0x0  }
0x529: {  	s14 =	simm.s32 $0xA;
	[sflag:s12] =	ssyncadd.s32 $0xFFFFEC00  }
0x52a: {  	_ =	swait.ge [sflag:s14], $0x1400  }
0x52b: {  	[sflag:s14] =	ssyncset.done $0x0  }
0x52c: {  	[sflag:s14] =	ssyncadd.s32 $0xFFFFEC00  }
0x52d: {  	[bflag:$0x0] =	sbarrier.arrive $0xFFFF  }
0x52e: {  	s15 =	rddreg [dreg:$0xc]  }
0x52f: {  	s10 =	rddreg [dreg:$0x13]  }
0x530: {  	s9 =	rddreg [dreg:$0x10]  }
0x531: {  	s11 =	rddreg [dreg:$0x16];
	s7 =	sadd.s32 s15, s10  }
0x532: {  	[hbm:s7], [sflag:s9] =	dma.local [spmem:s11], $0x2700  }
0x533: {  	s11 =	simm.s32 $0x1A  }
0x534: {  	_ =	swait.ge [sflag:s11], $0x2700  }
0x535: {  	[sflag:s11] =	ssyncset.done $0x0  }
0x536: {  	s7 =	sadd.s32 @!p0 $0x27000, s10;
	s10 =	rddreg [dreg:$0x17];
	[sflag:s11] =	ssyncadd.s32 $0xFFFFD900  }
0x537: {  	[hbm:s7], [sflag:s9] =	dma.local @!p0 [spmem:s10], $0x100  }
0x538: {  	s7 =	simm.s32 @!p0 $0x1A  }
0x539: {  	_ =	swait.ge @!p0 [sflag:s7], $0x100  }
0x53a: {  	s12 =	rddreg [dreg:$0x15]  }
0x53b: {  	s28 =	rddreg [dreg:$0x14];
	s12 =	sadd.s32 $0x1, s12  }
0x53c: {  	p1 =	sne.s32 s12, s28  }
.Ltmp6:
0x53d: {  	_ = 	snop;
	(pc) =	sbr.rel @p1 .LBB2_1-.Ltmp6, $3  }
0x53e: {  	_ =	sdelay $0x1  }
0x53f: {  	[sflag:s7] =	ssyncset.done @!p0 $0x0  }
0x540: {  	[sflag:s7] =	ssyncadd.s32 @!p0 $0xFFFFFF00  }
0x541: {  	_ =	sfence.sel $0x180000  }
0x542: {  	[bflag:$0x0] =	sbarrier.arrive $0xFFFF  }
0x543: {  	_ =	strace $0x90000047  }
0x544: {  	[bflag:$0x2] =	sbarrier.arrive $0xFFFF  }
0x545: {  	s0 =	rddreg [dreg:$0x4]  }
0x546: {  	s0 =	sadd.s32 @!p0 $0x100000, s0  }
0x547: {  	[sflag:s0] =	ssyncadd.tile.s32 @!p0 $0x1;
	_ =	shalt  }
.Lfunc_end2:
_tile_overlayer_lowered:
.L_overlay_start_2:
0x548: {  	(tag) =	ssettag $0x2  }
0x549: {  	s0 =	rddreg [dreg:$0x0];
	s2 =	stileid.u32  }
0x54a: {  	s1 =	rddreg [dreg:$0x1];
	p0 =	sne.s32 s2, $0x0  }
0x54b: {  	s3 =	rddreg [dreg:$0x2];
	[bflag:$0x3] =	sbarrier.arrive $0xFFFF;
	s2 =	simm.s32 @!p0 $0x1C1A  }
0x54c: {  	[timem:s3], [sflag:s2] =	dma.local @!p0 [hbm:s0], s1  }
0x54d: {  	s0 =	simm.s32 @!p0 $0x1A  }
0x54e: {  	_ =	swait.ge @!p0 [sflag:s0], s1  }
0x54f: {  	s1 =	ssub.s32 @!p0 $0x0, s1;
	[sflag:s0] =	ssyncset.done @!p0 $0x0  }
0x550: {  	[sflag:s0] =	ssyncadd.s32 @!p0 s1  }
0x551: {  	[bflag:$0x3] =	sbarrier.arrive $0xFFFF  }
0x552: {  	_ =	shalt  }

</sc_bundles>
